<compile_context>
chip_gen: v7x
topology: tpu7x:2x2x1
jax: 0.10.2.dev20260603
libtpu: 0.0.44.dev20260713+nightly
codegen_flags: <defaults>
</compile_context>

<pallas_src>
import functools

import jax
import jax.numpy as jnp
from jax import lax
from jax.experimental import pallas as pl
from jax.experimental.pallas import tpu as pltpu
from jax.experimental.pallas import tpu_sc as plsc

N = 50000
E = 800000
B = 64
F = 5
T = 200
H = 64
HH = 32

R = 1792
NP = 50176
NBLK = NP // R
BP = 72

NS = 16
CH = 128
SBC = 7
NSB = 56
EROWS = NSB * SBC
PT = EROWS * CH
EP = NS * PT
EPAD_ROWS = NS * EROWS + 8
TROWS = NP // NS


def _layer_body(h_hbm, srca_hbm, dsta_hbm, srcc_hbm, dstc_hbm, z_hbm,
                outa_hbm, outc_hbm,
                sbuf, dbuf, rows, acc, sem_g, sem_s):
    c = lax.axis_index("c")
    s = lax.axis_index("s")
    rowbase = s * EROWS
    h_half = h_hbm.at[c]
    sl = pl.ds(s * TROWS, TROWS)

    def edge_pass(src_hbm, dst_hbm, out_hbm):
        pltpu.sync_copy(z_hbm.at[sl], acc.at[sl])
        plsc.subcore_barrier()

        def body(t, carry):
            rlo = rowbase + t * SBC
            pltpu.sync_copy(src_hbm.at[pl.ds(rlo, SBC)], sbuf)
            pltpu.sync_copy(dst_hbm.at[pl.ds(rlo, SBC)], dbuf)
            gd = [pltpu.async_copy(h_half.at[sbuf.at[j]], rows.at[j], sem_g)
                  for j in range(SBC)]
            sd = []
            for j in range(SBC):
                gd[j].wait()
                sd.append(pltpu.async_copy(rows.at[j], acc.at[dbuf.at[j]],
                                           sem_s, add=True))
            for d in sd:
                d.wait()
            return carry

        lax.fori_loop(0, NSB, body, 0)
        plsc.subcore_barrier()

        pltpu.sync_copy(acc.at[sl], out_hbm.at[c, sl])

    edge_pass(srca_hbm, dsta_hbm, outa_hbm)
    edge_pass(srcc_hbm, dstc_hbm, outc_hbm)


_layer_sc = functools.partial(
    pl.kernel,
    _layer_body,
    out_type=(jax.ShapeDtypeStruct((2, NP, HH), jnp.float32),
              jax.ShapeDtypeStruct((2, NP, HH), jnp.float32)),
    mesh=plsc.VectorSubcoreMesh(core_axis_name="c", subcore_axis_name="s"),
    scratch_types=[
        pltpu.VMEM((SBC, CH), jnp.int32),
        pltpu.VMEM((SBC, CH), jnp.int32),
        pltpu.VMEM((SBC, CH, HH), jnp.float32),
        pltpu.VMEM_SHARED((NP, HH), jnp.float32),
        pltpu.SemaphoreType.DMA,
        pltpu.SemaphoreType.DMA,
    ],
    compiler_params=pltpu.CompilerParams(use_tc_tiling_on_sc=False),
)()


def _cnt_body(dsta_hbm, dstc_hbm, ones_hbm, z_hbm, out_hbm,
              dbuf, ones_v, acc, sem):
    c = lax.axis_index("c")
    s = lax.axis_index("s")

    pltpu.sync_copy(ones_hbm, ones_v)
    pltpu.sync_copy(z_hbm.at[pl.ds(s * TROWS, TROWS)],
                    acc.at[pl.ds(s * TROWS, TROWS)])
    plsc.subcore_barrier()

    rowbase = s * EROWS

    def body(t, carry):
        rlo = rowbase + t * SBC

        @pl.when(c == 0)
        def _():
            pltpu.sync_copy(dsta_hbm.at[pl.ds(rlo, SBC)], dbuf)

        @pl.when(c == 1)
        def _():
            pltpu.sync_copy(dstc_hbm.at[pl.ds(rlo, SBC)], dbuf)

        sd = [pltpu.async_copy(ones_v, acc.at[dbuf.at[j]], sem, add=True)
              for j in range(SBC)]
        for d in sd:
            d.wait()
        return carry

    lax.fori_loop(0, NSB, body, 0)
    plsc.subcore_barrier()

    pltpu.sync_copy(acc.at[pl.ds(s * TROWS, TROWS)],
                    out_hbm.at[pl.ds(c * NP + s * TROWS, TROWS)])


_cnt_sc = functools.partial(
    pl.kernel,
    _cnt_body,
    out_type=jax.ShapeDtypeStruct((2 * NP, 8), jnp.float32),
    mesh=plsc.VectorSubcoreMesh(core_axis_name="c", subcore_axis_name="s"),
    scratch_types=[
        pltpu.VMEM((SBC, CH), jnp.int32),
        pltpu.VMEM((CH, 8), jnp.float32),
        pltpu.VMEM_SHARED((NP, 8), jnp.float32),
        pltpu.SemaphoreType.DMA,
    ],
    compiler_params=pltpu.CompilerParams(use_tc_tiling_on_sc=False),
)()


def _k1_body(x_ref, idx_ref, emb_ref, w_ref, b_ref, out_ref):
    ids = idx_ref[...]
    onehot = (ids == lax.broadcasted_iota(jnp.int32, (R, T), 1))
    e = jnp.dot(onehot.astype(jnp.float32), emb_ref[...],
                preferred_element_type=jnp.float32)
    w = w_ref[...]
    z = (jnp.dot(e, w[:64, :], preferred_element_type=jnp.float32)
         + jnp.dot(x_ref[...], w[64:, :], preferred_element_type=jnp.float32)
         + b_ref[...])
    out_ref[0] = z[:, :HH]
    out_ref[1] = z[:, HH:]


def _k1(xp, idxp, emb_table, W_in, b_in2):
    return pl.pallas_call(
        _k1_body,
        grid=(NBLK,),
        in_specs=[
            pl.BlockSpec((R, F), lambda r: (r, 0)),
            pl.BlockSpec((R, 1), lambda r: (r, 0)),
            pl.BlockSpec((T, 64), lambda r: (0, 0)),
            pl.BlockSpec((64 + F, H), lambda r: (0, 0)),
            pl.BlockSpec((1, H), lambda r: (0, 0)),
        ],
        out_specs=pl.BlockSpec((2, R, HH), lambda r: (0, r, 0)),
        out_shape=jax.ShapeDtypeStruct((2, NP, HH), jnp.float32),
    )(xp, idxp, emb_table, W_in, b_in2)


def _k2_body(h_ref, msa_ref, msc_ref, ca_ref, cc_ref,
             wla_ref, wlc_ref, wra_ref, wrc_ref, ba_ref, bc_ref,
             g_ref, bln_ref, out_ref):
    hfull = jnp.concatenate([h_ref[0], h_ref[1]], axis=1)
    ma = jnp.concatenate([msa_ref[0], msa_ref[1]], axis=1)
    mc = jnp.concatenate([msc_ref[0], msc_ref[1]], axis=1)
    ca = jnp.maximum(ca_ref[...][:, 0:1], 1.0)
    cc = jnp.maximum(cc_ref[...][:, 0:1], 1.0)
    z = (jnp.dot(ma / ca, wla_ref[...], preferred_element_type=jnp.float32)
         + jnp.dot(mc / cc, wlc_ref[...], preferred_element_type=jnp.float32)
         + jnp.dot(hfull, wra_ref[...] + wrc_ref[...],
                   preferred_element_type=jnp.float32)
         + ba_ref[...] + bc_ref[...])
    mu = jnp.mean(z, axis=-1, keepdims=True)
    var = jnp.mean((z - mu) ** 2, axis=-1, keepdims=True)
    zn = (z - mu) / jnp.sqrt(var + 1e-5) * g_ref[...] + bln_ref[...]
    out_ref[0] = zn[:, :HH]
    out_ref[1] = zn[:, HH:]


def _k2(h3, msa3, msc3, cnts, Wla, blab, Wra, Wlc, blcb, Wrc, g2, b2):
    wspec = pl.BlockSpec((H, H), lambda r: (0, 0))
    vspec = pl.BlockSpec((1, H), lambda r: (0, 0))
    hspec = pl.BlockSpec((2, R, HH), lambda r: (0, r, 0))
    return pl.pallas_call(
        _k2_body,
        grid=(NBLK,),
        in_specs=[
            hspec, hspec, hspec,
            pl.BlockSpec((R, 8), lambda r: (r, 0)),
            pl.BlockSpec((R, 8), lambda r: (NBLK + r, 0)),
            wspec, wspec, wspec, wspec, vspec, vspec, vspec, vspec,
        ],
        out_specs=hspec,
        out_shape=jax.ShapeDtypeStruct((2, NP, HH), jnp.float32),
    )(h3, msa3, msc3, cnts, cnts, Wla, Wlc, Wra, Wrc, blab, blcb, g2, b2)


def _k3_body(h_ref, b_ref, out_ref, s_sum, s_cnt, s_max):
    r = pl.program_id(0)

    @pl.when(r == 0)
    def _():
        s_sum[...] = jnp.zeros_like(s_sum)
        s_cnt[...] = jnp.zeros_like(s_cnt)
        s_max[...] = jnp.full_like(s_max, -jnp.inf)

    hfull = jnp.concatenate([h_ref[0], h_ref[1]], axis=1)
    bcol = b_ref[...]
    onehot = (bcol.astype(jnp.int32) == lax.broadcasted_iota(
        jnp.int32, (R, BP), 1)).astype(jnp.float32)
    s_sum[...] += lax.dot_general(
        onehot, hfull, (((0,), (0,)), ((), ())),
        preferred_element_type=jnp.float32)
    s_cnt[...] += lax.dot_general(
        onehot, jnp.ones((R, 8), jnp.float32), (((0,), (0,)), ((), ())),
        preferred_element_type=jnp.float32)

    bmin = jnp.min(bcol).astype(jnp.int32)
    bmax = jnp.max(bcol).astype(jnp.int32)

    def body(bi, carry):
        m = bcol == bi.astype(jnp.float32)
        row = pl.ds(bi, 1)
        s_max[row, :] = jnp.maximum(
            s_max[row, :],
            jnp.max(jnp.where(m, hfull, -jnp.inf), axis=0, keepdims=True))
        return carry

    lax.fori_loop(bmin, bmax + 1, body, 0)

    @pl.when(r == NBLK - 1)
    def _():
        out_ref[:, :H] = (s_sum[...][:B, :]
                          / jnp.maximum(s_cnt[...][:B, 0:1], 1.0))
        out_ref[:, H:] = s_max[...][:B, :]


def _k3(h3, batf):
    return pl.pallas_call(
        _k3_body,
        grid=(NBLK,),
        in_specs=[
            pl.BlockSpec((2, R, HH), lambda r: (0, r, 0)),
            pl.BlockSpec((R, 1), lambda r: (r, 0)),
        ],
        out_specs=pl.BlockSpec((B, 2 * H), lambda r: (0, 0)),
        out_shape=jax.ShapeDtypeStruct((B, 2 * H), jnp.float32),
        scratch_shapes=[
            pltpu.VMEM((BP, H), jnp.float32),
            pltpu.VMEM((BP, 8), jnp.float32),
            pltpu.VMEM((BP, H), jnp.float32),
        ],
    )(h3, batf)


def kernel(x, ast_type_idx, batch, ei_ast, ei_cfg, emb_table, W_in, b_in,
           Wl0ast, bl0ast, Wr0ast, Wl0cfg, bl0cfg, Wr0cfg, ln0g, ln0b,
           Wl1ast, bl1ast, Wr1ast, Wl1cfg, bl1cfg, Wr1cfg, ln1g, ln1b):
    pad = NP - N
    xp = jnp.pad(x, ((0, pad), (0, 0)))
    idxp = jnp.pad(ast_type_idx, (0, pad)).astype(jnp.int32).reshape(NP, 1)
    batf = jnp.pad(batch, (0, pad), constant_values=B)
    batf = batf.astype(jnp.float32).reshape(NP, 1)

    def prep(ei):
        npad = EPAD_ROWS * CH - E
        src = jnp.pad(ei[0], (0, npad)).astype(jnp.int32)
        dst = jnp.pad(ei[1], (0, npad),
                      constant_values=N).astype(jnp.int32)
        return src.reshape(EPAD_ROWS, CH), dst.reshape(EPAD_ROWS, CH)

    src_a, dst_a = prep(ei_ast)
    src_c, dst_c = prep(ei_cfg)

    z32 = jnp.zeros((NP, HH), jnp.float32)
    z8 = jnp.zeros((NP, 8), jnp.float32)
    ones8 = jnp.ones((CH, 8), jnp.float32)

    cnts = _cnt_sc(dst_a, dst_c, ones8, z8)

    h = _k1(xp, idxp, emb_table, W_in, b_in.reshape(1, H))

    b2 = lambda v: v.reshape(1, H)
    for (Wla, bla, Wra, Wlc, blc, Wrc, g, bb) in (
            (Wl0ast, bl0ast, Wr0ast, Wl0cfg, bl0cfg, Wr0cfg, ln0g, ln0b),
            (Wl1ast, bl1ast, Wr1ast, Wl1cfg, bl1cfg, Wr1cfg, ln1g, ln1b)):
        msa, msc = _layer_sc(h, src_a, dst_a, src_c, dst_c, z32)
        h = _k2(h, msa, msc, cnts, Wla, b2(bla), Wra, Wlc, b2(blc), Wrc,
                b2(g), b2(bb))

    return _k3(h, batf)

# --- scband reference (transcript-rebuilt; emitter-appended) ---
"""Pipeline reference for scband-hgtencoder-75969381531746 (READ-ONLY COPY).

The authoritative reference and input builder live on the scoring server;
editing this copy changes nothing except your own understanding.
"""

import jax, jax.numpy as jnp
import numpy as np

N = 50000
E = 800000
B = 64
F = 5
T = 200
TE = 64
H = 64
IN = TE + F

def _p(k, shape):
    return jax.random.normal(k, shape, dtype=jnp.float32) * 0.05

def setup_inputs(seed: int = 0):
    key = jax.random.key(seed)
    ks = jax.random.split(key, 30)
    inp = {}
    inp['x'] = jax.random.normal(ks[0], (N, F), dtype=jnp.float32)
    inp['ast_type_idx'] = jax.random.randint(ks[1], (N,), 0, T)
    inp['batch'] = jnp.sort(jax.random.randint(ks[2], (N,), 0, B))
    inp['ei_ast'] = jax.random.randint(ks[3], (2, E), 0, N)
    inp['ei_cfg'] = jax.random.randint(ks[4], (2, E), 0, N)
    inp['emb_table'] = _p(ks[5], (T, TE))
    inp['W_in'] = _p(ks[6], (IN, H))
    inp['b_in'] = jnp.zeros((H,), jnp.float32)
    i = 7
    for l in range(2):
        for et in ('ast', 'cfg'):
            inp['Wl%d%s' % (l, et)] = _p(ks[i], (H, H)); i += 1
            inp['bl%d%s' % (l, et)] = jnp.zeros((H,), jnp.float32)
            inp['Wr%d%s' % (l, et)] = _p(ks[i], (H, H)); i += 1
        inp['ln%dg' % l] = jnp.ones((H,), jnp.float32)
        inp['ln%db' % l] = jnp.zeros((H,), jnp.float32)
    return inp

def _sage(h, ei, Wl, bl, Wr):
    src = ei[0]
    dst = ei[1]
    msum = jax.ops.segment_sum(h[src], dst, num_segments=N)
    cnt = jax.ops.segment_sum(jnp.ones((ei.shape[1], 1), h.dtype), dst, num_segments=N)
    mean = msum / jnp.maximum(cnt, 1.0)
    return mean @ Wl + bl + h @ Wr

def _ln(h, g, b):
    mu = jnp.mean(h, axis=-1, keepdims=True)
    var = jnp.mean((h - mu) ** 2, axis=-1, keepdims=True)
    return (h - mu) / jnp.sqrt(var + 1e-5) * g + b

def reference(x, ast_type_idx, batch, ei_ast, ei_cfg, emb_table, W_in, b_in, Wl0ast, bl0ast, Wr0ast, Wl0cfg, bl0cfg, Wr0cfg, ln0g, ln0b, Wl1ast, bl1ast, Wr1ast, Wl1cfg, bl1cfg, Wr1cfg, ln1g, ln1b):
    h = jnp.concatenate([emb_table[ast_type_idx], x], axis=-1) @ W_in + b_in
    h = _ln(_sage(h, ei_ast, Wl0ast, bl0ast, Wr0ast) + _sage(h, ei_cfg, Wl0cfg, bl0cfg, Wr0cfg), ln0g, ln0b)
    h = _ln(_sage(h, ei_ast, Wl1ast, bl1ast, Wr1ast) + _sage(h, ei_cfg, Wl1cfg, bl1cfg, Wr1cfg), ln1g, ln1b)
    bcnt = jnp.maximum(jax.ops.segment_sum(jnp.ones((N, 1), h.dtype), batch, num_segments=B), 1.0)
    x_mean = jax.ops.segment_sum(h, batch, num_segments=B) / bcnt
    x_max = jax.ops.segment_max(h, batch, num_segments=B)
    return jnp.concatenate([x_mean, x_max], axis=-1)

if __name__ == "__main__":
    import jax
    _d = setup_inputs()
    print(jax.jit(kernel)(*tuple(_d.values())))

</pallas_src>

<mosaic_0001>
#map = affine_map<(d0, d1) -> (0, 0, 0)>
#map1 = affine_map<(d0, d1) -> (0, 0)>
module attributes {stable_mosaic.version = 14 : i64} {
  func.func @_layer_body(%arg0: i32, %arg1: i32, %arg2: memref<2x50176x32xf32, #tpu.memory_space<hbm>>, %arg3: memref<6280x128xi32, #tpu.memory_space<hbm>>, %arg4: memref<6280x128xi32, #tpu.memory_space<hbm>>, %arg5: memref<6280x128xi32, #tpu.memory_space<hbm>>, %arg6: memref<6280x128xi32, #tpu.memory_space<hbm>>, %arg7: memref<50176x32xf32, #tpu.memory_space<hbm>>, %arg8: memref<2x50176x32xf32, #tpu.memory_space<hbm>>, %arg9: memref<2x50176x32xf32, #tpu.memory_space<hbm>>, %arg10: memref<7x128xi32, #tpu.memory_space<vmem>>, %arg11: memref<7x128xi32, #tpu.memory_space<vmem>>, %arg12: memref<7x128x32xf32, #tpu.memory_space<vmem>>, %arg13: memref<50176x32xf32, #tpu.memory_space<vmem_shared>>, %arg14: memref<!tpu.dma_semaphore, #tpu.memory_space<semaphore_mem>>, %arg15: memref<!tpu.dma_semaphore, #tpu.memory_space<semaphore_mem>>) attributes {dimension_semantics = [#tpu.dimension_semantics<core_parallel>, #tpu.dimension_semantics<subcore_parallel>], iteration_bounds = array<i64: 2, 16>, scalar_prefetch = 0 : i64, scratch_operands = 6 : i64, tpu.core_type = #tpu.core_type<sc_vector_subcore>, window_params = [{transform_indices = #map}, {transform_indices = #map1}, {transform_indices = #map1}, {transform_indices = #map1}, {transform_indices = #map1}, {transform_indices = #map1}, {transform_indices = #map}, {transform_indices = #map}]} {
    %mul3A = arith.constant 392 : i32
    %mul3A_0 = arith.muli %arg1, %mul3A : i32
    %mul3A_1 = arith.constant 3136 : i32
    %mul3A_2 = arith.muli %arg1, %mul3A_1 : i32
    "tpu.region"() ({
      %run_scoped3A = tpu.sem_alloc : memref<!tpu.dma_semaphore, #tpu.memory_space<semaphore_mem>>
      %dma_start3A = arith.constant 0 : i32
      %dma_start3A_17 = tpu.memref_slice %arg13[%mul3A_2, %dma_start3A] : memref<50176x32xf32, #tpu.memory_space<vmem_shared>> -> memref<3136x32xf32, #tpu.memory_space<vmem_shared>>
      %dma_start3A_18 = arith.constant 0 : i32
      %dma_start3A_19 = tpu.memref_slice %arg7[%mul3A_2, %dma_start3A_18] : memref<50176x32xf32, #tpu.memory_space<hbm>> -> memref<3136x32xf32, #tpu.memory_space<hbm>>
      tpu.enqueue_dma source(%dma_start3A_19 : memref<3136x32xf32, #tpu.memory_space<hbm>>) target(%dma_start3A_17 : memref<3136x32xf32, #tpu.memory_space<vmem_shared>>) target_semaphore(%run_scoped3A : memref<!tpu.dma_semaphore, #tpu.memory_space<semaphore_mem>>)
      %dma_wait3A = arith.constant 0 : i32
      %dma_wait3A_20 = tpu.memref_slice %arg13[%mul3A_2, %dma_wait3A] : memref<50176x32xf32, #tpu.memory_space<vmem_shared>> -> memref<3136x32xf32, #tpu.memory_space<vmem_shared>>
      %dma_wait3A_21 = arith.constant 0 : i32
      %dma_wait3A_22 = tpu.memref_slice %arg7[%mul3A_2, %dma_wait3A_21] : memref<50176x32xf32, #tpu.memory_space<hbm>> -> memref<3136x32xf32, #tpu.memory_space<hbm>>
      tpu.wait_dma2 semaphore(%run_scoped3A : memref<!tpu.dma_semaphore, #tpu.memory_space<semaphore_mem>>) src(%dma_wait3A_22 : memref<3136x32xf32, #tpu.memory_space<hbm>>) dst(%dma_wait3A_20 : memref<3136x32xf32, #tpu.memory_space<vmem_shared>>)
      tpu.yield
    }) : () -> ()
    %barrier3A = arith.constant 0 : index
    tpu.barrier barrier_id(%barrier3A)
    %scan3A = arith.constant 0 : i32
    %scan3A_3 = arith.constant 0 : i32
    %scan3A_4 = arith.constant 56 : i32
    %scan3A_5 = arith.addi %scan3A_3, %scan3A_4 : i32
    %scan3A_6 = arith.constant 1 : i32
    scf.for %scan3A_17 = %scan3A_3 to %scan3A_5 step %scan3A_6  : i32 {
      %mul3A_18 = arith.constant 7 : i32
      %mul3A_19 = arith.muli %scan3A_17, %mul3A_18 : i32
      %add3A = arith.addi %mul3A_0, %mul3A_19 : i32
      "tpu.region"() ({
        %run_scoped3A = tpu.sem_alloc : memref<!tpu.dma_semaphore, #tpu.memory_space<semaphore_mem>>
        %dma_start3A_410 = arith.constant 0 : i32
        %dma_start3A_411 = tpu.memref_slice %arg3[%add3A, %dma_start3A_410] : memref<6280x128xi32, #tpu.memory_space<hbm>> -> memref<7x128xi32, #tpu.memory_space<hbm>>
        %dma_start3A_412 = arith.constant 0 : i32
        %dma_start3A_413 = tpu.memref_slice %arg3[%add3A, %dma_start3A_412] : memref<6280x128xi32, #tpu.memory_space<hbm>> -> memref<7x128xi32, #tpu.memory_space<hbm>>
        tpu.enqueue_dma source(%dma_start3A_413 : memref<7x128xi32, #tpu.memory_space<hbm>>) target(%arg10 : memref<7x128xi32, #tpu.memory_space<vmem>>) target_semaphore(%run_scoped3A : memref<!tpu.dma_semaphore, #tpu.memory_space<semaphore_mem>>)
        %dma_wait3A_414 = arith.constant 0 : i32
        %dma_wait3A_415 = tpu.memref_slice %arg3[%add3A, %dma_wait3A_414] : memref<6280x128xi32, #tpu.memory_space<hbm>> -> memref<7x128xi32, #tpu.memory_space<hbm>>
        %dma_wait3A_416 = arith.constant 0 : i32
        %dma_wait3A_417 = tpu.memref_slice %arg3[%add3A, %dma_wait3A_416] : memref<6280x128xi32, #tpu.memory_space<hbm>> -> memref<7x128xi32, #tpu.memory_space<hbm>>
        tpu.wait_dma2 semaphore(%run_scoped3A : memref<!tpu.dma_semaphore, #tpu.memory_space<semaphore_mem>>) src(%dma_wait3A_417 : memref<7x128xi32, #tpu.memory_space<hbm>>) dst(%arg10 : memref<7x128xi32, #tpu.memory_space<vmem>>)
        tpu.yield
      }) : () -> ()
      "tpu.region"() ({
        %run_scoped3A = tpu.sem_alloc : memref<!tpu.dma_semaphore, #tpu.memory_space<semaphore_mem>>
        %dma_start3A_410 = arith.constant 0 : i32
        %dma_start3A_411 = tpu.memref_slice %arg4[%add3A, %dma_start3A_410] : memref<6280x128xi32, #tpu.memory_space<hbm>> -> memref<7x128xi32, #tpu.memory_space<hbm>>
        %dma_start3A_412 = arith.constant 0 : i32
        %dma_start3A_413 = tpu.memref_slice %arg4[%add3A, %dma_start3A_412] : memref<6280x128xi32, #tpu.memory_space<hbm>> -> memref<7x128xi32, #tpu.memory_space<hbm>>
        tpu.enqueue_dma source(%dma_start3A_413 : memref<7x128xi32, #tpu.memory_space<hbm>>) target(%arg11 : memref<7x128xi32, #tpu.memory_space<vmem>>) target_semaphore(%run_scoped3A : memref<!tpu.dma_semaphore, #tpu.memory_space<semaphore_mem>>)
        %dma_wait3A_414 = arith.constant 0 : i32
        %dma_wait3A_415 = tpu.memref_slice %arg4[%add3A, %dma_wait3A_414] : memref<6280x128xi32, #tpu.memory_space<hbm>> -> memref<7x128xi32, #tpu.memory_space<hbm>>
        %dma_wait3A_416 = arith.constant 0 : i32
        %dma_wait3A_417 = tpu.memref_slice %arg4[%add3A, %dma_wait3A_416] : memref<6280x128xi32, #tpu.memory_space<hbm>> -> memref<7x128xi32, #tpu.memory_space<hbm>>
        tpu.wait_dma2 semaphore(%run_scoped3A : memref<!tpu.dma_semaphore, #tpu.memory_space<semaphore_mem>>) src(%dma_wait3A_417 : memref<7x128xi32, #tpu.memory_space<hbm>>) dst(%arg11 : memref<7x128xi32, #tpu.memory_space<vmem>>)
        tpu.yield
      }) : () -> ()
      %dma_start3A = arith.constant 0 : i32
      %dma_start3A_20 = arith.constant 0 : i32
      %dma_start3A_21 = arith.constant 0 : i32
      %dma_start3A_22 = arith.constant 0 : i32
      %dma_start3A_23 = tpu.memref_slice %arg12[%dma_start3A_20, %dma_start3A_21, %dma_start3A_22] : memref<7x128x32xf32, #tpu.memory_space<vmem>> -> memref<1x128x32xf32, #tpu.memory_space<vmem>>
      %dma_start3A_24 = tpu.memref_squeeze %dma_start3A_23 : memref<1x128x32xf32, #tpu.memory_space<vmem>> -> memref<128x32xf32, #tpu.memory_space<vmem>>
      %dma_start3A_25 = arith.constant 0 : i32
      %dma_start3A_26 = tpu.memref_slice %arg10[%dma_start3A, %dma_start3A_25] : memref<7x128xi32, #tpu.memory_space<vmem>> -> memref<1x128xi32, #tpu.memory_space<vmem>>
      %dma_start3A_27 = tpu.memref_squeeze %dma_start3A_26 : memref<1x128xi32, #tpu.memory_space<vmem>> -> memref<128xi32, #tpu.memory_space<vmem>>
      %dma_start3A_28 = arith.constant 0 : i32
      %dma_start3A_29 = arith.constant 0 : i32
      %dma_start3A_30 = tpu.memref_slice %arg2[%arg0, %dma_start3A_28, %dma_start3A_29] : memref<2x50176x32xf32, #tpu.memory_space<hbm>> -> memref<1x50176x32xf32, #tpu.memory_space<hbm>>
      %dma_start3A_31 = tpu.memref_squeeze %dma_start3A_30 : memref<1x50176x32xf32, #tpu.memory_space<hbm>> -> memref<50176x32xf32, #tpu.memory_space<hbm>>
      %dma_start3A_32 = arith.constant 0 : i32
      %dma_start3A_33 = arith.constant 0 : i32
      %dma_start3A_34 = tpu.memref_slice %dma_start3A_31[%dma_start3A_32, %dma_start3A_33] : memref<50176x32xf32, #tpu.memory_space<hbm>> -> memref<50176x32xf32, #tpu.memory_space<hbm>>
      tpu.enqueue_indirect_dma source(%dma_start3A_34 : memref<50176x32xf32, #tpu.memory_space<hbm>>) target(%dma_start3A_24 : memref<128x32xf32, #tpu.memory_space<vmem>>) offsets(%dma_start3A_27 : memref<128xi32, #tpu.memory_space<vmem>>) semaphore(%arg14 : memref<!tpu.dma_semaphore, #tpu.memory_space<semaphore_mem>>)
      %dma_start3A_35 = arith.constant 1 : i32
      %dma_start3A_36 = arith.constant 1 : i32
      %dma_start3A_37 = arith.constant 0 : i32
      %dma_start3A_38 = arith.constant 0 : i32
      %dma_start3A_39 = tpu.memref_slice %arg12[%dma_start3A_36, %dma_start3A_37, %dma_start3A_38] : memref<7x128x32xf32, #tpu.memory_space<vmem>> -> memref<1x128x32xf32, #tpu.memory_space<vmem>>
      %dma_start3A_40 = tpu.memref_squeeze %dma_start3A_39 : memref<1x128x32xf32, #tpu.memory_space<vmem>> -> memref<128x32xf32, #tpu.memory_space<vmem>>
      %dma_start3A_41 = arith.constant 0 : i32
      %dma_start3A_42 = tpu.memref_slice %arg10[%dma_start3A_35, %dma_start3A_41] : memref<7x128xi32, #tpu.memory_space<vmem>> -> memref<1x128xi32, #tpu.memory_space<vmem>>
      %dma_start3A_43 = tpu.memref_squeeze %dma_start3A_42 : memref<1x128xi32, #tpu.memory_space<vmem>> -> memref<128xi32, #tpu.memory_space<vmem>>
      %dma_start3A_44 = arith.constant 0 : i32
      %dma_start3A_45 = arith.constant 0 : i32
      %dma_start3A_46 = tpu.memref_slice %arg2[%arg0, %dma_start3A_44, %dma_start3A_45] : memref<2x50176x32xf32, #tpu.memory_space<hbm>> -> memref<1x50176x32xf32, #tpu.memory_space<hbm>>
      %dma_start3A_47 = tpu.memref_squeeze %dma_start3A_46 : memref<1x50176x32xf32, #tpu.memory_space<hbm>> -> memref<50176x32xf32, #tpu.memory_space<hbm>>
      %dma_start3A_48 = arith.constant 0 : i32
      %dma_start3A_49 = arith.constant 0 : i32
      %dma_start3A_50 = tpu.memref_slice %dma_start3A_47[%dma_start3A_48, %dma_start3A_49] : memref<50176x32xf32, #tpu.memory_space<hbm>> -> memref<50176x32xf32, #tpu.memory_space<hbm>>
      tpu.enqueue_indirect_dma source(%dma_start3A_50 : memref<50176x32xf32, #tpu.memory_space<hbm>>) target(%dma_start3A_40 : memref<128x32xf32, #tpu.memory_space<vmem>>) offsets(%dma_start3A_43 : memref<128xi32, #tpu.memory_space<vmem>>) semaphore(%arg14 : memref<!tpu.dma_semaphore, #tpu.memory_space<semaphore_mem>>)
      %dma_start3A_51 = arith.constant 2 : i32
      %dma_start3A_52 = arith.constant 2 : i32
      %dma_start3A_53 = arith.constant 0 : i32
      %dma_start3A_54 = arith.constant 0 : i32
      %dma_start3A_55 = tpu.memref_slice %arg12[%dma_start3A_52, %dma_start3A_53, %dma_start3A_54] : memref<7x128x32xf32, #tpu.memory_space<vmem>> -> memref<1x128x32xf32, #tpu.memory_space<vmem>>
      %dma_start3A_56 = tpu.memref_squeeze %dma_start3A_55 : memref<1x128x32xf32, #tpu.memory_space<vmem>> -> memref<128x32xf32, #tpu.memory_space<vmem>>
      %dma_start3A_57 = arith.constant 0 : i32
      %dma_start3A_58 = tpu.memref_slice %arg10[%dma_start3A_51, %dma_start3A_57] : memref<7x128xi32, #tpu.memory_space<vmem>> -> memref<1x128xi32, #tpu.memory_space<vmem>>
      %dma_start3A_59 = tpu.memref_squeeze %dma_start3A_58 : memref<1x128xi32, #tpu.memory_space<vmem>> -> memref<128xi32, #tpu.memory_space<vmem>>
      %dma_start3A_60 = arith.constant 0 : i32
      %dma_start3A_61 = arith.constant 0 : i32
      %dma_start3A_62 = tpu.memref_slice %arg2[%arg0, %dma_start3A_60, %dma_start3A_61] : memref<2x50176x32xf32, #tpu.memory_space<hbm>> -> memref<1x50176x32xf32, #tpu.memory_space<hbm>>
      %dma_start3A_63 = tpu.memref_squeeze %dma_start3A_62 : memref<1x50176x32xf32, #tpu.memory_space<hbm>> -> memref<50176x32xf32, #tpu.memory_space<hbm>>
      %dma_start3A_64 = arith.constant 0 : i32
      %dma_start3A_65 = arith.constant 0 : i32
      %dma_start3A_66 = tpu.memref_slice %dma_start3A_63[%dma_start3A_64, %dma_start3A_65] : memref<50176x32xf32, #tpu.memory_space<hbm>> -> memref<50176x32xf32, #tpu.memory_space<hbm>>
      tpu.enqueue_indirect_dma source(%dma_start3A_66 : memref<50176x32xf32, #tpu.memory_space<hbm>>) target(%dma_start3A_56 : memref<128x32xf32, #tpu.memory_space<vmem>>) offsets(%dma_start3A_59 : memref<128xi32, #tpu.memory_space<vmem>>) semaphore(%arg14 : memref<!tpu.dma_semaphore, #tpu.memory_space<semaphore_mem>>)
      %dma_start3A_67 = arith.constant 3 : i32
      %dma_start3A_68 = arith.constant 3 : i32
      %dma_start3A_69 = arith.constant 0 : i32
      %dma_start3A_70 = arith.constant 0 : i32
      %dma_start3A_71 = tpu.memref_slice %arg12[%dma_start3A_68, %dma_start3A_69, %dma_start3A_70] : memref<7x128x32xf32, #tpu.memory_space<vmem>> -> memref<1x128x32xf32, #tpu.memory_space<vmem>>
      %dma_start3A_72 = tpu.memref_squeeze %dma_start3A_71 : memref<1x128x32xf32, #tpu.memory_space<vmem>> -> memref<128x32xf32, #tpu.memory_space<vmem>>
      %dma_start3A_73 = arith.constant 0 : i32
      %dma_start3A_74 = tpu.memref_slice %arg10[%dma_start3A_67, %dma_start3A_73] : memref<7x128xi32, #tpu.memory_space<vmem>> -> memref<1x128xi32, #tpu.memory_space<vmem>>
      %dma_start3A_75 = tpu.memref_squeeze %dma_start3A_74 : memref<1x128xi32, #tpu.memory_space<vmem>> -> memref<128xi32, #tpu.memory_space<vmem>>
      %dma_start3A_76 = arith.constant 0 : i32
      %dma_start3A_77 = arith.constant 0 : i32
      %dma_start3A_78 = tpu.memref_slice %arg2[%arg0, %dma_start3A_76, %dma_start3A_77] : memref<2x50176x32xf32, #tpu.memory_space<hbm>> -> memref<1x50176x32xf32, #tpu.memory_space<hbm>>
      %dma_start3A_79 = tpu.memref_squeeze %dma_start3A_78 : memref<1x50176x32xf32, #tpu.memory_space<hbm>> -> memref<50176x32xf32, #tpu.memory_space<hbm>>
      %dma_start3A_80 = arith.constant 0 : i32
      %dma_start3A_81 = arith.constant 0 : i32
      %dma_start3A_82 = tpu.memref_slice %dma_start3A_79[%dma_start3A_80, %dma_start3A_81] : memref<50176x32xf32, #tpu.memory_space<hbm>> -> memref<50176x32xf32, #tpu.memory_space<hbm>>
      tpu.enqueue_indirect_dma source(%dma_start3A_82 : memref<50176x32xf32, #tpu.memory_space<hbm>>) target(%dma_start3A_72 : memref<128x32xf32, #tpu.memory_space<vmem>>) offsets(%dma_start3A_75 : memref<128xi32, #tpu.memory_space<vmem>>) semaphore(%arg14 : memref<!tpu.dma_semaphore, #tpu.memory_space<semaphore_mem>>)
      %dma_start3A_83 = arith.constant 4 : i32
      %dma_start3A_84 = arith.constant 4 : i32
      %dma_start3A_85 = arith.constant 0 : i32
      %dma_start3A_86 = arith.constant 0 : i32
      %dma_start3A_87 = tpu.memref_slice %arg12[%dma_start3A_84, %dma_start3A_85, %dma_start3A_86] : memref<7x128x32xf32, #tpu.memory_space<vmem>> -> memref<1x128x32xf32, #tpu.memory_space<vmem>>
      %dma_start3A_88 = tpu.memref_squeeze %dma_start3A_87 : memref<1x128x32xf32, #tpu.memory_space<vmem>> -> memref<128x32xf32, #tpu.memory_space<vmem>>
      %dma_start3A_89 = arith.constant 0 : i32
      %dma_start3A_90 = tpu.memref_slice %arg10[%dma_start3A_83, %dma_start3A_89] : memref<7x128xi32, #tpu.memory_space<vmem>> -> memref<1x128xi32, #tpu.memory_space<vmem>>
      %dma_start3A_91 = tpu.memref_squeeze %dma_start3A_90 : memref<1x128xi32, #tpu.memory_space<vmem>> -> memref<128xi32, #tpu.memory_space<vmem>>
      %dma_start3A_92 = arith.constant 0 : i32
      %dma_start3A_93 = arith.constant 0 : i32
      %dma_start3A_94 = tpu.memref_slice %arg2[%arg0, %dma_start3A_92, %dma_start3A_93] : memref<2x50176x32xf32, #tpu.memory_space<hbm>> -> memref<1x50176x32xf32, #tpu.memory_space<hbm>>
      %dma_start3A_95 = tpu.memref_squeeze %dma_start3A_94 : memref<1x50176x32xf32, #tpu.memory_space<hbm>> -> memref<50176x32xf32, #tpu.memory_space<hbm>>
      %dma_start3A_96 = arith.constant 0 : i32
      %dma_start3A_97 = arith.constant 0 : i32
      %dma_start3A_98 = tpu.memref_slice %dma_start3A_95[%dma_start3A_96, %dma_start3A_97] : memref<50176x32xf32, #tpu.memory_space<hbm>> -> memref<50176x32xf32, #tpu.memory_space<hbm>>
      tpu.enqueue_indirect_dma source(%dma_start3A_98 : memref<50176x32xf32, #tpu.memory_space<hbm>>) target(%dma_start3A_88 : memref<128x32xf32, #tpu.memory_space<vmem>>) offsets(%dma_start3A_91 : memref<128xi32, #tpu.memory_space<vmem>>) semaphore(%arg14 : memref<!tpu.dma_semaphore, #tpu.memory_space<semaphore_mem>>)
      %dma_start3A_99 = arith.constant 5 : i32
      %dma_start3A_100 = arith.constant 5 : i32
      %dma_start3A_101 = arith.constant 0 : i32
      %dma_start3A_102 = arith.constant 0 : i32
      %dma_start3A_103 = tpu.memref_slice %arg12[%dma_start3A_100, %dma_start3A_101, %dma_start3A_102] : memref<7x128x32xf32, #tpu.memory_space<vmem>> -> memref<1x128x32xf32, #tpu.memory_space<vmem>>
      %dma_start3A_104 = tpu.memref_squeeze %dma_start3A_103 : memref<1x128x32xf32, #tpu.memory_space<vmem>> -> memref<128x32xf32, #tpu.memory_space<vmem>>
      %dma_start3A_105 = arith.constant 0 : i32
      %dma_start3A_106 = tpu.memref_slice %arg10[%dma_start3A_99, %dma_start3A_105] : memref<7x128xi32, #tpu.memory_space<vmem>> -> memref<1x128xi32, #tpu.memory_space<vmem>>
      %dma_start3A_107 = tpu.memref_squeeze %dma_start3A_106 : memref<1x128xi32, #tpu.memory_space<vmem>> -> memref<128xi32, #tpu.memory_space<vmem>>
      %dma_start3A_108 = arith.constant 0 : i32
      %dma_start3A_109 = arith.constant 0 : i32
      %dma_start3A_110 = tpu.memref_slice %arg2[%arg0, %dma_start3A_108, %dma_start3A_109] : memref<2x50176x32xf32, #tpu.memory_space<hbm>> -> memref<1x50176x32xf32, #tpu.memory_space<hbm>>
      %dma_start3A_111 = tpu.memref_squeeze %dma_start3A_110 : memref<1x50176x32xf32, #tpu.memory_space<hbm>> -> memref<50176x32xf32, #tpu.memory_space<hbm>>
      %dma_start3A_112 = arith.constant 0 : i32
      %dma_start3A_113 = arith.constant 0 : i32
      %dma_start3A_114 = tpu.memref_slice %dma_start3A_111[%dma_start3A_112, %dma_start3A_113] : memref<50176x32xf32, #tpu.memory_space<hbm>> -> memref<50176x32xf32, #tpu.memory_space<hbm>>
      tpu.enqueue_indirect_dma source(%dma_start3A_114 : memref<50176x32xf32, #tpu.memory_space<hbm>>) target(%dma_start3A_104 : memref<128x32xf32, #tpu.memory_space<vmem>>) offsets(%dma_start3A_107 : memref<128xi32, #tpu.memory_space<vmem>>) semaphore(%arg14 : memref<!tpu.dma_semaphore, #tpu.memory_space<semaphore_mem>>)
      %dma_start3A_115 = arith.constant 6 : i32
      %dma_start3A_116 = arith.constant 6 : i32
      %dma_start3A_117 = arith.constant 0 : i32
      %dma_start3A_118 = arith.constant 0 : i32
      %dma_start3A_119 = tpu.memref_slice %arg12[%dma_start3A_116, %dma_start3A_117, %dma_start3A_118] : memref<7x128x32xf32, #tpu.memory_space<vmem>> -> memref<1x128x32xf32, #tpu.memory_space<vmem>>
      %dma_start3A_120 = tpu.memref_squeeze %dma_start3A_119 : memref<1x128x32xf32, #tpu.memory_space<vmem>> -> memref<128x32xf32, #tpu.memory_space<vmem>>
      %dma_start3A_121 = arith.constant 0 : i32
      %dma_start3A_122 = tpu.memref_slice %arg10[%dma_start3A_115, %dma_start3A_121] : memref<7x128xi32, #tpu.memory_space<vmem>> -> memref<1x128xi32, #tpu.memory_space<vmem>>
      %dma_start3A_123 = tpu.memref_squeeze %dma_start3A_122 : memref<1x128xi32, #tpu.memory_space<vmem>> -> memref<128xi32, #tpu.memory_space<vmem>>
      %dma_start3A_124 = arith.constant 0 : i32
      %dma_start3A_125 = arith.constant 0 : i32
      %dma_start3A_126 = tpu.memref_slice %arg2[%arg0, %dma_start3A_124, %dma_start3A_125] : memref<2x50176x32xf32, #tpu.memory_space<hbm>> -> memref<1x50176x32xf32, #tpu.memory_space<hbm>>
      %dma_start3A_127 = tpu.memref_squeeze %dma_start3A_126 : memref<1x50176x32xf32, #tpu.memory_space<hbm>> -> memref<50176x32xf32, #tpu.memory_space<hbm>>
      %dma_start3A_128 = arith.constant 0 : i32
      %dma_start3A_129 = arith.constant 0 : i32
      %dma_start3A_130 = tpu.memref_slice %dma_start3A_127[%dma_start3A_128, %dma_start3A_129] : memref<50176x32xf32, #tpu.memory_space<hbm>> -> memref<50176x32xf32, #tpu.memory_space<hbm>>
      tpu.enqueue_indirect_dma source(%dma_start3A_130 : memref<50176x32xf32, #tpu.memory_space<hbm>>) target(%dma_start3A_120 : memref<128x32xf32, #tpu.memory_space<vmem>>) offsets(%dma_start3A_123 : memref<128xi32, #tpu.memory_space<vmem>>) semaphore(%arg14 : memref<!tpu.dma_semaphore, #tpu.memory_space<semaphore_mem>>)
      %dma_wait3A = arith.constant 0 : i32
      %dma_wait3A_131 = arith.constant 0 : i32
      %dma_wait3A_132 = arith.constant 0 : i32
      %dma_wait3A_133 = arith.constant 0 : i32
      %dma_wait3A_134 = tpu.memref_slice %arg12[%dma_wait3A_131, %dma_wait3A_132, %dma_wait3A_133] : memref<7x128x32xf32, #tpu.memory_space<vmem>> -> memref<1x128x32xf32, #tpu.memory_space<vmem>>
      %dma_wait3A_135 = tpu.memref_squeeze %dma_wait3A_134 : memref<1x128x32xf32, #tpu.memory_space<vmem>> -> memref<128x32xf32, #tpu.memory_space<vmem>>
      %dma_wait3A_136 = arith.constant 0 : i32
      %dma_wait3A_137 = tpu.memref_slice %arg10[%dma_wait3A, %dma_wait3A_136] : memref<7x128xi32, #tpu.memory_space<vmem>> -> memref<1x128xi32, #tpu.memory_space<vmem>>
      %dma_wait3A_138 = tpu.memref_squeeze %dma_wait3A_137 : memref<1x128xi32, #tpu.memory_space<vmem>> -> memref<128xi32, #tpu.memory_space<vmem>>
      %dma_wait3A_139 = arith.constant 0 : i32
      %dma_wait3A_140 = arith.constant 0 : i32
      %dma_wait3A_141 = tpu.memref_slice %arg2[%arg0, %dma_wait3A_139, %dma_wait3A_140] : memref<2x50176x32xf32, #tpu.memory_space<hbm>> -> memref<1x50176x32xf32, #tpu.memory_space<hbm>>
      %dma_wait3A_142 = tpu.memref_squeeze %dma_wait3A_141 : memref<1x50176x32xf32, #tpu.memory_space<hbm>> -> memref<50176x32xf32, #tpu.memory_space<hbm>>
      %dma_wait3A_143 = arith.constant 0 : i32
      %dma_wait3A_144 = arith.constant 0 : i32
      %dma_wait3A_145 = tpu.memref_slice %dma_wait3A_142[%dma_wait3A_143, %dma_wait3A_144] : memref<50176x32xf32, #tpu.memory_space<hbm>> -> memref<50176x32xf32, #tpu.memory_space<hbm>>
      tpu.wait_indirect_dma semaphore(%arg14 : memref<!tpu.dma_semaphore, #tpu.memory_space<semaphore_mem>>) src(%dma_wait3A_145 : memref<50176x32xf32, #tpu.memory_space<hbm>>) dst(%dma_wait3A_135 : memref<128x32xf32, #tpu.memory_space<vmem>>)
      %dma_start3A_146 = arith.constant 0 : i32
      %dma_start3A_147 = arith.constant 0 : i32
      %dma_start3A_148 = arith.constant 0 : i32
      %dma_start3A_149 = arith.constant 0 : i32
      %dma_start3A_150 = tpu.memref_slice %arg12[%dma_start3A_146, %dma_start3A_148, %dma_start3A_149] : memref<7x128x32xf32, #tpu.memory_space<vmem>> -> memref<1x128x32xf32, #tpu.memory_space<vmem>>
      %dma_start3A_151 = tpu.memref_squeeze %dma_start3A_150 : memref<1x128x32xf32, #tpu.memory_space<vmem>> -> memref<128x32xf32, #tpu.memory_space<vmem>>
      %dma_start3A_152 = arith.constant 0 : i32
      %dma_start3A_153 = tpu.memref_slice %arg11[%dma_start3A_147, %dma_start3A_152] : memref<7x128xi32, #tpu.memory_space<vmem>> -> memref<1x128xi32, #tpu.memory_space<vmem>>
      %dma_start3A_154 = tpu.memref_squeeze %dma_start3A_153 : memref<1x128xi32, #tpu.memory_space<vmem>> -> memref<128xi32, #tpu.memory_space<vmem>>
      %dma_start3A_155 = arith.constant 0 : i32
      %dma_start3A_156 = arith.constant 0 : i32
      %dma_start3A_157 = tpu.memref_slice %arg13[%dma_start3A_155, %dma_start3A_156] : memref<50176x32xf32, #tpu.memory_space<vmem_shared>> -> memref<50176x32xf32, #tpu.memory_space<vmem_shared>>
      tpu.enqueue_indirect_dma source(%dma_start3A_151 : memref<128x32xf32, #tpu.memory_space<vmem>>) target(%dma_start3A_157 : memref<50176x32xf32, #tpu.memory_space<vmem_shared>>) offsets(%dma_start3A_154 : memref<128xi32, #tpu.memory_space<vmem>>) semaphore(%arg15 : memref<!tpu.dma_semaphore, #tpu.memory_space<semaphore_mem>>) {add = true}
      %dma_wait3A_158 = arith.constant 1 : i32
      %dma_wait3A_159 = arith.constant 1 : i32
      %dma_wait3A_160 = arith.constant 0 : i32
      %dma_wait3A_161 = arith.constant 0 : i32
      %dma_wait3A_162 = tpu.memref_slice %arg12[%dma_wait3A_159, %dma_wait3A_160, %dma_wait3A_161] : memref<7x128x32xf32, #tpu.memory_space<vmem>> -> memref<1x128x32xf32, #tpu.memory_space<vmem>>
      %dma_wait3A_163 = tpu.memref_squeeze %dma_wait3A_162 : memref<1x128x32xf32, #tpu.memory_space<vmem>> -> memref<128x32xf32, #tpu.memory_space<vmem>>
      %dma_wait3A_164 = arith.constant 0 : i32
      %dma_wait3A_165 = tpu.memref_slice %arg10[%dma_wait3A_158, %dma_wait3A_164] : memref<7x128xi32, #tpu.memory_space<vmem>> -> memref<1x128xi32, #tpu.memory_space<vmem>>
      %dma_wait3A_166 = tpu.memref_squeeze %dma_wait3A_165 : memref<1x128xi32, #tpu.memory_space<vmem>> -> memref<128xi32, #tpu.memory_space<vmem>>
      %dma_wait3A_167 = arith.constant 0 : i32
      %dma_wait3A_168 = arith.constant 0 : i32
      %dma_wait3A_169 = tpu.memref_slice %arg2[%arg0, %dma_wait3A_167, %dma_wait3A_168] : memref<2x50176x32xf32, #tpu.memory_space<hbm>> -> memref<1x50176x32xf32, #tpu.memory_space<hbm>>
      %dma_wait3A_170 = tpu.memref_squeeze %dma_wait3A_169 : memref<1x50176x32xf32, #tpu.memory_space<hbm>> -> memref<50176x32xf32, #tpu.memory_space<hbm>>
      %dma_wait3A_171 = arith.constant 0 : i32
      %dma_wait3A_172 = arith.constant 0 : i32
      %dma_wait3A_173 = tpu.memref_slice %dma_wait3A_170[%dma_wait3A_171, %dma_wait3A_172] : memref<50176x32xf32, #tpu.memory_space<hbm>> -> memref<50176x32xf32, #tpu.memory_space<hbm>>
      tpu.wait_indirect_dma semaphore(%arg14 : memref<!tpu.dma_semaphore, #tpu.memory_space<semaphore_mem>>) src(%dma_wait3A_173 : memref<50176x32xf32, #tpu.memory_space<hbm>>) dst(%dma_wait3A_163 : memref<128x32xf32, #tpu.memory_space<vmem>>)
      %dma_start3A_174 = arith.constant 1 : i32
      %dma_start3A_175 = arith.constant 1 : i32
      %dma_start3A_176 = arith.constant 0 : i32
      %dma_start3A_177 = arith.constant 0 : i32
      %dma_start3A_178 = tpu.memref_slice %arg12[%dma_start3A_174, %dma_start3A_176, %dma_start3A_177] : memref<7x128x32xf32, #tpu.memory_space<vmem>> -> memref<1x128x32xf32, #tpu.memory_space<vmem>>
      %dma_start3A_179 = tpu.memref_squeeze %dma_start3A_178 : memref<1x128x32xf32, #tpu.memory_space<vmem>> -> memref<128x32xf32, #tpu.memory_space<vmem>>
      %dma_start3A_180 = arith.constant 0 : i32
      %dma_start3A_181 = tpu.memref_slice %arg11[%dma_start3A_175, %dma_start3A_180] : memref<7x128xi32, #tpu.memory_space<vmem>> -> memref<1x128xi32, #tpu.memory_space<vmem>>
      %dma_start3A_182 = tpu.memref_squeeze %dma_start3A_181 : memref<1x128xi32, #tpu.memory_space<vmem>> -> memref<128xi32, #tpu.memory_space<vmem>>
      %dma_start3A_183 = arith.constant 0 : i32
      %dma_start3A_184 = arith.constant 0 : i32
      %dma_start3A_185 = tpu.memref_slice %arg13[%dma_start3A_183, %dma_start3A_184] : memref<50176x32xf32, #tpu.memory_space<vmem_shared>> -> memref<50176x32xf32, #tpu.memory_space<vmem_shared>>
      tpu.enqueue_indirect_dma source(%dma_start3A_179 : memref<128x32xf32, #tpu.memory_space<vmem>>) target(%dma_start3A_185 : memref<50176x32xf32, #tpu.memory_space<vmem_shared>>) offsets(%dma_start3A_182 : memref<128xi32, #tpu.memory_space<vmem>>) semaphore(%arg15 : memref<!tpu.dma_semaphore, #tpu.memory_space<semaphore_mem>>) {add = true}
      %dma_wait3A_186 = arith.constant 2 : i32
      %dma_wait3A_187 = arith.constant 2 : i32
      %dma_wait3A_188 = arith.constant 0 : i32
      %dma_wait3A_189 = arith.constant 0 : i32
      %dma_wait3A_190 = tpu.memref_slice %arg12[%dma_wait3A_187, %dma_wait3A_188, %dma_wait3A_189] : memref<7x128x32xf32, #tpu.memory_space<vmem>> -> memref<1x128x32xf32, #tpu.memory_space<vmem>>
      %dma_wait3A_191 = tpu.memref_squeeze %dma_wait3A_190 : memref<1x128x32xf32, #tpu.memory_space<vmem>> -> memref<128x32xf32, #tpu.memory_space<vmem>>
      %dma_wait3A_192 = arith.constant 0 : i32
      %dma_wait3A_193 = tpu.memref_slice %arg10[%dma_wait3A_186, %dma_wait3A_192] : memref<7x128xi32, #tpu.memory_space<vmem>> -> memref<1x128xi32, #tpu.memory_space<vmem>>
      %dma_wait3A_194 = tpu.memref_squeeze %dma_wait3A_193 : memref<1x128xi32, #tpu.memory_space<vmem>> -> memref<128xi32, #tpu.memory_space<vmem>>
      %dma_wait3A_195 = arith.constant 0 : i32
      %dma_wait3A_196 = arith.constant 0 : i32
      %dma_wait3A_197 = tpu.memref_slice %arg2[%arg0, %dma_wait3A_195, %dma_wait3A_196] : memref<2x50176x32xf32, #tpu.memory_space<hbm>> -> memref<1x50176x32xf32, #tpu.memory_space<hbm>>
      %dma_wait3A_198 = tpu.memref_squeeze %dma_wait3A_197 : memref<1x50176x32xf32, #tpu.memory_space<hbm>> -> memref<50176x32xf32, #tpu.memory_space<hbm>>
      %dma_wait3A_199 = arith.constant 0 : i32
      %dma_wait3A_200 = arith.constant 0 : i32
      %dma_wait3A_201 = tpu.memref_slice %dma_wait3A_198[%dma_wait3A_199, %dma_wait3A_200] : memref<50176x32xf32, #tpu.memory_space<hbm>> -> memref<50176x32xf32, #tpu.memory_space<hbm>>
      tpu.wait_indirect_dma semaphore(%arg14 : memref<!tpu.dma_semaphore, #tpu.memory_space<semaphore_mem>>) src(%dma_wait3A_201 : memref<50176x32xf32, #tpu.memory_space<hbm>>) dst(%dma_wait3A_191 : memref<128x32xf32, #tpu.memory_space<vmem>>)
      %dma_start3A_202 = arith.constant 2 : i32
      %dma_start3A_203 = arith.constant 2 : i32
      %dma_start3A_204 = arith.constant 0 : i32
      %dma_start3A_205 = arith.constant 0 : i32
      %dma_start3A_206 = tpu.memref_slice %arg12[%dma_start3A_202, %dma_start3A_204, %dma_start3A_205] : memref<7x128x32xf32, #tpu.memory_space<vmem>> -> memref<1x128x32xf32, #tpu.memory_space<vmem>>
      %dma_start3A_207 = tpu.memref_squeeze %dma_start3A_206 : memref<1x128x32xf32, #tpu.memory_space<vmem>> -> memref<128x32xf32, #tpu.memory_space<vmem>>
      %dma_start3A_208 = arith.constant 0 : i32
      %dma_start3A_209 = tpu.memref_slice %arg11[%dma_start3A_203, %dma_start3A_208] : memref<7x128xi32, #tpu.memory_space<vmem>> -> memref<1x128xi32, #tpu.memory_space<vmem>>
      %dma_start3A_210 = tpu.memref_squeeze %dma_start3A_209 : memref<1x128xi32, #tpu.memory_space<vmem>> -> memref<128xi32, #tpu.memory_space<vmem>>
      %dma_start3A_211 = arith.constant 0 : i32
      %dma_start3A_212 = arith.constant 0 : i32
      %dma_start3A_213 = tpu.memref_slice %arg13[%dma_start3A_211, %dma_start3A_212] : memref<50176x32xf32, #tpu.memory_space<vmem_shared>> -> memref<50176x32xf32, #tpu.memory_space<vmem_shared>>
      tpu.enqueue_indirect_dma source(%dma_start3A_207 : memref<128x32xf32, #tpu.memory_space<vmem>>) target(%dma_start3A_213 : memref<50176x32xf32, #tpu.memory_space<vmem_shared>>) offsets(%dma_start3A_210 : memref<128xi32, #tpu.memory_space<vmem>>) semaphore(%arg15 : memref<!tpu.dma_semaphore, #tpu.memory_space<semaphore_mem>>) {add = true}
      %dma_wait3A_214 = arith.constant 3 : i32
      %dma_wait3A_215 = arith.constant 3 : i32
      %dma_wait3A_216 = arith.constant 0 : i32
      %dma_wait3A_217 = arith.constant 0 : i32
      %dma_wait3A_218 = tpu.memref_slice %arg12[%dma_wait3A_215, %dma_wait3A_216, %dma_wait3A_217] : memref<7x128x32xf32, #tpu.memory_space<vmem>> -> memref<1x128x32xf32, #tpu.memory_space<vmem>>
      %dma_wait3A_219 = tpu.memref_squeeze %dma_wait3A_218 : memref<1x128x32xf32, #tpu.memory_space<vmem>> -> memref<128x32xf32, #tpu.memory_space<vmem>>
      %dma_wait3A_220 = arith.constant 0 : i32
      %dma_wait3A_221 = tpu.memref_slice %arg10[%dma_wait3A_214, %dma_wait3A_220] : memref<7x128xi32, #tpu.memory_space<vmem>> -> memref<1x128xi32, #tpu.memory_space<vmem>>
      %dma_wait3A_222 = tpu.memref_squeeze %dma_wait3A_221 : memref<1x128xi32, #tpu.memory_space<vmem>> -> memref<128xi32, #tpu.memory_space<vmem>>
      %dma_wait3A_223 = arith.constant 0 : i32
      %dma_wait3A_224 = arith.constant 0 : i32
      %dma_wait3A_225 = tpu.memref_slice %arg2[%arg0, %dma_wait3A_223, %dma_wait3A_224] : memref<2x50176x32xf32, #tpu.memory_space<hbm>> -> memref<1x50176x32xf32, #tpu.memory_space<hbm>>
      %dma_wait3A_226 = tpu.memref_squeeze %dma_wait3A_225 : memref<1x50176x32xf32, #tpu.memory_space<hbm>> -> memref<50176x32xf32, #tpu.memory_space<hbm>>
      %dma_wait3A_227 = arith.constant 0 : i32
      %dma_wait3A_228 = arith.constant 0 : i32
      %dma_wait3A_229 = tpu.memref_slice %dma_wait3A_226[%dma_wait3A_227, %dma_wait3A_228] : memref<50176x32xf32, #tpu.memory_space<hbm>> -> memref<50176x32xf32, #tpu.memory_space<hbm>>
      tpu.wait_indirect_dma semaphore(%arg14 : memref<!tpu.dma_semaphore, #tpu.memory_space<semaphore_mem>>) src(%dma_wait3A_229 : memref<50176x32xf32, #tpu.memory_space<hbm>>) dst(%dma_wait3A_219 : memref<128x32xf32, #tpu.memory_space<vmem>>)
      %dma_start3A_230 = arith.constant 3 : i32
      %dma_start3A_231 = arith.constant 3 : i32
      %dma_start3A_232 = arith.constant 0 : i32
      %dma_start3A_233 = arith.constant 0 : i32
      %dma_start3A_234 = tpu.memref_slice %arg12[%dma_start3A_230, %dma_start3A_232, %dma_start3A_233] : memref<7x128x32xf32, #tpu.memory_space<vmem>> -> memref<1x128x32xf32, #tpu.memory_space<vmem>>
      %dma_start3A_235 = tpu.memref_squeeze %dma_start3A_234 : memref<1x128x32xf32, #tpu.memory_space<vmem>> -> memref<128x32xf32, #tpu.memory_space<vmem>>
      %dma_start3A_236 = arith.constant 0 : i32
      %dma_start3A_237 = tpu.memref_slice %arg11[%dma_start3A_231, %dma_start3A_236] : memref<7x128xi32, #tpu.memory_space<vmem>> -> memref<1x128xi32, #tpu.memory_space<vmem>>
      %dma_start3A_238 = tpu.memref_squeeze %dma_start3A_237 : memref<1x128xi32, #tpu.memory_space<vmem>> -> memref<128xi32, #tpu.memory_space<vmem>>
      %dma_start3A_239 = arith.constant 0 : i32
      %dma_start3A_240 = arith.constant 0 : i32
      %dma_start3A_241 = tpu.memref_slice %arg13[%dma_start3A_239, %dma_start3A_240] : memref<50176x32xf32, #tpu.memory_space<vmem_shared>> -> memref<50176x32xf32, #tpu.memory_space<vmem_shared>>
      tpu.enqueue_indirect_dma source(%dma_start3A_235 : memref<128x32xf32, #tpu.memory_space<vmem>>) target(%dma_start3A_241 : memref<50176x32xf32, #tpu.memory_space<vmem_shared>>) offsets(%dma_start3A_238 : memref<128xi32, #tpu.memory_space<vmem>>) semaphore(%arg15 : memref<!tpu.dma_semaphore, #tpu.memory_space<semaphore_mem>>) {add = true}
      %dma_wait3A_242 = arith.constant 4 : i32
      %dma_wait3A_243 = arith.constant 4 : i32
      %dma_wait3A_244 = arith.constant 0 : i32
      %dma_wait3A_245 = arith.constant 0 : i32
      %dma_wait3A_246 = tpu.memref_slice %arg12[%dma_wait3A_243, %dma_wait3A_244, %dma_wait3A_245] : memref<7x128x32xf32, #tpu.memory_space<vmem>> -> memref<1x128x32xf32, #tpu.memory_space<vmem>>
      %dma_wait3A_247 = tpu.memref_squeeze %dma_wait3A_246 : memref<1x128x32xf32, #tpu.memory_space<vmem>> -> memref<128x32xf32, #tpu.memory_space<vmem>>
      %dma_wait3A_248 = arith.constant 0 : i32
      %dma_wait3A_249 = tpu.memref_slice %arg10[%dma_wait3A_242, %dma_wait3A_248] : memref<7x128xi32, #tpu.memory_space<vmem>> -> memref<1x128xi32, #tpu.memory_space<vmem>>
      %dma_wait3A_250 = tpu.memref_squeeze %dma_wait3A_249 : memref<1x128xi32, #tpu.memory_space<vmem>> -> memref<128xi32, #tpu.memory_space<vmem>>
      %dma_wait3A_251 = arith.constant 0 : i32
      %dma_wait3A_252 = arith.constant 0 : i32
      %dma_wait3A_253 = tpu.memref_slice %arg2[%arg0, %dma_wait3A_251, %dma_wait3A_252] : memref<2x50176x32xf32, #tpu.memory_space<hbm>> -> memref<1x50176x32xf32, #tpu.memory_space<hbm>>
      %dma_wait3A_254 = tpu.memref_squeeze %dma_wait3A_253 : memref<1x50176x32xf32, #tpu.memory_space<hbm>> -> memref<50176x32xf32, #tpu.memory_space<hbm>>
      %dma_wait3A_255 = arith.constant 0 : i32
      %dma_wait3A_256 = arith.constant 0 : i32
      %dma_wait3A_257 = tpu.memref_slice %dma_wait3A_254[%dma_wait3A_255, %dma_wait3A_256] : memref<50176x32xf32, #tpu.memory_space<hbm>> -> memref<50176x32xf32, #tpu.memory_space<hbm>>
      tpu.wait_indirect_dma semaphore(%arg14 : memref<!tpu.dma_semaphore, #tpu.memory_space<semaphore_mem>>) src(%dma_wait3A_257 : memref<50176x32xf32, #tpu.memory_space<hbm>>) dst(%dma_wait3A_247 : memref<128x32xf32, #tpu.memory_space<vmem>>)
      %dma_start3A_258 = arith.constant 4 : i32
      %dma_start3A_259 = arith.constant 4 : i32
      %dma_start3A_260 = arith.constant 0 : i32
      %dma_start3A_261 = arith.constant 0 : i32
      %dma_start3A_262 = tpu.memref_slice %arg12[%dma_start3A_258, %dma_start3A_260, %dma_start3A_261] : memref<7x128x32xf32, #tpu.memory_space<vmem>> -> memref<1x128x32xf32, #tpu.memory_space<vmem>>
      %dma_start3A_263 = tpu.memref_squeeze %dma_start3A_262 : memref<1x128x32xf32, #tpu.memory_space<vmem>> -> memref<128x32xf32, #tpu.memory_space<vmem>>
      %dma_start3A_264 = arith.constant 0 : i32
      %dma_start3A_265 = tpu.memref_slice %arg11[%dma_start3A_259, %dma_start3A_264] : memref<7x128xi32, #tpu.memory_space<vmem>> -> memref<1x128xi32, #tpu.memory_space<vmem>>
      %dma_start3A_266 = tpu.memref_squeeze %dma_start3A_265 : memref<1x128xi32, #tpu.memory_space<vmem>> -> memref<128xi32, #tpu.memory_space<vmem>>
      %dma_start3A_267 = arith.constant 0 : i32
      %dma_start3A_268 = arith.constant 0 : i32
      %dma_start3A_269 = tpu.memref_slice %arg13[%dma_start3A_267, %dma_start3A_268] : memref<50176x32xf32, #tpu.memory_space<vmem_shared>> -> memref<50176x32xf32, #tpu.memory_space<vmem_shared>>
      tpu.enqueue_indirect_dma source(%dma_start3A_263 : memref<128x32xf32, #tpu.memory_space<vmem>>) target(%dma_start3A_269 : memref<50176x32xf32, #tpu.memory_space<vmem_shared>>) offsets(%dma_start3A_266 : memref<128xi32, #tpu.memory_space<vmem>>) semaphore(%arg15 : memref<!tpu.dma_semaphore, #tpu.memory_space<semaphore_mem>>) {add = true}
      %dma_wait3A_270 = arith.constant 5 : i32
      %dma_wait3A_271 = arith.constant 5 : i32
      %dma_wait3A_272 = arith.constant 0 : i32
      %dma_wait3A_273 = arith.constant 0 : i32
      %dma_wait3A_274 = tpu.memref_slice %arg12[%dma_wait3A_271, %dma_wait3A_272, %dma_wait3A_273] : memref<7x128x32xf32, #tpu.memory_space<vmem>> -> memref<1x128x32xf32, #tpu.memory_space<vmem>>
      %dma_wait3A_275 = tpu.memref_squeeze %dma_wait3A_274 : memref<1x128x32xf32, #tpu.memory_space<vmem>> -> memref<128x32xf32, #tpu.memory_space<vmem>>
      %dma_wait3A_276 = arith.constant 0 : i32
      %dma_wait3A_277 = tpu.memref_slice %arg10[%dma_wait3A_270, %dma_wait3A_276] : memref<7x128xi32, #tpu.memory_space<vmem>> -> memref<1x128xi32, #tpu.memory_space<vmem>>
      %dma_wait3A_278 = tpu.memref_squeeze %dma_wait3A_277 : memref<1x128xi32, #tpu.memory_space<vmem>> -> memref<128xi32, #tpu.memory_space<vmem>>
      %dma_wait3A_279 = arith.constant 0 : i32
      %dma_wait3A_280 = arith.constant 0 : i32
      %dma_wait3A_281 = tpu.memref_slice %arg2[%arg0, %dma_wait3A_279, %dma_wait3A_280] : memref<2x50176x32xf32, #tpu.memory_space<hbm>> -> memref<1x50176x32xf32, #tpu.memory_space<hbm>>
      %dma_wait3A_282 = tpu.memref_squeeze %dma_wait3A_281 : memref<1x50176x32xf32, #tpu.memory_space<hbm>> -> memref<50176x32xf32, #tpu.memory_space<hbm>>
      %dma_wait3A_283 = arith.constant 0 : i32
      %dma_wait3A_284 = arith.constant 0 : i32
      %dma_wait3A_285 = tpu.memref_slice %dma_wait3A_282[%dma_wait3A_283, %dma_wait3A_284] : memref<50176x32xf32, #tpu.memory_space<hbm>> -> memref<50176x32xf32, #tpu.memory_space<hbm>>
      tpu.wait_indirect_dma semaphore(%arg14 : memref<!tpu.dma_semaphore, #tpu.memory_space<semaphore_mem>>) src(%dma_wait3A_285 : memref<50176x32xf32, #tpu.memory_space<hbm>>) dst(%dma_wait3A_275 : memref<128x32xf32, #tpu.memory_space<vmem>>)
      %dma_start3A_286 = arith.constant 5 : i32
      %dma_start3A_287 = arith.constant 5 : i32
      %dma_start3A_288 = arith.constant 0 : i32
      %dma_start3A_289 = arith.constant 0 : i32
      %dma_start3A_290 = tpu.memref_slice %arg12[%dma_start3A_286, %dma_start3A_288, %dma_start3A_289] : memref<7x128x32xf32, #tpu.memory_space<vmem>> -> memref<1x128x32xf32, #tpu.memory_space<vmem>>
      %dma_start3A_291 = tpu.memref_squeeze %dma_start3A_290 : memref<1x128x32xf32, #tpu.memory_space<vmem>> -> memref<128x32xf32, #tpu.memory_space<vmem>>
      %dma_start3A_292 = arith.constant 0 : i32
      %dma_start3A_293 = tpu.memref_slice %arg11[%dma_start3A_287, %dma_start3A_292] : memref<7x128xi32, #tpu.memory_space<vmem>> -> memref<1x128xi32, #tpu.memory_space<vmem>>
      %dma_start3A_294 = tpu.memref_squeeze %dma_start3A_293 : memref<1x128xi32, #tpu.memory_space<vmem>> -> memref<128xi32, #tpu.memory_space<vmem>>
      %dma_start3A_295 = arith.constant 0 : i32
      %dma_start3A_296 = arith.constant 0 : i32
      %dma_start3A_297 = tpu.memref_slice %arg13[%dma_start3A_295, %dma_start3A_296] : memref<50176x32xf32, #tpu.memory_space<vmem_shared>> -> memref<50176x32xf32, #tpu.memory_space<vmem_shared>>
      tpu.enqueue_indirect_dma source(%dma_start3A_291 : memref<128x32xf32, #tpu.memory_space<vmem>>) target(%dma_start3A_297 : memref<50176x32xf32, #tpu.memory_space<vmem_shared>>) offsets(%dma_start3A_294 : memref<128xi32, #tpu.memory_space<vmem>>) semaphore(%arg15 : memref<!tpu.dma_semaphore, #tpu.memory_space<semaphore_mem>>) {add = true}
      %dma_wait3A_298 = arith.constant 6 : i32
      %dma_wait3A_299 = arith.constant 6 : i32
      %dma_wait3A_300 = arith.constant 0 : i32
      %dma_wait3A_301 = arith.constant 0 : i32
      %dma_wait3A_302 = tpu.memref_slice %arg12[%dma_wait3A_299, %dma_wait3A_300, %dma_wait3A_301] : memref<7x128x32xf32, #tpu.memory_space<vmem>> -> memref<1x128x32xf32, #tpu.memory_space<vmem>>
      %dma_wait3A_303 = tpu.memref_squeeze %dma_wait3A_302 : memref<1x128x32xf32, #tpu.memory_space<vmem>> -> memref<128x32xf32, #tpu.memory_space<vmem>>
      %dma_wait3A_304 = arith.constant 0 : i32
      %dma_wait3A_305 = tpu.memref_slice %arg10[%dma_wait3A_298, %dma_wait3A_304] : memref<7x128xi32, #tpu.memory_space<vmem>> -> memref<1x128xi32, #tpu.memory_space<vmem>>
      %dma_wait3A_306 = tpu.memref_squeeze %dma_wait3A_305 : memref<1x128xi32, #tpu.memory_space<vmem>> -> memref<128xi32, #tpu.memory_space<vmem>>
      %dma_wait3A_307 = arith.constant 0 : i32
      %dma_wait3A_308 = arith.constant 0 : i32
      %dma_wait3A_309 = tpu.memref_slice %arg2[%arg0, %dma_wait3A_307, %dma_wait3A_308] : memref<2x50176x32xf32, #tpu.memory_space<hbm>> -> memref<1x50176x32xf32, #tpu.memory_space<hbm>>
      %dma_wait3A_310 = tpu.memref_squeeze %dma_wait3A_309 : memref<1x50176x32xf32, #tpu.memory_space<hbm>> -> memref<50176x32xf32, #tpu.memory_space<hbm>>
      %dma_wait3A_311 = arith.constant 0 : i32
      %dma_wait3A_312 = arith.constant 0 : i32
      %dma_wait3A_313 = tpu.memref_slice %dma_wait3A_310[%dma_wait3A_311, %dma_wait3A_312] : memref<50176x32xf32, #tpu.memory_space<hbm>> -> memref<50176x32xf32, #tpu.memory_space<hbm>>
      tpu.wait_indirect_dma semaphore(%arg14 : memref<!tpu.dma_semaphore, #tpu.memory_space<semaphore_mem>>) src(%dma_wait3A_313 : memref<50176x32xf32, #tpu.memory_space<hbm>>) dst(%dma_wait3A_303 : memref<128x32xf32, #tpu.memory_space<vmem>>)
      %dma_start3A_314 = arith.constant 6 : i32
      %dma_start3A_315 = arith.constant 6 : i32
      %dma_start3A_316 = arith.constant 0 : i32
      %dma_start3A_317 = arith.constant 0 : i32
      %dma_start3A_318 = tpu.memref_slice %arg12[%dma_start3A_314, %dma_start3A_316, %dma_start3A_317] : memref<7x128x32xf32, #tpu.memory_space<vmem>> -> memref<1x128x32xf32, #tpu.memory_space<vmem>>
      %dma_start3A_319 = tpu.memref_squeeze %dma_start3A_318 : memref<1x128x32xf32, #tpu.memory_space<vmem>> -> memref<128x32xf32, #tpu.memory_space<vmem>>
      %dma_start3A_320 = arith.constant 0 : i32
      %dma_start3A_321 = tpu.memref_slice %arg11[%dma_start3A_315, %dma_start3A_320] : memref<7x128xi32, #tpu.memory_space<vmem>> -> memref<1x128xi32, #tpu.memory_space<vmem>>
      %dma_start3A_322 = tpu.memref_squeeze %dma_start3A_321 : memref<1x128xi32, #tpu.memory_space<vmem>> -> memref<128xi32, #tpu.memory_space<vmem>>
      %dma_start3A_323 = arith.constant 0 : i32
      %dma_start3A_324 = arith.constant 0 : i32
      %dma_start3A_325 = tpu.memref_slice %arg13[%dma_start3A_323, %dma_start3A_324] : memref<50176x32xf32, #tpu.memory_space<vmem_shared>> -> memref<50176x32xf32, #tpu.memory_space<vmem_shared>>
      tpu.enqueue_indirect_dma source(%dma_start3A_319 : memref<128x32xf32, #tpu.memory_space<vmem>>) target(%dma_start3A_325 : memref<50176x32xf32, #tpu.memory_space<vmem_shared>>) offsets(%dma_start3A_322 : memref<128xi32, #tpu.memory_space<vmem>>) semaphore(%arg15 : memref<!tpu.dma_semaphore, #tpu.memory_space<semaphore_mem>>) {add = true}
      %dma_wait3A_326 = arith.constant 0 : i32
      %dma_wait3A_327 = arith.constant 0 : i32
      %dma_wait3A_328 = arith.constant 0 : i32
      %dma_wait3A_329 = arith.constant 0 : i32
      %dma_wait3A_330 = tpu.memref_slice %arg12[%dma_wait3A_326, %dma_wait3A_328, %dma_wait3A_329] : memref<7x128x32xf32, #tpu.memory_space<vmem>> -> memref<1x128x32xf32, #tpu.memory_space<vmem>>
      %dma_wait3A_331 = tpu.memref_squeeze %dma_wait3A_330 : memref<1x128x32xf32, #tpu.memory_space<vmem>> -> memref<128x32xf32, #tpu.memory_space<vmem>>
      %dma_wait3A_332 = arith.constant 0 : i32
      %dma_wait3A_333 = tpu.memref_slice %arg11[%dma_wait3A_327, %dma_wait3A_332] : memref<7x128xi32, #tpu.memory_space<vmem>> -> memref<1x128xi32, #tpu.memory_space<vmem>>
      %dma_wait3A_334 = tpu.memref_squeeze %dma_wait3A_333 : memref<1x128xi32, #tpu.memory_space<vmem>> -> memref<128xi32, #tpu.memory_space<vmem>>
      %dma_wait3A_335 = arith.constant 0 : i32
      %dma_wait3A_336 = arith.constant 0 : i32
      %dma_wait3A_337 = tpu.memref_slice %arg13[%dma_wait3A_335, %dma_wait3A_336] : memref<50176x32xf32, #tpu.memory_space<vmem_shared>> -> memref<50176x32xf32, #tpu.memory_space<vmem_shared>>
      tpu.wait_indirect_dma semaphore(%arg15 : memref<!tpu.dma_semaphore, #tpu.memory_space<semaphore_mem>>) src(%dma_wait3A_331 : memref<128x32xf32, #tpu.memory_space<vmem>>) dst(%dma_wait3A_337 : memref<50176x32xf32, #tpu.memory_space<vmem_shared>>)
      %dma_wait3A_338 = arith.constant 1 : i32
      %dma_wait3A_339 = arith.constant 1 : i32
      %dma_wait3A_340 = arith.constant 0 : i32
      %dma_wait3A_341 = arith.constant 0 : i32
      %dma_wait3A_342 = tpu.memref_slice %arg12[%dma_wait3A_338, %dma_wait3A_340, %dma_wait3A_341] : memref<7x128x32xf32, #tpu.memory_space<vmem>> -> memref<1x128x32xf32, #tpu.memory_space<vmem>>
      %dma_wait3A_343 = tpu.memref_squeeze %dma_wait3A_342 : memref<1x128x32xf32, #tpu.memory_space<vmem>> -> memref<128x32xf32, #tpu.memory_space<vmem>>
      %dma_wait3A_344 = arith.constant 0 : i32
      %dma_wait3A_345 = tpu.memref_slice %arg11[%dma_wait3A_339, %dma_wait3A_344] : memref<7x128xi32, #tpu.memory_space<vmem>> -> memref<1x128xi32, #tpu.memory_space<vmem>>
      %dma_wait3A_346 = tpu.memref_squeeze %dma_wait3A_345 : memref<1x128xi32, #tpu.memory_space<vmem>> -> memref<128xi32, #tpu.memory_space<vmem>>
      %dma_wait3A_347 = arith.constant 0 : i32
      %dma_wait3A_348 = arith.constant 0 : i32
      %dma_wait3A_349 = tpu.memref_slice %arg13[%dma_wait3A_347, %dma_wait3A_348] : memref<50176x32xf32, #tpu.memory_space<vmem_shared>> -> memref<50176x32xf32, #tpu.memory_space<vmem_shared>>
      tpu.wait_indirect_dma semaphore(%arg15 : memref<!tpu.dma_semaphore, #tpu.memory_space<semaphore_mem>>) src(%dma_wait3A_343 : memref<128x32xf32, #tpu.memory_space<vmem>>) dst(%dma_wait3A_349 : memref<50176x32xf32, #tpu.memory_space<vmem_shared>>)
      %dma_wait3A_350 = arith.constant 2 : i32
      %dma_wait3A_351 = arith.constant 2 : i32
      %dma_wait3A_352 = arith.constant 0 : i32
      %dma_wait3A_353 = arith.constant 0 : i32
      %dma_wait3A_354 = tpu.memref_slice %arg12[%dma_wait3A_350, %dma_wait3A_352, %dma_wait3A_353] : memref<7x128x32xf32, #tpu.memory_space<vmem>> -> memref<1x128x32xf32, #tpu.memory_space<vmem>>
      %dma_wait3A_355 = tpu.memref_squeeze %dma_wait3A_354 : memref<1x128x32xf32, #tpu.memory_space<vmem>> -> memref<128x32xf32, #tpu.memory_space<vmem>>
      %dma_wait3A_356 = arith.constant 0 : i32
      %dma_wait3A_357 = tpu.memref_slice %arg11[%dma_wait3A_351, %dma_wait3A_356] : memref<7x128xi32, #tpu.memory_space<vmem>> -> memref<1x128xi32, #tpu.memory_space<vmem>>
      %dma_wait3A_358 = tpu.memref_squeeze %dma_wait3A_357 : memref<1x128xi32, #tpu.memory_space<vmem>> -> memref<128xi32, #tpu.memory_space<vmem>>
      %dma_wait3A_359 = arith.constant 0 : i32
      %dma_wait3A_360 = arith.constant 0 : i32
      %dma_wait3A_361 = tpu.memref_slice %arg13[%dma_wait3A_359, %dma_wait3A_360] : memref<50176x32xf32, #tpu.memory_space<vmem_shared>> -> memref<50176x32xf32, #tpu.memory_space<vmem_shared>>
      tpu.wait_indirect_dma semaphore(%arg15 : memref<!tpu.dma_semaphore, #tpu.memory_space<semaphore_mem>>) src(%dma_wait3A_355 : memref<128x32xf32, #tpu.memory_space<vmem>>) dst(%dma_wait3A_361 : memref<50176x32xf32, #tpu.memory_space<vmem_shared>>)
      %dma_wait3A_362 = arith.constant 3 : i32
      %dma_wait3A_363 = arith.constant 3 : i32
      %dma_wait3A_364 = arith.constant 0 : i32
      %dma_wait3A_365 = arith.constant 0 : i32
      %dma_wait3A_366 = tpu.memref_slice %arg12[%dma_wait3A_362, %dma_wait3A_364, %dma_wait3A_365] : memref<7x128x32xf32, #tpu.memory_space<vmem>> -> memref<1x128x32xf32, #tpu.memory_space<vmem>>
      %dma_wait3A_367 = tpu.memref_squeeze %dma_wait3A_366 : memref<1x128x32xf32, #tpu.memory_space<vmem>> -> memref<128x32xf32, #tpu.memory_space<vmem>>
      %dma_wait3A_368 = arith.constant 0 : i32
      %dma_wait3A_369 = tpu.memref_slice %arg11[%dma_wait3A_363, %dma_wait3A_368] : memref<7x128xi32, #tpu.memory_space<vmem>> -> memref<1x128xi32, #tpu.memory_space<vmem>>
      %dma_wait3A_370 = tpu.memref_squeeze %dma_wait3A_369 : memref<1x128xi32, #tpu.memory_space<vmem>> -> memref<128xi32, #tpu.memory_space<vmem>>
      %dma_wait3A_371 = arith.constant 0 : i32
      %dma_wait3A_372 = arith.constant 0 : i32
      %dma_wait3A_373 = tpu.memref_slice %arg13[%dma_wait3A_371, %dma_wait3A_372] : memref<50176x32xf32, #tpu.memory_space<vmem_shared>> -> memref<50176x32xf32, #tpu.memory_space<vmem_shared>>
      tpu.wait_indirect_dma semaphore(%arg15 : memref<!tpu.dma_semaphore, #tpu.memory_space<semaphore_mem>>) src(%dma_wait3A_367 : memref<128x32xf32, #tpu.memory_space<vmem>>) dst(%dma_wait3A_373 : memref<50176x32xf32, #tpu.memory_space<vmem_shared>>)
      %dma_wait3A_374 = arith.constant 4 : i32
      %dma_wait3A_375 = arith.constant 4 : i32
      %dma_wait3A_376 = arith.constant 0 : i32
      %dma_wait3A_377 = arith.constant 0 : i32
      %dma_wait3A_378 = tpu.memref_slice %arg12[%dma_wait3A_374, %dma_wait3A_376, %dma_wait3A_377] : memref<7x128x32xf32, #tpu.memory_space<vmem>> -> memref<1x128x32xf32, #tpu.memory_space<vmem>>
      %dma_wait3A_379 = tpu.memref_squeeze %dma_wait3A_378 : memref<1x128x32xf32, #tpu.memory_space<vmem>> -> memref<128x32xf32, #tpu.memory_space<vmem>>
      %dma_wait3A_380 = arith.constant 0 : i32
      %dma_wait3A_381 = tpu.memref_slice %arg11[%dma_wait3A_375, %dma_wait3A_380] : memref<7x128xi32, #tpu.memory_space<vmem>> -> memref<1x128xi32, #tpu.memory_space<vmem>>
      %dma_wait3A_382 = tpu.memref_squeeze %dma_wait3A_381 : memref<1x128xi32, #tpu.memory_space<vmem>> -> memref<128xi32, #tpu.memory_space<vmem>>
      %dma_wait3A_383 = arith.constant 0 : i32
      %dma_wait3A_384 = arith.constant 0 : i32
      %dma_wait3A_385 = tpu.memref_slice %arg13[%dma_wait3A_383, %dma_wait3A_384] : memref<50176x32xf32, #tpu.memory_space<vmem_shared>> -> memref<50176x32xf32, #tpu.memory_space<vmem_shared>>
      tpu.wait_indirect_dma semaphore(%arg15 : memref<!tpu.dma_semaphore, #tpu.memory_space<semaphore_mem>>) src(%dma_wait3A_379 : memref<128x32xf32, #tpu.memory_space<vmem>>) dst(%dma_wait3A_385 : memref<50176x32xf32, #tpu.memory_space<vmem_shared>>)
      %dma_wait3A_386 = arith.constant 5 : i32
      %dma_wait3A_387 = arith.constant 5 : i32
      %dma_wait3A_388 = arith.constant 0 : i32
      %dma_wait3A_389 = arith.constant 0 : i32
      %dma_wait3A_390 = tpu.memref_slice %arg12[%dma_wait3A_386, %dma_wait3A_388, %dma_wait3A_389] : memref<7x128x32xf32, #tpu.memory_space<vmem>> -> memref<1x128x32xf32, #tpu.memory_space<vmem>>
      %dma_wait3A_391 = tpu.memref_squeeze %dma_wait3A_390 : memref<1x128x32xf32, #tpu.memory_space<vmem>> -> memref<128x32xf32, #tpu.memory_space<vmem>>
      %dma_wait3A_392 = arith.constant 0 : i32
      %dma_wait3A_393 = tpu.memref_slice %arg11[%dma_wait3A_387, %dma_wait3A_392] : memref<7x128xi32, #tpu.memory_space<vmem>> -> memref<1x128xi32, #tpu.memory_space<vmem>>
      %dma_wait3A_394 = tpu.memref_squeeze %dma_wait3A_393 : memref<1x128xi32, #tpu.memory_space<vmem>> -> memref<128xi32, #tpu.memory_space<vmem>>
      %dma_wait3A_395 = arith.constant 0 : i32
      %dma_wait3A_396 = arith.constant 0 : i32
      %dma_wait3A_397 = tpu.memref_slice %arg13[%dma_wait3A_395, %dma_wait3A_396] : memref<50176x32xf32, #tpu.memory_space<vmem_shared>> -> memref<50176x32xf32, #tpu.memory_space<vmem_shared>>
      tpu.wait_indirect_dma semaphore(%arg15 : memref<!tpu.dma_semaphore, #tpu.memory_space<semaphore_mem>>) src(%dma_wait3A_391 : memref<128x32xf32, #tpu.memory_space<vmem>>) dst(%dma_wait3A_397 : memref<50176x32xf32, #tpu.memory_space<vmem_shared>>)
      %dma_wait3A_398 = arith.constant 6 : i32
      %dma_wait3A_399 = arith.constant 6 : i32
      %dma_wait3A_400 = arith.constant 0 : i32
      %dma_wait3A_401 = arith.constant 0 : i32
      %dma_wait3A_402 = tpu.memref_slice %arg12[%dma_wait3A_398, %dma_wait3A_400, %dma_wait3A_401] : memref<7x128x32xf32, #tpu.memory_space<vmem>> -> memref<1x128x32xf32, #tpu.memory_space<vmem>>
      %dma_wait3A_403 = tpu.memref_squeeze %dma_wait3A_402 : memref<1x128x32xf32, #tpu.memory_space<vmem>> -> memref<128x32xf32, #tpu.memory_space<vmem>>
      %dma_wait3A_404 = arith.constant 0 : i32
      %dma_wait3A_405 = tpu.memref_slice %arg11[%dma_wait3A_399, %dma_wait3A_404] : memref<7x128xi32, #tpu.memory_space<vmem>> -> memref<1x128xi32, #tpu.memory_space<vmem>>
      %dma_wait3A_406 = tpu.memref_squeeze %dma_wait3A_405 : memref<1x128xi32, #tpu.memory_space<vmem>> -> memref<128xi32, #tpu.memory_space<vmem>>
      %dma_wait3A_407 = arith.constant 0 : i32
      %dma_wait3A_408 = arith.constant 0 : i32
      %dma_wait3A_409 = tpu.memref_slice %arg13[%dma_wait3A_407, %dma_wait3A_408] : memref<50176x32xf32, #tpu.memory_space<vmem_shared>> -> memref<50176x32xf32, #tpu.memory_space<vmem_shared>>
      tpu.wait_indirect_dma semaphore(%arg15 : memref<!tpu.dma_semaphore, #tpu.memory_space<semaphore_mem>>) src(%dma_wait3A_403 : memref<128x32xf32, #tpu.memory_space<vmem>>) dst(%dma_wait3A_409 : memref<50176x32xf32, #tpu.memory_space<vmem_shared>>)
    }
    %scan3A_7 = arith.constant 56 : i32
    %barrier3A_8 = arith.constant 0 : index
    tpu.barrier barrier_id(%barrier3A_8)
    "tpu.region"() ({
      %run_scoped3A = tpu.sem_alloc : memref<!tpu.dma_semaphore, #tpu.memory_space<semaphore_mem>>
      %dma_start3A = arith.constant 0 : i32
      %dma_start3A_17 = tpu.memref_slice %arg8[%arg0, %mul3A_2, %dma_start3A] : memref<2x50176x32xf32, #tpu.memory_space<hbm>> -> memref<1x3136x32xf32, #tpu.memory_space<hbm>>
      %dma_start3A_18 = tpu.memref_squeeze %dma_start3A_17 : memref<1x3136x32xf32, #tpu.memory_space<hbm>> -> memref<3136x32xf32, #tpu.memory_space<hbm>>
      %dma_start3A_19 = arith.constant 0 : i32
      %dma_start3A_20 = tpu.memref_slice %arg13[%mul3A_2, %dma_start3A_19] : memref<50176x32xf32, #tpu.memory_space<vmem_shared>> -> memref<3136x32xf32, #tpu.memory_space<vmem_shared>>
      tpu.enqueue_dma source(%dma_start3A_20 : memref<3136x32xf32, #tpu.memory_space<vmem_shared>>) target(%dma_start3A_18 : memref<3136x32xf32, #tpu.memory_space<hbm>>) target_semaphore(%run_scoped3A : memref<!tpu.dma_semaphore, #tpu.memory_space<semaphore_mem>>)
      %dma_wait3A = arith.constant 0 : i32
      %dma_wait3A_21 = tpu.memref_slice %arg8[%arg0, %mul3A_2, %dma_wait3A] : memref<2x50176x32xf32, #tpu.memory_space<hbm>> -> memref<1x3136x32xf32, #tpu.memory_space<hbm>>
      %dma_wait3A_22 = tpu.memref_squeeze %dma_wait3A_21 : memref<1x3136x32xf32, #tpu.memory_space<hbm>> -> memref<3136x32xf32, #tpu.memory_space<hbm>>
      %dma_wait3A_23 = arith.constant 0 : i32
      %dma_wait3A_24 = tpu.memref_slice %arg13[%mul3A_2, %dma_wait3A_23] : memref<50176x32xf32, #tpu.memory_space<vmem_shared>> -> memref<3136x32xf32, #tpu.memory_space<vmem_shared>>
      tpu.wait_dma2 semaphore(%run_scoped3A : memref<!tpu.dma_semaphore, #tpu.memory_space<semaphore_mem>>) src(%dma_wait3A_24 : memref<3136x32xf32, #tpu.memory_space<vmem_shared>>) dst(%dma_wait3A_22 : memref<3136x32xf32, #tpu.memory_space<hbm>>)
      tpu.yield
    }) : () -> ()
    "tpu.region"() ({
      %run_scoped3A = tpu.sem_alloc : memref<!tpu.dma_semaphore, #tpu.memory_space<semaphore_mem>>
      %dma_start3A = arith.constant 0 : i32
      %dma_start3A_17 = tpu.memref_slice %arg13[%mul3A_2, %dma_start3A] : memref<50176x32xf32, #tpu.memory_space<vmem_shared>> -> memref<3136x32xf32, #tpu.memory_space<vmem_shared>>
      %dma_start3A_18 = arith.constant 0 : i32
      %dma_start3A_19 = tpu.memref_slice %arg7[%mul3A_2, %dma_start3A_18] : memref<50176x32xf32, #tpu.memory_space<hbm>> -> memref<3136x32xf32, #tpu.memory_space<hbm>>
      tpu.enqueue_dma source(%dma_start3A_19 : memref<3136x32xf32, #tpu.memory_space<hbm>>) target(%dma_start3A_17 : memref<3136x32xf32, #tpu.memory_space<vmem_shared>>) target_semaphore(%run_scoped3A : memref<!tpu.dma_semaphore, #tpu.memory_space<semaphore_mem>>)
      %dma_wait3A = arith.constant 0 : i32
      %dma_wait3A_20 = tpu.memref_slice %arg13[%mul3A_2, %dma_wait3A] : memref<50176x32xf32, #tpu.memory_space<vmem_shared>> -> memref<3136x32xf32, #tpu.memory_space<vmem_shared>>
      %dma_wait3A_21 = arith.constant 0 : i32
      %dma_wait3A_22 = tpu.memref_slice %arg7[%mul3A_2, %dma_wait3A_21] : memref<50176x32xf32, #tpu.memory_space<hbm>> -> memref<3136x32xf32, #tpu.memory_space<hbm>>
      tpu.wait_dma2 semaphore(%run_scoped3A : memref<!tpu.dma_semaphore, #tpu.memory_space<semaphore_mem>>) src(%dma_wait3A_22 : memref<3136x32xf32, #tpu.memory_space<hbm>>) dst(%dma_wait3A_20 : memref<3136x32xf32, #tpu.memory_space<vmem_shared>>)
      tpu.yield
    }) : () -> ()
    %barrier3A_9 = arith.constant 0 : index
    tpu.barrier barrier_id(%barrier3A_9)
    %scan3A_10 = arith.constant 0 : i32
    %scan3A_11 = arith.constant 0 : i32
    %scan3A_12 = arith.constant 56 : i32
    %scan3A_13 = arith.addi %scan3A_11, %scan3A_12 : i32
    %scan3A_14 = arith.constant 1 : i32
    scf.for %scan3A_17 = %scan3A_11 to %scan3A_13 step %scan3A_14  : i32 {
      %mul3A_18 = arith.constant 7 : i32
      %mul3A_19 = arith.muli %scan3A_17, %mul3A_18 : i32
      %add3A = arith.addi %mul3A_0, %mul3A_19 : i32
      "tpu.region"() ({
        %run_scoped3A = tpu.sem_alloc : memref<!tpu.dma_semaphore, #tpu.memory_space<semaphore_mem>>
        %dma_start3A_410 = arith.constant 0 : i32
        %dma_start3A_411 = tpu.memref_slice %arg5[%add3A, %dma_start3A_410] : memref<6280x128xi32, #tpu.memory_space<hbm>> -> memref<7x128xi32, #tpu.memory_space<hbm>>
        %dma_start3A_412 = arith.constant 0 : i32
        %dma_start3A_413 = tpu.memref_slice %arg5[%add3A, %dma_start3A_412] : memref<6280x128xi32, #tpu.memory_space<hbm>> -> memref<7x128xi32, #tpu.memory_space<hbm>>
        tpu.enqueue_dma source(%dma_start3A_413 : memref<7x128xi32, #tpu.memory_space<hbm>>) target(%arg10 : memref<7x128xi32, #tpu.memory_space<vmem>>) target_semaphore(%run_scoped3A : memref<!tpu.dma_semaphore, #tpu.memory_space<semaphore_mem>>)
        %dma_wait3A_414 = arith.constant 0 : i32
        %dma_wait3A_415 = tpu.memref_slice %arg5[%add3A, %dma_wait3A_414] : memref<6280x128xi32, #tpu.memory_space<hbm>> -> memref<7x128xi32, #tpu.memory_space<hbm>>
        %dma_wait3A_416 = arith.constant 0 : i32
        %dma_wait3A_417 = tpu.memref_slice %arg5[%add3A, %dma_wait3A_416] : memref<6280x128xi32, #tpu.memory_space<hbm>> -> memref<7x128xi32, #tpu.memory_space<hbm>>
        tpu.wait_dma2 semaphore(%run_scoped3A : memref<!tpu.dma_semaphore, #tpu.memory_space<semaphore_mem>>) src(%dma_wait3A_417 : memref<7x128xi32, #tpu.memory_space<hbm>>) dst(%arg10 : memref<7x128xi32, #tpu.memory_space<vmem>>)
        tpu.yield
      }) : () -> ()
      "tpu.region"() ({
        %run_scoped3A = tpu.sem_alloc : memref<!tpu.dma_semaphore, #tpu.memory_space<semaphore_mem>>
        %dma_start3A_410 = arith.constant 0 : i32
        %dma_start3A_411 = tpu.memref_slice %arg6[%add3A, %dma_start3A_410] : memref<6280x128xi32, #tpu.memory_space<hbm>> -> memref<7x128xi32, #tpu.memory_space<hbm>>
        %dma_start3A_412 = arith.constant 0 : i32
        %dma_start3A_413 = tpu.memref_slice %arg6[%add3A, %dma_start3A_412] : memref<6280x128xi32, #tpu.memory_space<hbm>> -> memref<7x128xi32, #tpu.memory_space<hbm>>
        tpu.enqueue_dma source(%dma_start3A_413 : memref<7x128xi32, #tpu.memory_space<hbm>>) target(%arg11 : memref<7x128xi32, #tpu.memory_space<vmem>>) target_semaphore(%run_scoped3A : memref<!tpu.dma_semaphore, #tpu.memory_space<semaphore_mem>>)
        %dma_wait3A_414 = arith.constant 0 : i32
        %dma_wait3A_415 = tpu.memref_slice %arg6[%add3A, %dma_wait3A_414] : memref<6280x128xi32, #tpu.memory_space<hbm>> -> memref<7x128xi32, #tpu.memory_space<hbm>>
        %dma_wait3A_416 = arith.constant 0 : i32
        %dma_wait3A_417 = tpu.memref_slice %arg6[%add3A, %dma_wait3A_416] : memref<6280x128xi32, #tpu.memory_space<hbm>> -> memref<7x128xi32, #tpu.memory_space<hbm>>
        tpu.wait_dma2 semaphore(%run_scoped3A : memref<!tpu.dma_semaphore, #tpu.memory_space<semaphore_mem>>) src(%dma_wait3A_417 : memref<7x128xi32, #tpu.memory_space<hbm>>) dst(%arg11 : memref<7x128xi32, #tpu.memory_space<vmem>>)
        tpu.yield
      }) : () -> ()
      %dma_start3A = arith.constant 0 : i32
      %dma_start3A_20 = arith.constant 0 : i32
      %dma_start3A_21 = arith.constant 0 : i32
      %dma_start3A_22 = arith.constant 0 : i32
      %dma_start3A_23 = tpu.memref_slice %arg12[%dma_start3A_20, %dma_start3A_21, %dma_start3A_22] : memref<7x128x32xf32, #tpu.memory_space<vmem>> -> memref<1x128x32xf32, #tpu.memory_space<vmem>>
      %dma_start3A_24 = tpu.memref_squeeze %dma_start3A_23 : memref<1x128x32xf32, #tpu.memory_space<vmem>> -> memref<128x32xf32, #tpu.memory_space<vmem>>
      %dma_start3A_25 = arith.constant 0 : i32
      %dma_start3A_26 = tpu.memref_slice %arg10[%dma_start3A, %dma_start3A_25] : memref<7x128xi32, #tpu.memory_space<vmem>> -> memref<1x128xi32, #tpu.memory_space<vmem>>
      %dma_start3A_27 = tpu.memref_squeeze %dma_start3A_26 : memref<1x128xi32, #tpu.memory_space<vmem>> -> memref<128xi32, #tpu.memory_space<vmem>>
      %dma_start3A_28 = arith.constant 0 : i32
      %dma_start3A_29 = arith.constant 0 : i32
      %dma_start3A_30 = tpu.memref_slice %arg2[%arg0, %dma_start3A_28, %dma_start3A_29] : memref<2x50176x32xf32, #tpu.memory_space<hbm>> -> memref<1x50176x32xf32, #tpu.memory_space<hbm>>
      %dma_start3A_31 = tpu.memref_squeeze %dma_start3A_30 : memref<1x50176x32xf32, #tpu.memory_space<hbm>> -> memref<50176x32xf32, #tpu.memory_space<hbm>>
      %dma_start3A_32 = arith.constant 0 : i32
      %dma_start3A_33 = arith.constant 0 : i32
      %dma_start3A_34 = tpu.memref_slice %dma_start3A_31[%dma_start3A_32, %dma_start3A_33] : memref<50176x32xf32, #tpu.memory_space<hbm>> -> memref<50176x32xf32, #tpu.memory_space<hbm>>
      tpu.enqueue_indirect_dma source(%dma_start3A_34 : memref<50176x32xf32, #tpu.memory_space<hbm>>) target(%dma_start3A_24 : memref<128x32xf32, #tpu.memory_space<vmem>>) offsets(%dma_start3A_27 : memref<128xi32, #tpu.memory_space<vmem>>) semaphore(%arg14 : memref<!tpu.dma_semaphore, #tpu.memory_space<semaphore_mem>>)
      %dma_start3A_35 = arith.constant 1 : i32
      %dma_start3A_36 = arith.constant 1 : i32
      %dma_start3A_37 = arith.constant 0 : i32
      %dma_start3A_38 = arith.constant 0 : i32
      %dma_start3A_39 = tpu.memref_slice %arg12[%dma_start3A_36, %dma_start3A_37, %dma_start3A_38] : memref<7x128x32xf32, #tpu.memory_space<vmem>> -> memref<1x128x32xf32, #tpu.memory_space<vmem>>
      %dma_start3A_40 = tpu.memref_squeeze %dma_start3A_39 : memref<1x128x32xf32, #tpu.memory_space<vmem>> -> memref<128x32xf32, #tpu.memory_space<vmem>>
      %dma_start3A_41 = arith.constant 0 : i32
      %dma_start3A_42 = tpu.memref_slice %arg10[%dma_start3A_35, %dma_start3A_41] : memref<7x128xi32, #tpu.memory_space<vmem>> -> memref<1x128xi32, #tpu.memory_space<vmem>>
      %dma_start3A_43 = tpu.memref_squeeze %dma_start3A_42 : memref<1x128xi32, #tpu.memory_space<vmem>> -> memref<128xi32, #tpu.memory_space<vmem>>
      %dma_start3A_44 = arith.constant 0 : i32
      %dma_start3A_45 = arith.constant 0 : i32
      %dma_start3A_46 = tpu.memref_slice %arg2[%arg0, %dma_start3A_44, %dma_start3A_45] : memref<2x50176x32xf32, #tpu.memory_space<hbm>> -> memref<1x50176x32xf32, #tpu.memory_space<hbm>>
      %dma_start3A_47 = tpu.memref_squeeze %dma_start3A_46 : memref<1x50176x32xf32, #tpu.memory_space<hbm>> -> memref<50176x32xf32, #tpu.memory_space<hbm>>
      %dma_start3A_48 = arith.constant 0 : i32
      %dma_start3A_49 = arith.constant 0 : i32
      %dma_start3A_50 = tpu.memref_slice %dma_start3A_47[%dma_start3A_48, %dma_start3A_49] : memref<50176x32xf32, #tpu.memory_space<hbm>> -> memref<50176x32xf32, #tpu.memory_space<hbm>>
      tpu.enqueue_indirect_dma source(%dma_start3A_50 : memref<50176x32xf32, #tpu.memory_space<hbm>>) target(%dma_start3A_40 : memref<128x32xf32, #tpu.memory_space<vmem>>) offsets(%dma_start3A_43 : memref<128xi32, #tpu.memory_space<vmem>>) semaphore(%arg14 : memref<!tpu.dma_semaphore, #tpu.memory_space<semaphore_mem>>)
      %dma_start3A_51 = arith.constant 2 : i32
      %dma_start3A_52 = arith.constant 2 : i32
      %dma_start3A_53 = arith.constant 0 : i32
      %dma_start3A_54 = arith.constant 0 : i32
      %dma_start3A_55 = tpu.memref_slice %arg12[%dma_start3A_52, %dma_start3A_53, %dma_start3A_54] : memref<7x128x32xf32, #tpu.memory_space<vmem>> -> memref<1x128x32xf32, #tpu.memory_space<vmem>>
      %dma_start3A_56 = tpu.memref_squeeze %dma_start3A_55 : memref<1x128x32xf32, #tpu.memory_space<vmem>> -> memref<128x32xf32, #tpu.memory_space<vmem>>
      %dma_start3A_57 = arith.constant 0 : i32
      %dma_start3A_58 = tpu.memref_slice %arg10[%dma_start3A_51, %dma_start3A_57] : memref<7x128xi32, #tpu.memory_space<vmem>> -> memref<1x128xi32, #tpu.memory_space<vmem>>
      %dma_start3A_59 = tpu.memref_squeeze %dma_start3A_58 : memref<1x128xi32, #tpu.memory_space<vmem>> -> memref<128xi32, #tpu.memory_space<vmem>>
      %dma_start3A_60 = arith.constant 0 : i32
      %dma_start3A_61 = arith.constant 0 : i32
      %dma_start3A_62 = tpu.memref_slice %arg2[%arg0, %dma_start3A_60, %dma_start3A_61] : memref<2x50176x32xf32, #tpu.memory_space<hbm>> -> memref<1x50176x32xf32, #tpu.memory_space<hbm>>
      %dma_start3A_63 = tpu.memref_squeeze %dma_start3A_62 : memref<1x50176x32xf32, #tpu.memory_space<hbm>> -> memref<50176x32xf32, #tpu.memory_space<hbm>>
      %dma_start3A_64 = arith.constant 0 : i32
      %dma_start3A_65 = arith.constant 0 : i32
      %dma_start3A_66 = tpu.memref_slice %dma_start3A_63[%dma_start3A_64, %dma_start3A_65] : memref<50176x32xf32, #tpu.memory_space<hbm>> -> memref<50176x32xf32, #tpu.memory_space<hbm>>
      tpu.enqueue_indirect_dma source(%dma_start3A_66 : memref<50176x32xf32, #tpu.memory_space<hbm>>) target(%dma_start3A_56 : memref<128x32xf32, #tpu.memory_space<vmem>>) offsets(%dma_start3A_59 : memref<128xi32, #tpu.memory_space<vmem>>) semaphore(%arg14 : memref<!tpu.dma_semaphore, #tpu.memory_space<semaphore_mem>>)
      %dma_start3A_67 = arith.constant 3 : i32
      %dma_start3A_68 = arith.constant 3 : i32
      %dma_start3A_69 = arith.constant 0 : i32
      %dma_start3A_70 = arith.constant 0 : i32
      %dma_start3A_71 = tpu.memref_slice %arg12[%dma_start3A_68, %dma_start3A_69, %dma_start3A_70] : memref<7x128x32xf32, #tpu.memory_space<vmem>> -> memref<1x128x32xf32, #tpu.memory_space<vmem>>
      %dma_start3A_72 = tpu.memref_squeeze %dma_start3A_71 : memref<1x128x32xf32, #tpu.memory_space<vmem>> -> memref<128x32xf32, #tpu.memory_space<vmem>>
      %dma_start3A_73 = arith.constant 0 : i32
      %dma_start3A_74 = tpu.memref_slice %arg10[%dma_start3A_67, %dma_start3A_73] : memref<7x128xi32, #tpu.memory_space<vmem>> -> memref<1x128xi32, #tpu.memory_space<vmem>>
      %dma_start3A_75 = tpu.memref_squeeze %dma_start3A_74 : memref<1x128xi32, #tpu.memory_space<vmem>> -> memref<128xi32, #tpu.memory_space<vmem>>
      %dma_start3A_76 = arith.constant 0 : i32
      %dma_start3A_77 = arith.constant 0 : i32
      %dma_start3A_78 = tpu.memref_slice %arg2[%arg0, %dma_start3A_76, %dma_start3A_77] : memref<2x50176x32xf32, #tpu.memory_space<hbm>> -> memref<1x50176x32xf32, #tpu.memory_space<hbm>>
      %dma_start3A_79 = tpu.memref_squeeze %dma_start3A_78 : memref<1x50176x32xf32, #tpu.memory_space<hbm>> -> memref<50176x32xf32, #tpu.memory_space<hbm>>
      %dma_start3A_80 = arith.constant 0 : i32
      %dma_start3A_81 = arith.constant 0 : i32
      %dma_start3A_82 = tpu.memref_slice %dma_start3A_79[%dma_start3A_80, %dma_start3A_81] : memref<50176x32xf32, #tpu.memory_space<hbm>> -> memref<50176x32xf32, #tpu.memory_space<hbm>>
      tpu.enqueue_indirect_dma source(%dma_start3A_82 : memref<50176x32xf32, #tpu.memory_space<hbm>>) target(%dma_start3A_72 : memref<128x32xf32, #tpu.memory_space<vmem>>) offsets(%dma_start3A_75 : memref<128xi32, #tpu.memory_space<vmem>>) semaphore(%arg14 : memref<!tpu.dma_semaphore, #tpu.memory_space<semaphore_mem>>)
      %dma_start3A_83 = arith.constant 4 : i32
      %dma_start3A_84 = arith.constant 4 : i32
      %dma_start3A_85 = arith.constant 0 : i32
      %dma_start3A_86 = arith.constant 0 : i32
      %dma_start3A_87 = tpu.memref_slice %arg12[%dma_start3A_84, %dma_start3A_85, %dma_start3A_86] : memref<7x128x32xf32, #tpu.memory_space<vmem>> -> memref<1x128x32xf32, #tpu.memory_space<vmem>>
      %dma_start3A_88 = tpu.memref_squeeze %dma_start3A_87 : memref<1x128x32xf32, #tpu.memory_space<vmem>> -> memref<128x32xf32, #tpu.memory_space<vmem>>
      %dma_start3A_89 = arith.constant 0 : i32
      %dma_start3A_90 = tpu.memref_slice %arg10[%dma_start3A_83, %dma_start3A_89] : memref<7x128xi32, #tpu.memory_space<vmem>> -> memref<1x128xi32, #tpu.memory_space<vmem>>
      %dma_start3A_91 = tpu.memref_squeeze %dma_start3A_90 : memref<1x128xi32, #tpu.memory_space<vmem>> -> memref<128xi32, #tpu.memory_space<vmem>>
      %dma_start3A_92 = arith.constant 0 : i32
      %dma_start3A_93 = arith.constant 0 : i32
      %dma_start3A_94 = tpu.memref_slice %arg2[%arg0, %dma_start3A_92, %dma_start3A_93] : memref<2x50176x32xf32, #tpu.memory_space<hbm>> -> memref<1x50176x32xf32, #tpu.memory_space<hbm>>
      %dma_start3A_95 = tpu.memref_squeeze %dma_start3A_94 : memref<1x50176x32xf32, #tpu.memory_space<hbm>> -> memref<50176x32xf32, #tpu.memory_space<hbm>>
      %dma_start3A_96 = arith.constant 0 : i32
      %dma_start3A_97 = arith.constant 0 : i32
      %dma_start3A_98 = tpu.memref_slice %dma_start3A_95[%dma_start3A_96, %dma_start3A_97] : memref<50176x32xf32, #tpu.memory_space<hbm>> -> memref<50176x32xf32, #tpu.memory_space<hbm>>
      tpu.enqueue_indirect_dma source(%dma_start3A_98 : memref<50176x32xf32, #tpu.memory_space<hbm>>) target(%dma_start3A_88 : memref<128x32xf32, #tpu.memory_space<vmem>>) offsets(%dma_start3A_91 : memref<128xi32, #tpu.memory_space<vmem>>) semaphore(%arg14 : memref<!tpu.dma_semaphore, #tpu.memory_space<semaphore_mem>>)
      %dma_start3A_99 = arith.constant 5 : i32
      %dma_start3A_100 = arith.constant 5 : i32
      %dma_start3A_101 = arith.constant 0 : i32
      %dma_start3A_102 = arith.constant 0 : i32
      %dma_start3A_103 = tpu.memref_slice %arg12[%dma_start3A_100, %dma_start3A_101, %dma_start3A_102] : memref<7x128x32xf32, #tpu.memory_space<vmem>> -> memref<1x128x32xf32, #tpu.memory_space<vmem>>
      %dma_start3A_104 = tpu.memref_squeeze %dma_start3A_103 : memref<1x128x32xf32, #tpu.memory_space<vmem>> -> memref<128x32xf32, #tpu.memory_space<vmem>>
      %dma_start3A_105 = arith.constant 0 : i32
      %dma_start3A_106 = tpu.memref_slice %arg10[%dma_start3A_99, %dma_start3A_105] : memref<7x128xi32, #tpu.memory_space<vmem>> -> memref<1x128xi32, #tpu.memory_space<vmem>>
      %dma_start3A_107 = tpu.memref_squeeze %dma_start3A_106 : memref<1x128xi32, #tpu.memory_space<vmem>> -> memref<128xi32, #tpu.memory_space<vmem>>
      %dma_start3A_108 = arith.constant 0 : i32
      %dma_start3A_109 = arith.constant 0 : i32
      %dma_start3A_110 = tpu.memref_slice %arg2[%arg0, %dma_start3A_108, %dma_start3A_109] : memref<2x50176x32xf32, #tpu.memory_space<hbm>> -> memref<1x50176x32xf32, #tpu.memory_space<hbm>>
      %dma_start3A_111 = tpu.memref_squeeze %dma_start3A_110 : memref<1x50176x32xf32, #tpu.memory_space<hbm>> -> memref<50176x32xf32, #tpu.memory_space<hbm>>
      %dma_start3A_112 = arith.constant 0 : i32
      %dma_start3A_113 = arith.constant 0 : i32
      %dma_start3A_114 = tpu.memref_slice %dma_start3A_111[%dma_start3A_112, %dma_start3A_113] : memref<50176x32xf32, #tpu.memory_space<hbm>> -> memref<50176x32xf32, #tpu.memory_space<hbm>>
      tpu.enqueue_indirect_dma source(%dma_start3A_114 : memref<50176x32xf32, #tpu.memory_space<hbm>>) target(%dma_start3A_104 : memref<128x32xf32, #tpu.memory_space<vmem>>) offsets(%dma_start3A_107 : memref<128xi32, #tpu.memory_space<vmem>>) semaphore(%arg14 : memref<!tpu.dma_semaphore, #tpu.memory_space<semaphore_mem>>)
      %dma_start3A_115 = arith.constant 6 : i32
      %dma_start3A_116 = arith.constant 6 : i32
      %dma_start3A_117 = arith.constant 0 : i32
      %dma_start3A_118 = arith.constant 0 : i32
      %dma_start3A_119 = tpu.memref_slice %arg12[%dma_start3A_116, %dma_start3A_117, %dma_start3A_118] : memref<7x128x32xf32, #tpu.memory_space<vmem>> -> memref<1x128x32xf32, #tpu.memory_space<vmem>>
      %dma_start3A_120 = tpu.memref_squeeze %dma_start3A_119 : memref<1x128x32xf32, #tpu.memory_space<vmem>> -> memref<128x32xf32, #tpu.memory_space<vmem>>
      %dma_start3A_121 = arith.constant 0 : i32
      %dma_start3A_122 = tpu.memref_slice %arg10[%dma_start3A_115, %dma_start3A_121] : memref<7x128xi32, #tpu.memory_space<vmem>> -> memref<1x128xi32, #tpu.memory_space<vmem>>
      %dma_start3A_123 = tpu.memref_squeeze %dma_start3A_122 : memref<1x128xi32, #tpu.memory_space<vmem>> -> memref<128xi32, #tpu.memory_space<vmem>>
      %dma_start3A_124 = arith.constant 0 : i32
      %dma_start3A_125 = arith.constant 0 : i32
      %dma_start3A_126 = tpu.memref_slice %arg2[%arg0, %dma_start3A_124, %dma_start3A_125] : memref<2x50176x32xf32, #tpu.memory_space<hbm>> -> memref<1x50176x32xf32, #tpu.memory_space<hbm>>
      %dma_start3A_127 = tpu.memref_squeeze %dma_start3A_126 : memref<1x50176x32xf32, #tpu.memory_space<hbm>> -> memref<50176x32xf32, #tpu.memory_space<hbm>>
      %dma_start3A_128 = arith.constant 0 : i32
      %dma_start3A_129 = arith.constant 0 : i32
      %dma_start3A_130 = tpu.memref_slice %dma_start3A_127[%dma_start3A_128, %dma_start3A_129] : memref<50176x32xf32, #tpu.memory_space<hbm>> -> memref<50176x32xf32, #tpu.memory_space<hbm>>
      tpu.enqueue_indirect_dma source(%dma_start3A_130 : memref<50176x32xf32, #tpu.memory_space<hbm>>) target(%dma_start3A_120 : memref<128x32xf32, #tpu.memory_space<vmem>>) offsets(%dma_start3A_123 : memref<128xi32, #tpu.memory_space<vmem>>) semaphore(%arg14 : memref<!tpu.dma_semaphore, #tpu.memory_space<semaphore_mem>>)
      %dma_wait3A = arith.constant 0 : i32
      %dma_wait3A_131 = arith.constant 0 : i32
      %dma_wait3A_132 = arith.constant 0 : i32
      %dma_wait3A_133 = arith.constant 0 : i32
      %dma_wait3A_134 = tpu.memref_slice %arg12[%dma_wait3A_131, %dma_wait3A_132, %dma_wait3A_133] : memref<7x128x32xf32, #tpu.memory_space<vmem>> -> memref<1x128x32xf32, #tpu.memory_space<vmem>>
      %dma_wait3A_135 = tpu.memref_squeeze %dma_wait3A_134 : memref<1x128x32xf32, #tpu.memory_space<vmem>> -> memref<128x32xf32, #tpu.memory_space<vmem>>
      %dma_wait3A_136 = arith.constant 0 : i32
      %dma_wait3A_137 = tpu.memref_slice %arg10[%dma_wait3A, %dma_wait3A_136] : memref<7x128xi32, #tpu.memory_space<vmem>> -> memref<1x128xi32, #tpu.memory_space<vmem>>
      %dma_wait3A_138 = tpu.memref_squeeze %dma_wait3A_137 : memref<1x128xi32, #tpu.memory_space<vmem>> -> memref<128xi32, #tpu.memory_space<vmem>>
      %dma_wait3A_139 = arith.constant 0 : i32
      %dma_wait3A_140 = arith.constant 0 : i32
      %dma_wait3A_141 = tpu.memref_slice %arg2[%arg0, %dma_wait3A_139, %dma_wait3A_140] : memref<2x50176x32xf32, #tpu.memory_space<hbm>> -> memref<1x50176x32xf32, #tpu.memory_space<hbm>>
      %dma_wait3A_142 = tpu.memref_squeeze %dma_wait3A_141 : memref<1x50176x32xf32, #tpu.memory_space<hbm>> -> memref<50176x32xf32, #tpu.memory_space<hbm>>
      %dma_wait3A_143 = arith.constant 0 : i32
      %dma_wait3A_144 = arith.constant 0 : i32
      %dma_wait3A_145 = tpu.memref_slice %dma_wait3A_142[%dma_wait3A_143, %dma_wait3A_144] : memref<50176x32xf32, #tpu.memory_space<hbm>> -> memref<50176x32xf32, #tpu.memory_space<hbm>>
      tpu.wait_indirect_dma semaphore(%arg14 : memref<!tpu.dma_semaphore, #tpu.memory_space<semaphore_mem>>) src(%dma_wait3A_145 : memref<50176x32xf32, #tpu.memory_space<hbm>>) dst(%dma_wait3A_135 : memref<128x32xf32, #tpu.memory_space<vmem>>)
      %dma_start3A_146 = arith.constant 0 : i32
      %dma_start3A_147 = arith.constant 0 : i32
      %dma_start3A_148 = arith.constant 0 : i32
      %dma_start3A_149 = arith.constant 0 : i32
      %dma_start3A_150 = tpu.memref_slice %arg12[%dma_start3A_146, %dma_start3A_148, %dma_start3A_149] : memref<7x128x32xf32, #tpu.memory_space<vmem>> -> memref<1x128x32xf32, #tpu.memory_space<vmem>>
      %dma_start3A_151 = tpu.memref_squeeze %dma_start3A_150 : memref<1x128x32xf32, #tpu.memory_space<vmem>> -> memref<128x32xf32, #tpu.memory_space<vmem>>
      %dma_start3A_152 = arith.constant 0 : i32
      %dma_start3A_153 = tpu.memref_slice %arg11[%dma_start3A_147, %dma_start3A_152] : memref<7x128xi32, #tpu.memory_space<vmem>> -> memref<1x128xi32, #tpu.memory_space<vmem>>
      %dma_start3A_154 = tpu.memref_squeeze %dma_start3A_153 : memref<1x128xi32, #tpu.memory_space<vmem>> -> memref<128xi32, #tpu.memory_space<vmem>>
      %dma_start3A_155 = arith.constant 0 : i32
      %dma_start3A_156 = arith.constant 0 : i32
      %dma_start3A_157 = tpu.memref_slice %arg13[%dma_start3A_155, %dma_start3A_156] : memref<50176x32xf32, #tpu.memory_space<vmem_shared>> -> memref<50176x32xf32, #tpu.memory_space<vmem_shared>>
      tpu.enqueue_indirect_dma source(%dma_start3A_151 : memref<128x32xf32, #tpu.memory_space<vmem>>) target(%dma_start3A_157 : memref<50176x32xf32, #tpu.memory_space<vmem_shared>>) offsets(%dma_start3A_154 : memref<128xi32, #tpu.memory_space<vmem>>) semaphore(%arg15 : memref<!tpu.dma_semaphore, #tpu.memory_space<semaphore_mem>>) {add = true}
      %dma_wait3A_158 = arith.constant 1 : i32
      %dma_wait3A_159 = arith.constant 1 : i32
      %dma_wait3A_160 = arith.constant 0 : i32
      %dma_wait3A_161 = arith.constant 0 : i32
      %dma_wait3A_162 = tpu.memref_slice %arg12[%dma_wait3A_159, %dma_wait3A_160, %dma_wait3A_161] : memref<7x128x32xf32, #tpu.memory_space<vmem>> -> memref<1x128x32xf32, #tpu.memory_space<vmem>>
      %dma_wait3A_163 = tpu.memref_squeeze %dma_wait3A_162 : memref<1x128x32xf32, #tpu.memory_space<vmem>> -> memref<128x32xf32, #tpu.memory_space<vmem>>
      %dma_wait3A_164 = arith.constant 0 : i32
      %dma_wait3A_165 = tpu.memref_slice %arg10[%dma_wait3A_158, %dma_wait3A_164] : memref<7x128xi32, #tpu.memory_space<vmem>> -> memref<1x128xi32, #tpu.memory_space<vmem>>
      %dma_wait3A_166 = tpu.memref_squeeze %dma_wait3A_165 : memref<1x128xi32, #tpu.memory_space<vmem>> -> memref<128xi32, #tpu.memory_space<vmem>>
      %dma_wait3A_167 = arith.constant 0 : i32
      %dma_wait3A_168 = arith.constant 0 : i32
      %dma_wait3A_169 = tpu.memref_slice %arg2[%arg0, %dma_wait3A_167, %dma_wait3A_168] : memref<2x50176x32xf32, #tpu.memory_space<hbm>> -> memref<1x50176x32xf32, #tpu.memory_space<hbm>>
      %dma_wait3A_170 = tpu.memref_squeeze %dma_wait3A_169 : memref<1x50176x32xf32, #tpu.memory_space<hbm>> -> memref<50176x32xf32, #tpu.memory_space<hbm>>
      %dma_wait3A_171 = arith.constant 0 : i32
      %dma_wait3A_172 = arith.constant 0 : i32
      %dma_wait3A_173 = tpu.memref_slice %dma_wait3A_170[%dma_wait3A_171, %dma_wait3A_172] : memref<50176x32xf32, #tpu.memory_space<hbm>> -> memref<50176x32xf32, #tpu.memory_space<hbm>>
      tpu.wait_indirect_dma semaphore(%arg14 : memref<!tpu.dma_semaphore, #tpu.memory_space<semaphore_mem>>) src(%dma_wait3A_173 : memref<50176x32xf32, #tpu.memory_space<hbm>>) dst(%dma_wait3A_163 : memref<128x32xf32, #tpu.memory_space<vmem>>)
      %dma_start3A_174 = arith.constant 1 : i32
      %dma_start3A_175 = arith.constant 1 : i32
      %dma_start3A_176 = arith.constant 0 : i32
      %dma_start3A_177 = arith.constant 0 : i32
      %dma_start3A_178 = tpu.memref_slice %arg12[%dma_start3A_174, %dma_start3A_176, %dma_start3A_177] : memref<7x128x32xf32, #tpu.memory_space<vmem>> -> memref<1x128x32xf32, #tpu.memory_space<vmem>>
      %dma_start3A_179 = tpu.memref_squeeze %dma_start3A_178 : memref<1x128x32xf32, #tpu.memory_space<vmem>> -> memref<128x32xf32, #tpu.memory_space<vmem>>
      %dma_start3A_180 = arith.constant 0 : i32
      %dma_start3A_181 = tpu.memref_slice %arg11[%dma_start3A_175, %dma_start3A_180] : memref<7x128xi32, #tpu.memory_space<vmem>> -> memref<1x128xi32, #tpu.memory_space<vmem>>
      %dma_start3A_182 = tpu.memref_squeeze %dma_start3A_181 : memref<1x128xi32, #tpu.memory_space<vmem>> -> memref<128xi32, #tpu.memory_space<vmem>>
      %dma_start3A_183 = arith.constant 0 : i32
      %dma_start3A_184 = arith.constant 0 : i32
      %dma_start3A_185 = tpu.memref_slice %arg13[%dma_start3A_183, %dma_start3A_184] : memref<50176x32xf32, #tpu.memory_space<vmem_shared>> -> memref<50176x32xf32, #tpu.memory_space<vmem_shared>>
      tpu.enqueue_indirect_dma source(%dma_start3A_179 : memref<128x32xf32, #tpu.memory_space<vmem>>) target(%dma_start3A_185 : memref<50176x32xf32, #tpu.memory_space<vmem_shared>>) offsets(%dma_start3A_182 : memref<128xi32, #tpu.memory_space<vmem>>) semaphore(%arg15 : memref<!tpu.dma_semaphore, #tpu.memory_space<semaphore_mem>>) {add = true}
      %dma_wait3A_186 = arith.constant 2 : i32
      %dma_wait3A_187 = arith.constant 2 : i32
      %dma_wait3A_188 = arith.constant 0 : i32
      %dma_wait3A_189 = arith.constant 0 : i32
      %dma_wait3A_190 = tpu.memref_slice %arg12[%dma_wait3A_187, %dma_wait3A_188, %dma_wait3A_189] : memref<7x128x32xf32, #tpu.memory_space<vmem>> -> memref<1x128x32xf32, #tpu.memory_space<vmem>>
      %dma_wait3A_191 = tpu.memref_squeeze %dma_wait3A_190 : memref<1x128x32xf32, #tpu.memory_space<vmem>> -> memref<128x32xf32, #tpu.memory_space<vmem>>
      %dma_wait3A_192 = arith.constant 0 : i32
      %dma_wait3A_193 = tpu.memref_slice %arg10[%dma_wait3A_186, %dma_wait3A_192] : memref<7x128xi32, #tpu.memory_space<vmem>> -> memref<1x128xi32, #tpu.memory_space<vmem>>
      %dma_wait3A_194 = tpu.memref_squeeze %dma_wait3A_193 : memref<1x128xi32, #tpu.memory_space<vmem>> -> memref<128xi32, #tpu.memory_space<vmem>>
      %dma_wait3A_195 = arith.constant 0 : i32
      %dma_wait3A_196 = arith.constant 0 : i32
      %dma_wait3A_197 = tpu.memref_slice %arg2[%arg0, %dma_wait3A_195, %dma_wait3A_196] : memref<2x50176x32xf32, #tpu.memory_space<hbm>> -> memref<1x50176x32xf32, #tpu.memory_space<hbm>>
      %dma_wait3A_198 = tpu.memref_squeeze %dma_wait3A_197 : memref<1x50176x32xf32, #tpu.memory_space<hbm>> -> memref<50176x32xf32, #tpu.memory_space<hbm>>
      %dma_wait3A_199 = arith.constant 0 : i32
      %dma_wait3A_200 = arith.constant 0 : i32
      %dma_wait3A_201 = tpu.memref_slice %dma_wait3A_198[%dma_wait3A_199, %dma_wait3A_200] : memref<50176x32xf32, #tpu.memory_space<hbm>> -> memref<50176x32xf32, #tpu.memory_space<hbm>>
      tpu.wait_indirect_dma semaphore(%arg14 : memref<!tpu.dma_semaphore, #tpu.memory_space<semaphore_mem>>) src(%dma_wait3A_201 : memref<50176x32xf32, #tpu.memory_space<hbm>>) dst(%dma_wait3A_191 : memref<128x32xf32, #tpu.memory_space<vmem>>)
      %dma_start3A_202 = arith.constant 2 : i32
      %dma_start3A_203 = arith.constant 2 : i32
      %dma_start3A_204 = arith.constant 0 : i32
      %dma_start3A_205 = arith.constant 0 : i32
      %dma_start3A_206 = tpu.memref_slice %arg12[%dma_start3A_202, %dma_start3A_204, %dma_start3A_205] : memref<7x128x32xf32, #tpu.memory_space<vmem>> -> memref<1x128x32xf32, #tpu.memory_space<vmem>>
      %dma_start3A_207 = tpu.memref_squeeze %dma_start3A_206 : memref<1x128x32xf32, #tpu.memory_space<vmem>> -> memref<128x32xf32, #tpu.memory_space<vmem>>
      %dma_start3A_208 = arith.constant 0 : i32
      %dma_start3A_209 = tpu.memref_slice %arg11[%dma_start3A_203, %dma_start3A_208] : memref<7x128xi32, #tpu.memory_space<vmem>> -> memref<1x128xi32, #tpu.memory_space<vmem>>
      %dma_start3A_210 = tpu.memref_squeeze %dma_start3A_209 : memref<1x128xi32, #tpu.memory_space<vmem>> -> memref<128xi32, #tpu.memory_space<vmem>>
      %dma_start3A_211 = arith.constant 0 : i32
      %dma_start3A_212 = arith.constant 0 : i32
      %dma_start3A_213 = tpu.memref_slice %arg13[%dma_start3A_211, %dma_start3A_212] : memref<50176x32xf32, #tpu.memory_space<vmem_shared>> -> memref<50176x32xf32, #tpu.memory_space<vmem_shared>>
      tpu.enqueue_indirect_dma source(%dma_start3A_207 : memref<128x32xf32, #tpu.memory_space<vmem>>) target(%dma_start3A_213 : memref<50176x32xf32, #tpu.memory_space<vmem_shared>>) offsets(%dma_start3A_210 : memref<128xi32, #tpu.memory_space<vmem>>) semaphore(%arg15 : memref<!tpu.dma_semaphore, #tpu.memory_space<semaphore_mem>>) {add = true}
      %dma_wait3A_214 = arith.constant 3 : i32
      %dma_wait3A_215 = arith.constant 3 : i32
      %dma_wait3A_216 = arith.constant 0 : i32
      %dma_wait3A_217 = arith.constant 0 : i32
      %dma_wait3A_218 = tpu.memref_slice %arg12[%dma_wait3A_215, %dma_wait3A_216, %dma_wait3A_217] : memref<7x128x32xf32, #tpu.memory_space<vmem>> -> memref<1x128x32xf32, #tpu.memory_space<vmem>>
      %dma_wait3A_219 = tpu.memref_squeeze %dma_wait3A_218 : memref<1x128x32xf32, #tpu.memory_space<vmem>> -> memref<128x32xf32, #tpu.memory_space<vmem>>
      %dma_wait3A_220 = arith.constant 0 : i32
      %dma_wait3A_221 = tpu.memref_slice %arg10[%dma_wait3A_214, %dma_wait3A_220] : memref<7x128xi32, #tpu.memory_space<vmem>> -> memref<1x128xi32, #tpu.memory_space<vmem>>
      %dma_wait3A_222 = tpu.memref_squeeze %dma_wait3A_221 : memref<1x128xi32, #tpu.memory_space<vmem>> -> memref<128xi32, #tpu.memory_space<vmem>>
      %dma_wait3A_223 = arith.constant 0 : i32
      %dma_wait3A_224 = arith.constant 0 : i32
      %dma_wait3A_225 = tpu.memref_slice %arg2[%arg0, %dma_wait3A_223, %dma_wait3A_224] : memref<2x50176x32xf32, #tpu.memory_space<hbm>> -> memref<1x50176x32xf32, #tpu.memory_space<hbm>>
      %dma_wait3A_226 = tpu.memref_squeeze %dma_wait3A_225 : memref<1x50176x32xf32, #tpu.memory_space<hbm>> -> memref<50176x32xf32, #tpu.memory_space<hbm>>
      %dma_wait3A_227 = arith.constant 0 : i32
      %dma_wait3A_228 = arith.constant 0 : i32
      %dma_wait3A_229 = tpu.memref_slice %dma_wait3A_226[%dma_wait3A_227, %dma_wait3A_228] : memref<50176x32xf32, #tpu.memory_space<hbm>> -> memref<50176x32xf32, #tpu.memory_space<hbm>>
      tpu.wait_indirect_dma semaphore(%arg14 : memref<!tpu.dma_semaphore, #tpu.memory_space<semaphore_mem>>) src(%dma_wait3A_229 : memref<50176x32xf32, #tpu.memory_space<hbm>>) dst(%dma_wait3A_219 : memref<128x32xf32, #tpu.memory_space<vmem>>)
      %dma_start3A_230 = arith.constant 3 : i32
      %dma_start3A_231 = arith.constant 3 : i32
      %dma_start3A_232 = arith.constant 0 : i32
      %dma_start3A_233 = arith.constant 0 : i32
      %dma_start3A_234 = tpu.memref_slice %arg12[%dma_start3A_230, %dma_start3A_232, %dma_start3A_233] : memref<7x128x32xf32, #tpu.memory_space<vmem>> -> memref<1x128x32xf32, #tpu.memory_space<vmem>>
      %dma_start3A_235 = tpu.memref_squeeze %dma_start3A_234 : memref<1x128x32xf32, #tpu.memory_space<vmem>> -> memref<128x32xf32, #tpu.memory_space<vmem>>
      %dma_start3A_236 = arith.constant 0 : i32
      %dma_start3A_237 = tpu.memref_slice %arg11[%dma_start3A_231, %dma_start3A_236] : memref<7x128xi32, #tpu.memory_space<vmem>> -> memref<1x128xi32, #tpu.memory_space<vmem>>
      %dma_start3A_238 = tpu.memref_squeeze %dma_start3A_237 : memref<1x128xi32, #tpu.memory_space<vmem>> -> memref<128xi32, #tpu.memory_space<vmem>>
      %dma_start3A_239 = arith.constant 0 : i32
      %dma_start3A_240 = arith.constant 0 : i32
      %dma_start3A_241 = tpu.memref_slice %arg13[%dma_start3A_239, %dma_start3A_240] : memref<50176x32xf32, #tpu.memory_space<vmem_shared>> -> memref<50176x32xf32, #tpu.memory_space<vmem_shared>>
      tpu.enqueue_indirect_dma source(%dma_start3A_235 : memref<128x32xf32, #tpu.memory_space<vmem>>) target(%dma_start3A_241 : memref<50176x32xf32, #tpu.memory_space<vmem_shared>>) offsets(%dma_start3A_238 : memref<128xi32, #tpu.memory_space<vmem>>) semaphore(%arg15 : memref<!tpu.dma_semaphore, #tpu.memory_space<semaphore_mem>>) {add = true}
      %dma_wait3A_242 = arith.constant 4 : i32
      %dma_wait3A_243 = arith.constant 4 : i32
      %dma_wait3A_244 = arith.constant 0 : i32
      %dma_wait3A_245 = arith.constant 0 : i32
      %dma_wait3A_246 = tpu.memref_slice %arg12[%dma_wait3A_243, %dma_wait3A_244, %dma_wait3A_245] : memref<7x128x32xf32, #tpu.memory_space<vmem>> -> memref<1x128x32xf32, #tpu.memory_space<vmem>>
      %dma_wait3A_247 = tpu.memref_squeeze %dma_wait3A_246 : memref<1x128x32xf32, #tpu.memory_space<vmem>> -> memref<128x32xf32, #tpu.memory_space<vmem>>
      %dma_wait3A_248 = arith.constant 0 : i32
      %dma_wait3A_249 = tpu.memref_slice %arg10[%dma_wait3A_242, %dma_wait3A_248] : memref<7x128xi32, #tpu.memory_space<vmem>> -> memref<1x128xi32, #tpu.memory_space<vmem>>
      %dma_wait3A_250 = tpu.memref_squeeze %dma_wait3A_249 : memref<1x128xi32, #tpu.memory_space<vmem>> -> memref<128xi32, #tpu.memory_space<vmem>>
      %dma_wait3A_251 = arith.constant 0 : i32
      %dma_wait3A_252 = arith.constant 0 : i32
      %dma_wait3A_253 = tpu.memref_slice %arg2[%arg0, %dma_wait3A_251, %dma_wait3A_252] : memref<2x50176x32xf32, #tpu.memory_space<hbm>> -> memref<1x50176x32xf32, #tpu.memory_space<hbm>>
      %dma_wait3A_254 = tpu.memref_squeeze %dma_wait3A_253 : memref<1x50176x32xf32, #tpu.memory_space<hbm>> -> memref<50176x32xf32, #tpu.memory_space<hbm>>
      %dma_wait3A_255 = arith.constant 0 : i32
      %dma_wait3A_256 = arith.constant 0 : i32
      %dma_wait3A_257 = tpu.memref_slice %dma_wait3A_254[%dma_wait3A_255, %dma_wait3A_256] : memref<50176x32xf32, #tpu.memory_space<hbm>> -> memref<50176x32xf32, #tpu.memory_space<hbm>>
      tpu.wait_indirect_dma semaphore(%arg14 : memref<!tpu.dma_semaphore, #tpu.memory_space<semaphore_mem>>) src(%dma_wait3A_257 : memref<50176x32xf32, #tpu.memory_space<hbm>>) dst(%dma_wait3A_247 : memref<128x32xf32, #tpu.memory_space<vmem>>)
      %dma_start3A_258 = arith.constant 4 : i32
      %dma_start3A_259 = arith.constant 4 : i32
      %dma_start3A_260 = arith.constant 0 : i32
      %dma_start3A_261 = arith.constant 0 : i32
      %dma_start3A_262 = tpu.memref_slice %arg12[%dma_start3A_258, %dma_start3A_260, %dma_start3A_261] : memref<7x128x32xf32, #tpu.memory_space<vmem>> -> memref<1x128x32xf32, #tpu.memory_space<vmem>>
      %dma_start3A_263 = tpu.memref_squeeze %dma_start3A_262 : memref<1x128x32xf32, #tpu.memory_space<vmem>> -> memref<128x32xf32, #tpu.memory_space<vmem>>
      %dma_start3A_264 = arith.constant 0 : i32
      %dma_start3A_265 = tpu.memref_slice %arg11[%dma_start3A_259, %dma_start3A_264] : memref<7x128xi32, #tpu.memory_space<vmem>> -> memref<1x128xi32, #tpu.memory_space<vmem>>
      %dma_start3A_266 = tpu.memref_squeeze %dma_start3A_265 : memref<1x128xi32, #tpu.memory_space<vmem>> -> memref<128xi32, #tpu.memory_space<vmem>>
      %dma_start3A_267 = arith.constant 0 : i32
      %dma_start3A_268 = arith.constant 0 : i32
      %dma_start3A_269 = tpu.memref_slice %arg13[%dma_start3A_267, %dma_start3A_268] : memref<50176x32xf32, #tpu.memory_space<vmem_shared>> -> memref<50176x32xf32, #tpu.memory_space<vmem_shared>>
      tpu.enqueue_indirect_dma source(%dma_start3A_263 : memref<128x32xf32, #tpu.memory_space<vmem>>) target(%dma_start3A_269 : memref<50176x32xf32, #tpu.memory_space<vmem_shared>>) offsets(%dma_start3A_266 : memref<128xi32, #tpu.memory_space<vmem>>) semaphore(%arg15 : memref<!tpu.dma_semaphore, #tpu.memory_space<semaphore_mem>>) {add = true}
      %dma_wait3A_270 = arith.constant 5 : i32
      %dma_wait3A_271 = arith.constant 5 : i32
      %dma_wait3A_272 = arith.constant 0 : i32
      %dma_wait3A_273 = arith.constant 0 : i32
      %dma_wait3A_274 = tpu.memref_slice %arg12[%dma_wait3A_271, %dma_wait3A_272, %dma_wait3A_273] : memref<7x128x32xf32, #tpu.memory_space<vmem>> -> memref<1x128x32xf32, #tpu.memory_space<vmem>>
      %dma_wait3A_275 = tpu.memref_squeeze %dma_wait3A_274 : memref<1x128x32xf32, #tpu.memory_space<vmem>> -> memref<128x32xf32, #tpu.memory_space<vmem>>
      %dma_wait3A_276 = arith.constant 0 : i32
      %dma_wait3A_277 = tpu.memref_slice %arg10[%dma_wait3A_270, %dma_wait3A_276] : memref<7x128xi32, #tpu.memory_space<vmem>> -> memref<1x128xi32, #tpu.memory_space<vmem>>
      %dma_wait3A_278 = tpu.memref_squeeze %dma_wait3A_277 : memref<1x128xi32, #tpu.memory_space<vmem>> -> memref<128xi32, #tpu.memory_space<vmem>>
      %dma_wait3A_279 = arith.constant 0 : i32
      %dma_wait3A_280 = arith.constant 0 : i32
      %dma_wait3A_281 = tpu.memref_slice %arg2[%arg0, %dma_wait3A_279, %dma_wait3A_280] : memref<2x50176x32xf32, #tpu.memory_space<hbm>> -> memref<1x50176x32xf32, #tpu.memory_space<hbm>>
      %dma_wait3A_282 = tpu.memref_squeeze %dma_wait3A_281 : memref<1x50176x32xf32, #tpu.memory_space<hbm>> -> memref<50176x32xf32, #tpu.memory_space<hbm>>
      %dma_wait3A_283 = arith.constant 0 : i32
      %dma_wait3A_284 = arith.constant 0 : i32
      %dma_wait3A_285 = tpu.memref_slice %dma_wait3A_282[%dma_wait3A_283, %dma_wait3A_284] : memref<50176x32xf32, #tpu.memory_space<hbm>> -> memref<50176x32xf32, #tpu.memory_space<hbm>>
      tpu.wait_indirect_dma semaphore(%arg14 : memref<!tpu.dma_semaphore, #tpu.memory_space<semaphore_mem>>) src(%dma_wait3A_285 : memref<50176x32xf32, #tpu.memory_space<hbm>>) dst(%dma_wait3A_275 : memref<128x32xf32, #tpu.memory_space<vmem>>)
      %dma_start3A_286 = arith.constant 5 : i32
      %dma_start3A_287 = arith.constant 5 : i32
      %dma_start3A_288 = arith.constant 0 : i32
      %dma_start3A_289 = arith.constant 0 : i32
      %dma_start3A_290 = tpu.memref_slice %arg12[%dma_start3A_286, %dma_start3A_288, %dma_start3A_289] : memref<7x128x32xf32, #tpu.memory_space<vmem>> -> memref<1x128x32xf32, #tpu.memory_space<vmem>>
      %dma_start3A_291 = tpu.memref_squeeze %dma_start3A_290 : memref<1x128x32xf32, #tpu.memory_space<vmem>> -> memref<128x32xf32, #tpu.memory_space<vmem>>
      %dma_start3A_292 = arith.constant 0 : i32
      %dma_start3A_293 = tpu.memref_slice %arg11[%dma_start3A_287, %dma_start3A_292] : memref<7x128xi32, #tpu.memory_space<vmem>> -> memref<1x128xi32, #tpu.memory_space<vmem>>
      %dma_start3A_294 = tpu.memref_squeeze %dma_start3A_293 : memref<1x128xi32, #tpu.memory_space<vmem>> -> memref<128xi32, #tpu.memory_space<vmem>>
      %dma_start3A_295 = arith.constant 0 : i32
      %dma_start3A_296 = arith.constant 0 : i32
      %dma_start3A_297 = tpu.memref_slice %arg13[%dma_start3A_295, %dma_start3A_296] : memref<50176x32xf32, #tpu.memory_space<vmem_shared>> -> memref<50176x32xf32, #tpu.memory_space<vmem_shared>>
      tpu.enqueue_indirect_dma source(%dma_start3A_291 : memref<128x32xf32, #tpu.memory_space<vmem>>) target(%dma_start3A_297 : memref<50176x32xf32, #tpu.memory_space<vmem_shared>>) offsets(%dma_start3A_294 : memref<128xi32, #tpu.memory_space<vmem>>) semaphore(%arg15 : memref<!tpu.dma_semaphore, #tpu.memory_space<semaphore_mem>>) {add = true}
      %dma_wait3A_298 = arith.constant 6 : i32
      %dma_wait3A_299 = arith.constant 6 : i32
      %dma_wait3A_300 = arith.constant 0 : i32
      %dma_wait3A_301 = arith.constant 0 : i32
      %dma_wait3A_302 = tpu.memref_slice %arg12[%dma_wait3A_299, %dma_wait3A_300, %dma_wait3A_301] : memref<7x128x32xf32, #tpu.memory_space<vmem>> -> memref<1x128x32xf32, #tpu.memory_space<vmem>>
      %dma_wait3A_303 = tpu.memref_squeeze %dma_wait3A_302 : memref<1x128x32xf32, #tpu.memory_space<vmem>> -> memref<128x32xf32, #tpu.memory_space<vmem>>
      %dma_wait3A_304 = arith.constant 0 : i32
      %dma_wait3A_305 = tpu.memref_slice %arg10[%dma_wait3A_298, %dma_wait3A_304] : memref<7x128xi32, #tpu.memory_space<vmem>> -> memref<1x128xi32, #tpu.memory_space<vmem>>
      %dma_wait3A_306 = tpu.memref_squeeze %dma_wait3A_305 : memref<1x128xi32, #tpu.memory_space<vmem>> -> memref<128xi32, #tpu.memory_space<vmem>>
      %dma_wait3A_307 = arith.constant 0 : i32
      %dma_wait3A_308 = arith.constant 0 : i32
      %dma_wait3A_309 = tpu.memref_slice %arg2[%arg0, %dma_wait3A_307, %dma_wait3A_308] : memref<2x50176x32xf32, #tpu.memory_space<hbm>> -> memref<1x50176x32xf32, #tpu.memory_space<hbm>>
      %dma_wait3A_310 = tpu.memref_squeeze %dma_wait3A_309 : memref<1x50176x32xf32, #tpu.memory_space<hbm>> -> memref<50176x32xf32, #tpu.memory_space<hbm>>
      %dma_wait3A_311 = arith.constant 0 : i32
      %dma_wait3A_312 = arith.constant 0 : i32
      %dma_wait3A_313 = tpu.memref_slice %dma_wait3A_310[%dma_wait3A_311, %dma_wait3A_312] : memref<50176x32xf32, #tpu.memory_space<hbm>> -> memref<50176x32xf32, #tpu.memory_space<hbm>>
      tpu.wait_indirect_dma semaphore(%arg14 : memref<!tpu.dma_semaphore, #tpu.memory_space<semaphore_mem>>) src(%dma_wait3A_313 : memref<50176x32xf32, #tpu.memory_space<hbm>>) dst(%dma_wait3A_303 : memref<128x32xf32, #tpu.memory_space<vmem>>)
      %dma_start3A_314 = arith.constant 6 : i32
      %dma_start3A_315 = arith.constant 6 : i32
      %dma_start3A_316 = arith.constant 0 : i32
      %dma_start3A_317 = arith.constant 0 : i32
      %dma_start3A_318 = tpu.memref_slice %arg12[%dma_start3A_314, %dma_start3A_316, %dma_start3A_317] : memref<7x128x32xf32, #tpu.memory_space<vmem>> -> memref<1x128x32xf32, #tpu.memory_space<vmem>>
      %dma_start3A_319 = tpu.memref_squeeze %dma_start3A_318 : memref<1x128x32xf32, #tpu.memory_space<vmem>> -> memref<128x32xf32, #tpu.memory_space<vmem>>
      %dma_start3A_320 = arith.constant 0 : i32
      %dma_start3A_321 = tpu.memref_slice %arg11[%dma_start3A_315, %dma_start3A_320] : memref<7x128xi32, #tpu.memory_space<vmem>> -> memref<1x128xi32, #tpu.memory_space<vmem>>
      %dma_start3A_322 = tpu.memref_squeeze %dma_start3A_321 : memref<1x128xi32, #tpu.memory_space<vmem>> -> memref<128xi32, #tpu.memory_space<vmem>>
      %dma_start3A_323 = arith.constant 0 : i32
      %dma_start3A_324 = arith.constant 0 : i32
      %dma_start3A_325 = tpu.memref_slice %arg13[%dma_start3A_323, %dma_start3A_324] : memref<50176x32xf32, #tpu.memory_space<vmem_shared>> -> memref<50176x32xf32, #tpu.memory_space<vmem_shared>>
      tpu.enqueue_indirect_dma source(%dma_start3A_319 : memref<128x32xf32, #tpu.memory_space<vmem>>) target(%dma_start3A_325 : memref<50176x32xf32, #tpu.memory_space<vmem_shared>>) offsets(%dma_start3A_322 : memref<128xi32, #tpu.memory_space<vmem>>) semaphore(%arg15 : memref<!tpu.dma_semaphore, #tpu.memory_space<semaphore_mem>>) {add = true}
      %dma_wait3A_326 = arith.constant 0 : i32
      %dma_wait3A_327 = arith.constant 0 : i32
      %dma_wait3A_328 = arith.constant 0 : i32
      %dma_wait3A_329 = arith.constant 0 : i32
      %dma_wait3A_330 = tpu.memref_slice %arg12[%dma_wait3A_326, %dma_wait3A_328, %dma_wait3A_329] : memref<7x128x32xf32, #tpu.memory_space<vmem>> -> memref<1x128x32xf32, #tpu.memory_space<vmem>>
      %dma_wait3A_331 = tpu.memref_squeeze %dma_wait3A_330 : memref<1x128x32xf32, #tpu.memory_space<vmem>> -> memref<128x32xf32, #tpu.memory_space<vmem>>
      %dma_wait3A_332 = arith.constant 0 : i32
      %dma_wait3A_333 = tpu.memref_slice %arg11[%dma_wait3A_327, %dma_wait3A_332] : memref<7x128xi32, #tpu.memory_space<vmem>> -> memref<1x128xi32, #tpu.memory_space<vmem>>
      %dma_wait3A_334 = tpu.memref_squeeze %dma_wait3A_333 : memref<1x128xi32, #tpu.memory_space<vmem>> -> memref<128xi32, #tpu.memory_space<vmem>>
      %dma_wait3A_335 = arith.constant 0 : i32
      %dma_wait3A_336 = arith.constant 0 : i32
      %dma_wait3A_337 = tpu.memref_slice %arg13[%dma_wait3A_335, %dma_wait3A_336] : memref<50176x32xf32, #tpu.memory_space<vmem_shared>> -> memref<50176x32xf32, #tpu.memory_space<vmem_shared>>
      tpu.wait_indirect_dma semaphore(%arg15 : memref<!tpu.dma_semaphore, #tpu.memory_space<semaphore_mem>>) src(%dma_wait3A_331 : memref<128x32xf32, #tpu.memory_space<vmem>>) dst(%dma_wait3A_337 : memref<50176x32xf32, #tpu.memory_space<vmem_shared>>)
      %dma_wait3A_338 = arith.constant 1 : i32
      %dma_wait3A_339 = arith.constant 1 : i32
      %dma_wait3A_340 = arith.constant 0 : i32
      %dma_wait3A_341 = arith.constant 0 : i32
      %dma_wait3A_342 = tpu.memref_slice %arg12[%dma_wait3A_338, %dma_wait3A_340, %dma_wait3A_341] : memref<7x128x32xf32, #tpu.memory_space<vmem>> -> memref<1x128x32xf32, #tpu.memory_space<vmem>>
      %dma_wait3A_343 = tpu.memref_squeeze %dma_wait3A_342 : memref<1x128x32xf32, #tpu.memory_space<vmem>> -> memref<128x32xf32, #tpu.memory_space<vmem>>
      %dma_wait3A_344 = arith.constant 0 : i32
      %dma_wait3A_345 = tpu.memref_slice %arg11[%dma_wait3A_339, %dma_wait3A_344] : memref<7x128xi32, #tpu.memory_space<vmem>> -> memref<1x128xi32, #tpu.memory_space<vmem>>
      %dma_wait3A_346 = tpu.memref_squeeze %dma_wait3A_345 : memref<1x128xi32, #tpu.memory_space<vmem>> -> memref<128xi32, #tpu.memory_space<vmem>>
      %dma_wait3A_347 = arith.constant 0 : i32
      %dma_wait3A_348 = arith.constant 0 : i32
      %dma_wait3A_349 = tpu.memref_slice %arg13[%dma_wait3A_347, %dma_wait3A_348] : memref<50176x32xf32, #tpu.memory_space<vmem_shared>> -> memref<50176x32xf32, #tpu.memory_space<vmem_shared>>
      tpu.wait_indirect_dma semaphore(%arg15 : memref<!tpu.dma_semaphore, #tpu.memory_space<semaphore_mem>>) src(%dma_wait3A_343 : memref<128x32xf32, #tpu.memory_space<vmem>>) dst(%dma_wait3A_349 : memref<50176x32xf32, #tpu.memory_space<vmem_shared>>)
      %dma_wait3A_350 = arith.constant 2 : i32
      %dma_wait3A_351 = arith.constant 2 : i32
      %dma_wait3A_352 = arith.constant 0 : i32
      %dma_wait3A_353 = arith.constant 0 : i32
      %dma_wait3A_354 = tpu.memref_slice %arg12[%dma_wait3A_350, %dma_wait3A_352, %dma_wait3A_353] : memref<7x128x32xf32, #tpu.memory_space<vmem>> -> memref<1x128x32xf32, #tpu.memory_space<vmem>>
      %dma_wait3A_355 = tpu.memref_squeeze %dma_wait3A_354 : memref<1x128x32xf32, #tpu.memory_space<vmem>> -> memref<128x32xf32, #tpu.memory_space<vmem>>
      %dma_wait3A_356 = arith.constant 0 : i32
      %dma_wait3A_357 = tpu.memref_slice %arg11[%dma_wait3A_351, %dma_wait3A_356] : memref<7x128xi32, #tpu.memory_space<vmem>> -> memref<1x128xi32, #tpu.memory_space<vmem>>
      %dma_wait3A_358 = tpu.memref_squeeze %dma_wait3A_357 : memref<1x128xi32, #tpu.memory_space<vmem>> -> memref<128xi32, #tpu.memory_space<vmem>>
      %dma_wait3A_359 = arith.constant 0 : i32
      %dma_wait3A_360 = arith.constant 0 : i32
      %dma_wait3A_361 = tpu.memref_slice %arg13[%dma_wait3A_359, %dma_wait3A_360] : memref<50176x32xf32, #tpu.memory_space<vmem_shared>> -> memref<50176x32xf32, #tpu.memory_space<vmem_shared>>
      tpu.wait_indirect_dma semaphore(%arg15 : memref<!tpu.dma_semaphore, #tpu.memory_space<semaphore_mem>>) src(%dma_wait3A_355 : memref<128x32xf32, #tpu.memory_space<vmem>>) dst(%dma_wait3A_361 : memref<50176x32xf32, #tpu.memory_space<vmem_shared>>)
      %dma_wait3A_362 = arith.constant 3 : i32
      %dma_wait3A_363 = arith.constant 3 : i32
      %dma_wait3A_364 = arith.constant 0 : i32
      %dma_wait3A_365 = arith.constant 0 : i32
      %dma_wait3A_366 = tpu.memref_slice %arg12[%dma_wait3A_362, %dma_wait3A_364, %dma_wait3A_365] : memref<7x128x32xf32, #tpu.memory_space<vmem>> -> memref<1x128x32xf32, #tpu.memory_space<vmem>>
      %dma_wait3A_367 = tpu.memref_squeeze %dma_wait3A_366 : memref<1x128x32xf32, #tpu.memory_space<vmem>> -> memref<128x32xf32, #tpu.memory_space<vmem>>
      %dma_wait3A_368 = arith.constant 0 : i32
      %dma_wait3A_369 = tpu.memref_slice %arg11[%dma_wait3A_363, %dma_wait3A_368] : memref<7x128xi32, #tpu.memory_space<vmem>> -> memref<1x128xi32, #tpu.memory_space<vmem>>
      %dma_wait3A_370 = tpu.memref_squeeze %dma_wait3A_369 : memref<1x128xi32, #tpu.memory_space<vmem>> -> memref<128xi32, #tpu.memory_space<vmem>>
      %dma_wait3A_371 = arith.constant 0 : i32
      %dma_wait3A_372 = arith.constant 0 : i32
      %dma_wait3A_373 = tpu.memref_slice %arg13[%dma_wait3A_371, %dma_wait3A_372] : memref<50176x32xf32, #tpu.memory_space<vmem_shared>> -> memref<50176x32xf32, #tpu.memory_space<vmem_shared>>
      tpu.wait_indirect_dma semaphore(%arg15 : memref<!tpu.dma_semaphore, #tpu.memory_space<semaphore_mem>>) src(%dma_wait3A_367 : memref<128x32xf32, #tpu.memory_space<vmem>>) dst(%dma_wait3A_373 : memref<50176x32xf32, #tpu.memory_space<vmem_shared>>)
      %dma_wait3A_374 = arith.constant 4 : i32
      %dma_wait3A_375 = arith.constant 4 : i32
      %dma_wait3A_376 = arith.constant 0 : i32
      %dma_wait3A_377 = arith.constant 0 : i32
      %dma_wait3A_378 = tpu.memref_slice %arg12[%dma_wait3A_374, %dma_wait3A_376, %dma_wait3A_377] : memref<7x128x32xf32, #tpu.memory_space<vmem>> -> memref<1x128x32xf32, #tpu.memory_space<vmem>>
      %dma_wait3A_379 = tpu.memref_squeeze %dma_wait3A_378 : memref<1x128x32xf32, #tpu.memory_space<vmem>> -> memref<128x32xf32, #tpu.memory_space<vmem>>
      %dma_wait3A_380 = arith.constant 0 : i32
      %dma_wait3A_381 = tpu.memref_slice %arg11[%dma_wait3A_375, %dma_wait3A_380] : memref<7x128xi32, #tpu.memory_space<vmem>> -> memref<1x128xi32, #tpu.memory_space<vmem>>
      %dma_wait3A_382 = tpu.memref_squeeze %dma_wait3A_381 : memref<1x128xi32, #tpu.memory_space<vmem>> -> memref<128xi32, #tpu.memory_space<vmem>>
      %dma_wait3A_383 = arith.constant 0 : i32
      %dma_wait3A_384 = arith.constant 0 : i32
      %dma_wait3A_385 = tpu.memref_slice %arg13[%dma_wait3A_383, %dma_wait3A_384] : memref<50176x32xf32, #tpu.memory_space<vmem_shared>> -> memref<50176x32xf32, #tpu.memory_space<vmem_shared>>
      tpu.wait_indirect_dma semaphore(%arg15 : memref<!tpu.dma_semaphore, #tpu.memory_space<semaphore_mem>>) src(%dma_wait3A_379 : memref<128x32xf32, #tpu.memory_space<vmem>>) dst(%dma_wait3A_385 : memref<50176x32xf32, #tpu.memory_space<vmem_shared>>)
      %dma_wait3A_386 = arith.constant 5 : i32
      %dma_wait3A_387 = arith.constant 5 : i32
      %dma_wait3A_388 = arith.constant 0 : i32
      %dma_wait3A_389 = arith.constant 0 : i32
      %dma_wait3A_390 = tpu.memref_slice %arg12[%dma_wait3A_386, %dma_wait3A_388, %dma_wait3A_389] : memref<7x128x32xf32, #tpu.memory_space<vmem>> -> memref<1x128x32xf32, #tpu.memory_space<vmem>>
      %dma_wait3A_391 = tpu.memref_squeeze %dma_wait3A_390 : memref<1x128x32xf32, #tpu.memory_space<vmem>> -> memref<128x32xf32, #tpu.memory_space<vmem>>
      %dma_wait3A_392 = arith.constant 0 : i32
      %dma_wait3A_393 = tpu.memref_slice %arg11[%dma_wait3A_387, %dma_wait3A_392] : memref<7x128xi32, #tpu.memory_space<vmem>> -> memref<1x128xi32, #tpu.memory_space<vmem>>
      %dma_wait3A_394 = tpu.memref_squeeze %dma_wait3A_393 : memref<1x128xi32, #tpu.memory_space<vmem>> -> memref<128xi32, #tpu.memory_space<vmem>>
      %dma_wait3A_395 = arith.constant 0 : i32
      %dma_wait3A_396 = arith.constant 0 : i32
      %dma_wait3A_397 = tpu.memref_slice %arg13[%dma_wait3A_395, %dma_wait3A_396] : memref<50176x32xf32, #tpu.memory_space<vmem_shared>> -> memref<50176x32xf32, #tpu.memory_space<vmem_shared>>
      tpu.wait_indirect_dma semaphore(%arg15 : memref<!tpu.dma_semaphore, #tpu.memory_space<semaphore_mem>>) src(%dma_wait3A_391 : memref<128x32xf32, #tpu.memory_space<vmem>>) dst(%dma_wait3A_397 : memref<50176x32xf32, #tpu.memory_space<vmem_shared>>)
      %dma_wait3A_398 = arith.constant 6 : i32
      %dma_wait3A_399 = arith.constant 6 : i32
      %dma_wait3A_400 = arith.constant 0 : i32
      %dma_wait3A_401 = arith.constant 0 : i32
      %dma_wait3A_402 = tpu.memref_slice %arg12[%dma_wait3A_398, %dma_wait3A_400, %dma_wait3A_401] : memref<7x128x32xf32, #tpu.memory_space<vmem>> -> memref<1x128x32xf32, #tpu.memory_space<vmem>>
      %dma_wait3A_403 = tpu.memref_squeeze %dma_wait3A_402 : memref<1x128x32xf32, #tpu.memory_space<vmem>> -> memref<128x32xf32, #tpu.memory_space<vmem>>
      %dma_wait3A_404 = arith.constant 0 : i32
      %dma_wait3A_405 = tpu.memref_slice %arg11[%dma_wait3A_399, %dma_wait3A_404] : memref<7x128xi32, #tpu.memory_space<vmem>> -> memref<1x128xi32, #tpu.memory_space<vmem>>
      %dma_wait3A_406 = tpu.memref_squeeze %dma_wait3A_405 : memref<1x128xi32, #tpu.memory_space<vmem>> -> memref<128xi32, #tpu.memory_space<vmem>>
      %dma_wait3A_407 = arith.constant 0 : i32
      %dma_wait3A_408 = arith.constant 0 : i32
      %dma_wait3A_409 = tpu.memref_slice %arg13[%dma_wait3A_407, %dma_wait3A_408] : memref<50176x32xf32, #tpu.memory_space<vmem_shared>> -> memref<50176x32xf32, #tpu.memory_space<vmem_shared>>
      tpu.wait_indirect_dma semaphore(%arg15 : memref<!tpu.dma_semaphore, #tpu.memory_space<semaphore_mem>>) src(%dma_wait3A_403 : memref<128x32xf32, #tpu.memory_space<vmem>>) dst(%dma_wait3A_409 : memref<50176x32xf32, #tpu.memory_space<vmem_shared>>)
    }
    %scan3A_15 = arith.constant 56 : i32
    %barrier3A_16 = arith.constant 0 : index
    tpu.barrier barrier_id(%barrier3A_16)
    "tpu.region"() ({
      %run_scoped3A = tpu.sem_alloc : memref<!tpu.dma_semaphore, #tpu.memory_space<semaphore_mem>>
      %dma_start3A = arith.constant 0 : i32
      %dma_start3A_17 = tpu.memref_slice %arg9[%arg0, %mul3A_2, %dma_start3A] : memref<2x50176x32xf32, #tpu.memory_space<hbm>> -> memref<1x3136x32xf32, #tpu.memory_space<hbm>>
      %dma_start3A_18 = tpu.memref_squeeze %dma_start3A_17 : memref<1x3136x32xf32, #tpu.memory_space<hbm>> -> memref<3136x32xf32, #tpu.memory_space<hbm>>
      %dma_start3A_19 = arith.constant 0 : i32
      %dma_start3A_20 = tpu.memref_slice %arg13[%mul3A_2, %dma_start3A_19] : memref<50176x32xf32, #tpu.memory_space<vmem_shared>> -> memref<3136x32xf32, #tpu.memory_space<vmem_shared>>
      tpu.enqueue_dma source(%dma_start3A_20 : memref<3136x32xf32, #tpu.memory_space<vmem_shared>>) target(%dma_start3A_18 : memref<3136x32xf32, #tpu.memory_space<hbm>>) target_semaphore(%run_scoped3A : memref<!tpu.dma_semaphore, #tpu.memory_space<semaphore_mem>>)
      %dma_wait3A = arith.constant 0 : i32
      %dma_wait3A_21 = tpu.memref_slice %arg9[%arg0, %mul3A_2, %dma_wait3A] : memref<2x50176x32xf32, #tpu.memory_space<hbm>> -> memref<1x3136x32xf32, #tpu.memory_space<hbm>>
      %dma_wait3A_22 = tpu.memref_squeeze %dma_wait3A_21 : memref<1x3136x32xf32, #tpu.memory_space<hbm>> -> memref<3136x32xf32, #tpu.memory_space<hbm>>
      %dma_wait3A_23 = arith.constant 0 : i32
      %dma_wait3A_24 = tpu.memref_slice %arg13[%mul3A_2, %dma_wait3A_23] : memref<50176x32xf32, #tpu.memory_space<vmem_shared>> -> memref<3136x32xf32, #tpu.memory_space<vmem_shared>>
      tpu.wait_dma2 semaphore(%run_scoped3A : memref<!tpu.dma_semaphore, #tpu.memory_space<semaphore_mem>>) src(%dma_wait3A_24 : memref<3136x32xf32, #tpu.memory_space<vmem_shared>>) dst(%dma_wait3A_22 : memref<3136x32xf32, #tpu.memory_space<hbm>>)
      tpu.yield
    }) : () -> ()
    return
  }
}

#map = affine_map<(d0, d1) -> (0, 0, 0)>
#map1 = affine_map<(d0, d1) -> (0, 0)>
module attributes {stable_mosaic.version = 14 : i64} {
  func.func @_layer_body(%arg0: i32, %arg1: i32, %arg2: memref<2x50176x32xf32, #tpu.memory_space<hbm>>, %arg3: memref<6280x128xi32, #tpu.memory_space<hbm>>, %arg4: memref<6280x128xi32, #tpu.memory_space<hbm>>, %arg5: memref<6280x128xi32, #tpu.memory_space<hbm>>, %arg6: memref<6280x128xi32, #tpu.memory_space<hbm>>, %arg7: memref<50176x32xf32, #tpu.memory_space<hbm>>, %arg8: memref<2x50176x32xf32, #tpu.memory_space<hbm>>, %arg9: memref<2x50176x32xf32, #tpu.memory_space<hbm>>, %arg10: memref<7x128xi32, #tpu.memory_space<vmem>>, %arg11: memref<7x128xi32, #tpu.memory_space<vmem>>, %arg12: memref<7x128x32xf32, #tpu.memory_space<vmem>>, %arg13: memref<50176x32xf32, #tpu.memory_space<vmem_shared>>, %arg14: memref<!tpu.dma_semaphore, #tpu.memory_space<semaphore_mem>>, %arg15: memref<!tpu.dma_semaphore, #tpu.memory_space<semaphore_mem>>) attributes {dimension_semantics = [#tpu.dimension_semantics<core_parallel>, #tpu.dimension_semantics<subcore_parallel>], iteration_bounds = array<i64: 2, 16>, scalar_prefetch = 0 : i64, scratch_operands = 6 : i64, tpu.core_type = #tpu.core_type<sc_vector_subcore>, window_params = [{transform_indices = #map}, {transform_indices = #map1}, {transform_indices = #map1}, {transform_indices = #map1}, {transform_indices = #map1}, {transform_indices = #map1}, {transform_indices = #map}, {transform_indices = #map}]} {
    %mul3A = arith.constant 392 : i32
    %mul3A_0 = arith.muli %arg1, %mul3A : i32
    %mul3A_1 = arith.constant 3136 : i32
    %mul3A_2 = arith.muli %arg1, %mul3A_1 : i32
    "tpu.region"() ({
      %run_scoped3A = tpu.sem_alloc : memref<!tpu.dma_semaphore, #tpu.memory_space<semaphore_mem>>
      %dma_start3A = arith.constant 0 : i32
      %dma_start3A_17 = tpu.memref_slice %arg13[%mul3A_2, %dma_start3A] : memref<50176x32xf32, #tpu.memory_space<vmem_shared>> -> memref<3136x32xf32, #tpu.memory_space<vmem_shared>>
      %dma_start3A_18 = arith.constant 0 : i32
      %dma_start3A_19 = tpu.memref_slice %arg7[%mul3A_2, %dma_start3A_18] : memref<50176x32xf32, #tpu.memory_space<hbm>> -> memref<3136x32xf32, #tpu.memory_space<hbm>>
      tpu.enqueue_dma source(%dma_start3A_19 : memref<3136x32xf32, #tpu.memory_space<hbm>>) target(%dma_start3A_17 : memref<3136x32xf32, #tpu.memory_space<vmem_shared>>) target_semaphore(%run_scoped3A : memref<!tpu.dma_semaphore, #tpu.memory_space<semaphore_mem>>)
      %dma_wait3A = arith.constant 0 : i32
      %dma_wait3A_20 = tpu.memref_slice %arg13[%mul3A_2, %dma_wait3A] : memref<50176x32xf32, #tpu.memory_space<vmem_shared>> -> memref<3136x32xf32, #tpu.memory_space<vmem_shared>>
      %dma_wait3A_21 = arith.constant 0 : i32
      %dma_wait3A_22 = tpu.memref_slice %arg7[%mul3A_2, %dma_wait3A_21] : memref<50176x32xf32, #tpu.memory_space<hbm>> -> memref<3136x32xf32, #tpu.memory_space<hbm>>
      tpu.wait_dma2 semaphore(%run_scoped3A : memref<!tpu.dma_semaphore, #tpu.memory_space<semaphore_mem>>) src(%dma_wait3A_22 : memref<3136x32xf32, #tpu.memory_space<hbm>>) dst(%dma_wait3A_20 : memref<3136x32xf32, #tpu.memory_space<vmem_shared>>)
      tpu.yield
    }) : () -> ()
    %barrier3A = arith.constant 0 : index
    tpu.barrier barrier_id(%barrier3A)
    %scan3A = arith.constant 0 : i32
    %scan3A_3 = arith.constant 0 : i32
    %scan3A_4 = arith.constant 56 : i32
    %scan3A_5 = arith.addi %scan3A_3, %scan3A_4 : i32
    %scan3A_6 = arith.constant 1 : i32
    scf.for %scan3A_17 = %scan3A_3 to %scan3A_5 step %scan3A_6  : i32 {
      %mul3A_18 = arith.constant 7 : i32
      %mul3A_19 = arith.muli %scan3A_17, %mul3A_18 : i32
      %add3A = arith.addi %mul3A_0, %mul3A_19 : i32
      "tpu.region"() ({
        %run_scoped3A = tpu.sem_alloc : memref<!tpu.dma_semaphore, #tpu.memory_space<semaphore_mem>>
        %dma_start3A_410 = arith.constant 0 : i32
        %dma_start3A_411 = tpu.memref_slice %arg3[%add3A, %dma_start3A_410] : memref<6280x128xi32, #tpu.memory_space<hbm>> -> memref<7x128xi32, #tpu.memory_space<hbm>>
        %dma_start3A_412 = arith.constant 0 : i32
        %dma_start3A_413 = tpu.memref_slice %arg3[%add3A, %dma_start3A_412] : memref<6280x128xi32, #tpu.memory_space<hbm>> -> memref<7x128xi32, #tpu.memory_space<hbm>>
        tpu.enqueue_dma source(%dma_start3A_413 : memref<7x128xi32, #tpu.memory_space<hbm>>) target(%arg10 : memref<7x128xi32, #tpu.memory_space<vmem>>) target_semaphore(%run_scoped3A : memref<!tpu.dma_semaphore, #tpu.memory_space<semaphore_mem>>)
        %dma_wait3A_414 = arith.constant 0 : i32
        %dma_wait3A_415 = tpu.memref_slice %arg3[%add3A, %dma_wait3A_414] : memref<6280x128xi32, #tpu.memory_space<hbm>> -> memref<7x128xi32, #tpu.memory_space<hbm>>
        %dma_wait3A_416 = arith.constant 0 : i32
        %dma_wait3A_417 = tpu.memref_slice %arg3[%add3A, %dma_wait3A_416] : memref<6280x128xi32, #tpu.memory_space<hbm>> -> memref<7x128xi32, #tpu.memory_space<hbm>>
        tpu.wait_dma2 semaphore(%run_scoped3A : memref<!tpu.dma_semaphore, #tpu.memory_space<semaphore_mem>>) src(%dma_wait3A_417 : memref<7x128xi32, #tpu.memory_space<hbm>>) dst(%arg10 : memref<7x128xi32, #tpu.memory_space<vmem>>)
        tpu.yield
      }) : () -> ()
      "tpu.region"() ({
        %run_scoped3A = tpu.sem_alloc : memref<!tpu.dma_semaphore, #tpu.memory_space<semaphore_mem>>
        %dma_start3A_410 = arith.constant 0 : i32
        %dma_start3A_411 = tpu.memref_slice %arg4[%add3A, %dma_start3A_410] : memref<6280x128xi32, #tpu.memory_space<hbm>> -> memref<7x128xi32, #tpu.memory_space<hbm>>
        %dma_start3A_412 = arith.constant 0 : i32
        %dma_start3A_413 = tpu.memref_slice %arg4[%add3A, %dma_start3A_412] : memref<6280x128xi32, #tpu.memory_space<hbm>> -> memref<7x128xi32, #tpu.memory_space<hbm>>
        tpu.enqueue_dma source(%dma_start3A_413 : memref<7x128xi32, #tpu.memory_space<hbm>>) target(%arg11 : memref<7x128xi32, #tpu.memory_space<vmem>>) target_semaphore(%run_scoped3A : memref<!tpu.dma_semaphore, #tpu.memory_space<semaphore_mem>>)
        %dma_wait3A_414 = arith.constant 0 : i32
        %dma_wait3A_415 = tpu.memref_slice %arg4[%add3A, %dma_wait3A_414] : memref<6280x128xi32, #tpu.memory_space<hbm>> -> memref<7x128xi32, #tpu.memory_space<hbm>>
        %dma_wait3A_416 = arith.constant 0 : i32
        %dma_wait3A_417 = tpu.memref_slice %arg4[%add3A, %dma_wait3A_416] : memref<6280x128xi32, #tpu.memory_space<hbm>> -> memref<7x128xi32, #tpu.memory_space<hbm>>
        tpu.wait_dma2 semaphore(%run_scoped3A : memref<!tpu.dma_semaphore, #tpu.memory_space<semaphore_mem>>) src(%dma_wait3A_417 : memref<7x128xi32, #tpu.memory_space<hbm>>) dst(%arg11 : memref<7x128xi32, #tpu.memory_space<vmem>>)
        tpu.yield
      }) : () -> ()
      %dma_start3A = arith.constant 0 : i32
      %dma_start3A_20 = arith.constant 0 : i32
      %dma_start3A_21 = arith.constant 0 : i32
      %dma_start3A_22 = arith.constant 0 : i32
      %dma_start3A_23 = tpu.memref_slice %arg12[%dma_start3A_20, %dma_start3A_21, %dma_start3A_22] : memref<7x128x32xf32, #tpu.memory_space<vmem>> -> memref<1x128x32xf32, #tpu.memory_space<vmem>>
      %dma_start3A_24 = tpu.memref_squeeze %dma_start3A_23 : memref<1x128x32xf32, #tpu.memory_space<vmem>> -> memref<128x32xf32, #tpu.memory_space<vmem>>
      %dma_start3A_25 = arith.constant 0 : i32
      %dma_start3A_26 = tpu.memref_slice %arg10[%dma_start3A, %dma_start3A_25] : memref<7x128xi32, #tpu.memory_space<vmem>> -> memref<1x128xi32, #tpu.memory_space<vmem>>
      %dma_start3A_27 = tpu.memref_squeeze %dma_start3A_26 : memref<1x128xi32, #tpu.memory_space<vmem>> -> memref<128xi32, #tpu.memory_space<vmem>>
      %dma_start3A_28 = arith.constant 0 : i32
      %dma_start3A_29 = arith.constant 0 : i32
      %dma_start3A_30 = tpu.memref_slice %arg2[%arg0, %dma_start3A_28, %dma_start3A_29] : memref<2x50176x32xf32, #tpu.memory_space<hbm>> -> memref<1x50176x32xf32, #tpu.memory_space<hbm>>
      %dma_start3A_31 = tpu.memref_squeeze %dma_start3A_30 : memref<1x50176x32xf32, #tpu.memory_space<hbm>> -> memref<50176x32xf32, #tpu.memory_space<hbm>>
      %dma_start3A_32 = arith.constant 0 : i32
      %dma_start3A_33 = arith.constant 0 : i32
      %dma_start3A_34 = tpu.memref_slice %dma_start3A_31[%dma_start3A_32, %dma_start3A_33] : memref<50176x32xf32, #tpu.memory_space<hbm>> -> memref<50176x32xf32, #tpu.memory_space<hbm>>
      tpu.enqueue_indirect_dma source(%dma_start3A_34 : memref<50176x32xf32, #tpu.memory_space<hbm>>) target(%dma_start3A_24 : memref<128x32xf32, #tpu.memory_space<vmem>>) offsets(%dma_start3A_27 : memref<128xi32, #tpu.memory_space<vmem>>) semaphore(%arg14 : memref<!tpu.dma_semaphore, #tpu.memory_space<semaphore_mem>>)
      %dma_start3A_35 = arith.constant 1 : i32
      %dma_start3A_36 = arith.constant 1 : i32
      %dma_start3A_37 = arith.constant 0 : i32
      %dma_start3A_38 = arith.constant 0 : i32
      %dma_start3A_39 = tpu.memref_slice %arg12[%dma_start3A_36, %dma_start3A_37, %dma_start3A_38] : memref<7x128x32xf32, #tpu.memory_space<vmem>> -> memref<1x128x32xf32, #tpu.memory_space<vmem>>
      %dma_start3A_40 = tpu.memref_squeeze %dma_start3A_39 : memref<1x128x32xf32, #tpu.memory_space<vmem>> -> memref<128x32xf32, #tpu.memory_space<vmem>>
      %dma_start3A_41 = arith.constant 0 : i32
      %dma_start3A_42 = tpu.memref_slice %arg10[%dma_start3A_35, %dma_start3A_41] : memref<7x128xi32, #tpu.memory_space<vmem>> -> memref<1x128xi32, #tpu.memory_space<vmem>>
      %dma_start3A_43 = tpu.memref_squeeze %dma_start3A_42 : memref<1x128xi32, #tpu.memory_space<vmem>> -> memref<128xi32, #tpu.memory_space<vmem>>
      %dma_start3A_44 = arith.constant 0 : i32
      %dma_start3A_45 = arith.constant 0 : i32
      %dma_start3A_46 = tpu.memref_slice %arg2[%arg0, %dma_start3A_44, %dma_start3A_45] : memref<2x50176x32xf32, #tpu.memory_space<hbm>> -> memref<1x50176x32xf32, #tpu.memory_space<hbm>>
      %dma_start3A_47 = tpu.memref_squeeze %dma_start3A_46 : memref<1x50176x32xf32, #tpu.memory_space<hbm>> -> memref<50176x32xf32, #tpu.memory_space<hbm>>
      %dma_start3A_48 = arith.constant 0 : i32
      %dma_start3A_49 = arith.constant 0 : i32
      %dma_start3A_50 = tpu.memref_slice %dma_start3A_47[%dma_start3A_48, %dma_start3A_49] : memref<50176x32xf32, #tpu.memory_space<hbm>> -> memref<50176x32xf32, #tpu.memory_space<hbm>>
      tpu.enqueue_indirect_dma source(%dma_start3A_50 : memref<50176x32xf32, #tpu.memory_space<hbm>>) target(%dma_start3A_40 : memref<128x32xf32, #tpu.memory_space<vmem>>) offsets(%dma_start3A_43 : memref<128xi32, #tpu.memory_space<vmem>>) semaphore(%arg14 : memref<!tpu.dma_semaphore, #tpu.memory_space<semaphore_mem>>)
      %dma_start3A_51 = arith.constant 2 : i32
      %dma_start3A_52 = arith.constant 2 : i32
      %dma_start3A_53 = arith.constant 0 : i32
      %dma_start3A_54 = arith.constant 0 : i32
      %dma_start3A_55 = tpu.memref_slice %arg12[%dma_start3A_52, %dma_start3A_53, %dma_start3A_54] : memref<7x128x32xf32, #tpu.memory_space<vmem>> -> memref<1x128x32xf32, #tpu.memory_space<vmem>>
      %dma_start3A_56 = tpu.memref_squeeze %dma_start3A_55 : memref<1x128x32xf32, #tpu.memory_space<vmem>> -> memref<128x32xf32, #tpu.memory_space<vmem>>
      %dma_start3A_57 = arith.constant 0 : i32
      %dma_start3A_58 = tpu.memref_slice %arg10[%dma_start3A_51, %dma_start3A_57] : memref<7x128xi32, #tpu.memory_space<vmem>> -> memref<1x128xi32, #tpu.memory_space<vmem>>
      %dma_start3A_59 = tpu.memref_squeeze %dma_start3A_58 : memref<1x128xi32, #tpu.memory_space<vmem>> -> memref<128xi32, #tpu.memory_space<vmem>>
      %dma_start3A_60 = arith.constant 0 : i32
      %dma_start3A_61 = arith.constant 0 : i32
      %dma_start3A_62 = tpu.memref_slice %arg2[%arg0, %dma_start3A_60, %dma_start3A_61] : memref<2x50176x32xf32, #tpu.memory_space<hbm>> -> memref<1x50176x32xf32, #tpu.memory_space<hbm>>
      %dma_start3A_63 = tpu.memref_squeeze %dma_start3A_62 : memref<1x50176x32xf32, #tpu.memory_space<hbm>> -> memref<50176x32xf32, #tpu.memory_space<hbm>>
      %dma_start3A_64 = arith.constant 0 : i32
      %dma_start3A_65 = arith.constant 0 : i32
      %dma_start3A_66 = tpu.memref_slice %dma_start3A_63[%dma_start3A_64, %dma_start3A_65] : memref<50176x32xf32, #tpu.memory_space<hbm>> -> memref<50176x32xf32, #tpu.memory_space<hbm>>
      tpu.enqueue_indirect_dma source(%dma_start3A_66 : memref<50176x32xf32, #tpu.memory_space<hbm>>) target(%dma_start3A_56 : memref<128x32xf32, #tpu.memory_space<vmem>>) offsets(%dma_start3A_59 : memref<128xi32, #tpu.memory_space<vmem>>) semaphore(%arg14 : memref<!tpu.dma_semaphore, #tpu.memory_space<semaphore_mem>>)
      %dma_start3A_67 = arith.constant 3 : i32
      %dma_start3A_68 = arith.constant 3 : i32
      %dma_start3A_69 = arith.constant 0 : i32
      %dma_start3A_70 = arith.constant 0 : i32
      %dma_start3A_71 = tpu.memref_slice %arg12[%dma_start3A_68, %dma_start3A_69, %dma_start3A_70] : memref<7x128x32xf32, #tpu.memory_space<vmem>> -> memref<1x128x32xf32, #tpu.memory_space<vmem>>
      %dma_start3A_72 = tpu.memref_squeeze %dma_start3A_71 : memref<1x128x32xf32, #tpu.memory_space<vmem>> -> memref<128x32xf32, #tpu.memory_space<vmem>>
      %dma_start3A_73 = arith.constant 0 : i32
      %dma_start3A_74 = tpu.memref_slice %arg10[%dma_start3A_67, %dma_start3A_73] : memref<7x128xi32, #tpu.memory_space<vmem>> -> memref<1x128xi32, #tpu.memory_space<vmem>>
      %dma_start3A_75 = tpu.memref_squeeze %dma_start3A_74 : memref<1x128xi32, #tpu.memory_space<vmem>> -> memref<128xi32, #tpu.memory_space<vmem>>
      %dma_start3A_76 = arith.constant 0 : i32
      %dma_start3A_77 = arith.constant 0 : i32
      %dma_start3A_78 = tpu.memref_slice %arg2[%arg0, %dma_start3A_76, %dma_start3A_77] : memref<2x50176x32xf32, #tpu.memory_space<hbm>> -> memref<1x50176x32xf32, #tpu.memory_space<hbm>>
      %dma_start3A_79 = tpu.memref_squeeze %dma_start3A_78 : memref<1x50176x32xf32, #tpu.memory_space<hbm>> -> memref<50176x32xf32, #tpu.memory_space<hbm>>
      %dma_start3A_80 = arith.constant 0 : i32
      %dma_start3A_81 = arith.constant 0 : i32
      %dma_start3A_82 = tpu.memref_slice %dma_start3A_79[%dma_start3A_80, %dma_start3A_81] : memref<50176x32xf32, #tpu.memory_space<hbm>> -> memref<50176x32xf32, #tpu.memory_space<hbm>>
      tpu.enqueue_indirect_dma source(%dma_start3A_82 : memref<50176x32xf32, #tpu.memory_space<hbm>>) target(%dma_start3A_72 : memref<128x32xf32, #tpu.memory_space<vmem>>) offsets(%dma_start3A_75 : memref<128xi32, #tpu.memory_space<vmem>>) semaphore(%arg14 : memref<!tpu.dma_semaphore, #tpu.memory_space<semaphore_mem>>)
      %dma_start3A_83 = arith.constant 4 : i32
      %dma_start3A_84 = arith.constant 4 : i32
      %dma_start3A_85 = arith.constant 0 : i32
      %dma_start3A_86 = arith.constant 0 : i32
      %dma_start3A_87 = tpu.memref_slice %arg12[%dma_start3A_84, %dma_start3A_85, %dma_start3A_86] : memref<7x128x32xf32, #tpu.memory_space<vmem>> -> memref<1x128x32xf32, #tpu.memory_space<vmem>>
      %dma_start3A_88 = tpu.memref_squeeze %dma_start3A_87 : memref<1x128x32xf32, #tpu.memory_space<vmem>> -> memref<128x32xf32, #tpu.memory_space<vmem>>
      %dma_start3A_89 = arith.constant 0 : i32
      %dma_start3A_90 = tpu.memref_slice %arg10[%dma_start3A_83, %dma_start3A_89] : memref<7x128xi32, #tpu.memory_space<vmem>> -> memref<1x128xi32, #tpu.memory_space<vmem>>
      %dma_start3A_91 = tpu.memref_squeeze %dma_start3A_90 : memref<1x128xi32, #tpu.memory_space<vmem>> -> memref<128xi32, #tpu.memory_space<vmem>>
      %dma_start3A_92 = arith.constant 0 : i32
      %dma_start3A_93 = arith.constant 0 : i32
      %dma_start3A_94 = tpu.memref_slice %arg2[%arg0, %dma_start3A_92, %dma_start3A_93] : memref<2x50176x32xf32, #tpu.memory_space<hbm>> -> memref<1x50176x32xf32, #tpu.memory_space<hbm>>
      %dma_start3A_95 = tpu.memref_squeeze %dma_start3A_94 : memref<1x50176x32xf32, #tpu.memory_space<hbm>> -> memref<50176x32xf32, #tpu.memory_space<hbm>>
      %dma_start3A_96 = arith.constant 0 : i32
      %dma_start3A_97 = arith.constant 0 : i32
      %dma_start3A_98 = tpu.memref_slice %dma_start3A_95[%dma_start3A_96, %dma_start3A_97] : memref<50176x32xf32, #tpu.memory_space<hbm>> -> memref<50176x32xf32, #tpu.memory_space<hbm>>
      tpu.enqueue_indirect_dma source(%dma_start3A_98 : memref<50176x32xf32, #tpu.memory_space<hbm>>) target(%dma_start3A_88 : memref<128x32xf32, #tpu.memory_space<vmem>>) offsets(%dma_start3A_91 : memref<128xi32, #tpu.memory_space<vmem>>) semaphore(%arg14 : memref<!tpu.dma_semaphore, #tpu.memory_space<semaphore_mem>>)
      %dma_start3A_99 = arith.constant 5 : i32
      %dma_start3A_100 = arith.constant 5 : i32
      %dma_start3A_101 = arith.constant 0 : i32
      %dma_start3A_102 = arith.constant 0 : i32
      %dma_start3A_103 = tpu.memref_slice %arg12[%dma_start3A_100, %dma_start3A_101, %dma_start3A_102] : memref<7x128x32xf32, #tpu.memory_space<vmem>> -> memref<1x128x32xf32, #tpu.memory_space<vmem>>
      %dma_start3A_104 = tpu.memref_squeeze %dma_start3A_103 : memref<1x128x32xf32, #tpu.memory_space<vmem>> -> memref<128x32xf32, #tpu.memory_space<vmem>>
      %dma_start3A_105 = arith.constant 0 : i32
      %dma_start3A_106 = tpu.memref_slice %arg10[%dma_start3A_99, %dma_start3A_105] : memref<7x128xi32, #tpu.memory_space<vmem>> -> memref<1x128xi32, #tpu.memory_space<vmem>>
      %dma_start3A_107 = tpu.memref_squeeze %dma_start3A_106 : memref<1x128xi32, #tpu.memory_space<vmem>> -> memref<128xi32, #tpu.memory_space<vmem>>
      %dma_start3A_108 = arith.constant 0 : i32
      %dma_start3A_109 = arith.constant 0 : i32
      %dma_start3A_110 = tpu.memref_slice %arg2[%arg0, %dma_start3A_108, %dma_start3A_109] : memref<2x50176x32xf32, #tpu.memory_space<hbm>> -> memref<1x50176x32xf32, #tpu.memory_space<hbm>>
      %dma_start3A_111 = tpu.memref_squeeze %dma_start3A_110 : memref<1x50176x32xf32, #tpu.memory_space<hbm>> -> memref<50176x32xf32, #tpu.memory_space<hbm>>
      %dma_start3A_112 = arith.constant 0 : i32
      %dma_start3A_113 = arith.constant 0 : i32
      %dma_start3A_114 = tpu.memref_slice %dma_start3A_111[%dma_start3A_112, %dma_start3A_113] : memref<50176x32xf32, #tpu.memory_space<hbm>> -> memref<50176x32xf32, #tpu.memory_space<hbm>>
      tpu.enqueue_indirect_dma source(%dma_start3A_114 : memref<50176x32xf32, #tpu.memory_space<hbm>>) target(%dma_start3A_104 : memref<128x32xf32, #tpu.memory_space<vmem>>) offsets(%dma_start3A_107 : memref<128xi32, #tpu.memory_space<vmem>>) semaphore(%arg14 : memref<!tpu.dma_semaphore, #tpu.memory_space<semaphore_mem>>)
      %dma_start3A_115 = arith.constant 6 : i32
      %dma_start3A_116 = arith.constant 6 : i32
      %dma_start3A_117 = arith.constant 0 : i32
      %dma_start3A_118 = arith.constant 0 : i32
      %dma_start3A_119 = tpu.memref_slice %arg12[%dma_start3A_116, %dma_start3A_117, %dma_start3A_118] : memref<7x128x32xf32, #tpu.memory_space<vmem>> -> memref<1x128x32xf32, #tpu.memory_space<vmem>>
      %dma_start3A_120 = tpu.memref_squeeze %dma_start3A_119 : memref<1x128x32xf32, #tpu.memory_space<vmem>> -> memref<128x32xf32, #tpu.memory_space<vmem>>
      %dma_start3A_121 = arith.constant 0 : i32
      %dma_start3A_122 = tpu.memref_slice %arg10[%dma_start3A_115, %dma_start3A_121] : memref<7x128xi32, #tpu.memory_space<vmem>> -> memref<1x128xi32, #tpu.memory_space<vmem>>
      %dma_start3A_123 = tpu.memref_squeeze %dma_start3A_122 : memref<1x128xi32, #tpu.memory_space<vmem>> -> memref<128xi32, #tpu.memory_space<vmem>>
      %dma_start3A_124 = arith.constant 0 : i32
      %dma_start3A_125 = arith.constant 0 : i32
      %dma_start3A_126 = tpu.memref_slice %arg2[%arg0, %dma_start3A_124, %dma_start3A_125] : memref<2x50176x32xf32, #tpu.memory_space<hbm>> -> memref<1x50176x32xf32, #tpu.memory_space<hbm>>
      %dma_start3A_127 = tpu.memref_squeeze %dma_start3A_126 : memref<1x50176x32xf32, #tpu.memory_space<hbm>> -> memref<50176x32xf32, #tpu.memory_space<hbm>>
      %dma_start3A_128 = arith.constant 0 : i32
      %dma_start3A_129 = arith.constant 0 : i32
      %dma_start3A_130 = tpu.memref_slice %dma_start3A_127[%dma_start3A_128, %dma_start3A_129] : memref<50176x32xf32, #tpu.memory_space<hbm>> -> memref<50176x32xf32, #tpu.memory_space<hbm>>
      tpu.enqueue_indirect_dma source(%dma_start3A_130 : memref<50176x32xf32, #tpu.memory_space<hbm>>) target(%dma_start3A_120 : memref<128x32xf32, #tpu.memory_space<vmem>>) offsets(%dma_start3A_123 : memref<128xi32, #tpu.memory_space<vmem>>) semaphore(%arg14 : memref<!tpu.dma_semaphore, #tpu.memory_space<semaphore_mem>>)
      %dma_wait3A = arith.constant 0 : i32
      %dma_wait3A_131 = arith.constant 0 : i32
      %dma_wait3A_132 = arith.constant 0 : i32
      %dma_wait3A_133 = arith.constant 0 : i32
      %dma_wait3A_134 = tpu.memref_slice %arg12[%dma_wait3A_131, %dma_wait3A_132, %dma_wait3A_133] : memref<7x128x32xf32, #tpu.memory_space<vmem>> -> memref<1x128x32xf32, #tpu.memory_space<vmem>>
      %dma_wait3A_135 = tpu.memref_squeeze %dma_wait3A_134 : memref<1x128x32xf32, #tpu.memory_space<vmem>> -> memref<128x32xf32, #tpu.memory_space<vmem>>
      %dma_wait3A_136 = arith.constant 0 : i32
      %dma_wait3A_137 = tpu.memref_slice %arg10[%dma_wait3A, %dma_wait3A_136] : memref<7x128xi32, #tpu.memory_space<vmem>> -> memref<1x128xi32, #tpu.memory_space<vmem>>
      %dma_wait3A_138 = tpu.memref_squeeze %dma_wait3A_137 : memref<1x128xi32, #tpu.memory_space<vmem>> -> memref<128xi32, #tpu.memory_space<vmem>>
      %dma_wait3A_139 = arith.constant 0 : i32
      %dma_wait3A_140 = arith.constant 0 : i32
      %dma_wait3A_141 = tpu.memref_slice %arg2[%arg0, %dma_wait3A_139, %dma_wait3A_140] : memref<2x50176x32xf32, #tpu.memory_space<hbm>> -> memref<1x50176x32xf32, #tpu.memory_space<hbm>>
      %dma_wait3A_142 = tpu.memref_squeeze %dma_wait3A_141 : memref<1x50176x32xf32, #tpu.memory_space<hbm>> -> memref<50176x32xf32, #tpu.memory_space<hbm>>
      %dma_wait3A_143 = arith.constant 0 : i32
      %dma_wait3A_144 = arith.constant 0 : i32
      %dma_wait3A_145 = tpu.memref_slice %dma_wait3A_142[%dma_wait3A_143, %dma_wait3A_144] : memref<50176x32xf32, #tpu.memory_space<hbm>> -> memref<50176x32xf32, #tpu.memory_space<hbm>>
      tpu.wait_indirect_dma semaphore(%arg14 : memref<!tpu.dma_semaphore, #tpu.memory_space<semaphore_mem>>) src(%dma_wait3A_145 : memref<50176x32xf32, #tpu.memory_space<hbm>>) dst(%dma_wait3A_135 : memref<128x32xf32, #tpu.memory_space<vmem>>)
      %dma_start3A_146 = arith.constant 0 : i32
      %dma_start3A_147 = arith.constant 0 : i32
      %dma_start3A_148 = arith.constant 0 : i32
      %dma_start3A_149 = arith.constant 0 : i32
      %dma_start3A_150 = tpu.memref_slice %arg12[%dma_start3A_146, %dma_start3A_148, %dma_start3A_149] : memref<7x128x32xf32, #tpu.memory_space<vmem>> -> memref<1x128x32xf32, #tpu.memory_space<vmem>>
      %dma_start3A_151 = tpu.memref_squeeze %dma_start3A_150 : memref<1x128x32xf32, #tpu.memory_space<vmem>> -> memref<128x32xf32, #tpu.memory_space<vmem>>
      %dma_start3A_152 = arith.constant 0 : i32
      %dma_start3A_153 = tpu.memref_slice %arg11[%dma_start3A_147, %dma_start3A_152] : memref<7x128xi32, #tpu.memory_space<vmem>> -> memref<1x128xi32, #tpu.memory_space<vmem>>
      %dma_start3A_154 = tpu.memref_squeeze %dma_start3A_153 : memref<1x128xi32, #tpu.memory_space<vmem>> -> memref<128xi32, #tpu.memory_space<vmem>>
      %dma_start3A_155 = arith.constant 0 : i32
      %dma_start3A_156 = arith.constant 0 : i32
      %dma_start3A_157 = tpu.memref_slice %arg13[%dma_start3A_155, %dma_start3A_156] : memref<50176x32xf32, #tpu.memory_space<vmem_shared>> -> memref<50176x32xf32, #tpu.memory_space<vmem_shared>>
      tpu.enqueue_indirect_dma source(%dma_start3A_151 : memref<128x32xf32, #tpu.memory_space<vmem>>) target(%dma_start3A_157 : memref<50176x32xf32, #tpu.memory_space<vmem_shared>>) offsets(%dma_start3A_154 : memref<128xi32, #tpu.memory_space<vmem>>) semaphore(%arg15 : memref<!tpu.dma_semaphore, #tpu.memory_space<semaphore_mem>>) {add = true}
      %dma_wait3A_158 = arith.constant 1 : i32
      %dma_wait3A_159 = arith.constant 1 : i32
      %dma_wait3A_160 = arith.constant 0 : i32
      %dma_wait3A_161 = arith.constant 0 : i32
      %dma_wait3A_162 = tpu.memref_slice %arg12[%dma_wait3A_159, %dma_wait3A_160, %dma_wait3A_161] : memref<7x128x32xf32, #tpu.memory_space<vmem>> -> memref<1x128x32xf32, #tpu.memory_space<vmem>>
      %dma_wait3A_163 = tpu.memref_squeeze %dma_wait3A_162 : memref<1x128x32xf32, #tpu.memory_space<vmem>> -> memref<128x32xf32, #tpu.memory_space<vmem>>
      %dma_wait3A_164 = arith.constant 0 : i32
      %dma_wait3A_165 = tpu.memref_slice %arg10[%dma_wait3A_158, %dma_wait3A_164] : memref<7x128xi32, #tpu.memory_space<vmem>> -> memref<1x128xi32, #tpu.memory_space<vmem>>
      %dma_wait3A_166 = tpu.memref_squeeze %dma_wait3A_165 : memref<1x128xi32, #tpu.memory_space<vmem>> -> memref<128xi32, #tpu.memory_space<vmem>>
      %dma_wait3A_167 = arith.constant 0 : i32
      %dma_wait3A_168 = arith.constant 0 : i32
      %dma_wait3A_169 = tpu.memref_slice %arg2[%arg0, %dma_wait3A_167, %dma_wait3A_168] : memref<2x50176x32xf32, #tpu.memory_space<hbm>> -> memref<1x50176x32xf32, #tpu.memory_space<hbm>>
      %dma_wait3A_170 = tpu.memref_squeeze %dma_wait3A_169 : memref<1x50176x32xf32, #tpu.memory_space<hbm>> -> memref<50176x32xf32, #tpu.memory_space<hbm>>
      %dma_wait3A_171 = arith.constant 0 : i32
      %dma_wait3A_172 = arith.constant 0 : i32
      %dma_wait3A_173 = tpu.memref_slice %dma_wait3A_170[%dma_wait3A_171, %dma_wait3A_172] : memref<50176x32xf32, #tpu.memory_space<hbm>> -> memref<50176x32xf32, #tpu.memory_space<hbm>>
      tpu.wait_indirect_dma semaphore(%arg14 : memref<!tpu.dma_semaphore, #tpu.memory_space<semaphore_mem>>) src(%dma_wait3A_173 : memref<50176x32xf32, #tpu.memory_space<hbm>>) dst(%dma_wait3A_163 : memref<128x32xf32, #tpu.memory_space<vmem>>)
      %dma_start3A_174 = arith.constant 1 : i32
      %dma_start3A_175 = arith.constant 1 : i32
      %dma_start3A_176 = arith.constant 0 : i32
      %dma_start3A_177 = arith.constant 0 : i32
      %dma_start3A_178 = tpu.memref_slice %arg12[%dma_start3A_174, %dma_start3A_176, %dma_start3A_177] : memref<7x128x32xf32, #tpu.memory_space<vmem>> -> memref<1x128x32xf32, #tpu.memory_space<vmem>>
      %dma_start3A_179 = tpu.memref_squeeze %dma_start3A_178 : memref<1x128x32xf32, #tpu.memory_space<vmem>> -> memref<128x32xf32, #tpu.memory_space<vmem>>
      %dma_start3A_180 = arith.constant 0 : i32
      %dma_start3A_181 = tpu.memref_slice %arg11[%dma_start3A_175, %dma_start3A_180] : memref<7x128xi32, #tpu.memory_space<vmem>> -> memref<1x128xi32, #tpu.memory_space<vmem>>
      %dma_start3A_182 = tpu.memref_squeeze %dma_start3A_181 : memref<1x128xi32, #tpu.memory_space<vmem>> -> memref<128xi32, #tpu.memory_space<vmem>>
      %dma_start3A_183 = arith.constant 0 : i32
      %dma_start3A_184 = arith.constant 0 : i32
      %dma_start3A_185 = tpu.memref_slice %arg13[%dma_start3A_183, %dma_start3A_184] : memref<50176x32xf32, #tpu.memory_space<vmem_shared>> -> memref<50176x32xf32, #tpu.memory_space<vmem_shared>>
      tpu.enqueue_indirect_dma source(%dma_start3A_179 : memref<128x32xf32, #tpu.memory_space<vmem>>) target(%dma_start3A_185 : memref<50176x32xf32, #tpu.memory_space<vmem_shared>>) offsets(%dma_start3A_182 : memref<128xi32, #tpu.memory_space<vmem>>) semaphore(%arg15 : memref<!tpu.dma_semaphore, #tpu.memory_space<semaphore_mem>>) {add = true}
      %dma_wait3A_186 = arith.constant 2 : i32
      %dma_wait3A_187 = arith.constant 2 : i32
      %dma_wait3A_188 = arith.constant 0 : i32
      %dma_wait3A_189 = arith.constant 0 : i32
      %dma_wait3A_190 = tpu.memref_slice %arg12[%dma_wait3A_187, %dma_wait3A_188, %dma_wait3A_189] : memref<7x128x32xf32, #tpu.memory_space<vmem>> -> memref<1x128x32xf32, #tpu.memory_space<vmem>>
      %dma_wait3A_191 = tpu.memref_squeeze %dma_wait3A_190 : memref<1x128x32xf32, #tpu.memory_space<vmem>> -> memref<128x32xf32, #tpu.memory_space<vmem>>
      %dma_wait3A_192 = arith.constant 0 : i32
      %dma_wait3A_193 = tpu.memref_slice %arg10[%dma_wait3A_186, %dma_wait3A_192] : memref<7x128xi32, #tpu.memory_space<vmem>> -> memref<1x128xi32, #tpu.memory_space<vmem>>
      %dma_wait3A_194 = tpu.memref_squeeze %dma_wait3A_193 : memref<1x128xi32, #tpu.memory_space<vmem>> -> memref<128xi32, #tpu.memory_space<vmem>>
      %dma_wait3A_195 = arith.constant 0 : i32
      %dma_wait3A_196 = arith.constant 0 : i32
      %dma_wait3A_197 = tpu.memref_slice %arg2[%arg0, %dma_wait3A_195, %dma_wait3A_196] : memref<2x50176x32xf32, #tpu.memory_space<hbm>> -> memref<1x50176x32xf32, #tpu.memory_space<hbm>>
      %dma_wait3A_198 = tpu.memref_squeeze %dma_wait3A_197 : memref<1x50176x32xf32, #tpu.memory_space<hbm>> -> memref<50176x32xf32, #tpu.memory_space<hbm>>
      %dma_wait3A_199 = arith.constant 0 : i32
      %dma_wait3A_200 = arith.constant 0 : i32
      %dma_wait3A_201 = tpu.memref_slice %dma_wait3A_198[%dma_wait3A_199, %dma_wait3A_200] : memref<50176x32xf32, #tpu.memory_space<hbm>> -> memref<50176x32xf32, #tpu.memory_space<hbm>>
      tpu.wait_indirect_dma semaphore(%arg14 : memref<!tpu.dma_semaphore, #tpu.memory_space<semaphore_mem>>) src(%dma_wait3A_201 : memref<50176x32xf32, #tpu.memory_space<hbm>>) dst(%dma_wait3A_191 : memref<128x32xf32, #tpu.memory_space<vmem>>)
      %dma_start3A_202 = arith.constant 2 : i32
      %dma_start3A_203 = arith.constant 2 : i32
      %dma_start3A_204 = arith.constant 0 : i32
      %dma_start3A_205 = arith.constant 0 : i32
      %dma_start3A_206 = tpu.memref_slice %arg12[%dma_start3A_202, %dma_start3A_204, %dma_start3A_205] : memref<7x128x32xf32, #tpu.memory_space<vmem>> -> memref<1x128x32xf32, #tpu.memory_space<vmem>>
      %dma_start3A_207 = tpu.memref_squeeze %dma_start3A_206 : memref<1x128x32xf32, #tpu.memory_space<vmem>> -> memref<128x32xf32, #tpu.memory_space<vmem>>
      %dma_start3A_208 = arith.constant 0 : i32
      %dma_start3A_209 = tpu.memref_slice %arg11[%dma_start3A_203, %dma_start3A_208] : memref<7x128xi32, #tpu.memory_space<vmem>> -> memref<1x128xi32, #tpu.memory_space<vmem>>
      %dma_start3A_210 = tpu.memref_squeeze %dma_start3A_209 : memref<1x128xi32, #tpu.memory_space<vmem>> -> memref<128xi32, #tpu.memory_space<vmem>>
      %dma_start3A_211 = arith.constant 0 : i32
      %dma_start3A_212 = arith.constant 0 : i32
      %dma_start3A_213 = tpu.memref_slice %arg13[%dma_start3A_211, %dma_start3A_212] : memref<50176x32xf32, #tpu.memory_space<vmem_shared>> -> memref<50176x32xf32, #tpu.memory_space<vmem_shared>>
      tpu.enqueue_indirect_dma source(%dma_start3A_207 : memref<128x32xf32, #tpu.memory_space<vmem>>) target(%dma_start3A_213 : memref<50176x32xf32, #tpu.memory_space<vmem_shared>>) offsets(%dma_start3A_210 : memref<128xi32, #tpu.memory_space<vmem>>) semaphore(%arg15 : memref<!tpu.dma_semaphore, #tpu.memory_space<semaphore_mem>>) {add = true}
      %dma_wait3A_214 = arith.constant 3 : i32
      %dma_wait3A_215 = arith.constant 3 : i32
      %dma_wait3A_216 = arith.constant 0 : i32
      %dma_wait3A_217 = arith.constant 0 : i32
      %dma_wait3A_218 = tpu.memref_slice %arg12[%dma_wait3A_215, %dma_wait3A_216, %dma_wait3A_217] : memref<7x128x32xf32, #tpu.memory_space<vmem>> -> memref<1x128x32xf32, #tpu.memory_space<vmem>>
      %dma_wait3A_219 = tpu.memref_squeeze %dma_wait3A_218 : memref<1x128x32xf32, #tpu.memory_space<vmem>> -> memref<128x32xf32, #tpu.memory_space<vmem>>
      %dma_wait3A_220 = arith.constant 0 : i32
      %dma_wait3A_221 = tpu.memref_slice %arg10[%dma_wait3A_214, %dma_wait3A_220] : memref<7x128xi32, #tpu.memory_space<vmem>> -> memref<1x128xi32, #tpu.memory_space<vmem>>
      %dma_wait3A_222 = tpu.memref_squeeze %dma_wait3A_221 : memref<1x128xi32, #tpu.memory_space<vmem>> -> memref<128xi32, #tpu.memory_space<vmem>>
      %dma_wait3A_223 = arith.constant 0 : i32
      %dma_wait3A_224 = arith.constant 0 : i32
      %dma_wait3A_225 = tpu.memref_slice %arg2[%arg0, %dma_wait3A_223, %dma_wait3A_224] : memref<2x50176x32xf32, #tpu.memory_space<hbm>> -> memref<1x50176x32xf32, #tpu.memory_space<hbm>>
      %dma_wait3A_226 = tpu.memref_squeeze %dma_wait3A_225 : memref<1x50176x32xf32, #tpu.memory_space<hbm>> -> memref<50176x32xf32, #tpu.memory_space<hbm>>
      %dma_wait3A_227 = arith.constant 0 : i32
      %dma_wait3A_228 = arith.constant 0 : i32
      %dma_wait3A_229 = tpu.memref_slice %dma_wait3A_226[%dma_wait3A_227, %dma_wait3A_228] : memref<50176x32xf32, #tpu.memory_space<hbm>> -> memref<50176x32xf32, #tpu.memory_space<hbm>>
      tpu.wait_indirect_dma semaphore(%arg14 : memref<!tpu.dma_semaphore, #tpu.memory_space<semaphore_mem>>) src(%dma_wait3A_229 : memref<50176x32xf32, #tpu.memory_space<hbm>>) dst(%dma_wait3A_219 : memref<128x32xf32, #tpu.memory_space<vmem>>)
      %dma_start3A_230 = arith.constant 3 : i32
      %dma_start3A_231 = arith.constant 3 : i32
      %dma_start3A_232 = arith.constant 0 : i32
      %dma_start3A_233 = arith.constant 0 : i32
      %dma_start3A_234 = tpu.memref_slice %arg12[%dma_start3A_230, %dma_start3A_232, %dma_start3A_233] : memref<7x128x32xf32, #tpu.memory_space<vmem>> -> memref<1x128x32xf32, #tpu.memory_space<vmem>>
      %dma_start3A_235 = tpu.memref_squeeze %dma_start3A_234 : memref<1x128x32xf32, #tpu.memory_space<vmem>> -> memref<128x32xf32, #tpu.memory_space<vmem>>
      %dma_start3A_236 = arith.constant 0 : i32
      %dma_start3A_237 = tpu.memref_slice %arg11[%dma_start3A_231, %dma_start3A_236] : memref<7x128xi32, #tpu.memory_space<vmem>> -> memref<1x128xi32, #tpu.memory_space<vmem>>
      %dma_start3A_238 = tpu.memref_squeeze %dma_start3A_237 : memref<1x128xi32, #tpu.memory_space<vmem>> -> memref<128xi32, #tpu.memory_space<vmem>>
      %dma_start3A_239 = arith.constant 0 : i32
      %dma_start3A_240 = arith.constant 0 : i32
      %dma_start3A_241 = tpu.memref_slice %arg13[%dma_start3A_239, %dma_start3A_240] : memref<50176x32xf32, #tpu.memory_space<vmem_shared>> -> memref<50176x32xf32, #tpu.memory_space<vmem_shared>>
      tpu.enqueue_indirect_dma source(%dma_start3A_235 : memref<128x32xf32, #tpu.memory_space<vmem>>) target(%dma_start3A_241 : memref<50176x32xf32, #tpu.memory_space<vmem_shared>>) offsets(%dma_start3A_238 : memref<128xi32, #tpu.memory_space<vmem>>) semaphore(%arg15 : memref<!tpu.dma_semaphore, #tpu.memory_space<semaphore_mem>>) {add = true}
      %dma_wait3A_242 = arith.constant 4 : i32
      %dma_wait3A_243 = arith.constant 4 : i32
      %dma_wait3A_244 = arith.constant 0 : i32
      %dma_wait3A_245 = arith.constant 0 : i32
      %dma_wait3A_246 = tpu.memref_slice %arg12[%dma_wait3A_243, %dma_wait3A_244, %dma_wait3A_245] : memref<7x128x32xf32, #tpu.memory_space<vmem>> -> memref<1x128x32xf32, #tpu.memory_space<vmem>>
      %dma_wait3A_247 = tpu.memref_squeeze %dma_wait3A_246 : memref<1x128x32xf32, #tpu.memory_space<vmem>> -> memref<128x32xf32, #tpu.memory_space<vmem>>
      %dma_wait3A_248 = arith.constant 0 : i32
      %dma_wait3A_249 = tpu.memref_slice %arg10[%dma_wait3A_242, %dma_wait3A_248] : memref<7x128xi32, #tpu.memory_space<vmem>> -> memref<1x128xi32, #tpu.memory_space<vmem>>
      %dma_wait3A_250 = tpu.memref_squeeze %dma_wait3A_249 : memref<1x128xi32, #tpu.memory_space<vmem>> -> memref<128xi32, #tpu.memory_space<vmem>>
      %dma_wait3A_251 = arith.constant 0 : i32
      %dma_wait3A_252 = arith.constant 0 : i32
      %dma_wait3A_253 = tpu.memref_slice %arg2[%arg0, %dma_wait3A_251, %dma_wait3A_252] : memref<2x50176x32xf32, #tpu.memory_space<hbm>> -> memref<1x50176x32xf32, #tpu.memory_space<hbm>>
      %dma_wait3A_254 = tpu.memref_squeeze %dma_wait3A_253 : memref<1x50176x32xf32, #tpu.memory_space<hbm>> -> memref<50176x32xf32, #tpu.memory_space<hbm>>
      %dma_wait3A_255 = arith.constant 0 : i32
      %dma_wait3A_256 = arith.constant 0 : i32
      %dma_wait3A_257 = tpu.memref_slice %dma_wait3A_254[%dma_wait3A_255, %dma_wait3A_256] : memref<50176x32xf32, #tpu.memory_space<hbm>> -> memref<50176x32xf32, #tpu.memory_space<hbm>>
      tpu.wait_indirect_dma semaphore(%arg14 : memref<!tpu.dma_semaphore, #tpu.memory_space<semaphore_mem>>) src(%dma_wait3A_257 : memref<50176x32xf32, #tpu.memory_space<hbm>>) dst(%dma_wait3A_247 : memref<128x32xf32, #tpu.memory_space<vmem>>)
      %dma_start3A_258 = arith.constant 4 : i32
      %dma_start3A_259 = arith.constant 4 : i32
      %dma_start3A_260 = arith.constant 0 : i32
      %dma_start3A_261 = arith.constant 0 : i32
      %dma_start3A_262 = tpu.memref_slice %arg12[%dma_start3A_258, %dma_start3A_260, %dma_start3A_261] : memref<7x128x32xf32, #tpu.memory_space<vmem>> -> memref<1x128x32xf32, #tpu.memory_space<vmem>>
      %dma_start3A_263 = tpu.memref_squeeze %dma_start3A_262 : memref<1x128x32xf32, #tpu.memory_space<vmem>> -> memref<128x32xf32, #tpu.memory_space<vmem>>
      %dma_start3A_264 = arith.constant 0 : i32
      %dma_start3A_265 = tpu.memref_slice %arg11[%dma_start3A_259, %dma_start3A_264] : memref<7x128xi32, #tpu.memory_space<vmem>> -> memref<1x128xi32, #tpu.memory_space<vmem>>
      %dma_start3A_266 = tpu.memref_squeeze %dma_start3A_265 : memref<1x128xi32, #tpu.memory_space<vmem>> -> memref<128xi32, #tpu.memory_space<vmem>>
      %dma_start3A_267 = arith.constant 0 : i32
      %dma_start3A_268 = arith.constant 0 : i32
      %dma_start3A_269 = tpu.memref_slice %arg13[%dma_start3A_267, %dma_start3A_268] : memref<50176x32xf32, #tpu.memory_space<vmem_shared>> -> memref<50176x32xf32, #tpu.memory_space<vmem_shared>>
      tpu.enqueue_indirect_dma source(%dma_start3A_263 : memref<128x32xf32, #tpu.memory_space<vmem>>) target(%dma_start3A_269 : memref<50176x32xf32, #tpu.memory_space<vmem_shared>>) offsets(%dma_start3A_266 : memref<128xi32, #tpu.memory_space<vmem>>) semaphore(%arg15 : memref<!tpu.dma_semaphore, #tpu.memory_space<semaphore_mem>>) {add = true}
      %dma_wait3A_270 = arith.constant 5 : i32
      %dma_wait3A_271 = arith.constant 5 : i32
      %dma_wait3A_272 = arith.constant 0 : i32
      %dma_wait3A_273 = arith.constant 0 : i32
      %dma_wait3A_274 = tpu.memref_slice %arg12[%dma_wait3A_271, %dma_wait3A_272, %dma_wait3A_273] : memref<7x128x32xf32, #tpu.memory_space<vmem>> -> memref<1x128x32xf32, #tpu.memory_space<vmem>>
      %dma_wait3A_275 = tpu.memref_squeeze %dma_wait3A_274 : memref<1x128x32xf32, #tpu.memory_space<vmem>> -> memref<128x32xf32, #tpu.memory_space<vmem>>
      %dma_wait3A_276 = arith.constant 0 : i32
      %dma_wait3A_277 = tpu.memref_slice %arg10[%dma_wait3A_270, %dma_wait3A_276] : memref<7x128xi32, #tpu.memory_space<vmem>> -> memref<1x128xi32, #tpu.memory_space<vmem>>
      %dma_wait3A_278 = tpu.memref_squeeze %dma_wait3A_277 : memref<1x128xi32, #tpu.memory_space<vmem>> -> memref<128xi32, #tpu.memory_space<vmem>>
      %dma_wait3A_279 = arith.constant 0 : i32
      %dma_wait3A_280 = arith.constant 0 : i32
      %dma_wait3A_281 = tpu.memref_slice %arg2[%arg0, %dma_wait3A_279, %dma_wait3A_280] : memref<2x50176x32xf32, #tpu.memory_space<hbm>> -> memref<1x50176x32xf32, #tpu.memory_space<hbm>>
      %dma_wait3A_282 = tpu.memref_squeeze %dma_wait3A_281 : memref<1x50176x32xf32, #tpu.memory_space<hbm>> -> memref<50176x32xf32, #tpu.memory_space<hbm>>
      %dma_wait3A_283 = arith.constant 0 : i32
      %dma_wait3A_284 = arith.constant 0 : i32
      %dma_wait3A_285 = tpu.memref_slice %dma_wait3A_282[%dma_wait3A_283, %dma_wait3A_284] : memref<50176x32xf32, #tpu.memory_space<hbm>> -> memref<50176x32xf32, #tpu.memory_space<hbm>>
      tpu.wait_indirect_dma semaphore(%arg14 : memref<!tpu.dma_semaphore, #tpu.memory_space<semaphore_mem>>) src(%dma_wait3A_285 : memref<50176x32xf32, #tpu.memory_space<hbm>>) dst(%dma_wait3A_275 : memref<128x32xf32, #tpu.memory_space<vmem>>)
      %dma_start3A_286 = arith.constant 5 : i32
      %dma_start3A_287 = arith.constant 5 : i32
      %dma_start3A_288 = arith.constant 0 : i32
      %dma_start3A_289 = arith.constant 0 : i32
      %dma_start3A_290 = tpu.memref_slice %arg12[%dma_start3A_286, %dma_start3A_288, %dma_start3A_289] : memref<7x128x32xf32, #tpu.memory_space<vmem>> -> memref<1x128x32xf32, #tpu.memory_space<vmem>>
      %dma_start3A_291 = tpu.memref_squeeze %dma_start3A_290 : memref<1x128x32xf32, #tpu.memory_space<vmem>> -> memref<128x32xf32, #tpu.memory_space<vmem>>
      %dma_start3A_292 = arith.constant 0 : i32
      %dma_start3A_293 = tpu.memref_slice %arg11[%dma_start3A_287, %dma_start3A_292] : memref<7x128xi32, #tpu.memory_space<vmem>> -> memref<1x128xi32, #tpu.memory_space<vmem>>
      %dma_start3A_294 = tpu.memref_squeeze %dma_start3A_293 : memref<1x128xi32, #tpu.memory_space<vmem>> -> memref<128xi32, #tpu.memory_space<vmem>>
      %dma_start3A_295 = arith.constant 0 : i32
      %dma_start3A_296 = arith.constant 0 : i32
      %dma_start3A_297 = tpu.memref_slice %arg13[%dma_start3A_295, %dma_start3A_296] : memref<50176x32xf32, #tpu.memory_space<vmem_shared>> -> memref<50176x32xf32, #tpu.memory_space<vmem_shared>>
      tpu.enqueue_indirect_dma source(%dma_start3A_291 : memref<128x32xf32, #tpu.memory_space<vmem>>) target(%dma_start3A_297 : memref<50176x32xf32, #tpu.memory_space<vmem_shared>>) offsets(%dma_start3A_294 : memref<128xi32, #tpu.memory_space<vmem>>) semaphore(%arg15 : memref<!tpu.dma_semaphore, #tpu.memory_space<semaphore_mem>>) {add = true}
      %dma_wait3A_298 = arith.constant 6 : i32
      %dma_wait3A_299 = arith.constant 6 : i32
      %dma_wait3A_300 = arith.constant 0 : i32
      %dma_wait3A_301 = arith.constant 0 : i32
      %dma_wait3A_302 = tpu.memref_slice %arg12[%dma_wait3A_299, %dma_wait3A_300, %dma_wait3A_301] : memref<7x128x32xf32, #tpu.memory_space<vmem>> -> memref<1x128x32xf32, #tpu.memory_space<vmem>>
      %dma_wait3A_303 = tpu.memref_squeeze %dma_wait3A_302 : memref<1x128x32xf32, #tpu.memory_space<vmem>> -> memref<128x32xf32, #tpu.memory_space<vmem>>
      %dma_wait3A_304 = arith.constant 0 : i32
      %dma_wait3A_305 = tpu.memref_slice %arg10[%dma_wait3A_298, %dma_wait3A_304] : memref<7x128xi32, #tpu.memory_space<vmem>> -> memref<1x128xi32, #tpu.memory_space<vmem>>
      %dma_wait3A_306 = tpu.memref_squeeze %dma_wait3A_305 : memref<1x128xi32, #tpu.memory_space<vmem>> -> memref<128xi32, #tpu.memory_space<vmem>>
      %dma_wait3A_307 = arith.constant 0 : i32
      %dma_wait3A_308 = arith.constant 0 : i32
      %dma_wait3A_309 = tpu.memref_slice %arg2[%arg0, %dma_wait3A_307, %dma_wait3A_308] : memref<2x50176x32xf32, #tpu.memory_space<hbm>> -> memref<1x50176x32xf32, #tpu.memory_space<hbm>>
      %dma_wait3A_310 = tpu.memref_squeeze %dma_wait3A_309 : memref<1x50176x32xf32, #tpu.memory_space<hbm>> -> memref<50176x32xf32, #tpu.memory_space<hbm>>
      %dma_wait3A_311 = arith.constant 0 : i32
      %dma_wait3A_312 = arith.constant 0 : i32
      %dma_wait3A_313 = tpu.memref_slice %dma_wait3A_310[%dma_wait3A_311, %dma_wait3A_312] : memref<50176x32xf32, #tpu.memory_space<hbm>> -> memref<50176x32xf32, #tpu.memory_space<hbm>>
      tpu.wait_indirect_dma semaphore(%arg14 : memref<!tpu.dma_semaphore, #tpu.memory_space<semaphore_mem>>) src(%dma_wait3A_313 : memref<50176x32xf32, #tpu.memory_space<hbm>>) dst(%dma_wait3A_303 : memref<128x32xf32, #tpu.memory_space<vmem>>)
      %dma_start3A_314 = arith.constant 6 : i32
      %dma_start3A_315 = arith.constant 6 : i32
      %dma_start3A_316 = arith.constant 0 : i32
      %dma_start3A_317 = arith.constant 0 : i32
      %dma_start3A_318 = tpu.memref_slice %arg12[%dma_start3A_314, %dma_start3A_316, %dma_start3A_317] : memref<7x128x32xf32, #tpu.memory_space<vmem>> -> memref<1x128x32xf32, #tpu.memory_space<vmem>>
      %dma_start3A_319 = tpu.memref_squeeze %dma_start3A_318 : memref<1x128x32xf32, #tpu.memory_space<vmem>> -> memref<128x32xf32, #tpu.memory_space<vmem>>
      %dma_start3A_320 = arith.constant 0 : i32
      %dma_start3A_321 = tpu.memref_slice %arg11[%dma_start3A_315, %dma_start3A_320] : memref<7x128xi32, #tpu.memory_space<vmem>> -> memref<1x128xi32, #tpu.memory_space<vmem>>
      %dma_start3A_322 = tpu.memref_squeeze %dma_start3A_321 : memref<1x128xi32, #tpu.memory_space<vmem>> -> memref<128xi32, #tpu.memory_space<vmem>>
      %dma_start3A_323 = arith.constant 0 : i32
      %dma_start3A_324 = arith.constant 0 : i32
      %dma_start3A_325 = tpu.memref_slice %arg13[%dma_start3A_323, %dma_start3A_324] : memref<50176x32xf32, #tpu.memory_space<vmem_shared>> -> memref<50176x32xf32, #tpu.memory_space<vmem_shared>>
      tpu.enqueue_indirect_dma source(%dma_start3A_319 : memref<128x32xf32, #tpu.memory_space<vmem>>) target(%dma_start3A_325 : memref<50176x32xf32, #tpu.memory_space<vmem_shared>>) offsets(%dma_start3A_322 : memref<128xi32, #tpu.memory_space<vmem>>) semaphore(%arg15 : memref<!tpu.dma_semaphore, #tpu.memory_space<semaphore_mem>>) {add = true}
      %dma_wait3A_326 = arith.constant 0 : i32
      %dma_wait3A_327 = arith.constant 0 : i32
      %dma_wait3A_328 = arith.constant 0 : i32
      %dma_wait3A_329 = arith.constant 0 : i32
      %dma_wait3A_330 = tpu.memref_slice %arg12[%dma_wait3A_326, %dma_wait3A_328, %dma_wait3A_329] : memref<7x128x32xf32, #tpu.memory_space<vmem>> -> memref<1x128x32xf32, #tpu.memory_space<vmem>>
      %dma_wait3A_331 = tpu.memref_squeeze %dma_wait3A_330 : memref<1x128x32xf32, #tpu.memory_space<vmem>> -> memref<128x32xf32, #tpu.memory_space<vmem>>
      %dma_wait3A_332 = arith.constant 0 : i32
      %dma_wait3A_333 = tpu.memref_slice %arg11[%dma_wait3A_327, %dma_wait3A_332] : memref<7x128xi32, #tpu.memory_space<vmem>> -> memref<1x128xi32, #tpu.memory_space<vmem>>
      %dma_wait3A_334 = tpu.memref_squeeze %dma_wait3A_333 : memref<1x128xi32, #tpu.memory_space<vmem>> -> memref<128xi32, #tpu.memory_space<vmem>>
      %dma_wait3A_335 = arith.constant 0 : i32
      %dma_wait3A_336 = arith.constant 0 : i32
      %dma_wait3A_337 = tpu.memref_slice %arg13[%dma_wait3A_335, %dma_wait3A_336] : memref<50176x32xf32, #tpu.memory_space<vmem_shared>> -> memref<50176x32xf32, #tpu.memory_space<vmem_shared>>
      tpu.wait_indirect_dma semaphore(%arg15 : memref<!tpu.dma_semaphore, #tpu.memory_space<semaphore_mem>>) src(%dma_wait3A_331 : memref<128x32xf32, #tpu.memory_space<vmem>>) dst(%dma_wait3A_337 : memref<50176x32xf32, #tpu.memory_space<vmem_shared>>)
      %dma_wait3A_338 = arith.constant 1 : i32
      %dma_wait3A_339 = arith.constant 1 : i32
      %dma_wait3A_340 = arith.constant 0 : i32
      %dma_wait3A_341 = arith.constant 0 : i32
      %dma_wait3A_342 = tpu.memref_slice %arg12[%dma_wait3A_338, %dma_wait3A_340, %dma_wait3A_341] : memref<7x128x32xf32, #tpu.memory_space<vmem>> -> memref<1x128x32xf32, #tpu.memory_space<vmem>>
      %dma_wait3A_343 = tpu.memref_squeeze %dma_wait3A_342 : memref<1x128x32xf32, #tpu.memory_space<vmem>> -> memref<128x32xf32, #tpu.memory_space<vmem>>
      %dma_wait3A_344 = arith.constant 0 : i32
      %dma_wait3A_345 = tpu.memref_slice %arg11[%dma_wait3A_339, %dma_wait3A_344] : memref<7x128xi32, #tpu.memory_space<vmem>> -> memref<1x128xi32, #tpu.memory_space<vmem>>
      %dma_wait3A_346 = tpu.memref_squeeze %dma_wait3A_345 : memref<1x128xi32, #tpu.memory_space<vmem>> -> memref<128xi32, #tpu.memory_space<vmem>>
      %dma_wait3A_347 = arith.constant 0 : i32
      %dma_wait3A_348 = arith.constant 0 : i32
      %dma_wait3A_349 = tpu.memref_slice %arg13[%dma_wait3A_347, %dma_wait3A_348] : memref<50176x32xf32, #tpu.memory_space<vmem_shared>> -> memref<50176x32xf32, #tpu.memory_space<vmem_shared>>
      tpu.wait_indirect_dma semaphore(%arg15 : memref<!tpu.dma_semaphore, #tpu.memory_space<semaphore_mem>>) src(%dma_wait3A_343 : memref<128x32xf32, #tpu.memory_space<vmem>>) dst(%dma_wait3A_349 : memref<50176x32xf32, #tpu.memory_space<vmem_shared>>)
      %dma_wait3A_350 = arith.constant 2 : i32
      %dma_wait3A_351 = arith.constant 2 : i32
      %dma_wait3A_352 = arith.constant 0 : i32
      %dma_wait3A_353 = arith.constant 0 : i32
      %dma_wait3A_354 = tpu.memref_slice %arg12[%dma_wait3A_350, %dma_wait3A_352, %dma_wait3A_353] : memref<7x128x32xf32, #tpu.memory_space<vmem>> -> memref<1x128x32xf32, #tpu.memory_space<vmem>>
      %dma_wait3A_355 = tpu.memref_squeeze %dma_wait3A_354 : memref<1x128x32xf32, #tpu.memory_space<vmem>> -> memref<128x32xf32, #tpu.memory_space<vmem>>
      %dma_wait3A_356 = arith.constant 0 : i32
      %dma_wait3A_357 = tpu.memref_slice %arg11[%dma_wait3A_351, %dma_wait3A_356] : memref<7x128xi32, #tpu.memory_space<vmem>> -> memref<1x128xi32, #tpu.memory_space<vmem>>
      %dma_wait3A_358 = tpu.memref_squeeze %dma_wait3A_357 : memref<1x128xi32, #tpu.memory_space<vmem>> -> memref<128xi32, #tpu.memory_space<vmem>>
      %dma_wait3A_359 = arith.constant 0 : i32
      %dma_wait3A_360 = arith.constant 0 : i32
      %dma_wait3A_361 = tpu.memref_slice %arg13[%dma_wait3A_359, %dma_wait3A_360] : memref<50176x32xf32, #tpu.memory_space<vmem_shared>> -> memref<50176x32xf32, #tpu.memory_space<vmem_shared>>
      tpu.wait_indirect_dma semaphore(%arg15 : memref<!tpu.dma_semaphore, #tpu.memory_space<semaphore_mem>>) src(%dma_wait3A_355 : memref<128x32xf32, #tpu.memory_space<vmem>>) dst(%dma_wait3A_361 : memref<50176x32xf32, #tpu.memory_space<vmem_shared>>)
      %dma_wait3A_362 = arith.constant 3 : i32
      %dma_wait3A_363 = arith.constant 3 : i32
      %dma_wait3A_364 = arith.constant 0 : i32
      %dma_wait3A_365 = arith.constant 0 : i32
      %dma_wait3A_366 = tpu.memref_slice %arg12[%dma_wait3A_362, %dma_wait3A_364, %dma_wait3A_365] : memref<7x128x32xf32, #tpu.memory_space<vmem>> -> memref<1x128x32xf32, #tpu.memory_space<vmem>>
      %dma_wait3A_367 = tpu.memref_squeeze %dma_wait3A_366 : memref<1x128x32xf32, #tpu.memory_space<vmem>> -> memref<128x32xf32, #tpu.memory_space<vmem>>
      %dma_wait3A_368 = arith.constant 0 : i32
      %dma_wait3A_369 = tpu.memref_slice %arg11[%dma_wait3A_363, %dma_wait3A_368] : memref<7x128xi32, #tpu.memory_space<vmem>> -> memref<1x128xi32, #tpu.memory_space<vmem>>
      %dma_wait3A_370 = tpu.memref_squeeze %dma_wait3A_369 : memref<1x128xi32, #tpu.memory_space<vmem>> -> memref<128xi32, #tpu.memory_space<vmem>>
      %dma_wait3A_371 = arith.constant 0 : i32
      %dma_wait3A_372 = arith.constant 0 : i32
      %dma_wait3A_373 = tpu.memref_slice %arg13[%dma_wait3A_371, %dma_wait3A_372] : memref<50176x32xf32, #tpu.memory_space<vmem_shared>> -> memref<50176x32xf32, #tpu.memory_space<vmem_shared>>
      tpu.wait_indirect_dma semaphore(%arg15 : memref<!tpu.dma_semaphore, #tpu.memory_space<semaphore_mem>>) src(%dma_wait3A_367 : memref<128x32xf32, #tpu.memory_space<vmem>>) dst(%dma_wait3A_373 : memref<50176x32xf32, #tpu.memory_space<vmem_shared>>)
      %dma_wait3A_374 = arith.constant 4 : i32
      %dma_wait3A_375 = arith.constant 4 : i32
      %dma_wait3A_376 = arith.constant 0 : i32
      %dma_wait3A_377 = arith.constant 0 : i32
      %dma_wait3A_378 = tpu.memref_slice %arg12[%dma_wait3A_374, %dma_wait3A_376, %dma_wait3A_377] : memref<7x128x32xf32, #tpu.memory_space<vmem>> -> memref<1x128x32xf32, #tpu.memory_space<vmem>>
      %dma_wait3A_379 = tpu.memref_squeeze %dma_wait3A_378 : memref<1x128x32xf32, #tpu.memory_space<vmem>> -> memref<128x32xf32, #tpu.memory_space<vmem>>
      %dma_wait3A_380 = arith.constant 0 : i32
      %dma_wait3A_381 = tpu.memref_slice %arg11[%dma_wait3A_375, %dma_wait3A_380] : memref<7x128xi32, #tpu.memory_space<vmem>> -> memref<1x128xi32, #tpu.memory_space<vmem>>
      %dma_wait3A_382 = tpu.memref_squeeze %dma_wait3A_381 : memref<1x128xi32, #tpu.memory_space<vmem>> -> memref<128xi32, #tpu.memory_space<vmem>>
      %dma_wait3A_383 = arith.constant 0 : i32
      %dma_wait3A_384 = arith.constant 0 : i32
      %dma_wait3A_385 = tpu.memref_slice %arg13[%dma_wait3A_383, %dma_wait3A_384] : memref<50176x32xf32, #tpu.memory_space<vmem_shared>> -> memref<50176x32xf32, #tpu.memory_space<vmem_shared>>
      tpu.wait_indirect_dma semaphore(%arg15 : memref<!tpu.dma_semaphore, #tpu.memory_space<semaphore_mem>>) src(%dma_wait3A_379 : memref<128x32xf32, #tpu.memory_space<vmem>>) dst(%dma_wait3A_385 : memref<50176x32xf32, #tpu.memory_space<vmem_shared>>)
      %dma_wait3A_386 = arith.constant 5 : i32
      %dma_wait3A_387 = arith.constant 5 : i32
      %dma_wait3A_388 = arith.constant 0 : i32
      %dma_wait3A_389 = arith.constant 0 : i32
      %dma_wait3A_390 = tpu.memref_slice %arg12[%dma_wait3A_386, %dma_wait3A_388, %dma_wait3A_389] : memref<7x128x32xf32, #tpu.memory_space<vmem>> -> memref<1x128x32xf32, #tpu.memory_space<vmem>>
      %dma_wait3A_391 = tpu.memref_squeeze %dma_wait3A_390 : memref<1x128x32xf32, #tpu.memory_space<vmem>> -> memref<128x32xf32, #tpu.memory_space<vmem>>
      %dma_wait3A_392 = arith.constant 0 : i32
      %dma_wait3A_393 = tpu.memref_slice %arg11[%dma_wait3A_387, %dma_wait3A_392] : memref<7x128xi32, #tpu.memory_space<vmem>> -> memref<1x128xi32, #tpu.memory_space<vmem>>
      %dma_wait3A_394 = tpu.memref_squeeze %dma_wait3A_393 : memref<1x128xi32, #tpu.memory_space<vmem>> -> memref<128xi32, #tpu.memory_space<vmem>>
      %dma_wait3A_395 = arith.constant 0 : i32
      %dma_wait3A_396 = arith.constant 0 : i32
      %dma_wait3A_397 = tpu.memref_slice %arg13[%dma_wait3A_395, %dma_wait3A_396] : memref<50176x32xf32, #tpu.memory_space<vmem_shared>> -> memref<50176x32xf32, #tpu.memory_space<vmem_shared>>
      tpu.wait_indirect_dma semaphore(%arg15 : memref<!tpu.dma_semaphore, #tpu.memory_space<semaphore_mem>>) src(%dma_wait3A_391 : memref<128x32xf32, #tpu.memory_space<vmem>>) dst(%dma_wait3A_397 : memref<50176x32xf32, #tpu.memory_space<vmem_shared>>)
      %dma_wait3A_398 = arith.constant 6 : i32
      %dma_wait3A_399 = arith.constant 6 : i32
      %dma_wait3A_400 = arith.constant 0 : i32
      %dma_wait3A_401 = arith.constant 0 : i32
      %dma_wait3A_402 = tpu.memref_slice %arg12[%dma_wait3A_398, %dma_wait3A_400, %dma_wait3A_401] : memref<7x128x32xf32, #tpu.memory_space<vmem>> -> memref<1x128x32xf32, #tpu.memory_space<vmem>>
      %dma_wait3A_403 = tpu.memref_squeeze %dma_wait3A_402 : memref<1x128x32xf32, #tpu.memory_space<vmem>> -> memref<128x32xf32, #tpu.memory_space<vmem>>
      %dma_wait3A_404 = arith.constant 0 : i32
      %dma_wait3A_405 = tpu.memref_slice %arg11[%dma_wait3A_399, %dma_wait3A_404] : memref<7x128xi32, #tpu.memory_space<vmem>> -> memref<1x128xi32, #tpu.memory_space<vmem>>
      %dma_wait3A_406 = tpu.memref_squeeze %dma_wait3A_405 : memref<1x128xi32, #tpu.memory_space<vmem>> -> memref<128xi32, #tpu.memory_space<vmem>>
      %dma_wait3A_407 = arith.constant 0 : i32
      %dma_wait3A_408 = arith.constant 0 : i32
      %dma_wait3A_409 = tpu.memref_slice %arg13[%dma_wait3A_407, %dma_wait3A_408] : memref<50176x32xf32, #tpu.memory_space<vmem_shared>> -> memref<50176x32xf32, #tpu.memory_space<vmem_shared>>
      tpu.wait_indirect_dma semaphore(%arg15 : memref<!tpu.dma_semaphore, #tpu.memory_space<semaphore_mem>>) src(%dma_wait3A_403 : memref<128x32xf32, #tpu.memory_space<vmem>>) dst(%dma_wait3A_409 : memref<50176x32xf32, #tpu.memory_space<vmem_shared>>)
    }
    %scan3A_7 = arith.constant 56 : i32
    %barrier3A_8 = arith.constant 0 : index
    tpu.barrier barrier_id(%barrier3A_8)
    "tpu.region"() ({
      %run_scoped3A = tpu.sem_alloc : memref<!tpu.dma_semaphore, #tpu.memory_space<semaphore_mem>>
      %dma_start3A = arith.constant 0 : i32
      %dma_start3A_17 = tpu.memref_slice %arg8[%arg0, %mul3A_2, %dma_start3A] : memref<2x50176x32xf32, #tpu.memory_space<hbm>> -> memref<1x3136x32xf32, #tpu.memory_space<hbm>>
      %dma_start3A_18 = tpu.memref_squeeze %dma_start3A_17 : memref<1x3136x32xf32, #tpu.memory_space<hbm>> -> memref<3136x32xf32, #tpu.memory_space<hbm>>
      %dma_start3A_19 = arith.constant 0 : i32
      %dma_start3A_20 = tpu.memref_slice %arg13[%mul3A_2, %dma_start3A_19] : memref<50176x32xf32, #tpu.memory_space<vmem_shared>> -> memref<3136x32xf32, #tpu.memory_space<vmem_shared>>
      tpu.enqueue_dma source(%dma_start3A_20 : memref<3136x32xf32, #tpu.memory_space<vmem_shared>>) target(%dma_start3A_18 : memref<3136x32xf32, #tpu.memory_space<hbm>>) target_semaphore(%run_scoped3A : memref<!tpu.dma_semaphore, #tpu.memory_space<semaphore_mem>>)
      %dma_wait3A = arith.constant 0 : i32
      %dma_wait3A_21 = tpu.memref_slice %arg8[%arg0, %mul3A_2, %dma_wait3A] : memref<2x50176x32xf32, #tpu.memory_space<hbm>> -> memref<1x3136x32xf32, #tpu.memory_space<hbm>>
      %dma_wait3A_22 = tpu.memref_squeeze %dma_wait3A_21 : memref<1x3136x32xf32, #tpu.memory_space<hbm>> -> memref<3136x32xf32, #tpu.memory_space<hbm>>
      %dma_wait3A_23 = arith.constant 0 : i32
      %dma_wait3A_24 = tpu.memref_slice %arg13[%mul3A_2, %dma_wait3A_23] : memref<50176x32xf32, #tpu.memory_space<vmem_shared>> -> memref<3136x32xf32, #tpu.memory_space<vmem_shared>>
      tpu.wait_dma2 semaphore(%run_scoped3A : memref<!tpu.dma_semaphore, #tpu.memory_space<semaphore_mem>>) src(%dma_wait3A_24 : memref<3136x32xf32, #tpu.memory_space<vmem_shared>>) dst(%dma_wait3A_22 : memref<3136x32xf32, #tpu.memory_space<hbm>>)
      tpu.yield
    }) : () -> ()
    "tpu.region"() ({
      %run_scoped3A = tpu.sem_alloc : memref<!tpu.dma_semaphore, #tpu.memory_space<semaphore_mem>>
      %dma_start3A = arith.constant 0 : i32
      %dma_start3A_17 = tpu.memref_slice %arg13[%mul3A_2, %dma_start3A] : memref<50176x32xf32, #tpu.memory_space<vmem_shared>> -> memref<3136x32xf32, #tpu.memory_space<vmem_shared>>
      %dma_start3A_18 = arith.constant 0 : i32
      %dma_start3A_19 = tpu.memref_slice %arg7[%mul3A_2, %dma_start3A_18] : memref<50176x32xf32, #tpu.memory_space<hbm>> -> memref<3136x32xf32, #tpu.memory_space<hbm>>
      tpu.enqueue_dma source(%dma_start3A_19 : memref<3136x32xf32, #tpu.memory_space<hbm>>) target(%dma_start3A_17 : memref<3136x32xf32, #tpu.memory_space<vmem_shared>>) target_semaphore(%run_scoped3A : memref<!tpu.dma_semaphore, #tpu.memory_space<semaphore_mem>>)
      %dma_wait3A = arith.constant 0 : i32
      %dma_wait3A_20 = tpu.memref_slice %arg13[%mul3A_2, %dma_wait3A] : memref<50176x32xf32, #tpu.memory_space<vmem_shared>> -> memref<3136x32xf32, #tpu.memory_space<vmem_shared>>
      %dma_wait3A_21 = arith.constant 0 : i32
      %dma_wait3A_22 = tpu.memref_slice %arg7[%mul3A_2, %dma_wait3A_21] : memref<50176x32xf32, #tpu.memory_space<hbm>> -> memref<3136x32xf32, #tpu.memory_space<hbm>>
      tpu.wait_dma2 semaphore(%run_scoped3A : memref<!tpu.dma_semaphore, #tpu.memory_space<semaphore_mem>>) src(%dma_wait3A_22 : memref<3136x32xf32, #tpu.memory_space<hbm>>) dst(%dma_wait3A_20 : memref<3136x32xf32, #tpu.memory_space<vmem_shared>>)
      tpu.yield
    }) : () -> ()
    %barrier3A_9 = arith.constant 0 : index
    tpu.barrier barrier_id(%barrier3A_9)
    %scan3A_10 = arith.constant 0 : i32
    %scan3A_11 = arith.constant 0 : i32
    %scan3A_12 = arith.constant 56 : i32
    %scan3A_13 = arith.addi %scan3A_11, %scan3A_12 : i32
    %scan3A_14 = arith.constant 1 : i32
    scf.for %scan3A_17 = %scan3A_11 to %scan3A_13 step %scan3A_14  : i32 {
      %mul3A_18 = arith.constant 7 : i32
      %mul3A_19 = arith.muli %scan3A_17, %mul3A_18 : i32
      %add3A = arith.addi %mul3A_0, %mul3A_19 : i32
      "tpu.region"() ({
        %run_scoped3A = tpu.sem_alloc : memref<!tpu.dma_semaphore, #tpu.memory_space<semaphore_mem>>
        %dma_start3A_410 = arith.constant 0 : i32
        %dma_start3A_411 = tpu.memref_slice %arg5[%add3A, %dma_start3A_410] : memref<6280x128xi32, #tpu.memory_space<hbm>> -> memref<7x128xi32, #tpu.memory_space<hbm>>
        %dma_start3A_412 = arith.constant 0 : i32
        %dma_start3A_413 = tpu.memref_slice %arg5[%add3A, %dma_start3A_412] : memref<6280x128xi32, #tpu.memory_space<hbm>> -> memref<7x128xi32, #tpu.memory_space<hbm>>
        tpu.enqueue_dma source(%dma_start3A_413 : memref<7x128xi32, #tpu.memory_space<hbm>>) target(%arg10 : memref<7x128xi32, #tpu.memory_space<vmem>>) target_semaphore(%run_scoped3A : memref<!tpu.dma_semaphore, #tpu.memory_space<semaphore_mem>>)
        %dma_wait3A_414 = arith.constant 0 : i32
        %dma_wait3A_415 = tpu.memref_slice %arg5[%add3A, %dma_wait3A_414] : memref<6280x128xi32, #tpu.memory_space<hbm>> -> memref<7x128xi32, #tpu.memory_space<hbm>>
        %dma_wait3A_416 = arith.constant 0 : i32
        %dma_wait3A_417 = tpu.memref_slice %arg5[%add3A, %dma_wait3A_416] : memref<6280x128xi32, #tpu.memory_space<hbm>> -> memref<7x128xi32, #tpu.memory_space<hbm>>
        tpu.wait_dma2 semaphore(%run_scoped3A : memref<!tpu.dma_semaphore, #tpu.memory_space<semaphore_mem>>) src(%dma_wait3A_417 : memref<7x128xi32, #tpu.memory_space<hbm>>) dst(%arg10 : memref<7x128xi32, #tpu.memory_space<vmem>>)
        tpu.yield
      }) : () -> ()
      "tpu.region"() ({
        %run_scoped3A = tpu.sem_alloc : memref<!tpu.dma_semaphore, #tpu.memory_space<semaphore_mem>>
        %dma_start3A_410 = arith.constant 0 : i32
        %dma_start3A_411 = tpu.memref_slice %arg6[%add3A, %dma_start3A_410] : memref<6280x128xi32, #tpu.memory_space<hbm>> -> memref<7x128xi32, #tpu.memory_space<hbm>>
        %dma_start3A_412 = arith.constant 0 : i32
        %dma_start3A_413 = tpu.memref_slice %arg6[%add3A, %dma_start3A_412] : memref<6280x128xi32, #tpu.memory_space<hbm>> -> memref<7x128xi32, #tpu.memory_space<hbm>>
        tpu.enqueue_dma source(%dma_start3A_413 : memref<7x128xi32, #tpu.memory_space<hbm>>) target(%arg11 : memref<7x128xi32, #tpu.memory_space<vmem>>) target_semaphore(%run_scoped3A : memref<!tpu.dma_semaphore, #tpu.memory_space<semaphore_mem>>)
        %dma_wait3A_414 = arith.constant 0 : i32
        %dma_wait3A_415 = tpu.memref_slice %arg6[%add3A, %dma_wait3A_414] : memref<6280x128xi32, #tpu.memory_space<hbm>> -> memref<7x128xi32, #tpu.memory_space<hbm>>
        %dma_wait3A_416 = arith.constant 0 : i32
        %dma_wait3A_417 = tpu.memref_slice %arg6[%add3A, %dma_wait3A_416] : memref<6280x128xi32, #tpu.memory_space<hbm>> -> memref<7x128xi32, #tpu.memory_space<hbm>>
        tpu.wait_dma2 semaphore(%run_scoped3A : memref<!tpu.dma_semaphore, #tpu.memory_space<semaphore_mem>>) src(%dma_wait3A_417 : memref<7x128xi32, #tpu.memory_space<hbm>>) dst(%arg11 : memref<7x128xi32, #tpu.memory_space<vmem>>)
        tpu.yield
      }) : () -> ()
      %dma_start3A = arith.constant 0 : i32
      %dma_start3A_20 = arith.constant 0 : i32
      %dma_start3A_21 = arith.constant 0 : i32
      %dma_start3A_22 = arith.constant 0 : i32
      %dma_start3A_23 = tpu.memref_slice %arg12[%dma_start3A_20, %dma_start3A_21, %dma_start3A_22] : memref<7x128x32xf32, #tpu.memory_space<vmem>> -> memref<1x128x32xf32, #tpu.memory_space<vmem>>
      %dma_start3A_24 = tpu.memref_squeeze %dma_start3A_23 : memref<1x128x32xf32, #tpu.memory_space<vmem>> -> memref<128x32xf32, #tpu.memory_space<vmem>>
      %dma_start3A_25 = arith.constant 0 : i32
      %dma_start3A_26 = tpu.memref_slice %arg10[%dma_start3A, %dma_start3A_25] : memref<7x128xi32, #tpu.memory_space<vmem>> -> memref<1x128xi32, #tpu.memory_space<vmem>>
      %dma_start3A_27 = tpu.memref_squeeze %dma_start3A_26 : memref<1x128xi32, #tpu.memory_space<vmem>> -> memref<128xi32, #tpu.memory_space<vmem>>
      %dma_start3A_28 = arith.constant 0 : i32
      %dma_start3A_29 = arith.constant 0 : i32
      %dma_start3A_30 = tpu.memref_slice %arg2[%arg0, %dma_start3A_28, %dma_start3A_29] : memref<2x50176x32xf32, #tpu.memory_space<hbm>> -> memref<1x50176x32xf32, #tpu.memory_space<hbm>>
      %dma_start3A_31 = tpu.memref_squeeze %dma_start3A_30 : memref<1x50176x32xf32, #tpu.memory_space<hbm>> -> memref<50176x32xf32, #tpu.memory_space<hbm>>
      %dma_start3A_32 = arith.constant 0 : i32
      %dma_start3A_33 = arith.constant 0 : i32
      %dma_start3A_34 = tpu.memref_slice %dma_start3A_31[%dma_start3A_32, %dma_start3A_33] : memref<50176x32xf32, #tpu.memory_space<hbm>> -> memref<50176x32xf32, #tpu.memory_space<hbm>>
      tpu.enqueue_indirect_dma source(%dma_start3A_34 : memref<50176x32xf32, #tpu.memory_space<hbm>>) target(%dma_start3A_24 : memref<128x32xf32, #tpu.memory_space<vmem>>) offsets(%dma_start3A_27 : memref<128xi32, #tpu.memory_space<vmem>>) semaphore(%arg14 : memref<!tpu.dma_semaphore, #tpu.memory_space<semaphore_mem>>)
      %dma_start3A_35 = arith.constant 1 : i32
      %dma_start3A_36 = arith.constant 1 : i32
      %dma_start3A_37 = arith.constant 0 : i32
      %dma_start3A_38 = arith.constant 0 : i32
      %dma_start3A_39 = tpu.memref_slice %arg12[%dma_start3A_36, %dma_start3A_37, %dma_start3A_38] : memref<7x128x32xf32, #tpu.memory_space<vmem>> -> memref<1x128x32xf32, #tpu.memory_space<vmem>>
      %dma_start3A_40 = tpu.memref_squeeze %dma_start3A_39 : memref<1x128x32xf32, #tpu.memory_space<vmem>> -> memref<128x32xf32, #tpu.memory_space<vmem>>
      %dma_start3A_41 = arith.constant 0 : i32
      %dma_start3A_42 = tpu.memref_slice %arg10[%dma_start3A_35, %dma_start3A_41] : memref<7x128xi32, #tpu.memory_space<vmem>> -> memref<1x128xi32, #tpu.memory_space<vmem>>
      %dma_start3A_43 = tpu.memref_squeeze %dma_start3A_42 : memref<1x128xi32, #tpu.memory_space<vmem>> -> memref<128xi32, #tpu.memory_space<vmem>>
      %dma_start3A_44 = arith.constant 0 : i32
      %dma_start3A_45 = arith.constant 0 : i32
      %dma_start3A_46 = tpu.memref_slice %arg2[%arg0, %dma_start3A_44, %dma_start3A_45] : memref<2x50176x32xf32, #tpu.memory_space<hbm>> -> memref<1x50176x32xf32, #tpu.memory_space<hbm>>
      %dma_start3A_47 = tpu.memref_squeeze %dma_start3A_46 : memref<1x50176x32xf32, #tpu.memory_space<hbm>> -> memref<50176x32xf32, #tpu.memory_space<hbm>>
      %dma_start3A_48 = arith.constant 0 : i32
      %dma_start3A_49 = arith.constant 0 : i32
      %dma_start3A_50 = tpu.memref_slice %dma_start3A_47[%dma_start3A_48, %dma_start3A_49] : memref<50176x32xf32, #tpu.memory_space<hbm>> -> memref<50176x32xf32, #tpu.memory_space<hbm>>
      tpu.enqueue_indirect_dma source(%dma_start3A_50 : memref<50176x32xf32, #tpu.memory_space<hbm>>) target(%dma_start3A_40 : memref<128x32xf32, #tpu.memory_space<vmem>>) offsets(%dma_start3A_43 : memref<128xi32, #tpu.memory_space<vmem>>) semaphore(%arg14 : memref<!tpu.dma_semaphore, #tpu.memory_space<semaphore_mem>>)
      %dma_start3A_51 = arith.constant 2 : i32
      %dma_start3A_52 = arith.constant 2 : i32
      %dma_start3A_53 = arith.constant 0 : i32
      %dma_start3A_54 = arith.constant 0 : i32
      %dma_start3A_55 = tpu.memref_slice %arg12[%dma_start3A_52, %dma_start3A_53, %dma_start3A_54] : memref<7x128x32xf32, #tpu.memory_space<vmem>> -> memref<1x128x32xf32, #tpu.memory_space<vmem>>
      %dma_start3A_56 = tpu.memref_squeeze %dma_start3A_55 : memref<1x128x32xf32, #tpu.memory_space<vmem>> -> memref<128x32xf32, #tpu.memory_space<vmem>>
      %dma_start3A_57 = arith.constant 0 : i32
      %dma_start3A_58 = tpu.memref_slice %arg10[%dma_start3A_51, %dma_start3A_57] : memref<7x128xi32, #tpu.memory_space<vmem>> -> memref<1x128xi32, #tpu.memory_space<vmem>>
      %dma_start3A_59 = tpu.memref_squeeze %dma_start3A_58 : memref<1x128xi32, #tpu.memory_space<vmem>> -> memref<128xi32, #tpu.memory_space<vmem>>
      %dma_start3A_60 = arith.constant 0 : i32
      %dma_start3A_61 = arith.constant 0 : i32
      %dma_start3A_62 = tpu.memref_slice %arg2[%arg0, %dma_start3A_60, %dma_start3A_61] : memref<2x50176x32xf32, #tpu.memory_space<hbm>> -> memref<1x50176x32xf32, #tpu.memory_space<hbm>>
      %dma_start3A_63 = tpu.memref_squeeze %dma_start3A_62 : memref<1x50176x32xf32, #tpu.memory_space<hbm>> -> memref<50176x32xf32, #tpu.memory_space<hbm>>
      %dma_start3A_64 = arith.constant 0 : i32
      %dma_start3A_65 = arith.constant 0 : i32
      %dma_start3A_66 = tpu.memref_slice %dma_start3A_63[%dma_start3A_64, %dma_start3A_65] : memref<50176x32xf32, #tpu.memory_space<hbm>> -> memref<50176x32xf32, #tpu.memory_space<hbm>>
      tpu.enqueue_indirect_dma source(%dma_start3A_66 : memref<50176x32xf32, #tpu.memory_space<hbm>>) target(%dma_start3A_56 : memref<128x32xf32, #tpu.memory_space<vmem>>) offsets(%dma_start3A_59 : memref<128xi32, #tpu.memory_space<vmem>>) semaphore(%arg14 : memref<!tpu.dma_semaphore, #tpu.memory_space<semaphore_mem>>)
      %dma_start3A_67 = arith.constant 3 : i32
      %dma_start3A_68 = arith.constant 3 : i32
      %dma_start3A_69 = arith.constant 0 : i32
      %dma_start3A_70 = arith.constant 0 : i32
      %dma_start3A_71 = tpu.memref_slice %arg12[%dma_start3A_68, %dma_start3A_69, %dma_start3A_70] : memref<7x128x32xf32, #tpu.memory_space<vmem>> -> memref<1x128x32xf32, #tpu.memory_space<vmem>>
      %dma_start3A_72 = tpu.memref_squeeze %dma_start3A_71 : memref<1x128x32xf32, #tpu.memory_space<vmem>> -> memref<128x32xf32, #tpu.memory_space<vmem>>
      %dma_start3A_73 = arith.constant 0 : i32
      %dma_start3A_74 = tpu.memref_slice %arg10[%dma_start3A_67, %dma_start3A_73] : memref<7x128xi32, #tpu.memory_space<vmem>> -> memref<1x128xi32, #tpu.memory_space<vmem>>
      %dma_start3A_75 = tpu.memref_squeeze %dma_start3A_74 : memref<1x128xi32, #tpu.memory_space<vmem>> -> memref<128xi32, #tpu.memory_space<vmem>>
      %dma_start3A_76 = arith.constant 0 : i32
      %dma_start3A_77 = arith.constant 0 : i32
      %dma_start3A_78 = tpu.memref_slice %arg2[%arg0, %dma_start3A_76, %dma_start3A_77] : memref<2x50176x32xf32, #tpu.memory_space<hbm>> -> memref<1x50176x32xf32, #tpu.memory_space<hbm>>
      %dma_start3A_79 = tpu.memref_squeeze %dma_start3A_78 : memref<1x50176x32xf32, #tpu.memory_space<hbm>> -> memref<50176x32xf32, #tpu.memory_space<hbm>>
      %dma_start3A_80 = arith.constant 0 : i32
      %dma_start3A_81 = arith.constant 0 : i32
      %dma_start3A_82 = tpu.memref_slice %dma_start3A_79[%dma_start3A_80, %dma_start3A_81] : memref<50176x32xf32, #tpu.memory_space<hbm>> -> memref<50176x32xf32, #tpu.memory_space<hbm>>
      tpu.enqueue_indirect_dma source(%dma_start3A_82 : memref<50176x32xf32, #tpu.memory_space<hbm>>) target(%dma_start3A_72 : memref<128x32xf32, #tpu.memory_space<vmem>>) offsets(%dma_start3A_75 : memref<128xi32, #tpu.memory_space<vmem>>) semaphore(%arg14 : memref<!tpu.dma_semaphore, #tpu.memory_space<semaphore_mem>>)
      %dma_start3A_83 = arith.constant 4 : i32
      %dma_start3A_84 = arith.constant 4 : i32
      %dma_start3A_85 = arith.constant 0 : i32
      %dma_start3A_86 = arith.constant 0 : i32
      %dma_start3A_87 = tpu.memref_slice %arg12[%dma_start3A_84, %dma_start3A_85, %dma_start3A_86] : memref<7x128x32xf32, #tpu.memory_space<vmem>> -> memref<1x128x32xf32, #tpu.memory_space<vmem>>
      %dma_start3A_88 = tpu.memref_squeeze %dma_start3A_87 : memref<1x128x32xf32, #tpu.memory_space<vmem>> -> memref<128x32xf32, #tpu.memory_space<vmem>>
      %dma_start3A_89 = arith.constant 0 : i32
      %dma_start3A_90 = tpu.memref_slice %arg10[%dma_start3A_83, %dma_start3A_89] : memref<7x128xi32, #tpu.memory_space<vmem>> -> memref<1x128xi32, #tpu.memory_space<vmem>>
      %dma_start3A_91 = tpu.memref_squeeze %dma_start3A_90 : memref<1x128xi32, #tpu.memory_space<vmem>> -> memref<128xi32, #tpu.memory_space<vmem>>
      %dma_start3A_92 = arith.constant 0 : i32
      %dma_start3A_93 = arith.constant 0 : i32
      %dma_start3A_94 = tpu.memref_slice %arg2[%arg0, %dma_start3A_92, %dma_start3A_93] : memref<2x50176x32xf32, #tpu.memory_space<hbm>> -> memref<1x50176x32xf32, #tpu.memory_space<hbm>>
      %dma_start3A_95 = tpu.memref_squeeze %dma_start3A_94 : memref<1x50176x32xf32, #tpu.memory_space<hbm>> -> memref<50176x32xf32, #tpu.memory_space<hbm>>
      %dma_start3A_96 = arith.constant 0 : i32
      %dma_start3A_97 = arith.constant 0 : i32
      %dma_start3A_98 = tpu.memref_slice %dma_start3A_95[%dma_start3A_96, %dma_start3A_97] : memref<50176x32xf32, #tpu.memory_space<hbm>> -> memref<50176x32xf32, #tpu.memory_space<hbm>>
      tpu.enqueue_indirect_dma source(%dma_start3A_98 : memref<50176x32xf32, #tpu.memory_space<hbm>>) target(%dma_start3A_88 : memref<128x32xf32, #tpu.memory_space<vmem>>) offsets(%dma_start3A_91 : memref<128xi32, #tpu.memory_space<vmem>>) semaphore(%arg14 : memref<!tpu.dma_semaphore, #tpu.memory_space<semaphore_mem>>)
      %dma_start3A_99 = arith.constant 5 : i32
      %dma_start3A_100 = arith.constant 5 : i32
      %dma_start3A_101 = arith.constant 0 : i32
      %dma_start3A_102 = arith.constant 0 : i32
      %dma_start3A_103 = tpu.memref_slice %arg12[%dma_start3A_100, %dma_start3A_101, %dma_start3A_102] : memref<7x128x32xf32, #tpu.memory_space<vmem>> -> memref<1x128x32xf32, #tpu.memory_space<vmem>>
      %dma_start3A_104 = tpu.memref_squeeze %dma_start3A_103 : memref<1x128x32xf32, #tpu.memory_space<vmem>> -> memref<128x32xf32, #tpu.memory_space<vmem>>
      %dma_start3A_105 = arith.constant 0 : i32
      %dma_start3A_106 = tpu.memref_slice %arg10[%dma_start3A_99, %dma_start3A_105] : memref<7x128xi32, #tpu.memory_space<vmem>> -> memref<1x128xi32, #tpu.memory_space<vmem>>
      %dma_start3A_107 = tpu.memref_squeeze %dma_start3A_106 : memref<1x128xi32, #tpu.memory_space<vmem>> -> memref<128xi32, #tpu.memory_space<vmem>>
      %dma_start3A_108 = arith.constant 0 : i32
      %dma_start3A_109 = arith.constant 0 : i32
      %dma_start3A_110 = tpu.memref_slice %arg2[%arg0, %dma_start3A_108, %dma_start3A_109] : memref<2x50176x32xf32, #tpu.memory_space<hbm>> -> memref<1x50176x32xf32, #tpu.memory_space<hbm>>
      %dma_start3A_111 = tpu.memref_squeeze %dma_start3A_110 : memref<1x50176x32xf32, #tpu.memory_space<hbm>> -> memref<50176x32xf32, #tpu.memory_space<hbm>>
      %dma_start3A_112 = arith.constant 0 : i32
      %dma_start3A_113 = arith.constant 0 : i32
      %dma_start3A_114 = tpu.memref_slice %dma_start3A_111[%dma_start3A_112, %dma_start3A_113] : memref<50176x32xf32, #tpu.memory_space<hbm>> -> memref<50176x32xf32, #tpu.memory_space<hbm>>
      tpu.enqueue_indirect_dma source(%dma_start3A_114 : memref<50176x32xf32, #tpu.memory_space<hbm>>) target(%dma_start3A_104 : memref<128x32xf32, #tpu.memory_space<vmem>>) offsets(%dma_start3A_107 : memref<128xi32, #tpu.memory_space<vmem>>) semaphore(%arg14 : memref<!tpu.dma_semaphore, #tpu.memory_space<semaphore_mem>>)
      %dma_start3A_115 = arith.constant 6 : i32
      %dma_start3A_116 = arith.constant 6 : i32
      %dma_start3A_117 = arith.constant 0 : i32
      %dma_start3A_118 = arith.constant 0 : i32
      %dma_start3A_119 = tpu.memref_slice %arg12[%dma_start3A_116, %dma_start3A_117, %dma_start3A_118] : memref<7x128x32xf32, #tpu.memory_space<vmem>> -> memref<1x128x32xf32, #tpu.memory_space<vmem>>
      %dma_start3A_120 = tpu.memref_squeeze %dma_start3A_119 : memref<1x128x32xf32, #tpu.memory_space<vmem>> -> memref<128x32xf32, #tpu.memory_space<vmem>>
      %dma_start3A_121 = arith.constant 0 : i32
      %dma_start3A_122 = tpu.memref_slice %arg10[%dma_start3A_115, %dma_start3A_121] : memref<7x128xi32, #tpu.memory_space<vmem>> -> memref<1x128xi32, #tpu.memory_space<vmem>>
      %dma_start3A_123 = tpu.memref_squeeze %dma_start3A_122 : memref<1x128xi32, #tpu.memory_space<vmem>> -> memref<128xi32, #tpu.memory_space<vmem>>
      %dma_start3A_124 = arith.constant 0 : i32
      %dma_start3A_125 = arith.constant 0 : i32
      %dma_start3A_126 = tpu.memref_slice %arg2[%arg0, %dma_start3A_124, %dma_start3A_125] : memref<2x50176x32xf32, #tpu.memory_space<hbm>> -> memref<1x50176x32xf32, #tpu.memory_space<hbm>>
      %dma_start3A_127 = tpu.memref_squeeze %dma_start3A_126 : memref<1x50176x32xf32, #tpu.memory_space<hbm>> -> memref<50176x32xf32, #tpu.memory_space<hbm>>
      %dma_start3A_128 = arith.constant 0 : i32
      %dma_start3A_129 = arith.constant 0 : i32
      %dma_start3A_130 = tpu.memref_slice %dma_start3A_127[%dma_start3A_128, %dma_start3A_129] : memref<50176x32xf32, #tpu.memory_space<hbm>> -> memref<50176x32xf32, #tpu.memory_space<hbm>>
      tpu.enqueue_indirect_dma source(%dma_start3A_130 : memref<50176x32xf32, #tpu.memory_space<hbm>>) target(%dma_start3A_120 : memref<128x32xf32, #tpu.memory_space<vmem>>) offsets(%dma_start3A_123 : memref<128xi32, #tpu.memory_space<vmem>>) semaphore(%arg14 : memref<!tpu.dma_semaphore, #tpu.memory_space<semaphore_mem>>)
      %dma_wait3A = arith.constant 0 : i32
      %dma_wait3A_131 = arith.constant 0 : i32
      %dma_wait3A_132 = arith.constant 0 : i32
      %dma_wait3A_133 = arith.constant 0 : i32
      %dma_wait3A_134 = tpu.memref_slice %arg12[%dma_wait3A_131, %dma_wait3A_132, %dma_wait3A_133] : memref<7x128x32xf32, #tpu.memory_space<vmem>> -> memref<1x128x32xf32, #tpu.memory_space<vmem>>
      %dma_wait3A_135 = tpu.memref_squeeze %dma_wait3A_134 : memref<1x128x32xf32, #tpu.memory_space<vmem>> -> memref<128x32xf32, #tpu.memory_space<vmem>>
      %dma_wait3A_136 = arith.constant 0 : i32
      %dma_wait3A_137 = tpu.memref_slice %arg10[%dma_wait3A, %dma_wait3A_136] : memref<7x128xi32, #tpu.memory_space<vmem>> -> memref<1x128xi32, #tpu.memory_space<vmem>>
      %dma_wait3A_138 = tpu.memref_squeeze %dma_wait3A_137 : memref<1x128xi32, #tpu.memory_space<vmem>> -> memref<128xi32, #tpu.memory_space<vmem>>
      %dma_wait3A_139 = arith.constant 0 : i32
      %dma_wait3A_140 = arith.constant 0 : i32
      %dma_wait3A_141 = tpu.memref_slice %arg2[%arg0, %dma_wait3A_139, %dma_wait3A_140] : memref<2x50176x32xf32, #tpu.memory_space<hbm>> -> memref<1x50176x32xf32, #tpu.memory_space<hbm>>
      %dma_wait3A_142 = tpu.memref_squeeze %dma_wait3A_141 : memref<1x50176x32xf32, #tpu.memory_space<hbm>> -> memref<50176x32xf32, #tpu.memory_space<hbm>>
      %dma_wait3A_143 = arith.constant 0 : i32
      %dma_wait3A_144 = arith.constant 0 : i32
      %dma_wait3A_145 = tpu.memref_slice %dma_wait3A_142[%dma_wait3A_143, %dma_wait3A_144] : memref<50176x32xf32, #tpu.memory_space<hbm>> -> memref<50176x32xf32, #tpu.memory_space<hbm>>
      tpu.wait_indirect_dma semaphore(%arg14 : memref<!tpu.dma_semaphore, #tpu.memory_space<semaphore_mem>>) src(%dma_wait3A_145 : memref<50176x32xf32, #tpu.memory_space<hbm>>) dst(%dma_wait3A_135 : memref<128x32xf32, #tpu.memory_space<vmem>>)
      %dma_start3A_146 = arith.constant 0 : i32
      %dma_start3A_147 = arith.constant 0 : i32
      %dma_start3A_148 = arith.constant 0 : i32
      %dma_start3A_149 = arith.constant 0 : i32
      %dma_start3A_150 = tpu.memref_slice %arg12[%dma_start3A_146, %dma_start3A_148, %dma_start3A_149] : memref<7x128x32xf32, #tpu.memory_space<vmem>> -> memref<1x128x32xf32, #tpu.memory_space<vmem>>
      %dma_start3A_151 = tpu.memref_squeeze %dma_start3A_150 : memref<1x128x32xf32, #tpu.memory_space<vmem>> -> memref<128x32xf32, #tpu.memory_space<vmem>>
      %dma_start3A_152 = arith.constant 0 : i32
      %dma_start3A_153 = tpu.memref_slice %arg11[%dma_start3A_147, %dma_start3A_152] : memref<7x128xi32, #tpu.memory_space<vmem>> -> memref<1x128xi32, #tpu.memory_space<vmem>>
      %dma_start3A_154 = tpu.memref_squeeze %dma_start3A_153 : memref<1x128xi32, #tpu.memory_space<vmem>> -> memref<128xi32, #tpu.memory_space<vmem>>
      %dma_start3A_155 = arith.constant 0 : i32
      %dma_start3A_156 = arith.constant 0 : i32
      %dma_start3A_157 = tpu.memref_slice %arg13[%dma_start3A_155, %dma_start3A_156] : memref<50176x32xf32, #tpu.memory_space<vmem_shared>> -> memref<50176x32xf32, #tpu.memory_space<vmem_shared>>
      tpu.enqueue_indirect_dma source(%dma_start3A_151 : memref<128x32xf32, #tpu.memory_space<vmem>>) target(%dma_start3A_157 : memref<50176x32xf32, #tpu.memory_space<vmem_shared>>) offsets(%dma_start3A_154 : memref<128xi32, #tpu.memory_space<vmem>>) semaphore(%arg15 : memref<!tpu.dma_semaphore, #tpu.memory_space<semaphore_mem>>) {add = true}
      %dma_wait3A_158 = arith.constant 1 : i32
      %dma_wait3A_159 = arith.constant 1 : i32
      %dma_wait3A_160 = arith.constant 0 : i32
      %dma_wait3A_161 = arith.constant 0 : i32
      %dma_wait3A_162 = tpu.memref_slice %arg12[%dma_wait3A_159, %dma_wait3A_160, %dma_wait3A_161] : memref<7x128x32xf32, #tpu.memory_space<vmem>> -> memref<1x128x32xf32, #tpu.memory_space<vmem>>
      %dma_wait3A_163 = tpu.memref_squeeze %dma_wait3A_162 : memref<1x128x32xf32, #tpu.memory_space<vmem>> -> memref<128x32xf32, #tpu.memory_space<vmem>>
      %dma_wait3A_164 = arith.constant 0 : i32
      %dma_wait3A_165 = tpu.memref_slice %arg10[%dma_wait3A_158, %dma_wait3A_164] : memref<7x128xi32, #tpu.memory_space<vmem>> -> memref<1x128xi32, #tpu.memory_space<vmem>>
      %dma_wait3A_166 = tpu.memref_squeeze %dma_wait3A_165 : memref<1x128xi32, #tpu.memory_space<vmem>> -> memref<128xi32, #tpu.memory_space<vmem>>
      %dma_wait3A_167 = arith.constant 0 : i32
      %dma_wait3A_168 = arith.constant 0 : i32
      %dma_wait3A_169 = tpu.memref_slice %arg2[%arg0, %dma_wait3A_167, %dma_wait3A_168] : memref<2x50176x32xf32, #tpu.memory_space<hbm>> -> memref<1x50176x32xf32, #tpu.memory_space<hbm>>
      %dma_wait3A_170 = tpu.memref_squeeze %dma_wait3A_169 : memref<1x50176x32xf32, #tpu.memory_space<hbm>> -> memref<50176x32xf32, #tpu.memory_space<hbm>>
      %dma_wait3A_171 = arith.constant 0 : i32
      %dma_wait3A_172 = arith.constant 0 : i32
      %dma_wait3A_173 = tpu.memref_slice %dma_wait3A_170[%dma_wait3A_171, %dma_wait3A_172] : memref<50176x32xf32, #tpu.memory_space<hbm>> -> memref<50176x32xf32, #tpu.memory_space<hbm>>
      tpu.wait_indirect_dma semaphore(%arg14 : memref<!tpu.dma_semaphore, #tpu.memory_space<semaphore_mem>>) src(%dma_wait3A_173 : memref<50176x32xf32, #tpu.memory_space<hbm>>) dst(%dma_wait3A_163 : memref<128x32xf32, #tpu.memory_space<vmem>>)
      %dma_start3A_174 = arith.constant 1 : i32
      %dma_start3A_175 = arith.constant 1 : i32
      %dma_start3A_176 = arith.constant 0 : i32
      %dma_start3A_177 = arith.constant 0 : i32
      %dma_start3A_178 = tpu.memref_slice %arg12[%dma_start3A_174, %dma_start3A_176, %dma_start3A_177] : memref<7x128x32xf32, #tpu.memory_space<vmem>> -> memref<1x128x32xf32, #tpu.memory_space<vmem>>
      %dma_start3A_179 = tpu.memref_squeeze %dma_start3A_178 : memref<1x128x32xf32, #tpu.memory_space<vmem>> -> memref<128x32xf32, #tpu.memory_space<vmem>>
      %dma_start3A_180 = arith.constant 0 : i32
      %dma_start3A_181 = tpu.memref_slice %arg11[%dma_start3A_175, %dma_start3A_180] : memref<7x128xi32, #tpu.memory_space<vmem>> -> memref<1x128xi32, #tpu.memory_space<vmem>>
      %dma_start3A_182 = tpu.memref_squeeze %dma_start3A_181 : memref<1x128xi32, #tpu.memory_space<vmem>> -> memref<128xi32, #tpu.memory_space<vmem>>
      %dma_start3A_183 = arith.constant 0 : i32
      %dma_start3A_184 = arith.constant 0 : i32
      %dma_start3A_185 = tpu.memref_slice %arg13[%dma_start3A_183, %dma_start3A_184] : memref<50176x32xf32, #tpu.memory_space<vmem_shared>> -> memref<50176x32xf32, #tpu.memory_space<vmem_shared>>
      tpu.enqueue_indirect_dma source(%dma_start3A_179 : memref<128x32xf32, #tpu.memory_space<vmem>>) target(%dma_start3A_185 : memref<50176x32xf32, #tpu.memory_space<vmem_shared>>) offsets(%dma_start3A_182 : memref<128xi32, #tpu.memory_space<vmem>>) semaphore(%arg15 : memref<!tpu.dma_semaphore, #tpu.memory_space<semaphore_mem>>) {add = true}
      %dma_wait3A_186 = arith.constant 2 : i32
      %dma_wait3A_187 = arith.constant 2 : i32
      %dma_wait3A_188 = arith.constant 0 : i32
      %dma_wait3A_189 = arith.constant 0 : i32
      %dma_wait3A_190 = tpu.memref_slice %arg12[%dma_wait3A_187, %dma_wait3A_188, %dma_wait3A_189] : memref<7x128x32xf32, #tpu.memory_space<vmem>> -> memref<1x128x32xf32, #tpu.memory_space<vmem>>
      %dma_wait3A_191 = tpu.memref_squeeze %dma_wait3A_190 : memref<1x128x32xf32, #tpu.memory_space<vmem>> -> memref<128x32xf32, #tpu.memory_space<vmem>>
      %dma_wait3A_192 = arith.constant 0 : i32
      %dma_wait3A_193 = tpu.memref_slice %arg10[%dma_wait3A_186, %dma_wait3A_192] : memref<7x128xi32, #tpu.memory_space<vmem>> -> memref<1x128xi32, #tpu.memory_space<vmem>>
      %dma_wait3A_194 = tpu.memref_squeeze %dma_wait3A_193 : memref<1x128xi32, #tpu.memory_space<vmem>> -> memref<128xi32, #tpu.memory_space<vmem>>
      %dma_wait3A_195 = arith.constant 0 : i32
      %dma_wait3A_196 = arith.constant 0 : i32
      %dma_wait3A_197 = tpu.memref_slice %arg2[%arg0, %dma_wait3A_195, %dma_wait3A_196] : memref<2x50176x32xf32, #tpu.memory_space<hbm>> -> memref<1x50176x32xf32, #tpu.memory_space<hbm>>
      %dma_wait3A_198 = tpu.memref_squeeze %dma_wait3A_197 : memref<1x50176x32xf32, #tpu.memory_space<hbm>> -> memref<50176x32xf32, #tpu.memory_space<hbm>>
      %dma_wait3A_199 = arith.constant 0 : i32
      %dma_wait3A_200 = arith.constant 0 : i32
      %dma_wait3A_201 = tpu.memref_slice %dma_wait3A_198[%dma_wait3A_199, %dma_wait3A_200] : memref<50176x32xf32, #tpu.memory_space<hbm>> -> memref<50176x32xf32, #tpu.memory_space<hbm>>
      tpu.wait_indirect_dma semaphore(%arg14 : memref<!tpu.dma_semaphore, #tpu.memory_space<semaphore_mem>>) src(%dma_wait3A_201 : memref<50176x32xf32, #tpu.memory_space<hbm>>) dst(%dma_wait3A_191 : memref<128x32xf32, #tpu.memory_space<vmem>>)
      %dma_start3A_202 = arith.constant 2 : i32
      %dma_start3A_203 = arith.constant 2 : i32
      %dma_start3A_204 = arith.constant 0 : i32
      %dma_start3A_205 = arith.constant 0 : i32
      %dma_start3A_206 = tpu.memref_slice %arg12[%dma_start3A_202, %dma_start3A_204, %dma_start3A_205] : memref<7x128x32xf32, #tpu.memory_space<vmem>> -> memref<1x128x32xf32, #tpu.memory_space<vmem>>
      %dma_start3A_207 = tpu.memref_squeeze %dma_start3A_206 : memref<1x128x32xf32, #tpu.memory_space<vmem>> -> memref<128x32xf32, #tpu.memory_space<vmem>>
      %dma_start3A_208 = arith.constant 0 : i32
      %dma_start3A_209 = tpu.memref_slice %arg11[%dma_start3A_203, %dma_start3A_208] : memref<7x128xi32, #tpu.memory_space<vmem>> -> memref<1x128xi32, #tpu.memory_space<vmem>>
      %dma_start3A_210 = tpu.memref_squeeze %dma_start3A_209 : memref<1x128xi32, #tpu.memory_space<vmem>> -> memref<128xi32, #tpu.memory_space<vmem>>
      %dma_start3A_211 = arith.constant 0 : i32
      %dma_start3A_212 = arith.constant 0 : i32
      %dma_start3A_213 = tpu.memref_slice %arg13[%dma_start3A_211, %dma_start3A_212] : memref<50176x32xf32, #tpu.memory_space<vmem_shared>> -> memref<50176x32xf32, #tpu.memory_space<vmem_shared>>
      tpu.enqueue_indirect_dma source(%dma_start3A_207 : memref<128x32xf32, #tpu.memory_space<vmem>>) target(%dma_start3A_213 : memref<50176x32xf32, #tpu.memory_space<vmem_shared>>) offsets(%dma_start3A_210 : memref<128xi32, #tpu.memory_space<vmem>>) semaphore(%arg15 : memref<!tpu.dma_semaphore, #tpu.memory_space<semaphore_mem>>) {add = true}
      %dma_wait3A_214 = arith.constant 3 : i32
      %dma_wait3A_215 = arith.constant 3 : i32
      %dma_wait3A_216 = arith.constant 0 : i32
      %dma_wait3A_217 = arith.constant 0 : i32
      %dma_wait3A_218 = tpu.memref_slice %arg12[%dma_wait3A_215, %dma_wait3A_216, %dma_wait3A_217] : memref<7x128x32xf32, #tpu.memory_space<vmem>> -> memref<1x128x32xf32, #tpu.memory_space<vmem>>
      %dma_wait3A_219 = tpu.memref_squeeze %dma_wait3A_218 : memref<1x128x32xf32, #tpu.memory_space<vmem>> -> memref<128x32xf32, #tpu.memory_space<vmem>>
      %dma_wait3A_220 = arith.constant 0 : i32
      %dma_wait3A_221 = tpu.memref_slice %arg10[%dma_wait3A_214, %dma_wait3A_220] : memref<7x128xi32, #tpu.memory_space<vmem>> -> memref<1x128xi32, #tpu.memory_space<vmem>>
      %dma_wait3A_222 = tpu.memref_squeeze %dma_wait3A_221 : memref<1x128xi32, #tpu.memory_space<vmem>> -> memref<128xi32, #tpu.memory_space<vmem>>
      %dma_wait3A_223 = arith.constant 0 : i32
      %dma_wait3A_224 = arith.constant 0 : i32
      %dma_wait3A_225 = tpu.memref_slice %arg2[%arg0, %dma_wait3A_223, %dma_wait3A_224] : memref<2x50176x32xf32, #tpu.memory_space<hbm>> -> memref<1x50176x32xf32, #tpu.memory_space<hbm>>
      %dma_wait3A_226 = tpu.memref_squeeze %dma_wait3A_225 : memref<1x50176x32xf32, #tpu.memory_space<hbm>> -> memref<50176x32xf32, #tpu.memory_space<hbm>>
      %dma_wait3A_227 = arith.constant 0 : i32
      %dma_wait3A_228 = arith.constant 0 : i32
      %dma_wait3A_229 = tpu.memref_slice %dma_wait3A_226[%dma_wait3A_227, %dma_wait3A_228] : memref<50176x32xf32, #tpu.memory_space<hbm>> -> memref<50176x32xf32, #tpu.memory_space<hbm>>
      tpu.wait_indirect_dma semaphore(%arg14 : memref<!tpu.dma_semaphore, #tpu.memory_space<semaphore_mem>>) src(%dma_wait3A_229 : memref<50176x32xf32, #tpu.memory_space<hbm>>) dst(%dma_wait3A_219 : memref<128x32xf32, #tpu.memory_space<vmem>>)
      %dma_start3A_230 = arith.constant 3 : i32
      %dma_start3A_231 = arith.constant 3 : i32
      %dma_start3A_232 = arith.constant 0 : i32
      %dma_start3A_233 = arith.constant 0 : i32
      %dma_start3A_234 = tpu.memref_slice %arg12[%dma_start3A_230, %dma_start3A_232, %dma_start3A_233] : memref<7x128x32xf32, #tpu.memory_space<vmem>> -> memref<1x128x32xf32, #tpu.memory_space<vmem>>
      %dma_start3A_235 = tpu.memref_squeeze %dma_start3A_234 : memref<1x128x32xf32, #tpu.memory_space<vmem>> -> memref<128x32xf32, #tpu.memory_space<vmem>>
      %dma_start3A_236 = arith.constant 0 : i32
      %dma_start3A_237 = tpu.memref_slice %arg11[%dma_start3A_231, %dma_start3A_236] : memref<7x128xi32, #tpu.memory_space<vmem>> -> memref<1x128xi32, #tpu.memory_space<vmem>>
      %dma_start3A_238 = tpu.memref_squeeze %dma_start3A_237 : memref<1x128xi32, #tpu.memory_space<vmem>> -> memref<128xi32, #tpu.memory_space<vmem>>
      %dma_start3A_239 = arith.constant 0 : i32
      %dma_start3A_240 = arith.constant 0 : i32
      %dma_start3A_241 = tpu.memref_slice %arg13[%dma_start3A_239, %dma_start3A_240] : memref<50176x32xf32, #tpu.memory_space<vmem_shared>> -> memref<50176x32xf32, #tpu.memory_space<vmem_shared>>
      tpu.enqueue_indirect_dma source(%dma_start3A_235 : memref<128x32xf32, #tpu.memory_space<vmem>>) target(%dma_start3A_241 : memref<50176x32xf32, #tpu.memory_space<vmem_shared>>) offsets(%dma_start3A_238 : memref<128xi32, #tpu.memory_space<vmem>>) semaphore(%arg15 : memref<!tpu.dma_semaphore, #tpu.memory_space<semaphore_mem>>) {add = true}
      %dma_wait3A_242 = arith.constant 4 : i32
      %dma_wait3A_243 = arith.constant 4 : i32
      %dma_wait3A_244 = arith.constant 0 : i32
      %dma_wait3A_245 = arith.constant 0 : i32
      %dma_wait3A_246 = tpu.memref_slice %arg12[%dma_wait3A_243, %dma_wait3A_244, %dma_wait3A_245] : memref<7x128x32xf32, #tpu.memory_space<vmem>> -> memref<1x128x32xf32, #tpu.memory_space<vmem>>
      %dma_wait3A_247 = tpu.memref_squeeze %dma_wait3A_246 : memref<1x128x32xf32, #tpu.memory_space<vmem>> -> memref<128x32xf32, #tpu.memory_space<vmem>>
      %dma_wait3A_248 = arith.constant 0 : i32
      %dma_wait3A_249 = tpu.memref_slice %arg10[%dma_wait3A_242, %dma_wait3A_248] : memref<7x128xi32, #tpu.memory_space<vmem>> -> memref<1x128xi32, #tpu.memory_space<vmem>>
      %dma_wait3A_250 = tpu.memref_squeeze %dma_wait3A_249 : memref<1x128xi32, #tpu.memory_space<vmem>> -> memref<128xi32, #tpu.memory_space<vmem>>
      %dma_wait3A_251 = arith.constant 0 : i32
      %dma_wait3A_252 = arith.constant 0 : i32
      %dma_wait3A_253 = tpu.memref_slice %arg2[%arg0, %dma_wait3A_251, %dma_wait3A_252] : memref<2x50176x32xf32, #tpu.memory_space<hbm>> -> memref<1x50176x32xf32, #tpu.memory_space<hbm>>
      %dma_wait3A_254 = tpu.memref_squeeze %dma_wait3A_253 : memref<1x50176x32xf32, #tpu.memory_space<hbm>> -> memref<50176x32xf32, #tpu.memory_space<hbm>>
      %dma_wait3A_255 = arith.constant 0 : i32
      %dma_wait3A_256 = arith.constant 0 : i32
      %dma_wait3A_257 = tpu.memref_slice %dma_wait3A_254[%dma_wait3A_255, %dma_wait3A_256] : memref<50176x32xf32, #tpu.memory_space<hbm>> -> memref<50176x32xf32, #tpu.memory_space<hbm>>
      tpu.wait_indirect_dma semaphore(%arg14 : memref<!tpu.dma_semaphore, #tpu.memory_space<semaphore_mem>>) src(%dma_wait3A_257 : memref<50176x32xf32, #tpu.memory_space<hbm>>) dst(%dma_wait3A_247 : memref<128x32xf32, #tpu.memory_space<vmem>>)
      %dma_start3A_258 = arith.constant 4 : i32
      %dma_start3A_259 = arith.constant 4 : i32
      %dma_start3A_260 = arith.constant 0 : i32
      %dma_start3A_261 = arith.constant 0 : i32
      %dma_start3A_262 = tpu.memref_slice %arg12[%dma_start3A_258, %dma_start3A_260, %dma_start3A_261] : memref<7x128x32xf32, #tpu.memory_space<vmem>> -> memref<1x128x32xf32, #tpu.memory_space<vmem>>
      %dma_start3A_263 = tpu.memref_squeeze %dma_start3A_262 : memref<1x128x32xf32, #tpu.memory_space<vmem>> -> memref<128x32xf32, #tpu.memory_space<vmem>>
      %dma_start3A_264 = arith.constant 0 : i32
      %dma_start3A_265 = tpu.memref_slice %arg11[%dma_start3A_259, %dma_start3A_264] : memref<7x128xi32, #tpu.memory_space<vmem>> -> memref<1x128xi32, #tpu.memory_space<vmem>>
      %dma_start3A_266 = tpu.memref_squeeze %dma_start3A_265 : memref<1x128xi32, #tpu.memory_space<vmem>> -> memref<128xi32, #tpu.memory_space<vmem>>
      %dma_start3A_267 = arith.constant 0 : i32
      %dma_start3A_268 = arith.constant 0 : i32
      %dma_start3A_269 = tpu.memref_slice %arg13[%dma_start3A_267, %dma_start3A_268] : memref<50176x32xf32, #tpu.memory_space<vmem_shared>> -> memref<50176x32xf32, #tpu.memory_space<vmem_shared>>
      tpu.enqueue_indirect_dma source(%dma_start3A_263 : memref<128x32xf32, #tpu.memory_space<vmem>>) target(%dma_start3A_269 : memref<50176x32xf32, #tpu.memory_space<vmem_shared>>) offsets(%dma_start3A_266 : memref<128xi32, #tpu.memory_space<vmem>>) semaphore(%arg15 : memref<!tpu.dma_semaphore, #tpu.memory_space<semaphore_mem>>) {add = true}
      %dma_wait3A_270 = arith.constant 5 : i32
      %dma_wait3A_271 = arith.constant 5 : i32
      %dma_wait3A_272 = arith.constant 0 : i32
      %dma_wait3A_273 = arith.constant 0 : i32
      %dma_wait3A_274 = tpu.memref_slice %arg12[%dma_wait3A_271, %dma_wait3A_272, %dma_wait3A_273] : memref<7x128x32xf32, #tpu.memory_space<vmem>> -> memref<1x128x32xf32, #tpu.memory_space<vmem>>
      %dma_wait3A_275 = tpu.memref_squeeze %dma_wait3A_274 : memref<1x128x32xf32, #tpu.memory_space<vmem>> -> memref<128x32xf32, #tpu.memory_space<vmem>>
      %dma_wait3A_276 = arith.constant 0 : i32
      %dma_wait3A_277 = tpu.memref_slice %arg10[%dma_wait3A_270, %dma_wait3A_276] : memref<7x128xi32, #tpu.memory_space<vmem>> -> memref<1x128xi32, #tpu.memory_space<vmem>>
      %dma_wait3A_278 = tpu.memref_squeeze %dma_wait3A_277 : memref<1x128xi32, #tpu.memory_space<vmem>> -> memref<128xi32, #tpu.memory_space<vmem>>
      %dma_wait3A_279 = arith.constant 0 : i32
      %dma_wait3A_280 = arith.constant 0 : i32
      %dma_wait3A_281 = tpu.memref_slice %arg2[%arg0, %dma_wait3A_279, %dma_wait3A_280] : memref<2x50176x32xf32, #tpu.memory_space<hbm>> -> memref<1x50176x32xf32, #tpu.memory_space<hbm>>
      %dma_wait3A_282 = tpu.memref_squeeze %dma_wait3A_281 : memref<1x50176x32xf32, #tpu.memory_space<hbm>> -> memref<50176x32xf32, #tpu.memory_space<hbm>>
      %dma_wait3A_283 = arith.constant 0 : i32
      %dma_wait3A_284 = arith.constant 0 : i32
      %dma_wait3A_285 = tpu.memref_slice %dma_wait3A_282[%dma_wait3A_283, %dma_wait3A_284] : memref<50176x32xf32, #tpu.memory_space<hbm>> -> memref<50176x32xf32, #tpu.memory_space<hbm>>
      tpu.wait_indirect_dma semaphore(%arg14 : memref<!tpu.dma_semaphore, #tpu.memory_space<semaphore_mem>>) src(%dma_wait3A_285 : memref<50176x32xf32, #tpu.memory_space<hbm>>) dst(%dma_wait3A_275 : memref<128x32xf32, #tpu.memory_space<vmem>>)
      %dma_start3A_286 = arith.constant 5 : i32
      %dma_start3A_287 = arith.constant 5 : i32
      %dma_start3A_288 = arith.constant 0 : i32
      %dma_start3A_289 = arith.constant 0 : i32
      %dma_start3A_290 = tpu.memref_slice %arg12[%dma_start3A_286, %dma_start3A_288, %dma_start3A_289] : memref<7x128x32xf32, #tpu.memory_space<vmem>> -> memref<1x128x32xf32, #tpu.memory_space<vmem>>
      %dma_start3A_291 = tpu.memref_squeeze %dma_start3A_290 : memref<1x128x32xf32, #tpu.memory_space<vmem>> -> memref<128x32xf32, #tpu.memory_space<vmem>>
      %dma_start3A_292 = arith.constant 0 : i32
      %dma_start3A_293 = tpu.memref_slice %arg11[%dma_start3A_287, %dma_start3A_292] : memref<7x128xi32, #tpu.memory_space<vmem>> -> memref<1x128xi32, #tpu.memory_space<vmem>>
      %dma_start3A_294 = tpu.memref_squeeze %dma_start3A_293 : memref<1x128xi32, #tpu.memory_space<vmem>> -> memref<128xi32, #tpu.memory_space<vmem>>
      %dma_start3A_295 = arith.constant 0 : i32
      %dma_start3A_296 = arith.constant 0 : i32
      %dma_start3A_297 = tpu.memref_slice %arg13[%dma_start3A_295, %dma_start3A_296] : memref<50176x32xf32, #tpu.memory_space<vmem_shared>> -> memref<50176x32xf32, #tpu.memory_space<vmem_shared>>
      tpu.enqueue_indirect_dma source(%dma_start3A_291 : memref<128x32xf32, #tpu.memory_space<vmem>>) target(%dma_start3A_297 : memref<50176x32xf32, #tpu.memory_space<vmem_shared>>) offsets(%dma_start3A_294 : memref<128xi32, #tpu.memory_space<vmem>>) semaphore(%arg15 : memref<!tpu.dma_semaphore, #tpu.memory_space<semaphore_mem>>) {add = true}
      %dma_wait3A_298 = arith.constant 6 : i32
      %dma_wait3A_299 = arith.constant 6 : i32
      %dma_wait3A_300 = arith.constant 0 : i32
      %dma_wait3A_301 = arith.constant 0 : i32
      %dma_wait3A_302 = tpu.memref_slice %arg12[%dma_wait3A_299, %dma_wait3A_300, %dma_wait3A_301] : memref<7x128x32xf32, #tpu.memory_space<vmem>> -> memref<1x128x32xf32, #tpu.memory_space<vmem>>
      %dma_wait3A_303 = tpu.memref_squeeze %dma_wait3A_302 : memref<1x128x32xf32, #tpu.memory_space<vmem>> -> memref<128x32xf32, #tpu.memory_space<vmem>>
      %dma_wait3A_304 = arith.constant 0 : i32
      %dma_wait3A_305 = tpu.memref_slice %arg10[%dma_wait3A_298, %dma_wait3A_304] : memref<7x128xi32, #tpu.memory_space<vmem>> -> memref<1x128xi32, #tpu.memory_space<vmem>>
      %dma_wait3A_306 = tpu.memref_squeeze %dma_wait3A_305 : memref<1x128xi32, #tpu.memory_space<vmem>> -> memref<128xi32, #tpu.memory_space<vmem>>
      %dma_wait3A_307 = arith.constant 0 : i32
      %dma_wait3A_308 = arith.constant 0 : i32
      %dma_wait3A_309 = tpu.memref_slice %arg2[%arg0, %dma_wait3A_307, %dma_wait3A_308] : memref<2x50176x32xf32, #tpu.memory_space<hbm>> -> memref<1x50176x32xf32, #tpu.memory_space<hbm>>
      %dma_wait3A_310 = tpu.memref_squeeze %dma_wait3A_309 : memref<1x50176x32xf32, #tpu.memory_space<hbm>> -> memref<50176x32xf32, #tpu.memory_space<hbm>>
      %dma_wait3A_311 = arith.constant 0 : i32
      %dma_wait3A_312 = arith.constant 0 : i32
      %dma_wait3A_313 = tpu.memref_slice %dma_wait3A_310[%dma_wait3A_311, %dma_wait3A_312] : memref<50176x32xf32, #tpu.memory_space<hbm>> -> memref<50176x32xf32, #tpu.memory_space<hbm>>
      tpu.wait_indirect_dma semaphore(%arg14 : memref<!tpu.dma_semaphore, #tpu.memory_space<semaphore_mem>>) src(%dma_wait3A_313 : memref<50176x32xf32, #tpu.memory_space<hbm>>) dst(%dma_wait3A_303 : memref<128x32xf32, #tpu.memory_space<vmem>>)
      %dma_start3A_314 = arith.constant 6 : i32
      %dma_start3A_315 = arith.constant 6 : i32
      %dma_start3A_316 = arith.constant 0 : i32
      %dma_start3A_317 = arith.constant 0 : i32
      %dma_start3A_318 = tpu.memref_slice %arg12[%dma_start3A_314, %dma_start3A_316, %dma_start3A_317] : memref<7x128x32xf32, #tpu.memory_space<vmem>> -> memref<1x128x32xf32, #tpu.memory_space<vmem>>
      %dma_start3A_319 = tpu.memref_squeeze %dma_start3A_318 : memref<1x128x32xf32, #tpu.memory_space<vmem>> -> memref<128x32xf32, #tpu.memory_space<vmem>>
      %dma_start3A_320 = arith.constant 0 : i32
      %dma_start3A_321 = tpu.memref_slice %arg11[%dma_start3A_315, %dma_start3A_320] : memref<7x128xi32, #tpu.memory_space<vmem>> -> memref<1x128xi32, #tpu.memory_space<vmem>>
      %dma_start3A_322 = tpu.memref_squeeze %dma_start3A_321 : memref<1x128xi32, #tpu.memory_space<vmem>> -> memref<128xi32, #tpu.memory_space<vmem>>
      %dma_start3A_323 = arith.constant 0 : i32
      %dma_start3A_324 = arith.constant 0 : i32
      %dma_start3A_325 = tpu.memref_slice %arg13[%dma_start3A_323, %dma_start3A_324] : memref<50176x32xf32, #tpu.memory_space<vmem_shared>> -> memref<50176x32xf32, #tpu.memory_space<vmem_shared>>
      tpu.enqueue_indirect_dma source(%dma_start3A_319 : memref<128x32xf32, #tpu.memory_space<vmem>>) target(%dma_start3A_325 : memref<50176x32xf32, #tpu.memory_space<vmem_shared>>) offsets(%dma_start3A_322 : memref<128xi32, #tpu.memory_space<vmem>>) semaphore(%arg15 : memref<!tpu.dma_semaphore, #tpu.memory_space<semaphore_mem>>) {add = true}
      %dma_wait3A_326 = arith.constant 0 : i32
      %dma_wait3A_327 = arith.constant 0 : i32
      %dma_wait3A_328 = arith.constant 0 : i32
      %dma_wait3A_329 = arith.constant 0 : i32
      %dma_wait3A_330 = tpu.memref_slice %arg12[%dma_wait3A_326, %dma_wait3A_328, %dma_wait3A_329] : memref<7x128x32xf32, #tpu.memory_space<vmem>> -> memref<1x128x32xf32, #tpu.memory_space<vmem>>
      %dma_wait3A_331 = tpu.memref_squeeze %dma_wait3A_330 : memref<1x128x32xf32, #tpu.memory_space<vmem>> -> memref<128x32xf32, #tpu.memory_space<vmem>>
      %dma_wait3A_332 = arith.constant 0 : i32
      %dma_wait3A_333 = tpu.memref_slice %arg11[%dma_wait3A_327, %dma_wait3A_332] : memref<7x128xi32, #tpu.memory_space<vmem>> -> memref<1x128xi32, #tpu.memory_space<vmem>>
      %dma_wait3A_334 = tpu.memref_squeeze %dma_wait3A_333 : memref<1x128xi32, #tpu.memory_space<vmem>> -> memref<128xi32, #tpu.memory_space<vmem>>
      %dma_wait3A_335 = arith.constant 0 : i32
      %dma_wait3A_336 = arith.constant 0 : i32
      %dma_wait3A_337 = tpu.memref_slice %arg13[%dma_wait3A_335, %dma_wait3A_336] : memref<50176x32xf32, #tpu.memory_space<vmem_shared>> -> memref<50176x32xf32, #tpu.memory_space<vmem_shared>>
      tpu.wait_indirect_dma semaphore(%arg15 : memref<!tpu.dma_semaphore, #tpu.memory_space<semaphore_mem>>) src(%dma_wait3A_331 : memref<128x32xf32, #tpu.memory_space<vmem>>) dst(%dma_wait3A_337 : memref<50176x32xf32, #tpu.memory_space<vmem_shared>>)
      %dma_wait3A_338 = arith.constant 1 : i32
      %dma_wait3A_339 = arith.constant 1 : i32
      %dma_wait3A_340 = arith.constant 0 : i32
      %dma_wait3A_341 = arith.constant 0 : i32
      %dma_wait3A_342 = tpu.memref_slice %arg12[%dma_wait3A_338, %dma_wait3A_340, %dma_wait3A_341] : memref<7x128x32xf32, #tpu.memory_space<vmem>> -> memref<1x128x32xf32, #tpu.memory_space<vmem>>
      %dma_wait3A_343 = tpu.memref_squeeze %dma_wait3A_342 : memref<1x128x32xf32, #tpu.memory_space<vmem>> -> memref<128x32xf32, #tpu.memory_space<vmem>>
      %dma_wait3A_344 = arith.constant 0 : i32
      %dma_wait3A_345 = tpu.memref_slice %arg11[%dma_wait3A_339, %dma_wait3A_344] : memref<7x128xi32, #tpu.memory_space<vmem>> -> memref<1x128xi32, #tpu.memory_space<vmem>>
      %dma_wait3A_346 = tpu.memref_squeeze %dma_wait3A_345 : memref<1x128xi32, #tpu.memory_space<vmem>> -> memref<128xi32, #tpu.memory_space<vmem>>
      %dma_wait3A_347 = arith.constant 0 : i32
      %dma_wait3A_348 = arith.constant 0 : i32
      %dma_wait3A_349 = tpu.memref_slice %arg13[%dma_wait3A_347, %dma_wait3A_348] : memref<50176x32xf32, #tpu.memory_space<vmem_shared>> -> memref<50176x32xf32, #tpu.memory_space<vmem_shared>>
      tpu.wait_indirect_dma semaphore(%arg15 : memref<!tpu.dma_semaphore, #tpu.memory_space<semaphore_mem>>) src(%dma_wait3A_343 : memref<128x32xf32, #tpu.memory_space<vmem>>) dst(%dma_wait3A_349 : memref<50176x32xf32, #tpu.memory_space<vmem_shared>>)
      %dma_wait3A_350 = arith.constant 2 : i32
      %dma_wait3A_351 = arith.constant 2 : i32
      %dma_wait3A_352 = arith.constant 0 : i32
      %dma_wait3A_353 = arith.constant 0 : i32
      %dma_wait3A_354 = tpu.memref_slice %arg12[%dma_wait3A_350, %dma_wait3A_352, %dma_wait3A_353] : memref<7x128x32xf32, #tpu.memory_space<vmem>> -> memref<1x128x32xf32, #tpu.memory_space<vmem>>
      %dma_wait3A_355 = tpu.memref_squeeze %dma_wait3A_354 : memref<1x128x32xf32, #tpu.memory_space<vmem>> -> memref<128x32xf32, #tpu.memory_space<vmem>>
      %dma_wait3A_356 = arith.constant 0 : i32
      %dma_wait3A_357 = tpu.memref_slice %arg11[%dma_wait3A_351, %dma_wait3A_356] : memref<7x128xi32, #tpu.memory_space<vmem>> -> memref<1x128xi32, #tpu.memory_space<vmem>>
      %dma_wait3A_358 = tpu.memref_squeeze %dma_wait3A_357 : memref<1x128xi32, #tpu.memory_space<vmem>> -> memref<128xi32, #tpu.memory_space<vmem>>
      %dma_wait3A_359 = arith.constant 0 : i32
      %dma_wait3A_360 = arith.constant 0 : i32
      %dma_wait3A_361 = tpu.memref_slice %arg13[%dma_wait3A_359, %dma_wait3A_360] : memref<50176x32xf32, #tpu.memory_space<vmem_shared>> -> memref<50176x32xf32, #tpu.memory_space<vmem_shared>>
      tpu.wait_indirect_dma semaphore(%arg15 : memref<!tpu.dma_semaphore, #tpu.memory_space<semaphore_mem>>) src(%dma_wait3A_355 : memref<128x32xf32, #tpu.memory_space<vmem>>) dst(%dma_wait3A_361 : memref<50176x32xf32, #tpu.memory_space<vmem_shared>>)
      %dma_wait3A_362 = arith.constant 3 : i32
      %dma_wait3A_363 = arith.constant 3 : i32
      %dma_wait3A_364 = arith.constant 0 : i32
      %dma_wait3A_365 = arith.constant 0 : i32
      %dma_wait3A_366 = tpu.memref_slice %arg12[%dma_wait3A_362, %dma_wait3A_364, %dma_wait3A_365] : memref<7x128x32xf32, #tpu.memory_space<vmem>> -> memref<1x128x32xf32, #tpu.memory_space<vmem>>
      %dma_wait3A_367 = tpu.memref_squeeze %dma_wait3A_366 : memref<1x128x32xf32, #tpu.memory_space<vmem>> -> memref<128x32xf32, #tpu.memory_space<vmem>>
      %dma_wait3A_368 = arith.constant 0 : i32
      %dma_wait3A_369 = tpu.memref_slice %arg11[%dma_wait3A_363, %dma_wait3A_368] : memref<7x128xi32, #tpu.memory_space<vmem>> -> memref<1x128xi32, #tpu.memory_space<vmem>>
      %dma_wait3A_370 = tpu.memref_squeeze %dma_wait3A_369 : memref<1x128xi32, #tpu.memory_space<vmem>> -> memref<128xi32, #tpu.memory_space<vmem>>
      %dma_wait3A_371 = arith.constant 0 : i32
      %dma_wait3A_372 = arith.constant 0 : i32
      %dma_wait3A_373 = tpu.memref_slice %arg13[%dma_wait3A_371, %dma_wait3A_372] : memref<50176x32xf32, #tpu.memory_space<vmem_shared>> -> memref<50176x32xf32, #tpu.memory_space<vmem_shared>>
      tpu.wait_indirect_dma semaphore(%arg15 : memref<!tpu.dma_semaphore, #tpu.memory_space<semaphore_mem>>) src(%dma_wait3A_367 : memref<128x32xf32, #tpu.memory_space<vmem>>) dst(%dma_wait3A_373 : memref<50176x32xf32, #tpu.memory_space<vmem_shared>>)
      %dma_wait3A_374 = arith.constant 4 : i32
      %dma_wait3A_375 = arith.constant 4 : i32
      %dma_wait3A_376 = arith.constant 0 : i32
      %dma_wait3A_377 = arith.constant 0 : i32
      %dma_wait3A_378 = tpu.memref_slice %arg12[%dma_wait3A_374, %dma_wait3A_376, %dma_wait3A_377] : memref<7x128x32xf32, #tpu.memory_space<vmem>> -> memref<1x128x32xf32, #tpu.memory_space<vmem>>
      %dma_wait3A_379 = tpu.memref_squeeze %dma_wait3A_378 : memref<1x128x32xf32, #tpu.memory_space<vmem>> -> memref<128x32xf32, #tpu.memory_space<vmem>>
      %dma_wait3A_380 = arith.constant 0 : i32
      %dma_wait3A_381 = tpu.memref_slice %arg11[%dma_wait3A_375, %dma_wait3A_380] : memref<7x128xi32, #tpu.memory_space<vmem>> -> memref<1x128xi32, #tpu.memory_space<vmem>>
      %dma_wait3A_382 = tpu.memref_squeeze %dma_wait3A_381 : memref<1x128xi32, #tpu.memory_space<vmem>> -> memref<128xi32, #tpu.memory_space<vmem>>
      %dma_wait3A_383 = arith.constant 0 : i32
      %dma_wait3A_384 = arith.constant 0 : i32
      %dma_wait3A_385 = tpu.memref_slice %arg13[%dma_wait3A_383, %dma_wait3A_384] : memref<50176x32xf32, #tpu.memory_space<vmem_shared>> -> memref<50176x32xf32, #tpu.memory_space<vmem_shared>>
      tpu.wait_indirect_dma semaphore(%arg15 : memref<!tpu.dma_semaphore, #tpu.memory_space<semaphore_mem>>) src(%dma_wait3A_379 : memref<128x32xf32, #tpu.memory_space<vmem>>) dst(%dma_wait3A_385 : memref<50176x32xf32, #tpu.memory_space<vmem_shared>>)
      %dma_wait3A_386 = arith.constant 5 : i32
      %dma_wait3A_387 = arith.constant 5 : i32
      %dma_wait3A_388 = arith.constant 0 : i32
      %dma_wait3A_389 = arith.constant 0 : i32
      %dma_wait3A_390 = tpu.memref_slice %arg12[%dma_wait3A_386, %dma_wait3A_388, %dma_wait3A_389] : memref<7x128x32xf32, #tpu.memory_space<vmem>> -> memref<1x128x32xf32, #tpu.memory_space<vmem>>
      %dma_wait3A_391 = tpu.memref_squeeze %dma_wait3A_390 : memref<1x128x32xf32, #tpu.memory_space<vmem>> -> memref<128x32xf32, #tpu.memory_space<vmem>>
      %dma_wait3A_392 = arith.constant 0 : i32
      %dma_wait3A_393 = tpu.memref_slice %arg11[%dma_wait3A_387, %dma_wait3A_392] : memref<7x128xi32, #tpu.memory_space<vmem>> -> memref<1x128xi32, #tpu.memory_space<vmem>>
      %dma_wait3A_394 = tpu.memref_squeeze %dma_wait3A_393 : memref<1x128xi32, #tpu.memory_space<vmem>> -> memref<128xi32, #tpu.memory_space<vmem>>
      %dma_wait3A_395 = arith.constant 0 : i32
      %dma_wait3A_396 = arith.constant 0 : i32
      %dma_wait3A_397 = tpu.memref_slice %arg13[%dma_wait3A_395, %dma_wait3A_396] : memref<50176x32xf32, #tpu.memory_space<vmem_shared>> -> memref<50176x32xf32, #tpu.memory_space<vmem_shared>>
      tpu.wait_indirect_dma semaphore(%arg15 : memref<!tpu.dma_semaphore, #tpu.memory_space<semaphore_mem>>) src(%dma_wait3A_391 : memref<128x32xf32, #tpu.memory_space<vmem>>) dst(%dma_wait3A_397 : memref<50176x32xf32, #tpu.memory_space<vmem_shared>>)
      %dma_wait3A_398 = arith.constant 6 : i32
      %dma_wait3A_399 = arith.constant 6 : i32
      %dma_wait3A_400 = arith.constant 0 : i32
      %dma_wait3A_401 = arith.constant 0 : i32
      %dma_wait3A_402 = tpu.memref_slice %arg12[%dma_wait3A_398, %dma_wait3A_400, %dma_wait3A_401] : memref<7x128x32xf32, #tpu.memory_space<vmem>> -> memref<1x128x32xf32, #tpu.memory_space<vmem>>
      %dma_wait3A_403 = tpu.memref_squeeze %dma_wait3A_402 : memref<1x128x32xf32, #tpu.memory_space<vmem>> -> memref<128x32xf32, #tpu.memory_space<vmem>>
      %dma_wait3A_404 = arith.constant 0 : i32
      %dma_wait3A_405 = tpu.memref_slice %arg11[%dma_wait3A_399, %dma_wait3A_404] : memref<7x128xi32, #tpu.memory_space<vmem>> -> memref<1x128xi32, #tpu.memory_space<vmem>>
      %dma_wait3A_406 = tpu.memref_squeeze %dma_wait3A_405 : memref<1x128xi32, #tpu.memory_space<vmem>> -> memref<128xi32, #tpu.memory_space<vmem>>
      %dma_wait3A_407 = arith.constant 0 : i32
      %dma_wait3A_408 = arith.constant 0 : i32
      %dma_wait3A_409 = tpu.memref_slice %arg13[%dma_wait3A_407, %dma_wait3A_408] : memref<50176x32xf32, #tpu.memory_space<vmem_shared>> -> memref<50176x32xf32, #tpu.memory_space<vmem_shared>>
      tpu.wait_indirect_dma semaphore(%arg15 : memref<!tpu.dma_semaphore, #tpu.memory_space<semaphore_mem>>) src(%dma_wait3A_403 : memref<128x32xf32, #tpu.memory_space<vmem>>) dst(%dma_wait3A_409 : memref<50176x32xf32, #tpu.memory_space<vmem_shared>>)
    }
    %scan3A_15 = arith.constant 56 : i32
    %barrier3A_16 = arith.constant 0 : index
    tpu.barrier barrier_id(%barrier3A_16)
    "tpu.region"() ({
      %run_scoped3A = tpu.sem_alloc : memref<!tpu.dma_semaphore, #tpu.memory_space<semaphore_mem>>
      %dma_start3A = arith.constant 0 : i32
      %dma_start3A_17 = tpu.memref_slice %arg9[%arg0, %mul3A_2, %dma_start3A] : memref<2x50176x32xf32, #tpu.memory_space<hbm>> -> memref<1x3136x32xf32, #tpu.memory_space<hbm>>
      %dma_start3A_18 = tpu.memref_squeeze %dma_start3A_17 : memref<1x3136x32xf32, #tpu.memory_space<hbm>> -> memref<3136x32xf32, #tpu.memory_space<hbm>>
      %dma_start3A_19 = arith.constant 0 : i32
      %dma_start3A_20 = tpu.memref_slice %arg13[%mul3A_2, %dma_start3A_19] : memref<50176x32xf32, #tpu.memory_space<vmem_shared>> -> memref<3136x32xf32, #tpu.memory_space<vmem_shared>>
      tpu.enqueue_dma source(%dma_start3A_20 : memref<3136x32xf32, #tpu.memory_space<vmem_shared>>) target(%dma_start3A_18 : memref<3136x32xf32, #tpu.memory_space<hbm>>) target_semaphore(%run_scoped3A : memref<!tpu.dma_semaphore, #tpu.memory_space<semaphore_mem>>)
      %dma_wait3A = arith.constant 0 : i32
      %dma_wait3A_21 = tpu.memref_slice %arg9[%arg0, %mul3A_2, %dma_wait3A] : memref<2x50176x32xf32, #tpu.memory_space<hbm>> -> memref<1x3136x32xf32, #tpu.memory_space<hbm>>
      %dma_wait3A_22 = tpu.memref_squeeze %dma_wait3A_21 : memref<1x3136x32xf32, #tpu.memory_space<hbm>> -> memref<3136x32xf32, #tpu.memory_space<hbm>>
      %dma_wait3A_23 = arith.constant 0 : i32
      %dma_wait3A_24 = tpu.memref_slice %arg13[%mul3A_2, %dma_wait3A_23] : memref<50176x32xf32, #tpu.memory_space<vmem_shared>> -> memref<3136x32xf32, #tpu.memory_space<vmem_shared>>
      tpu.wait_dma2 semaphore(%run_scoped3A : memref<!tpu.dma_semaphore, #tpu.memory_space<semaphore_mem>>) src(%dma_wait3A_24 : memref<3136x32xf32, #tpu.memory_space<vmem_shared>>) dst(%dma_wait3A_22 : memref<3136x32xf32, #tpu.memory_space<hbm>>)
      tpu.yield
    }) : () -> ()
    return
  }
}

#map = affine_map<(d0, d1) -> (0, 0)>
module attributes {stable_mosaic.version = 14 : i64} {
  func.func @_cnt_body(%arg0: i32, %arg1: i32, %arg2: memref<6280x128xi32, #tpu.memory_space<hbm>>, %arg3: memref<6280x128xi32, #tpu.memory_space<hbm>>, %arg4: memref<128x8xf32, #tpu.memory_space<hbm>>, %arg5: memref<50176x8xf32, #tpu.memory_space<hbm>>, %arg6: memref<100352x8xf32, #tpu.memory_space<hbm>>, %arg7: memref<7x128xi32, #tpu.memory_space<vmem>>, %arg8: memref<128x8xf32, #tpu.memory_space<vmem>>, %arg9: memref<50176x8xf32, #tpu.memory_space<vmem_shared>>, %arg10: memref<!tpu.dma_semaphore, #tpu.memory_space<semaphore_mem>>) attributes {dimension_semantics = [#tpu.dimension_semantics<core_parallel>, #tpu.dimension_semantics<subcore_parallel>], iteration_bounds = array<i64: 2, 16>, scalar_prefetch = 0 : i64, scratch_operands = 4 : i64, tpu.core_type = #tpu.core_type<sc_vector_subcore>, window_params = [{transform_indices = #map}, {transform_indices = #map}, {transform_indices = #map}, {transform_indices = #map}, {transform_indices = #map}]} {
    "tpu.region"() ({
      %run_scoped3A = tpu.sem_alloc : memref<!tpu.dma_semaphore, #tpu.memory_space<semaphore_mem>>
      tpu.enqueue_dma source(%arg4 : memref<128x8xf32, #tpu.memory_space<hbm>>) target(%arg8 : memref<128x8xf32, #tpu.memory_space<vmem>>) target_semaphore(%run_scoped3A : memref<!tpu.dma_semaphore, #tpu.memory_space<semaphore_mem>>)
      tpu.wait_dma2 semaphore(%run_scoped3A : memref<!tpu.dma_semaphore, #tpu.memory_space<semaphore_mem>>) src(%arg4 : memref<128x8xf32, #tpu.memory_space<hbm>>) dst(%arg8 : memref<128x8xf32, #tpu.memory_space<vmem>>)
      tpu.yield
    }) : () -> ()
    %mul3A = arith.constant 3136 : i32
    %mul3A_0 = arith.muli %arg1, %mul3A : i32
    %mul3A_1 = arith.constant 3136 : i32
    %mul3A_2 = arith.muli %arg1, %mul3A_1 : i32
    "tpu.region"() ({
      %run_scoped3A = tpu.sem_alloc : memref<!tpu.dma_semaphore, #tpu.memory_space<semaphore_mem>>
      %dma_start3A = arith.constant 0 : i32
      %dma_start3A_17 = tpu.memref_slice %arg9[%mul3A_2, %dma_start3A] : memref<50176x8xf32, #tpu.memory_space<vmem_shared>> -> memref<3136x8xf32, #tpu.memory_space<vmem_shared>>
      %dma_start3A_18 = arith.constant 0 : i32
      %dma_start3A_19 = tpu.memref_slice %arg5[%mul3A_0, %dma_start3A_18] : memref<50176x8xf32, #tpu.memory_space<hbm>> -> memref<3136x8xf32, #tpu.memory_space<hbm>>
      tpu.enqueue_dma source(%dma_start3A_19 : memref<3136x8xf32, #tpu.memory_space<hbm>>) target(%dma_start3A_17 : memref<3136x8xf32, #tpu.memory_space<vmem_shared>>) target_semaphore(%run_scoped3A : memref<!tpu.dma_semaphore, #tpu.memory_space<semaphore_mem>>)
      %dma_wait3A = arith.constant 0 : i32
      %dma_wait3A_20 = tpu.memref_slice %arg9[%mul3A_2, %dma_wait3A] : memref<50176x8xf32, #tpu.memory_space<vmem_shared>> -> memref<3136x8xf32, #tpu.memory_space<vmem_shared>>
      %dma_wait3A_21 = arith.constant 0 : i32
      %dma_wait3A_22 = tpu.memref_slice %arg5[%mul3A_0, %dma_wait3A_21] : memref<50176x8xf32, #tpu.memory_space<hbm>> -> memref<3136x8xf32, #tpu.memory_space<hbm>>
      tpu.wait_dma2 semaphore(%run_scoped3A : memref<!tpu.dma_semaphore, #tpu.memory_space<semaphore_mem>>) src(%dma_wait3A_22 : memref<3136x8xf32, #tpu.memory_space<hbm>>) dst(%dma_wait3A_20 : memref<3136x8xf32, #tpu.memory_space<vmem_shared>>)
      tpu.yield
    }) : () -> ()
    %barrier3A = arith.constant 0 : index
    tpu.barrier barrier_id(%barrier3A)
    %mul3A_3 = arith.constant 392 : i32
    %mul3A_4 = arith.muli %arg1, %mul3A_3 : i32
    %scan3A = arith.constant 0 : i32
    %scan3A_5 = arith.constant 0 : i32
    %scan3A_6 = arith.constant 56 : i32
    %scan3A_7 = arith.addi %scan3A_5, %scan3A_6 : i32
    %scan3A_8 = arith.constant 1 : i32
    scf.for %scan3A_17 = %scan3A_5 to %scan3A_7 step %scan3A_8  : i32 {
      %mul3A_18 = arith.constant 7 : i32
      %mul3A_19 = arith.muli %scan3A_17, %mul3A_18 : i32
      %add3A_20 = arith.addi %mul3A_4, %mul3A_19 : i32
      %eq3A = arith.constant 0 : i32
      %eq3A_21 = arith.cmpi eq, %arg0, %eq3A : i32
      %convert_element_type3A = arith.extui %eq3A_21 : i1 to i32
      %cond3A = arith.constant 0 : i32
      %cond3A_22 = arith.cmpi ne, %convert_element_type3A, %cond3A : i32
      scf.if %cond3A_22 {
        "tpu.region"() ({
          %run_scoped3A = tpu.sem_alloc : memref<!tpu.dma_semaphore, #tpu.memory_space<semaphore_mem>>
          %dma_start3A_124 = arith.constant 0 : i32
          %dma_start3A_125 = tpu.memref_slice %arg2[%add3A_20, %dma_start3A_124] : memref<6280x128xi32, #tpu.memory_space<hbm>> -> memref<7x128xi32, #tpu.memory_space<hbm>>
          %dma_start3A_126 = arith.constant 0 : i32
          %dma_start3A_127 = tpu.memref_slice %arg2[%add3A_20, %dma_start3A_126] : memref<6280x128xi32, #tpu.memory_space<hbm>> -> memref<7x128xi32, #tpu.memory_space<hbm>>
          tpu.enqueue_dma source(%dma_start3A_127 : memref<7x128xi32, #tpu.memory_space<hbm>>) target(%arg7 : memref<7x128xi32, #tpu.memory_space<vmem>>) target_semaphore(%run_scoped3A : memref<!tpu.dma_semaphore, #tpu.memory_space<semaphore_mem>>)
          %dma_wait3A_128 = arith.constant 0 : i32
          %dma_wait3A_129 = tpu.memref_slice %arg2[%add3A_20, %dma_wait3A_128] : memref<6280x128xi32, #tpu.memory_space<hbm>> -> memref<7x128xi32, #tpu.memory_space<hbm>>
          %dma_wait3A_130 = arith.constant 0 : i32
          %dma_wait3A_131 = tpu.memref_slice %arg2[%add3A_20, %dma_wait3A_130] : memref<6280x128xi32, #tpu.memory_space<hbm>> -> memref<7x128xi32, #tpu.memory_space<hbm>>
          tpu.wait_dma2 semaphore(%run_scoped3A : memref<!tpu.dma_semaphore, #tpu.memory_space<semaphore_mem>>) src(%dma_wait3A_131 : memref<7x128xi32, #tpu.memory_space<hbm>>) dst(%arg7 : memref<7x128xi32, #tpu.memory_space<vmem>>)
          tpu.yield
        }) : () -> ()
      } else {
      }
      %eq3A_23 = arith.constant 1 : i32
      %eq3A_24 = arith.cmpi eq, %arg0, %eq3A_23 : i32
      %convert_element_type3A_25 = arith.extui %eq3A_24 : i1 to i32
      %cond3A_26 = arith.constant 0 : i32
      %cond3A_27 = arith.cmpi ne, %convert_element_type3A_25, %cond3A_26 : i32
      scf.if %cond3A_27 {
        "tpu.region"() ({
          %run_scoped3A = tpu.sem_alloc : memref<!tpu.dma_semaphore, #tpu.memory_space<semaphore_mem>>
          %dma_start3A_124 = arith.constant 0 : i32
          %dma_start3A_125 = tpu.memref_slice %arg3[%add3A_20, %dma_start3A_124] : memref<6280x128xi32, #tpu.memory_space<hbm>> -> memref<7x128xi32, #tpu.memory_space<hbm>>
          %dma_start3A_126 = arith.constant 0 : i32
          %dma_start3A_127 = tpu.memref_slice %arg3[%add3A_20, %dma_start3A_126] : memref<6280x128xi32, #tpu.memory_space<hbm>> -> memref<7x128xi32, #tpu.memory_space<hbm>>
          tpu.enqueue_dma source(%dma_start3A_127 : memref<7x128xi32, #tpu.memory_space<hbm>>) target(%arg7 : memref<7x128xi32, #tpu.memory_space<vmem>>) target_semaphore(%run_scoped3A : memref<!tpu.dma_semaphore, #tpu.memory_space<semaphore_mem>>)
          %dma_wait3A_128 = arith.constant 0 : i32
          %dma_wait3A_129 = tpu.memref_slice %arg3[%add3A_20, %dma_wait3A_128] : memref<6280x128xi32, #tpu.memory_space<hbm>> -> memref<7x128xi32, #tpu.memory_space<hbm>>
          %dma_wait3A_130 = arith.constant 0 : i32
          %dma_wait3A_131 = tpu.memref_slice %arg3[%add3A_20, %dma_wait3A_130] : memref<6280x128xi32, #tpu.memory_space<hbm>> -> memref<7x128xi32, #tpu.memory_space<hbm>>
          tpu.wait_dma2 semaphore(%run_scoped3A : memref<!tpu.dma_semaphore, #tpu.memory_space<semaphore_mem>>) src(%dma_wait3A_131 : memref<7x128xi32, #tpu.memory_space<hbm>>) dst(%arg7 : memref<7x128xi32, #tpu.memory_space<vmem>>)
          tpu.yield
        }) : () -> ()
      } else {
      }
      %dma_start3A = arith.constant 0 : i32
      %dma_start3A_28 = arith.constant 0 : i32
      %dma_start3A_29 = tpu.memref_slice %arg7[%dma_start3A, %dma_start3A_28] : memref<7x128xi32, #tpu.memory_space<vmem>> -> memref<1x128xi32, #tpu.memory_space<vmem>>
      %dma_start3A_30 = tpu.memref_squeeze %dma_start3A_29 : memref<1x128xi32, #tpu.memory_space<vmem>> -> memref<128xi32, #tpu.memory_space<vmem>>
      %dma_start3A_31 = arith.constant 0 : i32
      %dma_start3A_32 = arith.constant 0 : i32
      %dma_start3A_33 = tpu.memref_slice %arg9[%dma_start3A_31, %dma_start3A_32] : memref<50176x8xf32, #tpu.memory_space<vmem_shared>> -> memref<50176x8xf32, #tpu.memory_space<vmem_shared>>
      tpu.enqueue_indirect_dma source(%arg8 : memref<128x8xf32, #tpu.memory_space<vmem>>) target(%dma_start3A_33 : memref<50176x8xf32, #tpu.memory_space<vmem_shared>>) offsets(%dma_start3A_30 : memref<128xi32, #tpu.memory_space<vmem>>) semaphore(%arg10 : memref<!tpu.dma_semaphore, #tpu.memory_space<semaphore_mem>>) {add = true}
      %dma_start3A_34 = arith.constant 1 : i32
      %dma_start3A_35 = arith.constant 0 : i32
      %dma_start3A_36 = tpu.memref_slice %arg7[%dma_start3A_34, %dma_start3A_35] : memref<7x128xi32, #tpu.memory_space<vmem>> -> memref<1x128xi32, #tpu.memory_space<vmem>>
      %dma_start3A_37 = tpu.memref_squeeze %dma_start3A_36 : memref<1x128xi32, #tpu.memory_space<vmem>> -> memref<128xi32, #tpu.memory_space<vmem>>
      %dma_start3A_38 = arith.constant 0 : i32
      %dma_start3A_39 = arith.constant 0 : i32
      %dma_start3A_40 = tpu.memref_slice %arg9[%dma_start3A_38, %dma_start3A_39] : memref<50176x8xf32, #tpu.memory_space<vmem_shared>> -> memref<50176x8xf32, #tpu.memory_space<vmem_shared>>
      tpu.enqueue_indirect_dma source(%arg8 : memref<128x8xf32, #tpu.memory_space<vmem>>) target(%dma_start3A_40 : memref<50176x8xf32, #tpu.memory_space<vmem_shared>>) offsets(%dma_start3A_37 : memref<128xi32, #tpu.memory_space<vmem>>) semaphore(%arg10 : memref<!tpu.dma_semaphore, #tpu.memory_space<semaphore_mem>>) {add = true}
      %dma_start3A_41 = arith.constant 2 : i32
      %dma_start3A_42 = arith.constant 0 : i32
      %dma_start3A_43 = tpu.memref_slice %arg7[%dma_start3A_41, %dma_start3A_42] : memref<7x128xi32, #tpu.memory_space<vmem>> -> memref<1x128xi32, #tpu.memory_space<vmem>>
      %dma_start3A_44 = tpu.memref_squeeze %dma_start3A_43 : memref<1x128xi32, #tpu.memory_space<vmem>> -> memref<128xi32, #tpu.memory_space<vmem>>
      %dma_start3A_45 = arith.constant 0 : i32
      %dma_start3A_46 = arith.constant 0 : i32
      %dma_start3A_47 = tpu.memref_slice %arg9[%dma_start3A_45, %dma_start3A_46] : memref<50176x8xf32, #tpu.memory_space<vmem_shared>> -> memref<50176x8xf32, #tpu.memory_space<vmem_shared>>
      tpu.enqueue_indirect_dma source(%arg8 : memref<128x8xf32, #tpu.memory_space<vmem>>) target(%dma_start3A_47 : memref<50176x8xf32, #tpu.memory_space<vmem_shared>>) offsets(%dma_start3A_44 : memref<128xi32, #tpu.memory_space<vmem>>) semaphore(%arg10 : memref<!tpu.dma_semaphore, #tpu.memory_space<semaphore_mem>>) {add = true}
      %dma_start3A_48 = arith.constant 3 : i32
      %dma_start3A_49 = arith.constant 0 : i32
      %dma_start3A_50 = tpu.memref_slice %arg7[%dma_start3A_48, %dma_start3A_49] : memref<7x128xi32, #tpu.memory_space<vmem>> -> memref<1x128xi32, #tpu.memory_space<vmem>>
      %dma_start3A_51 = tpu.memref_squeeze %dma_start3A_50 : memref<1x128xi32, #tpu.memory_space<vmem>> -> memref<128xi32, #tpu.memory_space<vmem>>
      %dma_start3A_52 = arith.constant 0 : i32
      %dma_start3A_53 = arith.constant 0 : i32
      %dma_start3A_54 = tpu.memref_slice %arg9[%dma_start3A_52, %dma_start3A_53] : memref<50176x8xf32, #tpu.memory_space<vmem_shared>> -> memref<50176x8xf32, #tpu.memory_space<vmem_shared>>
      tpu.enqueue_indirect_dma source(%arg8 : memref<128x8xf32, #tpu.memory_space<vmem>>) target(%dma_start3A_54 : memref<50176x8xf32, #tpu.memory_space<vmem_shared>>) offsets(%dma_start3A_51 : memref<128xi32, #tpu.memory_space<vmem>>) semaphore(%arg10 : memref<!tpu.dma_semaphore, #tpu.memory_space<semaphore_mem>>) {add = true}
      %dma_start3A_55 = arith.constant 4 : i32
      %dma_start3A_56 = arith.constant 0 : i32
      %dma_start3A_57 = tpu.memref_slice %arg7[%dma_start3A_55, %dma_start3A_56] : memref<7x128xi32, #tpu.memory_space<vmem>> -> memref<1x128xi32, #tpu.memory_space<vmem>>
      %dma_start3A_58 = tpu.memref_squeeze %dma_start3A_57 : memref<1x128xi32, #tpu.memory_space<vmem>> -> memref<128xi32, #tpu.memory_space<vmem>>
      %dma_start3A_59 = arith.constant 0 : i32
      %dma_start3A_60 = arith.constant 0 : i32
      %dma_start3A_61 = tpu.memref_slice %arg9[%dma_start3A_59, %dma_start3A_60] : memref<50176x8xf32, #tpu.memory_space<vmem_shared>> -> memref<50176x8xf32, #tpu.memory_space<vmem_shared>>
      tpu.enqueue_indirect_dma source(%arg8 : memref<128x8xf32, #tpu.memory_space<vmem>>) target(%dma_start3A_61 : memref<50176x8xf32, #tpu.memory_space<vmem_shared>>) offsets(%dma_start3A_58 : memref<128xi32, #tpu.memory_space<vmem>>) semaphore(%arg10 : memref<!tpu.dma_semaphore, #tpu.memory_space<semaphore_mem>>) {add = true}
      %dma_start3A_62 = arith.constant 5 : i32
      %dma_start3A_63 = arith.constant 0 : i32
      %dma_start3A_64 = tpu.memref_slice %arg7[%dma_start3A_62, %dma_start3A_63] : memref<7x128xi32, #tpu.memory_space<vmem>> -> memref<1x128xi32, #tpu.memory_space<vmem>>
      %dma_start3A_65 = tpu.memref_squeeze %dma_start3A_64 : memref<1x128xi32, #tpu.memory_space<vmem>> -> memref<128xi32, #tpu.memory_space<vmem>>
      %dma_start3A_66 = arith.constant 0 : i32
      %dma_start3A_67 = arith.constant 0 : i32
      %dma_start3A_68 = tpu.memref_slice %arg9[%dma_start3A_66, %dma_start3A_67] : memref<50176x8xf32, #tpu.memory_space<vmem_shared>> -> memref<50176x8xf32, #tpu.memory_space<vmem_shared>>
      tpu.enqueue_indirect_dma source(%arg8 : memref<128x8xf32, #tpu.memory_space<vmem>>) target(%dma_start3A_68 : memref<50176x8xf32, #tpu.memory_space<vmem_shared>>) offsets(%dma_start3A_65 : memref<128xi32, #tpu.memory_space<vmem>>) semaphore(%arg10 : memref<!tpu.dma_semaphore, #tpu.memory_space<semaphore_mem>>) {add = true}
      %dma_start3A_69 = arith.constant 6 : i32
      %dma_start3A_70 = arith.constant 0 : i32
      %dma_start3A_71 = tpu.memref_slice %arg7[%dma_start3A_69, %dma_start3A_70] : memref<7x128xi32, #tpu.memory_space<vmem>> -> memref<1x128xi32, #tpu.memory_space<vmem>>
      %dma_start3A_72 = tpu.memref_squeeze %dma_start3A_71 : memref<1x128xi32, #tpu.memory_space<vmem>> -> memref<128xi32, #tpu.memory_space<vmem>>
      %dma_start3A_73 = arith.constant 0 : i32
      %dma_start3A_74 = arith.constant 0 : i32
      %dma_start3A_75 = tpu.memref_slice %arg9[%dma_start3A_73, %dma_start3A_74] : memref<50176x8xf32, #tpu.memory_space<vmem_shared>> -> memref<50176x8xf32, #tpu.memory_space<vmem_shared>>
      tpu.enqueue_indirect_dma source(%arg8 : memref<128x8xf32, #tpu.memory_space<vmem>>) target(%dma_start3A_75 : memref<50176x8xf32, #tpu.memory_space<vmem_shared>>) offsets(%dma_start3A_72 : memref<128xi32, #tpu.memory_space<vmem>>) semaphore(%arg10 : memref<!tpu.dma_semaphore, #tpu.memory_space<semaphore_mem>>) {add = true}
      %dma_wait3A = arith.constant 0 : i32
      %dma_wait3A_76 = arith.constant 0 : i32
      %dma_wait3A_77 = tpu.memref_slice %arg7[%dma_wait3A, %dma_wait3A_76] : memref<7x128xi32, #tpu.memory_space<vmem>> -> memref<1x128xi32, #tpu.memory_space<vmem>>
      %dma_wait3A_78 = tpu.memref_squeeze %dma_wait3A_77 : memref<1x128xi32, #tpu.memory_space<vmem>> -> memref<128xi32, #tpu.memory_space<vmem>>
      %dma_wait3A_79 = arith.constant 0 : i32
      %dma_wait3A_80 = arith.constant 0 : i32
      %dma_wait3A_81 = tpu.memref_slice %arg9[%dma_wait3A_79, %dma_wait3A_80] : memref<50176x8xf32, #tpu.memory_space<vmem_shared>> -> memref<50176x8xf32, #tpu.memory_space<vmem_shared>>
      tpu.wait_indirect_dma semaphore(%arg10 : memref<!tpu.dma_semaphore, #tpu.memory_space<semaphore_mem>>) src(%arg8 : memref<128x8xf32, #tpu.memory_space<vmem>>) dst(%dma_wait3A_81 : memref<50176x8xf32, #tpu.memory_space<vmem_shared>>)
      %dma_wait3A_82 = arith.constant 1 : i32
      %dma_wait3A_83 = arith.constant 0 : i32
      %dma_wait3A_84 = tpu.memref_slice %arg7[%dma_wait3A_82, %dma_wait3A_83] : memref<7x128xi32, #tpu.memory_space<vmem>> -> memref<1x128xi32, #tpu.memory_space<vmem>>
      %dma_wait3A_85 = tpu.memref_squeeze %dma_wait3A_84 : memref<1x128xi32, #tpu.memory_space<vmem>> -> memref<128xi32, #tpu.memory_space<vmem>>
      %dma_wait3A_86 = arith.constant 0 : i32
      %dma_wait3A_87 = arith.constant 0 : i32
      %dma_wait3A_88 = tpu.memref_slice %arg9[%dma_wait3A_86, %dma_wait3A_87] : memref<50176x8xf32, #tpu.memory_space<vmem_shared>> -> memref<50176x8xf32, #tpu.memory_space<vmem_shared>>
      tpu.wait_indirect_dma semaphore(%arg10 : memref<!tpu.dma_semaphore, #tpu.memory_space<semaphore_mem>>) src(%arg8 : memref<128x8xf32, #tpu.memory_space<vmem>>) dst(%dma_wait3A_88 : memref<50176x8xf32, #tpu.memory_space<vmem_shared>>)
      %dma_wait3A_89 = arith.constant 2 : i32
      %dma_wait3A_90 = arith.constant 0 : i32
      %dma_wait3A_91 = tpu.memref_slice %arg7[%dma_wait3A_89, %dma_wait3A_90] : memref<7x128xi32, #tpu.memory_space<vmem>> -> memref<1x128xi32, #tpu.memory_space<vmem>>
      %dma_wait3A_92 = tpu.memref_squeeze %dma_wait3A_91 : memref<1x128xi32, #tpu.memory_space<vmem>> -> memref<128xi32, #tpu.memory_space<vmem>>
      %dma_wait3A_93 = arith.constant 0 : i32
      %dma_wait3A_94 = arith.constant 0 : i32
      %dma_wait3A_95 = tpu.memref_slice %arg9[%dma_wait3A_93, %dma_wait3A_94] : memref<50176x8xf32, #tpu.memory_space<vmem_shared>> -> memref<50176x8xf32, #tpu.memory_space<vmem_shared>>
      tpu.wait_indirect_dma semaphore(%arg10 : memref<!tpu.dma_semaphore, #tpu.memory_space<semaphore_mem>>) src(%arg8 : memref<128x8xf32, #tpu.memory_space<vmem>>) dst(%dma_wait3A_95 : memref<50176x8xf32, #tpu.memory_space<vmem_shared>>)
      %dma_wait3A_96 = arith.constant 3 : i32
      %dma_wait3A_97 = arith.constant 0 : i32
      %dma_wait3A_98 = tpu.memref_slice %arg7[%dma_wait3A_96, %dma_wait3A_97] : memref<7x128xi32, #tpu.memory_space<vmem>> -> memref<1x128xi32, #tpu.memory_space<vmem>>
      %dma_wait3A_99 = tpu.memref_squeeze %dma_wait3A_98 : memref<1x128xi32, #tpu.memory_space<vmem>> -> memref<128xi32, #tpu.memory_space<vmem>>
      %dma_wait3A_100 = arith.constant 0 : i32
      %dma_wait3A_101 = arith.constant 0 : i32
      %dma_wait3A_102 = tpu.memref_slice %arg9[%dma_wait3A_100, %dma_wait3A_101] : memref<50176x8xf32, #tpu.memory_space<vmem_shared>> -> memref<50176x8xf32, #tpu.memory_space<vmem_shared>>
      tpu.wait_indirect_dma semaphore(%arg10 : memref<!tpu.dma_semaphore, #tpu.memory_space<semaphore_mem>>) src(%arg8 : memref<128x8xf32, #tpu.memory_space<vmem>>) dst(%dma_wait3A_102 : memref<50176x8xf32, #tpu.memory_space<vmem_shared>>)
      %dma_wait3A_103 = arith.constant 4 : i32
      %dma_wait3A_104 = arith.constant 0 : i32
      %dma_wait3A_105 = tpu.memref_slice %arg7[%dma_wait3A_103, %dma_wait3A_104] : memref<7x128xi32, #tpu.memory_space<vmem>> -> memref<1x128xi32, #tpu.memory_space<vmem>>
      %dma_wait3A_106 = tpu.memref_squeeze %dma_wait3A_105 : memref<1x128xi32, #tpu.memory_space<vmem>> -> memref<128xi32, #tpu.memory_space<vmem>>
      %dma_wait3A_107 = arith.constant 0 : i32
      %dma_wait3A_108 = arith.constant 0 : i32
      %dma_wait3A_109 = tpu.memref_slice %arg9[%dma_wait3A_107, %dma_wait3A_108] : memref<50176x8xf32, #tpu.memory_space<vmem_shared>> -> memref<50176x8xf32, #tpu.memory_space<vmem_shared>>
      tpu.wait_indirect_dma semaphore(%arg10 : memref<!tpu.dma_semaphore, #tpu.memory_space<semaphore_mem>>) src(%arg8 : memref<128x8xf32, #tpu.memory_space<vmem>>) dst(%dma_wait3A_109 : memref<50176x8xf32, #tpu.memory_space<vmem_shared>>)
      %dma_wait3A_110 = arith.constant 5 : i32
      %dma_wait3A_111 = arith.constant 0 : i32
      %dma_wait3A_112 = tpu.memref_slice %arg7[%dma_wait3A_110, %dma_wait3A_111] : memref<7x128xi32, #tpu.memory_space<vmem>> -> memref<1x128xi32, #tpu.memory_space<vmem>>
      %dma_wait3A_113 = tpu.memref_squeeze %dma_wait3A_112 : memref<1x128xi32, #tpu.memory_space<vmem>> -> memref<128xi32, #tpu.memory_space<vmem>>
      %dma_wait3A_114 = arith.constant 0 : i32
      %dma_wait3A_115 = arith.constant 0 : i32
      %dma_wait3A_116 = tpu.memref_slice %arg9[%dma_wait3A_114, %dma_wait3A_115] : memref<50176x8xf32, #tpu.memory_space<vmem_shared>> -> memref<50176x8xf32, #tpu.memory_space<vmem_shared>>
      tpu.wait_indirect_dma semaphore(%arg10 : memref<!tpu.dma_semaphore, #tpu.memory_space<semaphore_mem>>) src(%arg8 : memref<128x8xf32, #tpu.memory_space<vmem>>) dst(%dma_wait3A_116 : memref<50176x8xf32, #tpu.memory_space<vmem_shared>>)
      %dma_wait3A_117 = arith.constant 6 : i32
      %dma_wait3A_118 = arith.constant 0 : i32
      %dma_wait3A_119 = tpu.memref_slice %arg7[%dma_wait3A_117, %dma_wait3A_118] : memref<7x128xi32, #tpu.memory_space<vmem>> -> memref<1x128xi32, #tpu.memory_space<vmem>>
      %dma_wait3A_120 = tpu.memref_squeeze %dma_wait3A_119 : memref<1x128xi32, #tpu.memory_space<vmem>> -> memref<128xi32, #tpu.memory_space<vmem>>
      %dma_wait3A_121 = arith.constant 0 : i32
      %dma_wait3A_122 = arith.constant 0 : i32
      %dma_wait3A_123 = tpu.memref_slice %arg9[%dma_wait3A_121, %dma_wait3A_122] : memref<50176x8xf32, #tpu.memory_space<vmem_shared>> -> memref<50176x8xf32, #tpu.memory_space<vmem_shared>>
      tpu.wait_indirect_dma semaphore(%arg10 : memref<!tpu.dma_semaphore, #tpu.memory_space<semaphore_mem>>) src(%arg8 : memref<128x8xf32, #tpu.memory_space<vmem>>) dst(%dma_wait3A_123 : memref<50176x8xf32, #tpu.memory_space<vmem_shared>>)
    }
    %scan3A_9 = arith.constant 56 : i32
    %barrier3A_10 = arith.constant 0 : index
    tpu.barrier barrier_id(%barrier3A_10)
    %mul3A_11 = arith.constant 3136 : i32
    %mul3A_12 = arith.muli %arg1, %mul3A_11 : i32
    %mul3A_13 = arith.constant 50176 : i32
    %mul3A_14 = arith.muli %arg0, %mul3A_13 : i32
    %mul3A_15 = arith.constant 3136 : i32
    %mul3A_16 = arith.muli %arg1, %mul3A_15 : i32
    %add3A = arith.addi %mul3A_14, %mul3A_16 : i32
    "tpu.region"() ({
      %run_scoped3A = tpu.sem_alloc : memref<!tpu.dma_semaphore, #tpu.memory_space<semaphore_mem>>
      %dma_start3A = arith.constant 0 : i32
      %dma_start3A_17 = tpu.memref_slice %arg6[%add3A, %dma_start3A] : memref<100352x8xf32, #tpu.memory_space<hbm>> -> memref<3136x8xf32, #tpu.memory_space<hbm>>
      %dma_start3A_18 = arith.constant 0 : i32
      %dma_start3A_19 = tpu.memref_slice %arg9[%mul3A_12, %dma_start3A_18] : memref<50176x8xf32, #tpu.memory_space<vmem_shared>> -> memref<3136x8xf32, #tpu.memory_space<vmem_shared>>
      tpu.enqueue_dma source(%dma_start3A_19 : memref<3136x8xf32, #tpu.memory_space<vmem_shared>>) target(%dma_start3A_17 : memref<3136x8xf32, #tpu.memory_space<hbm>>) target_semaphore(%run_scoped3A : memref<!tpu.dma_semaphore, #tpu.memory_space<semaphore_mem>>)
      %dma_wait3A = arith.constant 0 : i32
      %dma_wait3A_20 = tpu.memref_slice %arg6[%add3A, %dma_wait3A] : memref<100352x8xf32, #tpu.memory_space<hbm>> -> memref<3136x8xf32, #tpu.memory_space<hbm>>
      %dma_wait3A_21 = arith.constant 0 : i32
      %dma_wait3A_22 = tpu.memref_slice %arg9[%mul3A_12, %dma_wait3A_21] : memref<50176x8xf32, #tpu.memory_space<vmem_shared>> -> memref<3136x8xf32, #tpu.memory_space<vmem_shared>>
      tpu.wait_dma2 semaphore(%run_scoped3A : memref<!tpu.dma_semaphore, #tpu.memory_space<semaphore_mem>>) src(%dma_wait3A_22 : memref<3136x8xf32, #tpu.memory_space<vmem_shared>>) dst(%dma_wait3A_20 : memref<3136x8xf32, #tpu.memory_space<hbm>>)
      tpu.yield
    }) : () -> ()
    return
  }
}

module attributes {stable_mosaic.version = 14 : i64} {
  func.func @_k1_body(%arg0: i32, %arg1: memref<1792x5xf32, #tpu.memory_space<vmem>>, %arg2: memref<1792x1xi32, #tpu.memory_space<vmem>>, %arg3: memref<200x64xf32, #tpu.memory_space<vmem>>, %arg4: memref<69x64xf32, #tpu.memory_space<vmem>>, %arg5: memref<1x64xf32, #tpu.memory_space<vmem>>, %arg6: memref<2x1792x32xf32, #tpu.memory_space<vmem>>) attributes {dimension_semantics = [#tpu.dimension_semantics<arbitrary>], iteration_bounds = array<i64: 28>, scalar_prefetch = 0 : i64, scratch_operands = 0 : i64, tpu.core_type = #tpu.core_type<tc>, window_params = [{transform_indices = @transform_0, window_bounds = array<i64: 1792, 5>}, {transform_indices = @transform_1, window_bounds = array<i64: 1792, 1>}, {pipeline_mode = #tpu.pipeline_mode<synchronous>, transform_indices = @transform_2, window_bounds = array<i64: 200, 64>}, {pipeline_mode = #tpu.pipeline_mode<synchronous>, transform_indices = @transform_3, window_bounds = array<i64: 69, 64>}, {pipeline_mode = #tpu.pipeline_mode<synchronous>, transform_indices = @transform_4, window_bounds = array<i64: 1, 64>}, {transform_indices = @transform_5, window_bounds = array<i64: 2, 1792, 32>}]} {
    %get3A = arith.constant 0 : index
    %get3A_0 = arith.constant 0 : index
    %get3A_1 = vector.load %arg2[%get3A, %get3A_0] : memref<1792x1xi32, #tpu.memory_space<vmem>>, vector<1792x1xi32>
    %iota3A = tpu.iota {dimensions = array<i32: 1>} : vector<1792x200xi32>
    %eq3A = vector.broadcast %get3A_1 : vector<1792x1xi32> to vector<1792x200xi32>
    %eq3A_2 = arith.cmpi eq, %eq3A, %iota3A : vector<1792x200xi32>
    %convert_element_type3A = arith.extui %eq3A_2 : vector<1792x200xi1> to vector<1792x200xi32>
    %convert_element_type3A_3 = arith.sitofp %convert_element_type3A : vector<1792x200xi32> to vector<1792x200xf32>
    %get3A_4 = arith.constant 0 : index
    %get3A_5 = arith.constant 0 : index
    %get3A_6 = vector.load %arg3[%get3A_4, %get3A_5] : memref<200x64xf32, #tpu.memory_space<vmem>>, vector<200x64xf32>
    %dot_general3A = arith.constant dense<0.000000e+00> : vector<1792x64xf32>
    %dot_general3A_7 = tpu.matmul %convert_element_type3A_3, %get3A_6, %dot_general3A {dimension_numbers = #tpu.dot_dimension_numbers<[1], [0], [0], [1], [0, 0, 1, 1], [], []>, transpose_lhs_hint = false} : vector<1792x200xf32>, vector<200x64xf32>, vector<1792x64xf32> -> vector<1792x64xf32>
    %get3A_8 = arith.constant 0 : index
    %get3A_9 = arith.constant 0 : index
    %get3A_10 = vector.load %arg4[%get3A_8, %get3A_9] : memref<69x64xf32, #tpu.memory_space<vmem>>, vector<69x64xf32>
    %slice3A = vector.extract_strided_slice %get3A_10 {offsets = [0, 0], sizes = [64, 64], strides = [1, 1]} : vector<69x64xf32> to vector<64x64xf32>
    %dot_general3A_11 = arith.constant dense<0.000000e+00> : vector<1792x64xf32>
    %dot_general3A_12 = tpu.matmul %dot_general3A_7, %slice3A, %dot_general3A_11 {dimension_numbers = #tpu.dot_dimension_numbers<[1], [0], [0], [1], [0, 0, 1, 1], [], []>, transpose_lhs_hint = false} : vector<1792x64xf32>, vector<64x64xf32>, vector<1792x64xf32> -> vector<1792x64xf32>
    %get3A_13 = arith.constant 0 : index
    %get3A_14 = arith.constant 0 : index
    %get3A_15 = vector.load %arg1[%get3A_13, %get3A_14] : memref<1792x5xf32, #tpu.memory_space<vmem>>, vector<1792x5xf32>
    %slice3A_16 = vector.extract_strided_slice %get3A_10 {offsets = [64, 0], sizes = [5, 64], strides = [1, 1]} : vector<69x64xf32> to vector<5x64xf32>
    %dot_general3A_17 = arith.constant dense<0.000000e+00> : vector<1792x64xf32>
    %dot_general3A_18 = tpu.matmul %get3A_15, %slice3A_16, %dot_general3A_17 {dimension_numbers = #tpu.dot_dimension_numbers<[1], [0], [0], [1], [0, 0, 1, 1], [], []>, transpose_lhs_hint = false} : vector<1792x5xf32>, vector<5x64xf32>, vector<1792x64xf32> -> vector<1792x64xf32>
    %add3A = arith.addf %dot_general3A_12, %dot_general3A_18 : vector<1792x64xf32>
    %get3A_19 = arith.constant 0 : index
    %get3A_20 = arith.constant 0 : index
    %get3A_21 = vector.load %arg5[%get3A_19, %get3A_20] : memref<1x64xf32, #tpu.memory_space<vmem>>, vector<1x64xf32>
    %add3A_22 = vector.broadcast %get3A_21 : vector<1x64xf32> to vector<1792x64xf32>
    %add3A_23 = arith.addf %add3A, %add3A_22 : vector<1792x64xf32>
    %slice3A_24 = vector.extract_strided_slice %add3A_23 {offsets = [0, 0], sizes = [1792, 32], strides = [1, 1]} : vector<1792x64xf32> to vector<1792x32xf32>
    %swap3A = arith.constant 0 : index
    %swap3A_25 = arith.constant 0 : index
    %swap3A_26 = arith.constant 0 : index
    %swap3A_27 = vector.load %arg6[%swap3A, %swap3A_25, %swap3A_26] : memref<2x1792x32xf32, #tpu.memory_space<vmem>>, vector<1x1792x32xf32>
    %swap3A_28 = vector.shape_cast %swap3A_27 : vector<1x1792x32xf32> to vector<1792x32xf32>
    %swap3A_29 = vector.shape_cast %slice3A_24 : vector<1792x32xf32> to vector<1x1792x32xf32>
    tpu.vector_store %arg6[%swap3A, %swap3A_25, %swap3A_26], %swap3A_29 {strides = array<i32>} : memref<2x1792x32xf32, #tpu.memory_space<vmem>>, vector<1x1792x32xf32>,
    %slice3A_30 = vector.extract_strided_slice %add3A_23 {offsets = [0, 32], sizes = [1792, 32], strides = [1, 1]} : vector<1792x64xf32> to vector<1792x32xf32>
    %swap3A_31 = arith.constant 1 : index
    %swap3A_32 = arith.constant 0 : index
    %swap3A_33 = arith.constant 0 : index
    %swap3A_34 = vector.load %arg6[%swap3A_31, %swap3A_32, %swap3A_33] : memref<2x1792x32xf32, #tpu.memory_space<vmem>>, vector<1x1792x32xf32>
    %swap3A_35 = vector.shape_cast %swap3A_34 : vector<1x1792x32xf32> to vector<1792x32xf32>
    %swap3A_36 = vector.shape_cast %slice3A_30 : vector<1792x32xf32> to vector<1x1792x32xf32>
    tpu.vector_store %arg6[%swap3A_31, %swap3A_32, %swap3A_33], %swap3A_36 {strides = array<i32>} : memref<2x1792x32xf32, #tpu.memory_space<vmem>>, vector<1x1792x32xf32>,
    return
  }
  func.func @transform_0(%arg0: i32) -> (i32, i32) {
    %c0_i32 = arith.constant 0 : i32
    %c0_i32_0 = arith.constant 0 : i32
    return %arg0, %c0_i32 : i32, i32
  }
  func.func @transform_1(%arg0: i32) -> (i32, i32) {
    %c0_i32 = arith.constant 0 : i32
    %c0_i32_0 = arith.constant 0 : i32
    return %arg0, %c0_i32 : i32, i32
  }
  func.func @transform_2(%arg0: i32) -> (i32, i32) {
    %c0_i32 = arith.constant 0 : i32
    %c0_i32_0 = arith.constant 0 : i32
    %c0_i32_1 = arith.constant 0 : i32
    return %c0_i32, %c0_i32_0 : i32, i32
  }
  func.func @transform_3(%arg0: i32) -> (i32, i32) {
    %c0_i32 = arith.constant 0 : i32
    %c0_i32_0 = arith.constant 0 : i32
    %c0_i32_1 = arith.constant 0 : i32
    return %c0_i32, %c0_i32_0 : i32, i32
  }
  func.func @transform_4(%arg0: i32) -> (i32, i32) {
    %c0_i32 = arith.constant 0 : i32
    %c0_i32_0 = arith.constant 0 : i32
    %c0_i32_1 = arith.constant 0 : i32
    return %c0_i32, %c0_i32_0 : i32, i32
  }
  func.func @transform_5(%arg0: i32) -> (i32, i32, i32) {
    %c0_i32 = arith.constant 0 : i32
    %c0_i32_0 = arith.constant 0 : i32
    %c0_i32_1 = arith.constant 0 : i32
    return %c0_i32, %arg0, %c0_i32_0 : i32, i32, i32
  }
}

module attributes {stable_mosaic.version = 14 : i64} {
  func.func @_k2_body(%arg0: i32, %arg1: memref<2x1792x32xf32, #tpu.memory_space<vmem>>, %arg2: memref<2x1792x32xf32, #tpu.memory_space<vmem>>, %arg3: memref<2x1792x32xf32, #tpu.memory_space<vmem>>, %arg4: memref<1792x8xf32, #tpu.memory_space<vmem>>, %arg5: memref<1792x8xf32, #tpu.memory_space<vmem>>, %arg6: memref<64x64xf32, #tpu.memory_space<vmem>>, %arg7: memref<64x64xf32, #tpu.memory_space<vmem>>, %arg8: memref<64x64xf32, #tpu.memory_space<vmem>>, %arg9: memref<64x64xf32, #tpu.memory_space<vmem>>, %arg10: memref<1x64xf32, #tpu.memory_space<vmem>>, %arg11: memref<1x64xf32, #tpu.memory_space<vmem>>, %arg12: memref<1x64xf32, #tpu.memory_space<vmem>>, %arg13: memref<1x64xf32, #tpu.memory_space<vmem>>, %arg14: memref<2x1792x32xf32, #tpu.memory_space<vmem>>) attributes {dimension_semantics = [#tpu.dimension_semantics<arbitrary>], iteration_bounds = array<i64: 28>, scalar_prefetch = 0 : i64, scratch_operands = 0 : i64, tpu.core_type = #tpu.core_type<tc>, window_params = [{transform_indices = @transform_0, window_bounds = array<i64: 2, 1792, 32>}, {transform_indices = @transform_1, window_bounds = array<i64: 2, 1792, 32>}, {transform_indices = @transform_2, window_bounds = array<i64: 2, 1792, 32>}, {transform_indices = @transform_3, window_bounds = array<i64: 1792, 8>}, {transform_indices = @transform_4, window_bounds = array<i64: 1792, 8>}, {pipeline_mode = #tpu.pipeline_mode<synchronous>, transform_indices = @transform_5, window_bounds = array<i64: 64, 64>}, {pipeline_mode = #tpu.pipeline_mode<synchronous>, transform_indices = @transform_6, window_bounds = array<i64: 64, 64>}, {pipeline_mode = #tpu.pipeline_mode<synchronous>, transform_indices = @transform_7, window_bounds = array<i64: 64, 64>}, {pipeline_mode = #tpu.pipeline_mode<synchronous>, transform_indices = @transform_8, window_bounds = array<i64: 64, 64>}, {pipeline_mode = #tpu.pipeline_mode<synchronous>, transform_indices = @transform_9, window_bounds = array<i64: 1, 64>}, {pipeline_mode = #tpu.pipeline_mode<synchronous>, transform_indices = @transform_10, window_bounds = array<i64: 1, 64>}, {pipeline_mode = #tpu.pipeline_mode<synchronous>, transform_indices = @transform_11, window_bounds = array<i64: 1, 64>}, {pipeline_mode = #tpu.pipeline_mode<synchronous>, transform_indices = @transform_12, window_bounds = array<i64: 1, 64>}, {transform_indices = @transform_13, window_bounds = array<i64: 2, 1792, 32>}]} {
    %get3A = arith.constant 0 : index
    %get3A_0 = arith.constant 0 : index
    %get3A_1 = arith.constant 0 : index
    %get3A_2 = vector.load %arg1[%get3A, %get3A_0, %get3A_1] : memref<2x1792x32xf32, #tpu.memory_space<vmem>>, vector<1x1792x32xf32>
    %get3A_3 = vector.shape_cast %get3A_2 : vector<1x1792x32xf32> to vector<1792x32xf32>
    %get3A_4 = arith.constant 1 : index
    %get3A_5 = arith.constant 0 : index
    %get3A_6 = arith.constant 0 : index
    %get3A_7 = vector.load %arg1[%get3A_4, %get3A_5, %get3A_6] : memref<2x1792x32xf32, #tpu.memory_space<vmem>>, vector<1x1792x32xf32>
    %get3A_8 = vector.shape_cast %get3A_7 : vector<1x1792x32xf32> to vector<1792x32xf32>
    %concatenate3A = tpu.concatenate %get3A_3, %get3A_8 in 1 : vector<1792x32xf32>, vector<1792x32xf32> -> vector<1792x64xf32>
    %get3A_9 = arith.constant 0 : index
    %get3A_10 = arith.constant 0 : index
    %get3A_11 = arith.constant 0 : index
    %get3A_12 = vector.load %arg2[%get3A_9, %get3A_10, %get3A_11] : memref<2x1792x32xf32, #tpu.memory_space<vmem>>, vector<1x1792x32xf32>
    %get3A_13 = vector.shape_cast %get3A_12 : vector<1x1792x32xf32> to vector<1792x32xf32>
    %get3A_14 = arith.constant 1 : index
    %get3A_15 = arith.constant 0 : index
    %get3A_16 = arith.constant 0 : index
    %get3A_17 = vector.load %arg2[%get3A_14, %get3A_15, %get3A_16] : memref<2x1792x32xf32, #tpu.memory_space<vmem>>, vector<1x1792x32xf32>
    %get3A_18 = vector.shape_cast %get3A_17 : vector<1x1792x32xf32> to vector<1792x32xf32>
    %concatenate3A_19 = tpu.concatenate %get3A_13, %get3A_18 in 1 : vector<1792x32xf32>, vector<1792x32xf32> -> vector<1792x64xf32>
    %get3A_20 = arith.constant 0 : index
    %get3A_21 = arith.constant 0 : index
    %get3A_22 = arith.constant 0 : index
    %get3A_23 = vector.load %arg3[%get3A_20, %get3A_21, %get3A_22] : memref<2x1792x32xf32, #tpu.memory_space<vmem>>, vector<1x1792x32xf32>
    %get3A_24 = vector.shape_cast %get3A_23 : vector<1x1792x32xf32> to vector<1792x32xf32>
    %get3A_25 = arith.constant 1 : index
    %get3A_26 = arith.constant 0 : index
    %get3A_27 = arith.constant 0 : index
    %get3A_28 = vector.load %arg3[%get3A_25, %get3A_26, %get3A_27] : memref<2x1792x32xf32, #tpu.memory_space<vmem>>, vector<1x1792x32xf32>
    %get3A_29 = vector.shape_cast %get3A_28 : vector<1x1792x32xf32> to vector<1792x32xf32>
    %concatenate3A_30 = tpu.concatenate %get3A_24, %get3A_29 in 1 : vector<1792x32xf32>, vector<1792x32xf32> -> vector<1792x64xf32>
    %get3A_31 = arith.constant 0 : index
    %get3A_32 = arith.constant 0 : index
    %get3A_33 = vector.load %arg4[%get3A_31, %get3A_32] : memref<1792x8xf32, #tpu.memory_space<vmem>>, vector<1792x8xf32>
    %slice3A = vector.extract_strided_slice %get3A_33 {offsets = [0, 0], sizes = [1792, 1], strides = [1, 1]} : vector<1792x8xf32> to vector<1792x1xf32>
    %max3A = arith.constant 1.000000e+00 : f32
    %max3A_34 = vector.broadcast %max3A : f32 to vector<1792x1xf32>
    %max3A_35 = arith.maximumf %slice3A, %max3A_34 : vector<1792x1xf32>
    %get3A_36 = arith.constant 0 : index
    %get3A_37 = arith.constant 0 : index
    %get3A_38 = vector.load %arg5[%get3A_36, %get3A_37] : memref<1792x8xf32, #tpu.memory_space<vmem>>, vector<1792x8xf32>
    %slice3A_39 = vector.extract_strided_slice %get3A_38 {offsets = [0, 0], sizes = [1792, 1], strides = [1, 1]} : vector<1792x8xf32> to vector<1792x1xf32>
    %max3A_40 = arith.constant 1.000000e+00 : f32
    %max3A_41 = vector.broadcast %max3A_40 : f32 to vector<1792x1xf32>
    %max3A_42 = arith.maximumf %slice3A_39, %max3A_41 : vector<1792x1xf32>
    %div3A = vector.broadcast %max3A_35 : vector<1792x1xf32> to vector<1792x64xf32>
    %div3A_43 = arith.divf %concatenate3A_19, %div3A : vector<1792x64xf32>
    %get3A_44 = arith.constant 0 : index
    %get3A_45 = arith.constant 0 : index
    %get3A_46 = vector.load %arg6[%get3A_44, %get3A_45] : memref<64x64xf32, #tpu.memory_space<vmem>>, vector<64x64xf32>
    %dot_general3A = arith.constant dense<0.000000e+00> : vector<1792x64xf32>
    %dot_general3A_47 = tpu.matmul %div3A_43, %get3A_46, %dot_general3A {dimension_numbers = #tpu.dot_dimension_numbers<[1], [0], [0], [1], [0, 0, 1, 1], [], []>, transpose_lhs_hint = false} : vector<1792x64xf32>, vector<64x64xf32>, vector<1792x64xf32> -> vector<1792x64xf32>
    %div3A_48 = vector.broadcast %max3A_42 : vector<1792x1xf32> to vector<1792x64xf32>
    %div3A_49 = arith.divf %concatenate3A_30, %div3A_48 : vector<1792x64xf32>
    %get3A_50 = arith.constant 0 : index
    %get3A_51 = arith.constant 0 : index
    %get3A_52 = vector.load %arg7[%get3A_50, %get3A_51] : memref<64x64xf32, #tpu.memory_space<vmem>>, vector<64x64xf32>
    %dot_general3A_53 = arith.constant dense<0.000000e+00> : vector<1792x64xf32>
    %dot_general3A_54 = tpu.matmul %div3A_49, %get3A_52, %dot_general3A_53 {dimension_numbers = #tpu.dot_dimension_numbers<[1], [0], [0], [1], [0, 0, 1, 1], [], []>, transpose_lhs_hint = false} : vector<1792x64xf32>, vector<64x64xf32>, vector<1792x64xf32> -> vector<1792x64xf32>
    %add3A = arith.addf %dot_general3A_47, %dot_general3A_54 : vector<1792x64xf32>
    %get3A_55 = arith.constant 0 : index
    %get3A_56 = arith.constant 0 : index
    %get3A_57 = vector.load %arg8[%get3A_55, %get3A_56] : memref<64x64xf32, #tpu.memory_space<vmem>>, vector<64x64xf32>
    %get3A_58 = arith.constant 0 : index
    %get3A_59 = arith.constant 0 : index
    %get3A_60 = vector.load %arg9[%get3A_58, %get3A_59] : memref<64x64xf32, #tpu.memory_space<vmem>>, vector<64x64xf32>
    %add3A_61 = arith.addf %get3A_57, %get3A_60 : vector<64x64xf32>
    %dot_general3A_62 = arith.constant dense<0.000000e+00> : vector<1792x64xf32>
    %dot_general3A_63 = tpu.matmul %concatenate3A, %add3A_61, %dot_general3A_62 {dimension_numbers = #tpu.dot_dimension_numbers<[1], [0], [0], [1], [0, 0, 1, 1], [], []>, transpose_lhs_hint = false} : vector<1792x64xf32>, vector<64x64xf32>, vector<1792x64xf32> -> vector<1792x64xf32>
    %add3A_64 = arith.addf %add3A, %dot_general3A_63 : vector<1792x64xf32>
    %get3A_65 = arith.constant 0 : index
    %get3A_66 = arith.constant 0 : index
    %get3A_67 = vector.load %arg10[%get3A_65, %get3A_66] : memref<1x64xf32, #tpu.memory_space<vmem>>, vector<1x64xf32>
    %add3A_68 = vector.broadcast %get3A_67 : vector<1x64xf32> to vector<1792x64xf32>
    %add3A_69 = arith.addf %add3A_64, %add3A_68 : vector<1792x64xf32>
    %get3A_70 = arith.constant 0 : index
    %get3A_71 = arith.constant 0 : index
    %get3A_72 = vector.load %arg11[%get3A_70, %get3A_71] : memref<1x64xf32, #tpu.memory_space<vmem>>, vector<1x64xf32>
    %add3A_73 = vector.broadcast %get3A_72 : vector<1x64xf32> to vector<1792x64xf32>
    %add3A_74 = arith.addf %add3A_69, %add3A_73 : vector<1792x64xf32>
    %reduce_sum3A = arith.constant dense<0.000000e+00> : vector<1792xf32>
    %reduce_sum3A_75 = vector.multi_reduction <add>, %add3A_74, %reduce_sum3A [1] : vector<1792x64xf32> to vector<1792xf32>
    %broadcast_in_dim3A = vector.shape_cast %reduce_sum3A_75 : vector<1792xf32> to vector<1792x1xf32>
    %div3A_76 = arith.constant 6.400000e+01 : f32
    %div3A_77 = vector.broadcast %div3A_76 : f32 to vector<1792x1xf32>
    %div3A_78 = arith.divf %broadcast_in_dim3A, %div3A_77 : vector<1792x1xf32>
    %sub3A = vector.broadcast %div3A_78 : vector<1792x1xf32> to vector<1792x64xf32>
    %sub3A_79 = arith.subf %add3A_74, %sub3A : vector<1792x64xf32>
    %integer_pow3A = arith.mulf %sub3A_79, %sub3A_79 : vector<1792x64xf32>
    %reduce_sum3A_80 = arith.constant dense<0.000000e+00> : vector<1792xf32>
    %reduce_sum3A_81 = vector.multi_reduction <add>, %integer_pow3A, %reduce_sum3A_80 [1] : vector<1792x64xf32> to vector<1792xf32>
    %broadcast_in_dim3A_82 = vector.shape_cast %reduce_sum3A_81 : vector<1792xf32> to vector<1792x1xf32>
    %div3A_83 = arith.constant 6.400000e+01 : f32
    %div3A_84 = vector.broadcast %div3A_83 : f32 to vector<1792x1xf32>
    %div3A_85 = arith.divf %broadcast_in_dim3A_82, %div3A_84 : vector<1792x1xf32>
    %sub3A_86 = vector.broadcast %div3A_78 : vector<1792x1xf32> to vector<1792x64xf32>
    %sub3A_87 = arith.subf %add3A_74, %sub3A_86 : vector<1792x64xf32>
    %add3A_88 = arith.constant 9.99999974E-6 : f32
    %add3A_89 = vector.broadcast %add3A_88 : f32 to vector<1792x1xf32>
    %add3A_90 = arith.addf %div3A_85, %add3A_89 : vector<1792x1xf32>
    %sqrt3A = math.sqrt %add3A_90 : vector<1792x1xf32>
    %div3A_91 = vector.broadcast %sqrt3A : vector<1792x1xf32> to vector<1792x64xf32>
    %div3A_92 = arith.divf %sub3A_87, %div3A_91 : vector<1792x64xf32>
    %get3A_93 = arith.constant 0 : index
    %get3A_94 = arith.constant 0 : index
    %get3A_95 = vector.load %arg12[%get3A_93, %get3A_94] : memref<1x64xf32, #tpu.memory_space<vmem>>, vector<1x64xf32>
    %mul3A = vector.broadcast %get3A_95 : vector<1x64xf32> to vector<1792x64xf32>
    %mul3A_96 = arith.mulf %div3A_92, %mul3A : vector<1792x64xf32>
    %get3A_97 = arith.constant 0 : index
    %get3A_98 = arith.constant 0 : index
    %get3A_99 = vector.load %arg13[%get3A_97, %get3A_98] : memref<1x64xf32, #tpu.memory_space<vmem>>, vector<1x64xf32>
    %add3A_100 = vector.broadcast %get3A_99 : vector<1x64xf32> to vector<1792x64xf32>
    %add3A_101 = arith.addf %mul3A_96, %add3A_100 : vector<1792x64xf32>
    %slice3A_102 = vector.extract_strided_slice %add3A_101 {offsets = [0, 0], sizes = [1792, 32], strides = [1, 1]} : vector<1792x64xf32> to vector<1792x32xf32>
    %swap3A = arith.constant 0 : index
    %swap3A_103 = arith.constant 0 : index
    %swap3A_104 = arith.constant 0 : index
    %swap3A_105 = vector.load %arg14[%swap3A, %swap3A_103, %swap3A_104] : memref<2x1792x32xf32, #tpu.memory_space<vmem>>, vector<1x1792x32xf32>
    %swap3A_106 = vector.shape_cast %swap3A_105 : vector<1x1792x32xf32> to vector<1792x32xf32>
    %swap3A_107 = vector.shape_cast %slice3A_102 : vector<1792x32xf32> to vector<1x1792x32xf32>
    tpu.vector_store %arg14[%swap3A, %swap3A_103, %swap3A_104], %swap3A_107 {strides = array<i32>} : memref<2x1792x32xf32, #tpu.memory_space<vmem>>, vector<1x1792x32xf32>,
    %slice3A_108 = vector.extract_strided_slice %add3A_101 {offsets = [0, 32], sizes = [1792, 32], strides = [1, 1]} : vector<1792x64xf32> to vector<1792x32xf32>
    %swap3A_109 = arith.constant 1 : index
    %swap3A_110 = arith.constant 0 : index
    %swap3A_111 = arith.constant 0 : index
    %swap3A_112 = vector.load %arg14[%swap3A_109, %swap3A_110, %swap3A_111] : memref<2x1792x32xf32, #tpu.memory_space<vmem>>, vector<1x1792x32xf32>
    %swap3A_113 = vector.shape_cast %swap3A_112 : vector<1x1792x32xf32> to vector<1792x32xf32>
    %swap3A_114 = vector.shape_cast %slice3A_108 : vector<1792x32xf32> to vector<1x1792x32xf32>
    tpu.vector_store %arg14[%swap3A_109, %swap3A_110, %swap3A_111], %swap3A_114 {strides = array<i32>} : memref<2x1792x32xf32, #tpu.memory_space<vmem>>, vector<1x1792x32xf32>,
    return
  }
  func.func @transform_0(%arg0: i32) -> (i32, i32, i32) {
    %c0_i32 = arith.constant 0 : i32
    %c0_i32_0 = arith.constant 0 : i32
    %c0_i32_1 = arith.constant 0 : i32
    return %c0_i32, %arg0, %c0_i32_0 : i32, i32, i32
  }
  func.func @transform_1(%arg0: i32) -> (i32, i32, i32) {
    %c0_i32 = arith.constant 0 : i32
    %c0_i32_0 = arith.constant 0 : i32
    %c0_i32_1 = arith.constant 0 : i32
    return %c0_i32, %arg0, %c0_i32_0 : i32, i32, i32
  }
  func.func @transform_2(%arg0: i32) -> (i32, i32, i32) {
    %c0_i32 = arith.constant 0 : i32
    %c0_i32_0 = arith.constant 0 : i32
    %c0_i32_1 = arith.constant 0 : i32
    return %c0_i32, %arg0, %c0_i32_0 : i32, i32, i32
  }
  func.func @transform_3(%arg0: i32) -> (i32, i32) {
    %c0_i32 = arith.constant 0 : i32
    %c0_i32_0 = arith.constant 0 : i32
    return %arg0, %c0_i32 : i32, i32
  }
  func.func @transform_4(%arg0: i32) -> (i32, i32) {
    %add3A = arith.constant 28 : i32
    %add3A_0 = arith.addi %add3A, %arg0 : i32
    %c0_i32 = arith.constant 0 : i32
    %c0_i32_1 = arith.constant 0 : i32
    return %add3A_0, %c0_i32 : i32, i32
  }
  func.func @transform_5(%arg0: i32) -> (i32, i32) {
    %c0_i32 = arith.constant 0 : i32
    %c0_i32_0 = arith.constant 0 : i32
    %c0_i32_1 = arith.constant 0 : i32
    return %c0_i32, %c0_i32_0 : i32, i32
  }
  func.func @transform_6(%arg0: i32) -> (i32, i32) {
    %c0_i32 = arith.constant 0 : i32
    %c0_i32_0 = arith.constant 0 : i32
    %c0_i32_1 = arith.constant 0 : i32
    return %c0_i32, %c0_i32_0 : i32, i32
  }
  func.func @transform_7(%arg0: i32) -> (i32, i32) {
    %c0_i32 = arith.constant 0 : i32
    %c0_i32_0 = arith.constant 0 : i32
    %c0_i32_1 = arith.constant 0 : i32
    return %c0_i32, %c0_i32_0 : i32, i32
  }
  func.func @transform_8(%arg0: i32) -> (i32, i32) {
    %c0_i32 = arith.constant 0 : i32
    %c0_i32_0 = arith.constant 0 : i32
    %c0_i32_1 = arith.constant 0 : i32
    return %c0_i32, %c0_i32_0 : i32, i32
  }
  func.func @transform_9(%arg0: i32) -> (i32, i32) {
    %c0_i32 = arith.constant 0 : i32
    %c0_i32_0 = arith.constant 0 : i32
    %c0_i32_1 = arith.constant 0 : i32
    return %c0_i32, %c0_i32_0 : i32, i32
  }
  func.func @transform_10(%arg0: i32) -> (i32, i32) {
    %c0_i32 = arith.constant 0 : i32
    %c0_i32_0 = arith.constant 0 : i32
    %c0_i32_1 = arith.constant 0 : i32
    return %c0_i32, %c0_i32_0 : i32, i32
  }
  func.func @transform_11(%arg0: i32) -> (i32, i32) {
    %c0_i32 = arith.constant 0 : i32
    %c0_i32_0 = arith.constant 0 : i32
    %c0_i32_1 = arith.constant 0 : i32
    return %c0_i32, %c0_i32_0 : i32, i32
  }
  func.func @transform_12(%arg0: i32) -> (i32, i32) {
    %c0_i32 = arith.constant 0 : i32
    %c0_i32_0 = arith.constant 0 : i32
    %c0_i32_1 = arith.constant 0 : i32
    return %c0_i32, %c0_i32_0 : i32, i32
  }
  func.func @transform_13(%arg0: i32) -> (i32, i32, i32) {
    %c0_i32 = arith.constant 0 : i32
    %c0_i32_0 = arith.constant 0 : i32
    %c0_i32_1 = arith.constant 0 : i32
    return %c0_i32, %arg0, %c0_i32_0 : i32, i32, i32
  }
}

module attributes {stable_mosaic.version = 14 : i64} {
  func.func @_k3_body(%arg0: i32, %arg1: memref<2x1792x32xf32, #tpu.memory_space<vmem>>, %arg2: memref<1792x1xf32, #tpu.memory_space<vmem>>, %arg3: memref<64x128xf32, #tpu.memory_space<vmem>>, %arg4: memref<72x64xf32, #tpu.memory_space<vmem>>, %arg5: memref<72x8xf32, #tpu.memory_space<vmem>>, %arg6: memref<72x64xf32, #tpu.memory_space<vmem>>) attributes {dimension_semantics = [#tpu.dimension_semantics<arbitrary>], iteration_bounds = array<i64: 28>, scalar_prefetch = 0 : i64, scratch_operands = 3 : i64, tpu.core_type = #tpu.core_type<tc>, window_params = [{transform_indices = @transform_0, window_bounds = array<i64: 2, 1792, 32>}, {transform_indices = @transform_1, window_bounds = array<i64: 1792, 1>}, {pipeline_mode = #tpu.pipeline_mode<synchronous>, transform_indices = @transform_2, window_bounds = array<i64: 64, 128>}]} {
    %eq3A = arith.constant 0 : i32
    %eq3A_0 = arith.cmpi eq, %arg0, %eq3A : i32
    %convert_element_type3A = arith.extui %eq3A_0 : i1 to i32
    %cond3A = arith.constant 0 : i32
    %cond3A_1 = arith.cmpi ne, %convert_element_type3A, %cond3A : i32
    scf.if %cond3A_1 {
      %broadcast_in_dim3A_60 = arith.constant 0.000000e+00 : f32
      %broadcast_in_dim3A_61 = vector.broadcast %broadcast_in_dim3A_60 : f32 to vector<72x64xf32>
      %swap3A_62 = arith.constant 0 : index
      %swap3A_63 = arith.constant 0 : index
      %swap3A_64 = vector.load %arg4[%swap3A_62, %swap3A_63] : memref<72x64xf32, #tpu.memory_space<vmem>>, vector<72x64xf32>
      tpu.vector_store %arg4[%swap3A_62, %swap3A_63], %broadcast_in_dim3A_61 {strides = array<i32>} : memref<72x64xf32, #tpu.memory_space<vmem>>, vector<72x64xf32>,
      %broadcast_in_dim3A_65 = arith.constant 0.000000e+00 : f32
      %broadcast_in_dim3A_66 = vector.broadcast %broadcast_in_dim3A_65 : f32 to vector<72x8xf32>
      %swap3A_67 = arith.constant 0 : index
      %swap3A_68 = arith.constant 0 : index
      %swap3A_69 = vector.load %arg5[%swap3A_67, %swap3A_68] : memref<72x8xf32, #tpu.memory_space<vmem>>, vector<72x8xf32>
      tpu.vector_store %arg5[%swap3A_67, %swap3A_68], %broadcast_in_dim3A_66 {strides = array<i32>} : memref<72x8xf32, #tpu.memory_space<vmem>>, vector<72x8xf32>,
      %broadcast_in_dim3A_70 = arith.constant 0xFF800000 : f32
      %broadcast_in_dim3A_71 = vector.broadcast %broadcast_in_dim3A_70 : f32 to vector<72x64xf32>
      %swap3A_72 = arith.constant 0 : index
      %swap3A_73 = arith.constant 0 : index
      %swap3A_74 = vector.load %arg6[%swap3A_72, %swap3A_73] : memref<72x64xf32, #tpu.memory_space<vmem>>, vector<72x64xf32>
      tpu.vector_store %arg6[%swap3A_72, %swap3A_73], %broadcast_in_dim3A_71 {strides = array<i32>} : memref<72x64xf32, #tpu.memory_space<vmem>>, vector<72x64xf32>,
    } else {
    }
    %get3A = arith.constant 0 : index
    %get3A_2 = arith.constant 0 : index
    %get3A_3 = arith.constant 0 : index
    %get3A_4 = vector.load %arg1[%get3A, %get3A_2, %get3A_3] : memref<2x1792x32xf32, #tpu.memory_space<vmem>>, vector<1x1792x32xf32>
    %get3A_5 = vector.shape_cast %get3A_4 : vector<1x1792x32xf32> to vector<1792x32xf32>
    %get3A_6 = arith.constant 1 : index
    %get3A_7 = arith.constant 0 : index
    %get3A_8 = arith.constant 0 : index
    %get3A_9 = vector.load %arg1[%get3A_6, %get3A_7, %get3A_8] : memref<2x1792x32xf32, #tpu.memory_space<vmem>>, vector<1x1792x32xf32>
    %get3A_10 = vector.shape_cast %get3A_9 : vector<1x1792x32xf32> to vector<1792x32xf32>
    %concatenate3A = tpu.concatenate %get3A_5, %get3A_10 in 1 : vector<1792x32xf32>, vector<1792x32xf32> -> vector<1792x64xf32>
    %get3A_11 = arith.constant 0 : index
    %get3A_12 = arith.constant 0 : index
    %get3A_13 = vector.load %arg2[%get3A_11, %get3A_12] : memref<1792x1xf32, #tpu.memory_space<vmem>>, vector<1792x1xf32>
    %convert_element_type3A_14 = arith.fptosi %get3A_13 : vector<1792x1xf32> to vector<1792x1xi32>
    %iota3A = tpu.iota {dimensions = array<i32: 1>} : vector<1792x72xi32>
    %eq3A_15 = vector.broadcast %convert_element_type3A_14 : vector<1792x1xi32> to vector<1792x72xi32>
    %eq3A_16 = arith.cmpi eq, %eq3A_15, %iota3A : vector<1792x72xi32>
    %convert_element_type3A_17 = arith.extui %eq3A_16 : vector<1792x72xi1> to vector<1792x72xi32>
    %convert_element_type3A_18 = arith.sitofp %convert_element_type3A_17 : vector<1792x72xi32> to vector<1792x72xf32>
    %get3A_19 = arith.constant 0 : index
    %get3A_20 = arith.constant 0 : index
    %get3A_21 = vector.load %arg4[%get3A_19, %get3A_20] : memref<72x64xf32, #tpu.memory_space<vmem>>, vector<72x64xf32>
    %dot_general3A = arith.constant dense<0.000000e+00> : vector<72x64xf32>
    %dot_general3A_22 = tpu.matmul %convert_element_type3A_18, %concatenate3A, %dot_general3A {dimension_numbers = #tpu.dot_dimension_numbers<[0], [0], [1], [1], [0, 1, 1, 1], [], []>, transpose_lhs_hint = false} : vector<1792x72xf32>, vector<1792x64xf32>, vector<72x64xf32> -> vector<72x64xf32>
    %add3A = arith.addf %get3A_21, %dot_general3A_22 : vector<72x64xf32>
    %swap3A = arith.constant 0 : index
    %swap3A_23 = arith.constant 0 : index
    %swap3A_24 = vector.load %arg4[%swap3A, %swap3A_23] : memref<72x64xf32, #tpu.memory_space<vmem>>, vector<72x64xf32>
    tpu.vector_store %arg4[%swap3A, %swap3A_23], %add3A {strides = array<i32>} : memref<72x64xf32, #tpu.memory_space<vmem>>, vector<72x64xf32>,
    %get3A_25 = arith.constant 0 : index
    %get3A_26 = arith.constant 0 : index
    %get3A_27 = vector.load %arg5[%get3A_25, %get3A_26] : memref<72x8xf32, #tpu.memory_space<vmem>>, vector<72x8xf32>
    %broadcast_in_dim3A = arith.constant 1.000000e+00 : f32
    %broadcast_in_dim3A_28 = vector.broadcast %broadcast_in_dim3A : f32 to vector<1792x8xf32>
    %dot_general3A_29 = arith.constant dense<0.000000e+00> : vector<72x8xf32>
    %dot_general3A_30 = tpu.matmul %convert_element_type3A_18, %broadcast_in_dim3A_28, %dot_general3A_29 {dimension_numbers = #tpu.dot_dimension_numbers<[0], [0], [1], [1], [0, 1, 1, 1], [], []>, transpose_lhs_hint = false} : vector<1792x72xf32>, vector<1792x8xf32>, vector<72x8xf32> -> vector<72x8xf32>
    %add3A_31 = arith.addf %get3A_27, %dot_general3A_30 : vector<72x8xf32>
    %swap3A_32 = arith.constant 0 : index
    %swap3A_33 = arith.constant 0 : index
    %swap3A_34 = vector.load %arg5[%swap3A_32, %swap3A_33] : memref<72x8xf32, #tpu.memory_space<vmem>>, vector<72x8xf32>
    tpu.vector_store %arg5[%swap3A_32, %swap3A_33], %add3A_31 {strides = array<i32>} : memref<72x8xf32, #tpu.memory_space<vmem>>, vector<72x8xf32>,
    %reduce_min3A = vector.shape_cast %get3A_13 : vector<1792x1xf32> to vector<1x1792x1xf32>
    %reduce_min3A_35 = arith.constant dense<0x7F800000> : vector<1xf32>
    %reduce_min3A_36 = vector.multi_reduction <minimumf>, %reduce_min3A, %reduce_min3A_35 [1, 2] : vector<1x1792x1xf32> to vector<1xf32>
    %reduce_min3A_37 = vector.shape_cast %reduce_min3A_36 : vector<1xf32> to vector<1x1x1xf32>
    %reduce_min3A_38 = vector.extract %reduce_min3A_37[0, 0, 0] : f32 from vector<1x1x1xf32>
    %convert_element_type3A_39 = arith.fptosi %reduce_min3A_38 : f32 to i32
    %reduce_max3A = vector.shape_cast %get3A_13 : vector<1792x1xf32> to vector<1x1792x1xf32>
    %reduce_max3A_40 = arith.constant dense<0xFF800000> : vector<1xf32>
    %reduce_max3A_41 = vector.multi_reduction <maximumf>, %reduce_max3A, %reduce_max3A_40 [1, 2] : vector<1x1792x1xf32> to vector<1xf32>
    %reduce_max3A_42 = vector.shape_cast %reduce_max3A_41 : vector<1xf32> to vector<1x1x1xf32>
    %reduce_max3A_43 = vector.extract %reduce_max3A_42[0, 0, 0] : f32 from vector<1x1x1xf32>
    %convert_element_type3A_44 = arith.fptosi %reduce_max3A_43 : f32 to i32
    %add3A_45 = arith.constant 1 : i32
    %add3A_46 = arith.addi %convert_element_type3A_44, %add3A_45 : i32
    %while3A = arith.constant 0 : i32
    %while3A_47 = arith.subi %add3A_46, %convert_element_type3A_39 : i32
    %while3A_48 = arith.addi %convert_element_type3A_39, %while3A_47 : i32
    %while3A_49 = arith.constant 1 : i32
    %while3A_50 = arith.divsi %while3A_47, %while3A_49 : i32
    %while3A_51 = arith.muli %while3A_50, %while3A_49 : i32
    %while3A_52 = arith.addi %convert_element_type3A_39, %while3A_51 : i32
    %while3A_53 = arith.constant 1 : i32
    scf.for %while3A_60 = %convert_element_type3A_39 to %while3A_52 step %while3A_53  : i32 {
      %convert_element_type3A_61 = arith.sitofp %while3A_60 : i32 to f32
      %eq3A_62 = vector.broadcast %convert_element_type3A_61 : f32 to vector<1792x1xf32>
      %eq3A_63 = arith.cmpf oeq, %get3A_13, %eq3A_62 : vector<1792x1xf32>
      %get3A_64 = arith.index_cast %while3A_60 : i32 to index
      %get3A_65 = arith.constant 0 : index
      %get3A_66 = vector.load %arg6[%get3A_64, %get3A_65] : memref<72x64xf32, #tpu.memory_space<vmem>>, vector<1x64xf32>
      %jit3A = arith.constant 0xFF800000 : f32
      %broadcast_in_dim3A_67 = vector.shape_cast %eq3A_63 : vector<1792x1xi1> to vector<1792x1xi1>
      %broadcast_in_dim3A_68 = vector.broadcast %broadcast_in_dim3A_67 : vector<1792x1xi1> to vector<1792x64xi1>
      %broadcast_in_dim3A_69 = vector.broadcast %jit3A : f32 to vector<1792x64xf32>
      %select_n3A = arith.select %broadcast_in_dim3A_68, %concatenate3A, %broadcast_in_dim3A_69 : vector<1792x64xi1>, vector<1792x64xf32>
      %reduce_max3A_70 = arith.constant dense<0xFF800000> : vector<64xf32>
      %reduce_max3A_71 = vector.multi_reduction <maximumf>, %select_n3A, %reduce_max3A_70 [0] : vector<1792x64xf32> to vector<64xf32>
      %broadcast_in_dim3A_72 = vector.shape_cast %reduce_max3A_71 : vector<64xf32> to vector<1x64xf32>
      %max3A = arith.maximumf %get3A_66, %broadcast_in_dim3A_72 : vector<1x64xf32>
      %swap3A_73 = arith.index_cast %while3A_60 : i32 to index
      %swap3A_74 = arith.constant 0 : index
      %swap3A_75 = vector.load %arg6[%swap3A_73, %swap3A_74] : memref<72x64xf32, #tpu.memory_space<vmem>>, vector<1x64xf32>
      tpu.vector_store %arg6[%swap3A_73, %swap3A_74], %max3A {strides = array<i32>} : memref<72x64xf32, #tpu.memory_space<vmem>>, vector<1x64xf32>,
    }
    %while3A_54 = arith.constant 1 : i32
    scf.for %while3A_60 = %while3A_52 to %while3A_48 step %while3A_54  : i32 {
      %convert_element_type3A_61 = arith.sitofp %while3A_60 : i32 to f32
      %eq3A_62 = vector.broadcast %convert_element_type3A_61 : f32 to vector<1792x1xf32>
      %eq3A_63 = arith.cmpf oeq, %get3A_13, %eq3A_62 : vector<1792x1xf32>
      %get3A_64 = arith.index_cast %while3A_60 : i32 to index
      %get3A_65 = arith.constant 0 : index
      %get3A_66 = vector.load %arg6[%get3A_64, %get3A_65] : memref<72x64xf32, #tpu.memory_space<vmem>>, vector<1x64xf32>
      %jit3A = arith.constant 0xFF800000 : f32
      %broadcast_in_dim3A_67 = vector.shape_cast %eq3A_63 : vector<1792x1xi1> to vector<1792x1xi1>
      %broadcast_in_dim3A_68 = vector.broadcast %broadcast_in_dim3A_67 : vector<1792x1xi1> to vector<1792x64xi1>
      %broadcast_in_dim3A_69 = vector.broadcast %jit3A : f32 to vector<1792x64xf32>
      %select_n3A = arith.select %broadcast_in_dim3A_68, %concatenate3A, %broadcast_in_dim3A_69 : vector<1792x64xi1>, vector<1792x64xf32>
      %reduce_max3A_70 = arith.constant dense<0xFF800000> : vector<64xf32>
      %reduce_max3A_71 = vector.multi_reduction <maximumf>, %select_n3A, %reduce_max3A_70 [0] : vector<1792x64xf32> to vector<64xf32>
      %broadcast_in_dim3A_72 = vector.shape_cast %reduce_max3A_71 : vector<64xf32> to vector<1x64xf32>
      %max3A = arith.maximumf %get3A_66, %broadcast_in_dim3A_72 : vector<1x64xf32>
      %swap3A_73 = arith.index_cast %while3A_60 : i32 to index
      %swap3A_74 = arith.constant 0 : index
      %swap3A_75 = vector.load %arg6[%swap3A_73, %swap3A_74] : memref<72x64xf32, #tpu.memory_space<vmem>>, vector<1x64xf32>
      tpu.vector_store %arg6[%swap3A_73, %swap3A_74], %max3A {strides = array<i32>} : memref<72x64xf32, #tpu.memory_space<vmem>>, vector<1x64xf32>,
    }
    %eq3A_55 = arith.constant 27 : i32
    %eq3A_56 = arith.cmpi eq, %arg0, %eq3A_55 : i32
    %convert_element_type3A_57 = arith.extui %eq3A_56 : i1 to i32
    %cond3A_58 = arith.constant 0 : i32
    %cond3A_59 = arith.cmpi ne, %convert_element_type3A_57, %cond3A_58 : i32
    scf.if %cond3A_59 {
      %get3A_60 = arith.constant 0 : index
      %get3A_61 = arith.constant 0 : index
      %get3A_62 = vector.load %arg4[%get3A_60, %get3A_61] : memref<72x64xf32, #tpu.memory_space<vmem>>, vector<72x64xf32>
      %slice3A = vector.extract_strided_slice %get3A_62 {offsets = [0, 0], sizes = [64, 64], strides = [1, 1]} : vector<72x64xf32> to vector<64x64xf32>
      %get3A_63 = arith.constant 0 : index
      %get3A_64 = arith.constant 0 : index
      %get3A_65 = vector.load %arg5[%get3A_63, %get3A_64] : memref<72x8xf32, #tpu.memory_space<vmem>>, vector<72x8xf32>
      %slice3A_66 = vector.extract_strided_slice %get3A_65 {offsets = [0, 0], sizes = [64, 1], strides = [1, 1]} : vector<72x8xf32> to vector<64x1xf32>
      %max3A = arith.constant 1.000000e+00 : f32
      %max3A_67 = vector.broadcast %max3A : f32 to vector<64x1xf32>
      %max3A_68 = arith.maximumf %slice3A_66, %max3A_67 : vector<64x1xf32>
      %div3A = vector.broadcast %max3A_68 : vector<64x1xf32> to vector<64x64xf32>
      %div3A_69 = arith.divf %slice3A, %div3A : vector<64x64xf32>
      %swap3A_70 = arith.constant 0 : index
      %swap3A_71 = arith.constant 0 : index
      %swap3A_72 = vector.load %arg3[%swap3A_70, %swap3A_71] : memref<64x128xf32, #tpu.memory_space<vmem>>, vector<64x64xf32>
      tpu.vector_store %arg3[%swap3A_70, %swap3A_71], %div3A_69 {strides = array<i32>} : memref<64x128xf32, #tpu.memory_space<vmem>>, vector<64x64xf32>,
      %get3A_73 = arith.constant 0 : index
      %get3A_74 = arith.constant 0 : index
      %get3A_75 = vector.load %arg6[%get3A_73, %get3A_74] : memref<72x64xf32, #tpu.memory_space<vmem>>, vector<72x64xf32>
      %slice3A_76 = vector.extract_strided_slice %get3A_75 {offsets = [0, 0], sizes = [64, 64], strides = [1, 1]} : vector<72x64xf32> to vector<64x64xf32>
      %swap3A_77 = arith.constant 0 : index
      %swap3A_78 = arith.constant 64 : index
      %swap3A_79 = vector.load %arg3[%swap3A_77, %swap3A_78] : memref<64x128xf32, #tpu.memory_space<vmem>>, vector<64x64xf32>
      tpu.vector_store %arg3[%swap3A_77, %swap3A_78], %slice3A_76 {strides = array<i32>} : memref<64x128xf32, #tpu.memory_space<vmem>>, vector<64x64xf32>,
    } else {
    }
    return
  }
  func.func @transform_0(%arg0: i32) -> (i32, i32, i32) {
    %c0_i32 = arith.constant 0 : i32
    %c0_i32_0 = arith.constant 0 : i32
    %c0_i32_1 = arith.constant 0 : i32
    return %c0_i32, %arg0, %c0_i32_0 : i32, i32, i32
  }
  func.func @transform_1(%arg0: i32) -> (i32, i32) {
    %c0_i32 = arith.constant 0 : i32
    %c0_i32_0 = arith.constant 0 : i32
    return %arg0, %c0_i32 : i32, i32
  }
  func.func @transform_2(%arg0: i32) -> (i32, i32) {
    %c0_i32 = arith.constant 0 : i32
    %c0_i32_0 = arith.constant 0 : i32
    %c0_i32_1 = arith.constant 0 : i32
    return %c0_i32, %c0_i32_0 : i32, i32
  }
}

</mosaic_0001>

<sc_bundles>
// kernel: kernel.12.cloned.1.call-start
scs
__scs_entry_jumppad:
0x0: {  	(pc) =	sbr.rel $0x88, $3  }
0x1: {  	(tag) =	ssettag $0x0;
	lr =	simm.s32 $0x1  }
0x2: {  	[smem:$0x3F89] =	sst lr;
	_ =	strace $0xD0000000  }
0x3: {  	_ = 	snop  }
0x4: {  	_ = 	snop  }
0x5: {  	_ = 	snop  }
0x6: {  	_ = 	snop  }
0x7: {  	_ = 	snop  }
__scs_overlays_trampoline_lowered:
0x8: {  	[smem:$0x3F98] =	sst s0  }
0x9: {  	[smem:$0x3F99] =	sst s1  }
0xa: {  	[smem:$0x3F9A] =	sst s2  }
0xb: {  	[smem:$0x3F9B] =	sst s3  }
0xc: {  	[smem:$0x3F9C] =	sst s4  }
0xd: {  	[smem:$0x3F9D] =	sst s5  }
0xe: {  	[smem:$0x3F9E] =	sst s6  }
0xf: {  	[smem:$0x3F9F] =	sst s7  }
0x10: {  	[smem:$0x3FA0] =	sst s8  }
0x11: {  	[smem:$0x3FA1] =	sst s9;
	s0 =	simm.s32 @!p0 $0x0  }
0x12: {  	s1 =	sld [smem:$0x3F87];
	s0 =	simm.s32 @p0 $0x1  }
0x13: {  	[smem:$0x3FA2] =	sst s0;
	s0 =	simm.s32 @!p1 $0x0  }
0x14: {  	s2 =	sld [smem:$0x3F86];
	s0 =	simm.s32 @p1 $0x1  }
0x15: {  	[smem:$0x3FA3] =	sst s0;
	s0 =	simm.s32 @!p2 $0x0  }
0x16: {  	s3 =	sld [smem:$0x3FDB];
	s0 =	simm.s32 @p2 $0x1  }
0x17: {  	s4 =	simm.s32 $0x1BF5;
	[smem:$0x3FA5] =	sst s0  }
0x18: {  	s0 =	sld [smem:$0x3F88];
	_ =	swait.ge [sflag:s4], $0x0  }
0x19: {  	s7 =	sld [smem:$0x3F89]  }
0x1a: {  	s8 =	sadd.s32 $0xFFFFE003, lr  }
0x1b: {  	s9 =	sadd.s32 $0xFFFFFEF7, lr;
	s5 =	simm.s32 $0xFFFFFFFF;
	p2 =	slt.u32 s8, $0xFFFFF086  }
0x1c: {  	p1 =	slt.u32 s9, $0xF7A;
	s5 =	simm.s32 @!p2 $0x0  }
0x1d: {  	s5 =	simm.s32 @p1 $0x1;
	p0 =	seq.s32 s7, s2  }
0x1e: {  	s7 =	smul.u32 @!p0 $0xF7A, s2;
	p2 =	seq.s32 @!p0 s5, $0x0  }
0x1f: {  	s9 =	smul.u32 $0xF7A, s1;
	s8 =	simm.s32 @!p0 $0x1BF5;
	p2 =	por !p2, p0  }
0x20: {  	[sflag:s8] =	ssyncset.s32 @!p0 $0xFFFFF086;
	s6 =	sadd.s32 @!p0 s3, s7;
	s7 =	simm.s32 @!p0 $0x108  }
0x21: {  	s3 =	sadd.s32 s3, s9;
	s6 =	sadd.s32 @!p0 $0x88, s6;
	s7 =	simm.s32 @p2 $0x1082  }
0x22: {  	[simem:s7], [sflag:s8] =	dma.local @!p0 [hbm:s6], $0xF7A  }
0x23: {  	s9 =	sor.u32 $0xD0000000, s2;
	s6 =	simm.s32 $0x108;
	_ =	swait.ge @!p0 [sflag:s8], $0x0  }
0x24: {  	s3 =	sadd.s32 $0x88, s3;
	s6 =	simm.s32 @!p1 $0x1082;
	[sflag:s4] =	ssyncset.s32 $0xFFFFF086  }
0x25: {  	[simem:s6], [sflag:s4] =	dma.local [hbm:s3], $0xF7A  }
0x26: {  	[smem:$0x3F89] =	sst s1;
	(tag) =	ssettag s2;
	_ =	strace s9  }
0x27: {  	s1 =	sld [smem:$0x3F99]  }
0x28: {  	s2 =	sld [smem:$0x3F9A]  }
0x29: {  	s4 =	sld [smem:$0x3F9C]  }
0x2a: {  	p0 =	seq.s32 s5, $0x0;
	s5 =	sld [smem:$0x3F9D]  }
0x2b: {  	s6 =	sld [smem:$0x3F9E]  }
0x2c: {  	s7 =	sld [smem:$0x3F9F]  }
0x2d: {  	s3 =	simm.s32 $0x108;
	s8 =	sld [smem:$0x3FA0]  }
0x2e: {  	s3 =	simm.s32 @!p0 $0x1082;
	s9 =	sld [smem:$0x3FA1]  }
0x2f: {  	lr =	sadd.s32 s0, s3;
	s0 =	sld [smem:$0x3F98]  }
0x30: {  	s3 =	sld [smem:$0x3F9B]  }
0x31: {  	[smem:$0x3FA4] =	sst s10  }
0x32: {  	s10 =	sld [smem:$0x3FA2];
	_ =	sdelay $0x3  }
0x33: {  	p0 =	seq.s32 s10, $0x1;
	s10 =	sld [smem:$0x3FA4];
	_ =	sdelay $0x3  }
0x34: {  	[smem:$0x3FA4] =	sst s10  }
0x35: {  	s10 =	sld [smem:$0x3FA3];
	_ =	sdelay $0x3  }
0x36: {  	p1 =	seq.s32 s10, $0x1;
	s10 =	sld [smem:$0x3FA4];
	_ =	sdelay $0x3  }
0x37: {  	[smem:$0x3FA4] =	sst s10  }
0x38: {  	s10 =	sld [smem:$0x3FA5]  }
0x39: {  	_ = 	snop;
	(pc) =	sbr.ind lr, $3  }
0x3a: {  	_ = 	snop  }
0x3b: {  	_ = 	snop  }
0x3c: {  	p2 =	seq.s32 s10, $0x1;
	s10 =	sld [smem:$0x3FA4]  }
0x3d: {  	_ =	shalt  }
0x3e: {  	_ =	shalt  }
0x3f: {  	_ =	shalt  }
0x40: {  	_ =	shalt  }
0x41: {  	_ =	shalt  }
0x42: {  	_ =	shalt  }
0x43: {  	_ =	shalt  }
0x44: {  	_ =	shalt  }
0x45: {  	_ =	shalt  }
0x46: {  	_ =	shalt  }
0x47: {  	_ =	shalt  }
0x48: {  	_ =	shalt  }
0x49: {  	_ =	shalt  }
0x4a: {  	_ =	shalt  }
0x4b: {  	_ =	shalt  }
0x4c: {  	_ =	shalt  }
0x4d: {  	_ =	shalt  }
0x4e: {  	_ =	shalt  }
0x4f: {  	_ =	shalt  }
0x50: {  	_ =	shalt  }
0x51: {  	_ =	shalt  }
0x52: {  	_ =	shalt  }
0x53: {  	_ =	shalt  }
0x54: {  	_ =	shalt  }
0x55: {  	_ =	shalt  }
0x56: {  	_ =	shalt  }
0x57: {  	_ =	shalt  }
0x58: {  	_ =	shalt  }
0x59: {  	_ =	shalt  }
0x5a: {  	_ =	shalt  }
0x5b: {  	_ =	shalt  }
0x5c: {  	_ =	shalt  }
0x5d: {  	_ =	shalt  }
0x5e: {  	_ =	shalt  }
0x5f: {  	_ =	shalt  }
0x60: {  	_ =	shalt  }
0x61: {  	_ =	shalt  }
0x62: {  	_ =	shalt  }
0x63: {  	_ =	shalt  }
0x64: {  	_ =	shalt  }
0x65: {  	_ =	shalt  }
0x66: {  	_ =	shalt  }
0x67: {  	_ =	shalt  }
0x68: {  	_ =	shalt  }
0x69: {  	_ =	shalt  }
0x6a: {  	_ =	shalt  }
0x6b: {  	_ =	shalt  }
0x6c: {  	_ =	shalt  }
0x6d: {  	_ =	shalt  }
0x6e: {  	_ =	shalt  }
0x6f: {  	_ =	shalt  }
0x70: {  	_ =	shalt  }
0x71: {  	_ =	shalt  }
0x72: {  	_ =	shalt  }
0x73: {  	_ =	shalt  }
0x74: {  	_ =	shalt  }
0x75: {  	_ =	shalt  }
0x76: {  	_ =	shalt  }
0x77: {  	_ =	shalt  }
0x78: {  	_ =	shalt  }
0x79: {  	_ =	shalt  }
0x7a: {  	_ =	shalt  }
0x7b: {  	_ =	shalt  }
0x7c: {  	_ =	shalt  }
0x7d: {  	_ =	shalt  }
0x7e: {  	_ =	shalt  }
0x7f: {  	_ =	shalt  }
0x80: {  	_ =	shalt  }
0x81: {  	_ =	shalt  }
0x82: {  	_ =	shalt  }
0x83: {  	_ =	shalt  }
0x84: {  	_ =	shalt  }
0x85: {  	_ =	shalt  }
0x86: {  	_ =	shalt  }
0x87: {  	_ =	shalt  }
.Lfunc_end0:
.L_simem_size_0:
called_computation.1_lowered:
.L_overlay_start_0:
0x88: {  	s2 =	sld [smem:$0x3FD9]  }
0x89: {  	s3 =	sld [smem:$0x3FFE];
	_ =	sdelay $0x1  }
0x8a: {  	s1 =	srdreg.scid  }
0x8b: {  	s0 =	sand.u32 $0x1, s1  }
0x8c: {  	s16 =	sshll.u32 s0, $0xA;
	s2 =	sadd.s32 s3, s2  }
0x8d: {  	s2 =	sadd.s32 s2, s16  }
0x8e: {  	[smem:$0x3FB0] =	sst s2  }
0x8f: {  	_ = 	snop  }
0x90: {  	(tm) =	ssettm $0x1  }
0x91: {  	s17 =	sld [smem:$0x3FFB];
	_ =	sdelay $0x3  }
0x92: {  	_ =	strace s17  }
0x93: {  	s2 =	sld [smem:$0x3FFC];
	_ =	sdelay $0x3  }
0x94: {  	_ =	strace s2  }
0x95: {  	s2 =	sld [smem:$0x3FFD];
	_ =	sdelay $0x3  }
0x96: {  	_ =	strace s2  }
0x97: {  	_ =	strace $0x8FFFFFFF  }
0x98: {  	s18 =	sld [smem:$0x3FDB];
	_ =	sdelay $0x1  }
0x99: {  	s19 =	simm.s32 $_scs_section_size  }
0x9a: {  	s4 =	simm.s32 $_size__tile_overlayer_lowered;
	s5 =	simm.s32 $_tile_overlayer_lowered  }
0x9b: {  	s22 =	simm.s32 $0x1BFF;
	s21 =	sshll.u32 s5, $0x1;
	s2 =	sadd.s32 s19, s18  }
0x9c: {  	s6 =	simm.s32 $0x0;
	s20 =	sshll.u32 s4, $0x1;
	s4 =	sadd.s32 s21, s2  }
0x9d: {  	[timem:s6], [sflag:s22] =	dma.local [hbm:s4], s20  }
0x9e: {  	_ =	swait.ge [sflag:s22], s20  }
0x9f: {  	s3 =	ssub.s32 $0x0, s20;
	[sflag:s22] =	ssyncset.done $0x0  }
0xa0: {  	[sflag:s22] =	ssyncadd.s32 s3;
	_ =	sdelay $0x1  }
0xa1: {  	s23 =	simm.s32 $0x1B8B  }
0xa2: {  	_ =	swait.ge [sflag:s23], $0x1  }
0xa3: {  	[sflag:s23] =	ssyncset.done $0x0  }
0xa4: {  	s25 =	simm.s32 $0x1B8E;
	s24 =	sld [smem:$0x3FFE];
	[sflag:s23] =	ssyncadd.s32 $0xFFFFFFFF  }
0xa5: {  	s26 =	simm.s32 $execute0_lowered;
	[smem:$0x3FD2] =	sst s25  }
0xa6: {  	s4 =	sshll.u32 s26, $0x1;
	_ =	strace $0x80000046;
	[dreg:$0x1] =	wrdreg $0xFFFFFFFF  }
0xa7: {  	s28 =	simm.s32 $_size_execute0_lowered;
	s2 =	sadd.s32 s2, s4;
	[dreg:$0x0] =	wrdreg $0x0  }
0xa8: {  	s4 =	sshll.u32 s28, $0x1;
	[dreg:$0x2] =	wrdreg s2  }
0xa9: {  	[dreg:$0x3] =	wrdreg s4  }
0xaa: {  	[dreg:$0x4] =	wrdreg $0xC0  }
0xab: {  	_ =	task [dreg:s6], $0x5FFFF  }
0xac: {  	[dreg:$0x1] =	wrdreg $0xFFFFFFFF  }
0xad: {  	[dreg:$0x0] =	wrdreg $0x60  }
0xae: {  	[dreg:$0x2] =	wrdreg s24  }
0xaf: {  	[dreg:$0x3] =	wrdreg $0x77000  }
0xb0: {  	[dreg:$0x4] =	wrdreg $0xA  }
0xb1: {  	_ =	task.clear_ibuf [dreg:s6], $0x5FFFF;
	_ =	strace $0x90000046  }
0xb2: {  	s29 =	simm.s32 $0xA;
	_ =	strace $0x80000048  }
0xb3: {  	_ =	swait.ge [sflag:s29], $0x1  }
0xb4: {  	[sflag:s29] =	ssyncadd.s32 $0xFFFFFFFF  }
0xb5: {  	_ =	strace $0x90000048  }
0xb6: {  	_ =	sfence  }
0xb7: {  	s30 =	sld [smem:$0x0];
	_ =	sdelay $0x2  }
0xb8: {  	s31 =	sshll.u32 s1, $0xD;
	s1 =	sshrl.u32 s1, $0x2  }
0xb9: {  	s3 =	sand.u32 $0x4000, s31;
	s1 =	sadd.s32 s1, s30  }
0xba: {  	s0 =	sor.u32 s3, s0;
	s1 =	sshll.u32 s1, $0x11  }
0xbb: {  	s0 =	sor.u32 s1, s0  }
0xbc: {  	s0 =	sadd.s32 $0x8F2B, s0  }
0xbd: {  	[sflag:s0] =	ssyncadd.remote.s32 $0x1  }
0xbe: {  	_ =	sfence.sel $0xFFFF  }
0xbf: {  	[dreg:$0x0] =	wrdreg $0xFFFFFFFF;
	(pc) =	sbr.abs _section_cstart, $3  }
0xc0: {  	[dreg:$0x1] =	wrdreg $0xFFFFFFFF  }
0xc1: {  	_ =	task.clear_ibuf [dreg:s6], $0x2FFFF;
	_ =	strace $0x9FFFFFFF  }
0xc2: {  	(tm) =	ssettm $0x7FFFFFFF  }
0xc3: {  	_ =	shalt  }
tec
execute0_lowered:
.L_overlay_start_1:
0x0: {  	(tag) =	ssettag $0x1  }
0x1: {  	s0 =	rddreg [dreg:$0x0]  }
0x2: {  	s2 =	rddreg [dreg:$0x1];
	s12 =	stileid.u32  }
0x3: {  	s4 =	srdreg.scid;
	s3 =	simm.s32 $0x0;
	s14 =	simm.s32 $0x3  }
0x4: {  	s25 =	simm.s32 $0x100;
	s28 =	simm.s32 $0x180;
	s22 =	simm.s32 $0x3700  }
0x5: {  	s31 =	simm.s32 $0x200;
	s24 =	simm.s32 $0x4700;
	s26 =	simm.s32 $0x5700  }
0x6: {  	s29 =	simm.s32 $0x6700;
	s30 =	simm.s32 $0x1;
	s1 =	smul.u32 $0x1880, s12  }
0x7: {  	s23 =	simm.s32 $0x580;
	s21 =	simm.s32 $0x0;
	s5 =	smul.u32 $0x18800, s12  }
0x8: {  	s4 =	sand.u32 $0x1, s4;
	[smem:$0x7FF] =	sst s3;
	s7 =	sadd.s32 $0x65C00, s0  }
0x9: {  	s15 =	sshll.u32 s12, $0x6;
	s6 =	smul.u32 $0x188000, s4;
	_ =	strace $0x80000047  }
0xa: {  	s9 =	ssub.s32 $0x2, s4;
	s4 =	smul.u32 $0x31000, s4;
	[dreg:$0xc] =	wrdreg s21  }
0xb: {  	s1 =	sadd.s32 s1, s0;
	s10 =	sshrl.u32 s5, $0x3;
	s11 =	sshrl.u32 s9, $0x1  }
0xc: {  	s8 =	sadd.s32 s5, s6;
	s10 =	sadd.s32 s10, s0;
	s9 =	ssub.s32 s9, s11  }
0xd: {  	s5 =	sadd.s32 s5, s2;
	s11 =	sor.u32 $0x1C03, s15;
	s16 =	sshrl.u32 s6, $0x3  }
0xe: {  	s6 =	sadd.s32 s7, s4;
	s19 =	sadd.s32 $0x1BE00, s1;
	s12 =	sadd.s32 $0x4D200, s1  }
0xf: {  	s20 =	sadd.s32 $0x3400, s1;
	s15 =	simm.s32 $0x600;
	s4 =	simm.s32 $0x2  }
0x10: {  	s8 =	sshrl.u32 s8, $0x3;
	s10 =	sadd.s32 $0xC7C00, s10;
	[dreg:$0x3] =	wrdreg s19  }
0x11: {  	s18 =	smax.u32 s9, $0x1;
	[dreg:$0x4] =	wrdreg s20;
	s19 =	sadd.s32 $0x34800, s1  }
0x12: {  	s13 =	sshrl.u32 s5, $0x3;
	s20 =	simm.s32 $0x2700;
	[dreg:$0x7] =	wrdreg s11  }
0x13: {  	s1 =	simm.s32 $0x300;
	s9 =	simm.s32 $0x480;
	[dreg:$0x6] =	wrdreg s10  }
0x14: {  	s0 =	sadd.s32 s8, s0;
	s8 =	sadd.s32 s7, s16;
	[dreg:$0xa] =	wrdreg s18  }
0x15: {  	s16 =	simm.s32 $0x80;
	s18 =	simm.s32 $0x1700;
	[dreg:$0xb] =	wrdreg s13  }
0x16: {  	s7 =	simm.s32 $0x400;
	[dreg:$0x5] =	wrdreg s19;
	s17 =	sadd.s32 $0x15AC00, s0  }
0x17: {  	s10 =	simm.s32 $0x500;
	s0 =	sadd.s32 $0xF8C00, s0;
	[dreg:$0x8] =	wrdreg s17  }
0x18: {  	[dreg:$0x9] =	wrdreg s0;
	s0 =	simm.s32 $0x280;
	s17 =	simm.s32 $0x680  }
.LBB2_1:
0x19: {  	s5 =	rddreg [dreg:$0x6]  }
0x1a: {  	[spmem:s13], [sflag:s11] =	dma.local [hbm:s5], $0x3100  }
0x1b: {  	_ =	swait.ge [sflag:s14], $0x3100  }
0x1c: {  	[sflag:s14] =	ssyncset.done $0x0  }
0x1d: {  	[sflag:s14] =	ssyncadd.s32 $0xFFFFCF00  }
0x1e: {  	s11 =	sadd.s32 $0x0, s12;
	[bflag:$0x0] =	sbarrier.arrive $0xFFFF  }
0x1f: {  	[tilespmem:s3], [sflag:$0x3] =	stream.linear.gather [hbm4b:s11+s3], $0x380, $0x38;
	[tilespmem:$0x1FF00] =	vst v63  }
0x20: {  	_ =	swait.ge [sflag:s14], $0x380  }
0x21: {  	s13 =	rddreg [dreg:$0x3];
	[sflag:s14] =	ssyncset.done $0x0  }
0x22: {  	s19 =	simm.s32 $0x380;
	[sflag:s14] =	ssyncadd.s32 $0xFFFFFC80;
	s5 =	sadd.s32 $0x0, s13  }
0x23: {  	[tilespmem:s19], [sflag:$0x3] =	stream.linear.gather [hbm4b:s5+s3], $0x380, $0x38;
	[tilespmem:$0x1FF00] =	vst v63  }
0x24: {  	_ =	swait.ge [sflag:s14], $0x380  }
0x25: {  	[sflag:s14] =	ssyncset.done $0x0  }
0x26: {  	s21 =	simm.s32 $0x700;
	[sflag:s14] =	ssyncadd.s32 $0xFFFFFC80  }
0x27: {  	[tilespmem:s21], [sflag:$0x1] =	stream.indirect.gather [hbm4b:s6+s16], $0x20, s3, s16, $0xb8;
	[tilespmem:$0x1FF00] =	vst v63  }
0x28: {  	_ = 	snop  }
0x29: {  	[tilespmem:s18], [sflag:$0x1] =	stream.indirect.gather [hbm4b:s6+s16], $0x20, s16, s16, $0xb8;
	[tilespmem:$0x1FF00] =	vst v63  }
0x2a: {  	_ = 	snop  }
0x2b: {  	[tilespmem:s20], [sflag:$0x1] =	stream.indirect.gather [hbm4b:s6+s16], $0x20, s25, s16, $0xb8;
	[tilespmem:$0x1FF00] =	vst v63  }
0x2c: {  	_ = 	snop  }
0x2d: {  	[tilespmem:s22], [sflag:$0x1] =	stream.indirect.gather [hbm4b:s6+s16], $0x20, s28, s16, $0xb8;
	[tilespmem:$0x1FF00] =	vst v63  }
0x2e: {  	_ = 	snop  }
0x2f: {  	[tilespmem:s24], [sflag:$0x1] =	stream.indirect.gather [hbm4b:s6+s16], $0x20, s31, s16, $0xb8;
	[tilespmem:$0x1FF00] =	vst v63  }
0x30: {  	_ = 	snop  }
0x31: {  	[tilespmem:s26], [sflag:$0x1] =	stream.indirect.gather [hbm4b:s6+s16], $0x20, s0, s16, $0xb8;
	[tilespmem:$0x1FF00] =	vst v63  }
0x32: {  	_ = 	snop  }
0x33: {  	[tilespmem:s29], [sflag:$0x1] =	stream.indirect.gather [hbm4b:s6+s16], $0x20, s1, s16, $0xb8;
	[tilespmem:$0x1FF00] =	vst v63  }
0x34: {  	_ =	swait.ge [sflag:s30], $0x1000  }
0x35: {  	[sflag:s30] =	ssyncset.done $0x0  }
0x36: {  	[sflag:s30] =	ssyncadd.s32 $0xFFFFF000  }
0x37: {  	[spmem:s2] =	stream.indirect.scatter.add.f32 [tilespmem:s21], [sflag:$0x2], $0x20, s19, s16, $0xb8;
	[tilespmem:$0x1FF00] =	vst v63  }
0x38: {  	_ =	swait.ge [sflag:s30], $0x1000  }
0x39: {  	[sflag:s30] =	ssyncset.done $0x0  }
0x3a: {  	[sflag:s30] =	ssyncadd.s32 $0xFFFFF000  }
0x3b: {  	[spmem:s2] =	stream.indirect.scatter.add.f32 [tilespmem:s18], [sflag:$0x2], $0x20, s7, s16, $0xb8;
	[tilespmem:$0x1FF00] =	vst v63  }
0x3c: {  	_ =	swait.ge [sflag:s30], $0x1000  }
0x3d: {  	[sflag:s30] =	ssyncset.done $0x0  }
0x3e: {  	[sflag:s30] =	ssyncadd.s32 $0xFFFFF000  }
0x3f: {  	[spmem:s2] =	stream.indirect.scatter.add.f32 [tilespmem:s20], [sflag:$0x2], $0x20, s9, s16, $0xb8;
	[tilespmem:$0x1FF00] =	vst v63  }
0x40: {  	_ =	swait.ge [sflag:s30], $0x1000  }
0x41: {  	[sflag:s30] =	ssyncset.done $0x0  }
0x42: {  	[sflag:s30] =	ssyncadd.s32 $0xFFFFF000  }
0x43: {  	[spmem:s2] =	stream.indirect.scatter.add.f32 [tilespmem:s22], [sflag:$0x2], $0x20, s10, s16, $0xb8;
	[tilespmem:$0x1FF00] =	vst v63  }
0x44: {  	_ =	swait.ge [sflag:s30], $0x1000  }
0x45: {  	[sflag:s30] =	ssyncset.done $0x0  }
0x46: {  	[sflag:s30] =	ssyncadd.s32 $0xFFFFF000  }
0x47: {  	[spmem:s2] =	stream.indirect.scatter.add.f32 [tilespmem:s24], [sflag:$0x2], $0x20, s23, s16, $0xb8;
	[tilespmem:$0x1FF00] =	vst v63  }
0x48: {  	_ =	swait.ge [sflag:s30], $0x1000  }
0x49: {  	[sflag:s30] =	ssyncset.done $0x0  }
0x4a: {  	[sflag:s30] =	ssyncadd.s32 $0xFFFFF000  }
0x4b: {  	[spmem:s2] =	stream.indirect.scatter.add.f32 [tilespmem:s26], [sflag:$0x2], $0x20, s15, s16, $0xb8;
	[tilespmem:$0x1FF00] =	vst v63  }
0x4c: {  	_ =	swait.ge [sflag:s30], $0x1000  }
0x4d: {  	[sflag:s30] =	ssyncset.done $0x0  }
0x4e: {  	[sflag:s30] =	ssyncadd.s32 $0xFFFFF000  }
0x4f: {  	[spmem:s2] =	stream.indirect.scatter.add.f32 [tilespmem:s29], [sflag:$0x2], $0x20, s17, s16, $0xb8;
	[tilespmem:$0x1FF00] =	vst v63  }
0x50: {  	_ =	swait.ge [sflag:s4], $0x1000  }
0x51: {  	[sflag:s4] =	ssyncset.done $0x0  }
0x52: {  	[sflag:s4] =	ssyncadd.s32 $0xFFFFF000  }
0x53: {  	_ =	swait.ge [sflag:s4], $0x1000  }
0x54: {  	[sflag:s4] =	ssyncset.done $0x0  }
0x55: {  	[sflag:s4] =	ssyncadd.s32 $0xFFFFF000  }
0x56: {  	_ =	swait.ge [sflag:s4], $0x1000  }
0x57: {  	[sflag:s4] =	ssyncset.done $0x0  }
0x58: {  	[sflag:s4] =	ssyncadd.s32 $0xFFFFF000  }
0x59: {  	_ =	swait.ge [sflag:s4], $0x1000  }
0x5a: {  	[sflag:s4] =	ssyncset.done $0x0  }
0x5b: {  	[sflag:s4] =	ssyncadd.s32 $0xFFFFF000  }
0x5c: {  	_ =	swait.ge [sflag:s4], $0x1000  }
0x5d: {  	[sflag:s4] =	ssyncset.done $0x0  }
0x5e: {  	[sflag:s4] =	ssyncadd.s32 $0xFFFFF000  }
0x5f: {  	_ =	swait.ge [sflag:s4], $0x1000  }
0x60: {  	[sflag:s4] =	ssyncset.done $0x0  }
0x61: {  	[sflag:s4] =	ssyncadd.s32 $0xFFFFF000  }
0x62: {  	_ =	swait.ge [sflag:s4], $0x1000  }
0x63: {  	s13 =	simm.s32 $0x70;
	s5 =	simm.s32 $0xE0;
	[sflag:s4] =	ssyncset.done $0x0  }
.LBB2_2:
0x64: {  	s21 =	smov.u32 s12;
	s12 =	sadd.s32 s13, s12;
	[sflag:s4] =	ssyncadd.s32 $0xFFFFF000  }
0x65: {  	[tilespmem:s3], [sflag:$0x3] =	stream.linear.gather [hbm4b:s12+s3], $0x380, $0x38;
	[tilespmem:$0x1FF00] =	vst v63  }
0x66: {  	_ =	swait.ge [sflag:s14], $0x380  }
0x67: {  	s19 =	smov.u32 s5;
	s11 =	sadd.s32 $0x70, s5;
	[sflag:s14] =	ssyncset.done $0x0  }
0x68: {  	p0 =	sne.s32 s5, $0x1810;
	s5 =	rddreg [dreg:$0x3];
	[sflag:s14] =	ssyncadd.s32 $0xFFFFFC80  }
0x69: {  	s5 =	sadd.s32 s13, s5;
	s13 =	smov.u32 s19;
	s19 =	simm.s32 $0x380  }
0x6a: {  	[tilespmem:s19], [sflag:$0x3] =	stream.linear.gather [hbm4b:s5+s3], $0x380, $0x38;
	[tilespmem:$0x1FF00] =	vst v63  }
0x6b: {  	_ =	swait.ge [sflag:s14], $0x380  }
0x6c: {  	[sflag:s14] =	ssyncset.done $0x0  }
0x6d: {  	s5 =	simm.s32 $0x700;
	[sflag:s14] =	ssyncadd.s32 $0xFFFFFC80  }
0x6e: {  	[tilespmem:s5], [sflag:$0x1] =	stream.indirect.gather [hbm4b:s6+s16], $0x20, s3, s16, $0xb8;
	[tilespmem:$0x1FF00] =	vst v63  }
0x6f: {  	_ = 	snop  }
0x70: {  	[tilespmem:s18], [sflag:$0x1] =	stream.indirect.gather [hbm4b:s6+s16], $0x20, s16, s16, $0xb8;
	[tilespmem:$0x1FF00] =	vst v63  }
0x71: {  	_ = 	snop  }
0x72: {  	[tilespmem:s20], [sflag:$0x1] =	stream.indirect.gather [hbm4b:s6+s16], $0x20, s25, s16, $0xb8;
	[tilespmem:$0x1FF00] =	vst v63  }
0x73: {  	_ = 	snop  }
0x74: {  	[tilespmem:s22], [sflag:$0x1] =	stream.indirect.gather [hbm4b:s6+s16], $0x20, s28, s16, $0xb8;
	[tilespmem:$0x1FF00] =	vst v63  }
0x75: {  	_ = 	snop  }
0x76: {  	[tilespmem:s24], [sflag:$0x1] =	stream.indirect.gather [hbm4b:s6+s16], $0x20, s31, s16, $0xb8;
	[tilespmem:$0x1FF00] =	vst v63  }
0x77: {  	_ = 	snop  }
0x78: {  	[tilespmem:s26], [sflag:$0x1] =	stream.indirect.gather [hbm4b:s6+s16], $0x20, s0, s16, $0xb8;
	[tilespmem:$0x1FF00] =	vst v63  }
0x79: {  	_ = 	snop  }
0x7a: {  	[tilespmem:s29], [sflag:$0x1] =	stream.indirect.gather [hbm4b:s6+s16], $0x20, s1, s16, $0xb8;
	[tilespmem:$0x1FF00] =	vst v63  }
0x7b: {  	_ =	swait.ge [sflag:s30], $0x1000  }
0x7c: {  	[sflag:s30] =	ssyncset.done $0x0  }
0x7d: {  	[sflag:s30] =	ssyncadd.s32 $0xFFFFF000  }
0x7e: {  	[spmem:s2] =	stream.indirect.scatter.add.f32 [tilespmem:s5], [sflag:$0x2], $0x20, s19, s16, $0xb8;
	[tilespmem:$0x1FF00] =	vst v63  }
0x7f: {  	_ =	swait.ge [sflag:s30], $0x1000  }
0x80: {  	[sflag:s30] =	ssyncset.done $0x0  }
0x81: {  	[sflag:s30] =	ssyncadd.s32 $0xFFFFF000  }
0x82: {  	[spmem:s2] =	stream.indirect.scatter.add.f32 [tilespmem:s18], [sflag:$0x2], $0x20, s7, s16, $0xb8;
	[tilespmem:$0x1FF00] =	vst v63  }
0x83: {  	_ =	swait.ge [sflag:s30], $0x1000  }
0x84: {  	[sflag:s30] =	ssyncset.done $0x0  }
0x85: {  	[sflag:s30] =	ssyncadd.s32 $0xFFFFF000  }
0x86: {  	[spmem:s2] =	stream.indirect.scatter.add.f32 [tilespmem:s20], [sflag:$0x2], $0x20, s9, s16, $0xb8;
	[tilespmem:$0x1FF00] =	vst v63  }
0x87: {  	_ =	swait.ge [sflag:s30], $0x1000  }
0x88: {  	[sflag:s30] =	ssyncset.done $0x0  }
0x89: {  	[sflag:s30] =	ssyncadd.s32 $0xFFFFF000  }
0x8a: {  	[spmem:s2] =	stream.indirect.scatter.add.f32 [tilespmem:s22], [sflag:$0x2], $0x20, s10, s16, $0xb8;
	[tilespmem:$0x1FF00] =	vst v63  }
0x8b: {  	_ =	swait.ge [sflag:s30], $0x1000  }
0x8c: {  	[sflag:s30] =	ssyncset.done $0x0  }
0x8d: {  	[sflag:s30] =	ssyncadd.s32 $0xFFFFF000  }
0x8e: {  	[spmem:s2] =	stream.indirect.scatter.add.f32 [tilespmem:s24], [sflag:$0x2], $0x20, s23, s16, $0xb8;
	[tilespmem:$0x1FF00] =	vst v63  }
0x8f: {  	_ =	swait.ge [sflag:s30], $0x1000  }
0x90: {  	[sflag:s30] =	ssyncset.done $0x0  }
0x91: {  	[sflag:s30] =	ssyncadd.s32 $0xFFFFF000  }
0x92: {  	[spmem:s2] =	stream.indirect.scatter.add.f32 [tilespmem:s26], [sflag:$0x2], $0x20, s15, s16, $0xb8;
	[tilespmem:$0x1FF00] =	vst v63  }
0x93: {  	_ =	swait.ge [sflag:s30], $0x1000  }
0x94: {  	[sflag:s30] =	ssyncset.done $0x0  }
0x95: {  	[sflag:s30] =	ssyncadd.s32 $0xFFFFF000  }
0x96: {  	[spmem:s2] =	stream.indirect.scatter.add.f32 [tilespmem:s29], [sflag:$0x2], $0x20, s17, s16, $0xb8;
	[tilespmem:$0x1FF00] =	vst v63  }
0x97: {  	_ =	swait.ge [sflag:s4], $0x1000  }
0x98: {  	[sflag:s4] =	ssyncset.done $0x0  }
0x99: {  	[sflag:s4] =	ssyncadd.s32 $0xFFFFF000  }
0x9a: {  	_ =	swait.ge [sflag:s4], $0x1000  }
0x9b: {  	[sflag:s4] =	ssyncset.done $0x0  }
0x9c: {  	[sflag:s4] =	ssyncadd.s32 $0xFFFFF000  }
0x9d: {  	_ =	swait.ge [sflag:s4], $0x1000  }
0x9e: {  	[sflag:s4] =	ssyncset.done $0x0  }
0x9f: {  	[sflag:s4] =	ssyncadd.s32 $0xFFFFF000  }
0xa0: {  	_ =	swait.ge [sflag:s4], $0x1000  }
0xa1: {  	[sflag:s4] =	ssyncset.done $0x0  }
0xa2: {  	[sflag:s4] =	ssyncadd.s32 $0xFFFFF000  }
0xa3: {  	_ =	swait.ge [sflag:s4], $0x1000  }
0xa4: {  	[sflag:s4] =	ssyncset.done $0x0  }
0xa5: {  	[sflag:s4] =	ssyncadd.s32 $0xFFFFF000  }
.Ltmp0:
0xa6: {  	_ =	swait.ge [sflag:s4], $0x1000;
	(pc) =	sbr.rel @p0 .LBB2_2-.Ltmp0, $4  }
0xa7: {  	[sflag:s4] =	ssyncset.done $0x0  }
0xa8: {  	[sflag:s4] =	ssyncadd.s32 $0xFFFFF000  }
0xa9: {  	_ =	swait.ge [sflag:s4], $0x1000  }
0xaa: {  	s12 =	smov.u32 s21;
	s5 =	smov.u32 s11;
	[sflag:s4] =	ssyncset.done $0x0  }
0xab: {  	s5 =	sadd.s32 s13, s12;
	[sflag:s4] =	ssyncadd.s32 $0xFFFFF000  }
0xac: {  	[tilespmem:s3], [sflag:$0x3] =	stream.linear.gather [hbm4b:s5+s3], $0x380, $0x38;
	[tilespmem:$0x1FF00] =	vst v63  }
0xad: {  	_ =	swait.ge [sflag:s14], $0x380  }
0xae: {  	s11 =	rddreg [dreg:$0x3];
	[sflag:s14] =	ssyncset.done $0x0  }
0xaf: {  	s7 =	simm.s32 $0x380;
	[sflag:s14] =	ssyncadd.s32 $0xFFFFFC80;
	s5 =	sadd.s32 s13, s11  }
0xb0: {  	[tilespmem:s7], [sflag:$0x3] =	stream.linear.gather [hbm4b:s5+s3], $0x380, $0x38;
	[tilespmem:$0x1FF00] =	vst v63  }
0xb1: {  	_ =	swait.ge [sflag:s14], $0x380  }
0xb2: {  	[sflag:s14] =	ssyncset.done $0x0  }
0xb3: {  	s9 =	simm.s32 $0x700;
	[sflag:s14] =	ssyncadd.s32 $0xFFFFFC80  }
0xb4: {  	[tilespmem:s9], [sflag:$0x1] =	stream.indirect.gather [hbm4b:s6+s16], $0x20, s3, s16, $0xb8;
	[tilespmem:$0x1FF00] =	vst v63  }
0xb5: {  	_ = 	snop  }
0xb6: {  	[tilespmem:s18], [sflag:$0x1] =	stream.indirect.gather [hbm4b:s6+s16], $0x20, s16, s16, $0xb8;
	[tilespmem:$0x1FF00] =	vst v63  }
0xb7: {  	s13 =	simm.s32 $0x100  }
0xb8: {  	[tilespmem:s20], [sflag:$0x1] =	stream.indirect.gather [hbm4b:s6+s16], $0x20, s13, s16, $0xb8;
	[tilespmem:$0x1FF00] =	vst v63  }
0xb9: {  	s0 =	simm.s32 $0x180  }
0xba: {  	[tilespmem:s22], [sflag:$0x1] =	stream.indirect.gather [hbm4b:s6+s16], $0x20, s0, s16, $0xb8;
	[tilespmem:$0x1FF00] =	vst v63  }
0xbb: {  	s1 =	simm.s32 $0x200  }
0xbc: {  	[tilespmem:s24], [sflag:$0x1] =	stream.indirect.gather [hbm4b:s6+s16], $0x20, s1, s16, $0xb8;
	[tilespmem:$0x1FF00] =	vst v63  }
0xbd: {  	s10 =	simm.s32 $0x280  }
0xbe: {  	[tilespmem:s26], [sflag:$0x1] =	stream.indirect.gather [hbm4b:s6+s16], $0x20, s10, s16, $0xb8;
	[tilespmem:$0x1FF00] =	vst v63  }
0xbf: {  	s15 =	simm.s32 $0x300  }
0xc0: {  	[tilespmem:s29], [sflag:$0x1] =	stream.indirect.gather [hbm4b:s6+s16], $0x20, s15, s16, $0xb8;
	[tilespmem:$0x1FF00] =	vst v63  }
0xc1: {  	_ =	swait.ge [sflag:s30], $0x1000  }
0xc2: {  	[sflag:s30] =	ssyncset.done $0x0  }
0xc3: {  	[sflag:s30] =	ssyncadd.s32 $0xFFFFF000  }
0xc4: {  	[spmem:s2] =	stream.indirect.scatter.add.f32 [tilespmem:s9], [sflag:$0x2], $0x20, s7, s16, $0xb8;
	[tilespmem:$0x1FF00] =	vst v63  }
0xc5: {  	_ =	swait.ge [sflag:s30], $0x1000  }
0xc6: {  	[sflag:s30] =	ssyncset.done $0x0  }
0xc7: {  	s17 =	simm.s32 $0x400;
	[sflag:s30] =	ssyncadd.s32 $0xFFFFF000  }
0xc8: {  	[spmem:s2] =	stream.indirect.scatter.add.f32 [tilespmem:s18], [sflag:$0x2], $0x20, s17, s16, $0xb8;
	[tilespmem:$0x1FF00] =	vst v63  }
0xc9: {  	_ =	swait.ge [sflag:s30], $0x1000  }
0xca: {  	[sflag:s30] =	ssyncset.done $0x0  }
0xcb: {  	s23 =	simm.s32 $0x480;
	[sflag:s30] =	ssyncadd.s32 $0xFFFFF000  }
0xcc: {  	[spmem:s2] =	stream.indirect.scatter.add.f32 [tilespmem:s20], [sflag:$0x2], $0x20, s23, s16, $0xb8;
	[tilespmem:$0x1FF00] =	vst v63  }
0xcd: {  	_ =	swait.ge [sflag:s30], $0x1000  }
0xce: {  	[sflag:s30] =	ssyncset.done $0x0  }
0xcf: {  	s12 =	simm.s32 $0x500;
	[sflag:s30] =	ssyncadd.s32 $0xFFFFF000  }
0xd0: {  	[spmem:s2] =	stream.indirect.scatter.add.f32 [tilespmem:s22], [sflag:$0x2], $0x20, s12, s16, $0xb8;
	[tilespmem:$0x1FF00] =	vst v63  }
0xd1: {  	_ =	swait.ge [sflag:s30], $0x1000  }
0xd2: {  	[sflag:s30] =	ssyncset.done $0x0  }
0xd3: {  	s19 =	simm.s32 $0x580;
	[sflag:s30] =	ssyncadd.s32 $0xFFFFF000  }
0xd4: {  	[spmem:s2] =	stream.indirect.scatter.add.f32 [tilespmem:s24], [sflag:$0x2], $0x20, s19, s16, $0xb8;
	[tilespmem:$0x1FF00] =	vst v63  }
0xd5: {  	_ =	swait.ge [sflag:s30], $0x1000  }
0xd6: {  	[sflag:s30] =	ssyncset.done $0x0  }
0xd7: {  	s25 =	simm.s32 $0x600;
	[sflag:s30] =	ssyncadd.s32 $0xFFFFF000  }
0xd8: {  	[spmem:s2] =	stream.indirect.scatter.add.f32 [tilespmem:s26], [sflag:$0x2], $0x20, s25, s16, $0xb8;
	[tilespmem:$0x1FF00] =	vst v63  }
0xd9: {  	_ =	swait.ge [sflag:s30], $0x1000  }
0xda: {  	[sflag:s30] =	ssyncset.done $0x0  }
0xdb: {  	s11 =	simm.s32 $0x680;
	[sflag:s30] =	ssyncadd.s32 $0xFFFFF000  }
0xdc: {  	[spmem:s2] =	stream.indirect.scatter.add.f32 [tilespmem:s29], [sflag:$0x2], $0x20, s11, s16, $0xb8;
	[tilespmem:$0x1FF00] =	vst v63  }
0xdd: {  	_ =	swait.ge [sflag:s4], $0x1000  }
0xde: {  	[sflag:s4] =	ssyncset.done $0x0  }
0xdf: {  	[sflag:s4] =	ssyncadd.s32 $0xFFFFF000  }
0xe0: {  	_ =	swait.ge [sflag:s4], $0x1000  }
0xe1: {  	[sflag:s4] =	ssyncset.done $0x0  }
0xe2: {  	[sflag:s4] =	ssyncadd.s32 $0xFFFFF000  }
0xe3: {  	_ =	swait.ge [sflag:s4], $0x1000  }
0xe4: {  	[sflag:s4] =	ssyncset.done $0x0  }
0xe5: {  	[sflag:s4] =	ssyncadd.s32 $0xFFFFF000  }
0xe6: {  	_ =	swait.ge [sflag:s4], $0x1000  }
0xe7: {  	[sflag:s4] =	ssyncset.done $0x0  }
0xe8: {  	[sflag:s4] =	ssyncadd.s32 $0xFFFFF000  }
0xe9: {  	_ =	swait.ge [sflag:s4], $0x1000  }
0xea: {  	[sflag:s4] =	ssyncset.done $0x0  }
0xeb: {  	[sflag:s4] =	ssyncadd.s32 $0xFFFFF000  }
0xec: {  	_ =	swait.ge [sflag:s4], $0x1000  }
0xed: {  	[sflag:s4] =	ssyncset.done $0x0  }
0xee: {  	[sflag:s4] =	ssyncadd.s32 $0xFFFFF000  }
0xef: {  	_ =	swait.ge [sflag:s4], $0x1000  }
0xf0: {  	[sflag:s4] =	ssyncset.done $0x0  }
0xf1: {  	[sflag:s4] =	ssyncadd.s32 $0xFFFFF000  }
0xf2: {  	[bflag:$0x0] =	sbarrier.arrive $0xFFFF  }
0xf3: {  	s11 =	rddreg [dreg:$0x7]  }
0xf4: {  	s12 =	rddreg [dreg:$0x8]  }
0xf5: {  	s19 =	rddreg [dreg:$0xb]  }
0xf6: {  	[hbm:s12], [sflag:s11] =	dma.local [spmem:s19], $0x3100  }
0xf7: {  	_ =	swait.ge [sflag:s14], $0x3100  }
0xf8: {  	[sflag:s14] =	ssyncset.done $0x0  }
0xf9: {  	s25 =	rddreg [dreg:$0x6];
	[sflag:s14] =	ssyncadd.s32 $0xFFFFCF00  }
0xfa: {  	[spmem:s19], [sflag:s11] =	dma.local [hbm:s25], $0x3100  }
0xfb: {  	_ =	swait.ge [sflag:s14], $0x3100  }
0xfc: {  	[sflag:s14] =	ssyncset.done $0x0  }
0xfd: {  	[sflag:s14] =	ssyncadd.s32 $0xFFFFCF00  }
0xfe: {  	[bflag:$0x0] =	sbarrier.arrive $0xFFFF  }
0xff: {  	s19 =	rddreg [dreg:$0x5]  }
0x100: {  	s11 =	sadd.s32 $0x0, s19  }
0x101: {  	[tilespmem:s3], [sflag:$0x3] =	stream.linear.gather [hbm4b:s11+s3], $0x380, $0x38;
	[tilespmem:$0x1FF00] =	vst v63  }
0x102: {  	_ =	swait.ge [sflag:s14], $0x380  }
0x103: {  	s12 =	rddreg [dreg:$0x4];
	[sflag:s14] =	ssyncset.done $0x0  }
0x104: {  	[sflag:s14] =	ssyncadd.s32 $0xFFFFFC80;
	s5 =	sadd.s32 $0x0, s12  }
0x105: {  	[tilespmem:s7], [sflag:$0x3] =	stream.linear.gather [hbm4b:s5+s3], $0x380, $0x38;
	[tilespmem:$0x1FF00] =	vst v63  }
0x106: {  	_ =	swait.ge [sflag:s14], $0x380  }
0x107: {  	[sflag:s14] =	ssyncset.done $0x0  }
0x108: {  	[sflag:s14] =	ssyncadd.s32 $0xFFFFFC80  }
0x109: {  	[tilespmem:s9], [sflag:$0x1] =	stream.indirect.gather [hbm4b:s8+s16], $0x20, s3, s16, $0xb8;
	[tilespmem:$0x1FF00] =	vst v63  }
0x10a: {  	_ = 	snop  }
0x10b: {  	[tilespmem:s18], [sflag:$0x1] =	stream.indirect.gather [hbm4b:s8+s16], $0x20, s16, s16, $0xb8;
	[tilespmem:$0x1FF00] =	vst v63  }
0x10c: {  	_ = 	snop  }
0x10d: {  	[tilespmem:s20], [sflag:$0x1] =	stream.indirect.gather [hbm4b:s8+s16], $0x20, s13, s16, $0xb8;
	[tilespmem:$0x1FF00] =	vst v63  }
0x10e: {  	_ = 	snop  }
0x10f: {  	[tilespmem:s22], [sflag:$0x1] =	stream.indirect.gather [hbm4b:s8+s16], $0x20, s0, s16, $0xb8;
	[tilespmem:$0x1FF00] =	vst v63  }
0x110: {  	_ = 	snop  }
0x111: {  	[tilespmem:s24], [sflag:$0x1] =	stream.indirect.gather [hbm4b:s8+s16], $0x20, s1, s16, $0xb8;
	[tilespmem:$0x1FF00] =	vst v63  }
0x112: {  	_ = 	snop  }
0x113: {  	[tilespmem:s26], [sflag:$0x1] =	stream.indirect.gather [hbm4b:s8+s16], $0x20, s10, s16, $0xb8;
	[tilespmem:$0x1FF00] =	vst v63  }
0x114: {  	_ = 	snop  }
0x115: {  	[tilespmem:s29], [sflag:$0x1] =	stream.indirect.gather [hbm4b:s8+s16], $0x20, s15, s16, $0xb8;
	[tilespmem:$0x1FF00] =	vst v63  }
0x116: {  	_ =	swait.ge [sflag:s30], $0x1000  }
0x117: {  	[sflag:s30] =	ssyncset.done $0x0  }
0x118: {  	[sflag:s30] =	ssyncadd.s32 $0xFFFFF000  }
0x119: {  	[spmem:s2] =	stream.indirect.scatter.add.f32 [tilespmem:s9], [sflag:$0x2], $0x20, s7, s16, $0xb8;
	[tilespmem:$0x1FF00] =	vst v63  }
0x11a: {  	_ =	swait.ge [sflag:s30], $0x1000  }
0x11b: {  	[sflag:s30] =	ssyncset.done $0x0  }
0x11c: {  	[sflag:s30] =	ssyncadd.s32 $0xFFFFF000  }
0x11d: {  	[spmem:s2] =	stream.indirect.scatter.add.f32 [tilespmem:s18], [sflag:$0x2], $0x20, s17, s16, $0xb8;
	[tilespmem:$0x1FF00] =	vst v63  }
0x11e: {  	_ =	swait.ge [sflag:s30], $0x1000  }
0x11f: {  	[sflag:s30] =	ssyncset.done $0x0  }
0x120: {  	[sflag:s30] =	ssyncadd.s32 $0xFFFFF000  }
0x121: {  	[spmem:s2] =	stream.indirect.scatter.add.f32 [tilespmem:s20], [sflag:$0x2], $0x20, s23, s16, $0xb8;
	[tilespmem:$0x1FF00] =	vst v63  }
0x122: {  	_ =	swait.ge [sflag:s30], $0x1000  }
0x123: {  	[sflag:s30] =	ssyncset.done $0x0  }
0x124: {  	s23 =	simm.s32 $0x500;
	[sflag:s30] =	ssyncadd.s32 $0xFFFFF000  }
0x125: {  	[spmem:s2] =	stream.indirect.scatter.add.f32 [tilespmem:s22], [sflag:$0x2], $0x20, s23, s16, $0xb8;
	[tilespmem:$0x1FF00] =	vst v63  }
0x126: {  	_ =	swait.ge [sflag:s30], $0x1000  }
0x127: {  	[sflag:s30] =	ssyncset.done $0x0  }
0x128: {  	s11 =	simm.s32 $0x580;
	[sflag:s30] =	ssyncadd.s32 $0xFFFFF000  }
0x129: {  	[spmem:s2] =	stream.indirect.scatter.add.f32 [tilespmem:s24], [sflag:$0x2], $0x20, s11, s16, $0xb8;
	[tilespmem:$0x1FF00] =	vst v63  }
0x12a: {  	_ =	swait.ge [sflag:s30], $0x1000  }
0x12b: {  	[sflag:s30] =	ssyncset.done $0x0  }
0x12c: {  	s12 =	simm.s32 $0x600;
	[sflag:s30] =	ssyncadd.s32 $0xFFFFF000  }
0x12d: {  	[spmem:s2] =	stream.indirect.scatter.add.f32 [tilespmem:s26], [sflag:$0x2], $0x20, s12, s16, $0xb8;
	[tilespmem:$0x1FF00] =	vst v63  }
0x12e: {  	_ =	swait.ge [sflag:s30], $0x1000  }
0x12f: {  	[sflag:s30] =	ssyncset.done $0x0  }
0x130: {  	s13 =	simm.s32 $0x680;
	[sflag:s30] =	ssyncadd.s32 $0xFFFFF000  }
0x131: {  	[spmem:s2] =	stream.indirect.scatter.add.f32 [tilespmem:s29], [sflag:$0x2], $0x20, s13, s16, $0xb8;
	[tilespmem:$0x1FF00] =	vst v63  }
0x132: {  	_ =	swait.ge [sflag:s4], $0x1000  }
0x133: {  	[sflag:s4] =	ssyncset.done $0x0  }
0x134: {  	[sflag:s4] =	ssyncadd.s32 $0xFFFFF000  }
0x135: {  	_ =	swait.ge [sflag:s4], $0x1000  }
0x136: {  	[sflag:s4] =	ssyncset.done $0x0  }
0x137: {  	[sflag:s4] =	ssyncadd.s32 $0xFFFFF000  }
0x138: {  	_ =	swait.ge [sflag:s4], $0x1000  }
0x139: {  	[sflag:s4] =	ssyncset.done $0x0  }
0x13a: {  	[sflag:s4] =	ssyncadd.s32 $0xFFFFF000  }
0x13b: {  	_ =	swait.ge [sflag:s4], $0x1000  }
0x13c: {  	[sflag:s4] =	ssyncset.done $0x0  }
0x13d: {  	[sflag:s4] =	ssyncadd.s32 $0xFFFFF000  }
0x13e: {  	_ =	swait.ge [sflag:s4], $0x1000  }
0x13f: {  	s28 =	simm.s32 $0x180;
	[sflag:s4] =	ssyncset.done $0x0  }
0x140: {  	s31 =	simm.s32 $0x200;
	s25 =	simm.s32 $0x100;
	[sflag:s4] =	ssyncadd.s32 $0xFFFFF000  }
0x141: {  	s0 =	simm.s32 $0x280;
	s1 =	simm.s32 $0x300;
	_ =	swait.ge [sflag:s4], $0x1000  }
0x142: {  	s10 =	simm.s32 $0x500;
	s15 =	simm.s32 $0x600;
	[sflag:s4] =	ssyncset.done $0x0  }
0x143: {  	s7 =	simm.s32 $0x400;
	s9 =	simm.s32 $0x480;
	[sflag:s4] =	ssyncadd.s32 $0xFFFFF000  }
0x144: {  	s17 =	simm.s32 $0x680;
	s23 =	simm.s32 $0x580;
	_ =	swait.ge [sflag:s4], $0x1000  }
0x145: {  	s11 =	simm.s32 $0xE0;
	s13 =	simm.s32 $0x70;
	[sflag:s4] =	ssyncset.done $0x0  }
.LBB2_4:
0x146: {  	s12 =	sadd.s32 s13, s19;
	[sflag:s4] =	ssyncadd.s32 $0xFFFFF000  }
0x147: {  	[tilespmem:s3], [sflag:$0x3] =	stream.linear.gather [hbm4b:s12+s3], $0x380, $0x38;
	[tilespmem:$0x1FF00] =	vst v63  }
0x148: {  	s19 =	smov.u32 s11;
	s5 =	sadd.s32 $0x70, s11;
	_ =	swait.ge [sflag:s14], $0x380  }
0x149: {  	p0 =	sne.s32 s11, $0x1810;
	s12 =	rddreg [dreg:$0x4];
	[sflag:s14] =	ssyncset.done $0x0  }
0x14a: {  	[sflag:s14] =	ssyncadd.s32 $0xFFFFFC80;
	s11 =	sadd.s32 s13, s12;
	s12 =	simm.s32 $0x380  }
0x14b: {  	[tilespmem:s12], [sflag:$0x3] =	stream.linear.gather [hbm4b:s11+s3], $0x380, $0x38;
	[tilespmem:$0x1FF00] =	vst v63  }
0x14c: {  	s13 =	smov.u32 s19;
	s19 =	rddreg [dreg:$0x5];
	_ =	swait.ge [sflag:s14], $0x380  }
0x14d: {  	[sflag:s14] =	ssyncset.done $0x0  }
0x14e: {  	s11 =	simm.s32 $0x700;
	[sflag:s14] =	ssyncadd.s32 $0xFFFFFC80  }
0x14f: {  	[tilespmem:s11], [sflag:$0x1] =	stream.indirect.gather [hbm4b:s8+s16], $0x20, s3, s16, $0xb8;
	[tilespmem:$0x1FF00] =	vst v63  }
0x150: {  	_ = 	snop  }
0x151: {  	[tilespmem:s18], [sflag:$0x1] =	stream.indirect.gather [hbm4b:s8+s16], $0x20, s16, s16, $0xb8;
	[tilespmem:$0x1FF00] =	vst v63  }
0x152: {  	_ = 	snop  }
0x153: {  	[tilespmem:s20], [sflag:$0x1] =	stream.indirect.gather [hbm4b:s8+s16], $0x20, s25, s16, $0xb8;
	[tilespmem:$0x1FF00] =	vst v63  }
0x154: {  	_ = 	snop  }
0x155: {  	[tilespmem:s22], [sflag:$0x1] =	stream.indirect.gather [hbm4b:s8+s16], $0x20, s28, s16, $0xb8;
	[tilespmem:$0x1FF00] =	vst v63  }
0x156: {  	_ = 	snop  }
0x157: {  	[tilespmem:s24], [sflag:$0x1] =	stream.indirect.gather [hbm4b:s8+s16], $0x20, s31, s16, $0xb8;
	[tilespmem:$0x1FF00] =	vst v63  }
0x158: {  	_ = 	snop  }
0x159: {  	[tilespmem:s26], [sflag:$0x1] =	stream.indirect.gather [hbm4b:s8+s16], $0x20, s0, s16, $0xb8;
	[tilespmem:$0x1FF00] =	vst v63  }
0x15a: {  	_ = 	snop  }
0x15b: {  	[tilespmem:s29], [sflag:$0x1] =	stream.indirect.gather [hbm4b:s8+s16], $0x20, s1, s16, $0xb8;
	[tilespmem:$0x1FF00] =	vst v63  }
0x15c: {  	_ =	swait.ge [sflag:s30], $0x1000  }
0x15d: {  	[sflag:s30] =	ssyncset.done $0x0  }
0x15e: {  	[sflag:s30] =	ssyncadd.s32 $0xFFFFF000  }
0x15f: {  	[spmem:s2] =	stream.indirect.scatter.add.f32 [tilespmem:s11], [sflag:$0x2], $0x20, s12, s16, $0xb8;
	[tilespmem:$0x1FF00] =	vst v63  }
0x160: {  	_ =	swait.ge [sflag:s30], $0x1000  }
0x161: {  	[sflag:s30] =	ssyncset.done $0x0  }
0x162: {  	[sflag:s30] =	ssyncadd.s32 $0xFFFFF000  }
0x163: {  	[spmem:s2] =	stream.indirect.scatter.add.f32 [tilespmem:s18], [sflag:$0x2], $0x20, s7, s16, $0xb8;
	[tilespmem:$0x1FF00] =	vst v63  }
0x164: {  	_ =	swait.ge [sflag:s30], $0x1000  }
0x165: {  	[sflag:s30] =	ssyncset.done $0x0  }
0x166: {  	[sflag:s30] =	ssyncadd.s32 $0xFFFFF000  }
0x167: {  	[spmem:s2] =	stream.indirect.scatter.add.f32 [tilespmem:s20], [sflag:$0x2], $0x20, s9, s16, $0xb8;
	[tilespmem:$0x1FF00] =	vst v63  }
0x168: {  	_ =	swait.ge [sflag:s30], $0x1000  }
0x169: {  	[sflag:s30] =	ssyncset.done $0x0  }
0x16a: {  	[sflag:s30] =	ssyncadd.s32 $0xFFFFF000  }
0x16b: {  	[spmem:s2] =	stream.indirect.scatter.add.f32 [tilespmem:s22], [sflag:$0x2], $0x20, s10, s16, $0xb8;
	[tilespmem:$0x1FF00] =	vst v63  }
0x16c: {  	_ =	swait.ge [sflag:s30], $0x1000  }
0x16d: {  	[sflag:s30] =	ssyncset.done $0x0  }
0x16e: {  	[sflag:s30] =	ssyncadd.s32 $0xFFFFF000  }
0x16f: {  	[spmem:s2] =	stream.indirect.scatter.add.f32 [tilespmem:s24], [sflag:$0x2], $0x20, s23, s16, $0xb8;
	[tilespmem:$0x1FF00] =	vst v63  }
0x170: {  	_ =	swait.ge [sflag:s30], $0x1000  }
0x171: {  	[sflag:s30] =	ssyncset.done $0x0  }
0x172: {  	[sflag:s30] =	ssyncadd.s32 $0xFFFFF000  }
0x173: {  	[spmem:s2] =	stream.indirect.scatter.add.f32 [tilespmem:s26], [sflag:$0x2], $0x20, s15, s16, $0xb8;
	[tilespmem:$0x1FF00] =	vst v63  }
0x174: {  	_ =	swait.ge [sflag:s30], $0x1000  }
0x175: {  	[sflag:s30] =	ssyncset.done $0x0  }
0x176: {  	[sflag:s30] =	ssyncadd.s32 $0xFFFFF000  }
0x177: {  	[spmem:s2] =	stream.indirect.scatter.add.f32 [tilespmem:s29], [sflag:$0x2], $0x20, s17, s16, $0xb8;
	[tilespmem:$0x1FF00] =	vst v63  }
0x178: {  	_ =	swait.ge [sflag:s4], $0x1000  }
0x179: {  	[sflag:s4] =	ssyncset.done $0x0  }
0x17a: {  	[sflag:s4] =	ssyncadd.s32 $0xFFFFF000  }
0x17b: {  	_ =	swait.ge [sflag:s4], $0x1000  }
0x17c: {  	[sflag:s4] =	ssyncset.done $0x0  }
0x17d: {  	[sflag:s4] =	ssyncadd.s32 $0xFFFFF000  }
0x17e: {  	_ =	swait.ge [sflag:s4], $0x1000  }
0x17f: {  	[sflag:s4] =	ssyncset.done $0x0  }
0x180: {  	[sflag:s4] =	ssyncadd.s32 $0xFFFFF000  }
0x181: {  	_ =	swait.ge [sflag:s4], $0x1000  }
0x182: {  	[sflag:s4] =	ssyncset.done $0x0  }
0x183: {  	[sflag:s4] =	ssyncadd.s32 $0xFFFFF000  }
0x184: {  	_ =	swait.ge [sflag:s4], $0x1000  }
0x185: {  	[sflag:s4] =	ssyncset.done $0x0  }
0x186: {  	[sflag:s4] =	ssyncadd.s32 $0xFFFFF000  }
.Ltmp1:
0x187: {  	_ =	swait.ge [sflag:s4], $0x1000;
	(pc) =	sbr.rel @p0 .LBB2_4-.Ltmp1, $4  }
0x188: {  	[sflag:s4] =	ssyncset.done $0x0  }
0x189: {  	[sflag:s4] =	ssyncadd.s32 $0xFFFFF000  }
0x18a: {  	_ =	swait.ge [sflag:s4], $0x1000  }
0x18b: {  	s11 =	smov.u32 s5;
	[sflag:s4] =	ssyncset.done $0x0  }
0x18c: {  	s5 =	sadd.s32 s13, s19;
	[sflag:s4] =	ssyncadd.s32 $0xFFFFF000  }
0x18d: {  	[tilespmem:s3], [sflag:$0x3] =	stream.linear.gather [hbm4b:s5+s3], $0x380, $0x38;
	[tilespmem:$0x1FF00] =	vst v63  }
0x18e: {  	_ =	swait.ge [sflag:s14], $0x380  }
0x18f: {  	s12 =	rddreg [dreg:$0x4];
	[sflag:s14] =	ssyncset.done $0x0  }
0x190: {  	s11 =	simm.s32 $0x380;
	s5 =	sadd.s32 s13, s12;
	[sflag:s14] =	ssyncadd.s32 $0xFFFFFC80  }
0x191: {  	[tilespmem:s11], [sflag:$0x3] =	stream.linear.gather [hbm4b:s5+s3], $0x380, $0x38;
	[tilespmem:$0x1FF00] =	vst v63  }
0x192: {  	_ =	swait.ge [sflag:s14], $0x380  }
0x193: {  	[sflag:s14] =	ssyncset.done $0x0  }
0x194: {  	s19 =	simm.s32 $0x700;
	[sflag:s14] =	ssyncadd.s32 $0xFFFFFC80  }
0x195: {  	[tilespmem:s19], [sflag:$0x1] =	stream.indirect.gather [hbm4b:s8+s16], $0x20, s3, s16, $0xb8;
	[tilespmem:$0x1FF00] =	vst v63  }
0x196: {  	_ = 	snop  }
0x197: {  	[tilespmem:s18], [sflag:$0x1] =	stream.indirect.gather [hbm4b:s8+s16], $0x20, s16, s16, $0xb8;
	[tilespmem:$0x1FF00] =	vst v63  }
0x198: {  	_ = 	snop  }
0x199: {  	[tilespmem:s20], [sflag:$0x1] =	stream.indirect.gather [hbm4b:s8+s16], $0x20, s25, s16, $0xb8;
	[tilespmem:$0x1FF00] =	vst v63  }
0x19a: {  	_ = 	snop  }
0x19b: {  	[tilespmem:s22], [sflag:$0x1] =	stream.indirect.gather [hbm4b:s8+s16], $0x20, s28, s16, $0xb8;
	[tilespmem:$0x1FF00] =	vst v63  }
0x19c: {  	_ = 	snop  }
0x19d: {  	[tilespmem:s24], [sflag:$0x1] =	stream.indirect.gather [hbm4b:s8+s16], $0x20, s31, s16, $0xb8;
	[tilespmem:$0x1FF00] =	vst v63  }
0x19e: {  	_ = 	snop  }
0x19f: {  	[tilespmem:s26], [sflag:$0x1] =	stream.indirect.gather [hbm4b:s8+s16], $0x20, s0, s16, $0xb8;
	[tilespmem:$0x1FF00] =	vst v63  }
0x1a0: {  	_ = 	snop  }
0x1a1: {  	[tilespmem:s29], [sflag:$0x1] =	stream.indirect.gather [hbm4b:s8+s16], $0x20, s1, s16, $0xb8;
	[tilespmem:$0x1FF00] =	vst v63  }
0x1a2: {  	_ =	swait.ge [sflag:s30], $0x1000  }
0x1a3: {  	[sflag:s30] =	ssyncset.done $0x0  }
0x1a4: {  	[sflag:s30] =	ssyncadd.s32 $0xFFFFF000  }
0x1a5: {  	[spmem:s2] =	stream.indirect.scatter.add.f32 [tilespmem:s19], [sflag:$0x2], $0x20, s11, s16, $0xb8;
	[tilespmem:$0x1FF00] =	vst v63  }
0x1a6: {  	_ =	swait.ge [sflag:s30], $0x1000  }
0x1a7: {  	[sflag:s30] =	ssyncset.done $0x0  }
0x1a8: {  	[sflag:s30] =	ssyncadd.s32 $0xFFFFF000  }
0x1a9: {  	[spmem:s2] =	stream.indirect.scatter.add.f32 [tilespmem:s18], [sflag:$0x2], $0x20, s7, s16, $0xb8;
	[tilespmem:$0x1FF00] =	vst v63  }
0x1aa: {  	_ =	swait.ge [sflag:s30], $0x1000  }
0x1ab: {  	[sflag:s30] =	ssyncset.done $0x0  }
0x1ac: {  	[sflag:s30] =	ssyncadd.s32 $0xFFFFF000  }
0x1ad: {  	[spmem:s2] =	stream.indirect.scatter.add.f32 [tilespmem:s20], [sflag:$0x2], $0x20, s9, s16, $0xb8;
	[tilespmem:$0x1FF00] =	vst v63  }
0x1ae: {  	_ =	swait.ge [sflag:s30], $0x1000  }
0x1af: {  	[sflag:s30] =	ssyncset.done $0x0  }
0x1b0: {  	[sflag:s30] =	ssyncadd.s32 $0xFFFFF000  }
0x1b1: {  	[spmem:s2] =	stream.indirect.scatter.add.f32 [tilespmem:s22], [sflag:$0x2], $0x20, s10, s16, $0xb8;
	[tilespmem:$0x1FF00] =	vst v63  }
0x1b2: {  	_ =	swait.ge [sflag:s30], $0x1000  }
0x1b3: {  	[sflag:s30] =	ssyncset.done $0x0  }
0x1b4: {  	[sflag:s30] =	ssyncadd.s32 $0xFFFFF000  }
0x1b5: {  	[spmem:s2] =	stream.indirect.scatter.add.f32 [tilespmem:s24], [sflag:$0x2], $0x20, s23, s16, $0xb8;
	[tilespmem:$0x1FF00] =	vst v63  }
0x1b6: {  	_ =	swait.ge [sflag:s30], $0x1000  }
0x1b7: {  	[sflag:s30] =	ssyncset.done $0x0  }
0x1b8: {  	[sflag:s30] =	ssyncadd.s32 $0xFFFFF000  }
0x1b9: {  	[spmem:s2] =	stream.indirect.scatter.add.f32 [tilespmem:s26], [sflag:$0x2], $0x20, s15, s16, $0xb8;
	[tilespmem:$0x1FF00] =	vst v63  }
0x1ba: {  	_ =	swait.ge [sflag:s30], $0x1000  }
0x1bb: {  	[sflag:s30] =	ssyncset.done $0x0  }
0x1bc: {  	[sflag:s30] =	ssyncadd.s32 $0xFFFFF000  }
0x1bd: {  	[spmem:s2] =	stream.indirect.scatter.add.f32 [tilespmem:s29], [sflag:$0x2], $0x20, s17, s16, $0xb8;
	[tilespmem:$0x1FF00] =	vst v63  }
0x1be: {  	_ =	swait.ge [sflag:s4], $0x1000  }
0x1bf: {  	[sflag:s4] =	ssyncset.done $0x0  }
0x1c0: {  	[sflag:s4] =	ssyncadd.s32 $0xFFFFF000  }
0x1c1: {  	_ =	swait.ge [sflag:s4], $0x1000  }
0x1c2: {  	[sflag:s4] =	ssyncset.done $0x0  }
0x1c3: {  	[sflag:s4] =	ssyncadd.s32 $0xFFFFF000  }
0x1c4: {  	_ =	swait.ge [sflag:s4], $0x1000  }
0x1c5: {  	[sflag:s4] =	ssyncset.done $0x0  }
0x1c6: {  	[sflag:s4] =	ssyncadd.s32 $0xFFFFF000  }
0x1c7: {  	_ =	swait.ge [sflag:s4], $0x1000  }
0x1c8: {  	[sflag:s4] =	ssyncset.done $0x0  }
0x1c9: {  	[sflag:s4] =	ssyncadd.s32 $0xFFFFF000  }
0x1ca: {  	_ =	swait.ge [sflag:s4], $0x1000  }
0x1cb: {  	[sflag:s4] =	ssyncset.done $0x0  }
0x1cc: {  	[sflag:s4] =	ssyncadd.s32 $0xFFFFF000  }
0x1cd: {  	_ =	swait.ge [sflag:s4], $0x1000  }
0x1ce: {  	[sflag:s4] =	ssyncset.done $0x0  }
0x1cf: {  	[sflag:s4] =	ssyncadd.s32 $0xFFFFF000  }
0x1d0: {  	_ =	swait.ge [sflag:s4], $0x1000  }
0x1d1: {  	[sflag:s4] =	ssyncset.done $0x0  }
0x1d2: {  	[sflag:s4] =	ssyncadd.s32 $0xFFFFF000  }
0x1d3: {  	[bflag:$0x0] =	sbarrier.arrive $0xFFFF  }
0x1d4: {  	s11 =	rddreg [dreg:$0x7]  }
0x1d5: {  	s12 =	rddreg [dreg:$0x9]  }
0x1d6: {  	s13 =	rddreg [dreg:$0xb]  }
0x1d7: {  	[hbm:s12], [sflag:s11] =	dma.local [spmem:s13], $0x3100  }
0x1d8: {  	_ =	swait.ge [sflag:s14], $0x3100  }
0x1d9: {  	s12 =	rddreg [dreg:$0xc]  }
0x1da: {  	s19 =	rddreg [dreg:$0xa];
	s12 =	sadd.s32 $0x1, s12  }
0x1db: {  	p0 =	sne.s32 s12, s19  }
.Ltmp2:
0x1dc: {  	_ = 	snop;
	(pc) =	sbr.rel @p0 .LBB2_1-.Ltmp2, $3  }
0x1dd: {  	_ =	sdelay $0x1  }
0x1de: {  	[sflag:s14] =	ssyncset.done $0x0  }
0x1df: {  	[sflag:s14] =	ssyncadd.s32 $0xFFFFCF00;
	[dreg:$0xc] =	wrdreg s12;
	s12 =	smov.u32 s21  }
0x1e0: {  	_ =	sfence.sel $0x180000  }
0x1e1: {  	[bflag:$0x0] =	sbarrier.arrive $0xFFFF  }
0x1e2: {  	_ =	strace $0x90000047  }
0x1e3: {  	s0 =	stileid.u32;
	[bflag:$0x2] =	sbarrier.arrive $0xFFFF  }
0x1e4: {  	p0 =	sne.s32 s0, $0x0;
	s0 =	rddreg [dreg:$0x2]  }
0x1e5: {  	s0 =	sadd.s32 @!p0 $0x100000, s0  }
0x1e6: {  	[sflag:s0] =	ssyncadd.tile.s32 @!p0 $0x1;
	_ =	shalt  }
.Lfunc_end2:
_tile_overlayer_lowered:
.L_overlay_start_2:
0x1e7: {  	(tag) =	ssettag $0x2  }
0x1e8: {  	s0 =	rddreg [dreg:$0x0];
	s2 =	stileid.u32  }
0x1e9: {  	s1 =	rddreg [dreg:$0x1];
	p0 =	sne.s32 s2, $0x0  }
0x1ea: {  	s3 =	rddreg [dreg:$0x2];
	[bflag:$0x3] =	sbarrier.arrive $0xFFFF;
	s2 =	simm.s32 @!p0 $0x1C03  }
0x1eb: {  	[timem:s3], [sflag:s2] =	dma.local @!p0 [hbm:s0], s1  }
0x1ec: {  	s0 =	simm.s32 @!p0 $0x3  }
0x1ed: {  	_ =	swait.ge @!p0 [sflag:s0], s1  }
0x1ee: {  	s1 =	ssub.s32 @!p0 $0x0, s1;
	[sflag:s0] =	ssyncset.done @!p0 $0x0  }
0x1ef: {  	[sflag:s0] =	ssyncadd.s32 @!p0 s1  }
0x1f0: {  	[bflag:$0x3] =	sbarrier.arrive $0xFFFF  }
0x1f1: {  	_ =	shalt  }

// kernel: kernel.15.cloned.1.call-start
scs
__scs_entry_jumppad:
0x0: {  	(pc) =	sbr.rel $0x88, $3  }
0x1: {  	(tag) =	ssettag $0x0;
	lr =	simm.s32 $0x1  }
0x2: {  	[smem:$0x3F89] =	sst lr;
	_ =	strace $0xD0000000  }
0x3: {  	_ = 	snop  }
0x4: {  	_ = 	snop  }
0x5: {  	_ = 	snop  }
0x6: {  	_ = 	snop  }
0x7: {  	_ = 	snop  }
__scs_overlays_trampoline_lowered:
0x8: {  	[smem:$0x3F98] =	sst s0  }
0x9: {  	[smem:$0x3F99] =	sst s1  }
0xa: {  	[smem:$0x3F9A] =	sst s2  }
0xb: {  	[smem:$0x3F9B] =	sst s3  }
0xc: {  	[smem:$0x3F9C] =	sst s4  }
0xd: {  	[smem:$0x3F9D] =	sst s5  }
0xe: {  	[smem:$0x3F9E] =	sst s6  }
0xf: {  	[smem:$0x3F9F] =	sst s7  }
0x10: {  	[smem:$0x3FA0] =	sst s8  }
0x11: {  	[smem:$0x3FA1] =	sst s9;
	s0 =	simm.s32 @!p0 $0x0  }
0x12: {  	s1 =	sld [smem:$0x3F87];
	s0 =	simm.s32 @p0 $0x1  }
0x13: {  	[smem:$0x3FA2] =	sst s0;
	s0 =	simm.s32 @!p1 $0x0  }
0x14: {  	s2 =	sld [smem:$0x3F86];
	s0 =	simm.s32 @p1 $0x1  }
0x15: {  	[smem:$0x3FA3] =	sst s0;
	s0 =	simm.s32 @!p2 $0x0  }
0x16: {  	s3 =	sld [smem:$0x3FDB];
	s0 =	simm.s32 @p2 $0x1  }
0x17: {  	s4 =	simm.s32 $0x1BF5;
	[smem:$0x3FA5] =	sst s0  }
0x18: {  	s0 =	sld [smem:$0x3F88];
	_ =	swait.ge [sflag:s4], $0x0  }
0x19: {  	s7 =	sld [smem:$0x3F89]  }
0x1a: {  	s8 =	sadd.s32 $0xFFFFE003, lr  }
0x1b: {  	s9 =	sadd.s32 $0xFFFFFEF7, lr;
	s5 =	simm.s32 $0xFFFFFFFF;
	p2 =	slt.u32 s8, $0xFFFFF086  }
0x1c: {  	p1 =	slt.u32 s9, $0xF7A;
	s5 =	simm.s32 @!p2 $0x0  }
0x1d: {  	s5 =	simm.s32 @p1 $0x1;
	p0 =	seq.s32 s7, s2  }
0x1e: {  	s7 =	smul.u32 @!p0 $0xF7A, s2;
	p2 =	seq.s32 @!p0 s5, $0x0  }
0x1f: {  	s9 =	smul.u32 $0xF7A, s1;
	s8 =	simm.s32 @!p0 $0x1BF5;
	p2 =	por !p2, p0  }
0x20: {  	[sflag:s8] =	ssyncset.s32 @!p0 $0xFFFFF086;
	s6 =	sadd.s32 @!p0 s3, s7;
	s7 =	simm.s32 @!p0 $0x108  }
0x21: {  	s3 =	sadd.s32 s3, s9;
	s6 =	sadd.s32 @!p0 $0x88, s6;
	s7 =	simm.s32 @p2 $0x1082  }
0x22: {  	[simem:s7], [sflag:s8] =	dma.local @!p0 [hbm:s6], $0xF7A  }
0x23: {  	s9 =	sor.u32 $0xD0000000, s2;
	s6 =	simm.s32 $0x108;
	_ =	swait.ge @!p0 [sflag:s8], $0x0  }
0x24: {  	s3 =	sadd.s32 $0x88, s3;
	s6 =	simm.s32 @!p1 $0x1082;
	[sflag:s4] =	ssyncset.s32 $0xFFFFF086  }
0x25: {  	[simem:s6], [sflag:s4] =	dma.local [hbm:s3], $0xF7A  }
0x26: {  	[smem:$0x3F89] =	sst s1;
	(tag) =	ssettag s2;
	_ =	strace s9  }
0x27: {  	s1 =	sld [smem:$0x3F99]  }
0x28: {  	s2 =	sld [smem:$0x3F9A]  }
0x29: {  	s4 =	sld [smem:$0x3F9C]  }
0x2a: {  	p0 =	seq.s32 s5, $0x0;
	s5 =	sld [smem:$0x3F9D]  }
0x2b: {  	s6 =	sld [smem:$0x3F9E]  }
0x2c: {  	s7 =	sld [smem:$0x3F9F]  }
0x2d: {  	s3 =	simm.s32 $0x108;
	s8 =	sld [smem:$0x3FA0]  }
0x2e: {  	s3 =	simm.s32 @!p0 $0x1082;
	s9 =	sld [smem:$0x3FA1]  }
0x2f: {  	lr =	sadd.s32 s0, s3;
	s0 =	sld [smem:$0x3F98]  }
0x30: {  	s3 =	sld [smem:$0x3F9B]  }
0x31: {  	[smem:$0x3FA4] =	sst s10  }
0x32: {  	s10 =	sld [smem:$0x3FA2];
	_ =	sdelay $0x3  }
0x33: {  	p0 =	seq.s32 s10, $0x1;
	s10 =	sld [smem:$0x3FA4];
	_ =	sdelay $0x3  }
0x34: {  	[smem:$0x3FA4] =	sst s10  }
0x35: {  	s10 =	sld [smem:$0x3FA3];
	_ =	sdelay $0x3  }
0x36: {  	p1 =	seq.s32 s10, $0x1;
	s10 =	sld [smem:$0x3FA4];
	_ =	sdelay $0x3  }
0x37: {  	[smem:$0x3FA4] =	sst s10  }
0x38: {  	s10 =	sld [smem:$0x3FA5]  }
0x39: {  	_ = 	snop;
	(pc) =	sbr.ind lr, $3  }
0x3a: {  	_ = 	snop  }
0x3b: {  	_ = 	snop  }
0x3c: {  	p2 =	seq.s32 s10, $0x1;
	s10 =	sld [smem:$0x3FA4]  }
0x3d: {  	_ =	shalt  }
0x3e: {  	_ =	shalt  }
0x3f: {  	_ =	shalt  }
0x40: {  	_ =	shalt  }
0x41: {  	_ =	shalt  }
0x42: {  	_ =	shalt  }
0x43: {  	_ =	shalt  }
0x44: {  	_ =	shalt  }
0x45: {  	_ =	shalt  }
0x46: {  	_ =	shalt  }
0x47: {  	_ =	shalt  }
0x48: {  	_ =	shalt  }
0x49: {  	_ =	shalt  }
0x4a: {  	_ =	shalt  }
0x4b: {  	_ =	shalt  }
0x4c: {  	_ =	shalt  }
0x4d: {  	_ =	shalt  }
0x4e: {  	_ =	shalt  }
0x4f: {  	_ =	shalt  }
0x50: {  	_ =	shalt  }
0x51: {  	_ =	shalt  }
0x52: {  	_ =	shalt  }
0x53: {  	_ =	shalt  }
0x54: {  	_ =	shalt  }
0x55: {  	_ =	shalt  }
0x56: {  	_ =	shalt  }
0x57: {  	_ =	shalt  }
0x58: {  	_ =	shalt  }
0x59: {  	_ =	shalt  }
0x5a: {  	_ =	shalt  }
0x5b: {  	_ =	shalt  }
0x5c: {  	_ =	shalt  }
0x5d: {  	_ =	shalt  }
0x5e: {  	_ =	shalt  }
0x5f: {  	_ =	shalt  }
0x60: {  	_ =	shalt  }
0x61: {  	_ =	shalt  }
0x62: {  	_ =	shalt  }
0x63: {  	_ =	shalt  }
0x64: {  	_ =	shalt  }
0x65: {  	_ =	shalt  }
0x66: {  	_ =	shalt  }
0x67: {  	_ =	shalt  }
0x68: {  	_ =	shalt  }
0x69: {  	_ =	shalt  }
0x6a: {  	_ =	shalt  }
0x6b: {  	_ =	shalt  }
0x6c: {  	_ =	shalt  }
0x6d: {  	_ =	shalt  }
0x6e: {  	_ =	shalt  }
0x6f: {  	_ =	shalt  }
0x70: {  	_ =	shalt  }
0x71: {  	_ =	shalt  }
0x72: {  	_ =	shalt  }
0x73: {  	_ =	shalt  }
0x74: {  	_ =	shalt  }
0x75: {  	_ =	shalt  }
0x76: {  	_ =	shalt  }
0x77: {  	_ =	shalt  }
0x78: {  	_ =	shalt  }
0x79: {  	_ =	shalt  }
0x7a: {  	_ =	shalt  }
0x7b: {  	_ =	shalt  }
0x7c: {  	_ =	shalt  }
0x7d: {  	_ =	shalt  }
0x7e: {  	_ =	shalt  }
0x7f: {  	_ =	shalt  }
0x80: {  	_ =	shalt  }
0x81: {  	_ =	shalt  }
0x82: {  	_ =	shalt  }
0x83: {  	_ =	shalt  }
0x84: {  	_ =	shalt  }
0x85: {  	_ =	shalt  }
0x86: {  	_ =	shalt  }
0x87: {  	_ =	shalt  }
.Lfunc_end0:
.L_simem_size_0:
called_computation.2_lowered:
.L_overlay_start_0:
0x88: {  	s2 =	sld [smem:$0x3FD9]  }
0x89: {  	s3 =	sld [smem:$0x3FFE];
	_ =	sdelay $0x1  }
0x8a: {  	s1 =	srdreg.scid  }
0x8b: {  	s0 =	sand.u32 $0x1, s1  }
0x8c: {  	s16 =	sshll.u32 s0, $0xA;
	s2 =	sadd.s32 s3, s2  }
0x8d: {  	s2 =	sadd.s32 s2, s16  }
0x8e: {  	[smem:$0x3FB0] =	sst s2  }
0x8f: {  	_ = 	snop  }
0x90: {  	(tm) =	ssettm $0x1  }
0x91: {  	s17 =	sld [smem:$0x3FFB];
	_ =	sdelay $0x3  }
0x92: {  	_ =	strace s17  }
0x93: {  	s2 =	sld [smem:$0x3FFC];
	_ =	sdelay $0x3  }
0x94: {  	_ =	strace s2  }
0x95: {  	s2 =	sld [smem:$0x3FFD];
	_ =	sdelay $0x3  }
0x96: {  	_ =	strace s2  }
0x97: {  	_ =	strace $0x8FFFFFFF  }
0x98: {  	s18 =	sld [smem:$0x3FDB];
	_ =	sdelay $0x1  }
0x99: {  	s19 =	simm.s32 $_scs_section_size  }
0x9a: {  	s4 =	simm.s32 $_size__tile_overlayer_lowered;
	s5 =	simm.s32 $_tile_overlayer_lowered  }
0x9b: {  	s22 =	simm.s32 $0x1BFF;
	s21 =	sshll.u32 s5, $0x1;
	s2 =	sadd.s32 s19, s18  }
0x9c: {  	s6 =	simm.s32 $0x0;
	s20 =	sshll.u32 s4, $0x1;
	s4 =	sadd.s32 s21, s2  }
0x9d: {  	[timem:s6], [sflag:s22] =	dma.local [hbm:s4], s20  }
0x9e: {  	_ =	swait.ge [sflag:s22], s20  }
0x9f: {  	s3 =	ssub.s32 $0x0, s20;
	[sflag:s22] =	ssyncset.done $0x0  }
0xa0: {  	[sflag:s22] =	ssyncadd.s32 s3;
	_ =	sdelay $0x1  }
0xa1: {  	s23 =	simm.s32 $0x1B8B  }
0xa2: {  	_ =	swait.ge [sflag:s23], $0x1  }
0xa3: {  	[sflag:s23] =	ssyncset.done $0x0  }
0xa4: {  	s25 =	simm.s32 $0x1B8E;
	s24 =	sld [smem:$0x3FFE];
	[sflag:s23] =	ssyncadd.s32 $0xFFFFFFFF  }
0xa5: {  	s26 =	simm.s32 $execute0_lowered;
	[smem:$0x3FD2] =	sst s25  }
0xa6: {  	s4 =	sshll.u32 s26, $0x1;
	_ =	strace $0x8000004C;
	[dreg:$0x1] =	wrdreg $0xFFFFFFFF  }
0xa7: {  	s28 =	simm.s32 $_size_execute0_lowered;
	s2 =	sadd.s32 s2, s4;
	[dreg:$0x0] =	wrdreg $0x0  }
0xa8: {  	s4 =	sshll.u32 s28, $0x1;
	[dreg:$0x2] =	wrdreg s2  }
0xa9: {  	[dreg:$0x3] =	wrdreg s4  }
0xaa: {  	[dreg:$0x4] =	wrdreg $0xC0  }
0xab: {  	_ =	task [dreg:s6], $0x5FFFF  }
0xac: {  	[dreg:$0x1] =	wrdreg $0xFFFFFFFF  }
0xad: {  	[dreg:$0x0] =	wrdreg $0x60  }
0xae: {  	[dreg:$0x2] =	wrdreg s24  }
0xaf: {  	[dreg:$0x3] =	wrdreg $0x77000  }
0xb0: {  	[dreg:$0x4] =	wrdreg $0x9  }
0xb1: {  	_ =	task.clear_ibuf [dreg:s6], $0x5FFFF;
	_ =	strace $0x9000004C  }
0xb2: {  	s29 =	simm.s32 $0x9;
	_ =	strace $0x8000004E  }
0xb3: {  	_ =	swait.ge [sflag:s29], $0x1  }
0xb4: {  	[sflag:s29] =	ssyncadd.s32 $0xFFFFFFFF  }
0xb5: {  	_ =	strace $0x9000004E  }
0xb6: {  	_ =	sfence  }
0xb7: {  	s30 =	sld [smem:$0x0];
	_ =	sdelay $0x2  }
0xb8: {  	s31 =	sshll.u32 s1, $0xD;
	s1 =	sshrl.u32 s1, $0x2  }
0xb9: {  	s3 =	sand.u32 $0x4000, s31;
	s1 =	sadd.s32 s1, s30  }
0xba: {  	s0 =	sor.u32 s3, s0;
	s1 =	sshll.u32 s1, $0x11  }
0xbb: {  	s0 =	sor.u32 s1, s0  }
0xbc: {  	s0 =	sadd.s32 $0x8F2B, s0  }
0xbd: {  	[sflag:s0] =	ssyncadd.remote.s32 $0x1  }
0xbe: {  	_ =	sfence.sel $0xFFFF  }
0xbf: {  	[dreg:$0x0] =	wrdreg $0xFFFFFFFF;
	(pc) =	sbr.abs _section_cstart, $3  }
0xc0: {  	[dreg:$0x1] =	wrdreg $0xFFFFFFFF  }
0xc1: {  	_ =	task.clear_ibuf [dreg:s6], $0x2FFFF;
	_ =	strace $0x9FFFFFFF  }
0xc2: {  	(tm) =	ssettm $0x7FFFFFFF  }
0xc3: {  	_ =	shalt  }
tec
execute0_lowered:
.L_overlay_start_1:
0x0: {  	(tag) =	ssettag $0x1  }
0x1: {  	s0 =	rddreg [dreg:$0x0]  }
0x2: {  	s2 =	rddreg [dreg:$0x1];
	s12 =	stileid.u32  }
0x3: {  	s4 =	srdreg.scid;
	s3 =	simm.s32 $0x0;
	s14 =	simm.s32 $0x3  }
0x4: {  	s25 =	simm.s32 $0x100;
	s28 =	simm.s32 $0x180;
	s22 =	simm.s32 $0x3700  }
0x5: {  	s31 =	simm.s32 $0x200;
	s24 =	simm.s32 $0x4700;
	s26 =	simm.s32 $0x5700  }
0x6: {  	s29 =	simm.s32 $0x6700;
	s30 =	simm.s32 $0x1;
	s1 =	smul.u32 $0x1880, s12  }
0x7: {  	s23 =	simm.s32 $0x580;
	s21 =	simm.s32 $0x0;
	s5 =	smul.u32 $0x18800, s12  }
0x8: {  	s4 =	sand.u32 $0x1, s4;
	[smem:$0x7FF] =	sst s3;
	s7 =	sadd.s32 $0x65C00, s0  }
0x9: {  	s15 =	sshll.u32 s12, $0x6;
	s6 =	smul.u32 $0x188000, s4;
	_ =	strace $0x8000004D  }
0xa: {  	s9 =	ssub.s32 $0x2, s4;
	s4 =	smul.u32 $0x31000, s4;
	[dreg:$0xc] =	wrdreg s21  }
0xb: {  	s1 =	sadd.s32 s1, s0;
	s10 =	sshrl.u32 s5, $0x3;
	s11 =	sshrl.u32 s9, $0x1  }
0xc: {  	s8 =	sadd.s32 s5, s6;
	s10 =	sadd.s32 s10, s0;
	s9 =	ssub.s32 s9, s11  }
0xd: {  	s5 =	sadd.s32 s5, s2;
	s11 =	sor.u32 $0x1C03, s15;
	s16 =	sshrl.u32 s6, $0x3  }
0xe: {  	s6 =	sadd.s32 s7, s4;
	s19 =	sadd.s32 $0x1BE00, s1;
	s12 =	sadd.s32 $0x4D200, s1  }
0xf: {  	s20 =	sadd.s32 $0x3400, s1;
	s15 =	simm.s32 $0x600;
	s4 =	simm.s32 $0x2  }
0x10: {  	s8 =	sshrl.u32 s8, $0x3;
	s10 =	sadd.s32 $0xC7C00, s10;
	[dreg:$0x3] =	wrdreg s19  }
0x11: {  	s18 =	smax.u32 s9, $0x1;
	[dreg:$0x4] =	wrdreg s20;
	s19 =	sadd.s32 $0x34800, s1  }
0x12: {  	s13 =	sshrl.u32 s5, $0x3;
	s20 =	simm.s32 $0x2700;
	[dreg:$0x7] =	wrdreg s11  }
0x13: {  	s1 =	simm.s32 $0x300;
	s9 =	simm.s32 $0x480;
	[dreg:$0x6] =	wrdreg s10  }
0x14: {  	s0 =	sadd.s32 s8, s0;
	s8 =	sadd.s32 s7, s16;
	[dreg:$0xa] =	wrdreg s18  }
0x15: {  	s16 =	simm.s32 $0x80;
	s18 =	simm.s32 $0x1700;
	[dreg:$0xb] =	wrdreg s13  }
0x16: {  	s7 =	simm.s32 $0x400;
	[dreg:$0x5] =	wrdreg s19;
	s17 =	sadd.s32 $0x15AC00, s0  }
0x17: {  	s10 =	simm.s32 $0x500;
	s0 =	sadd.s32 $0xF8C00, s0;
	[dreg:$0x8] =	wrdreg s17  }
0x18: {  	[dreg:$0x9] =	wrdreg s0;
	s0 =	simm.s32 $0x280;
	s17 =	simm.s32 $0x680  }
.LBB2_1:
0x19: {  	s5 =	rddreg [dreg:$0x6]  }
0x1a: {  	[spmem:s13], [sflag:s11] =	dma.local [hbm:s5], $0x3100  }
0x1b: {  	_ =	swait.ge [sflag:s14], $0x3100  }
0x1c: {  	[sflag:s14] =	ssyncset.done $0x0  }
0x1d: {  	[sflag:s14] =	ssyncadd.s32 $0xFFFFCF00  }
0x1e: {  	s11 =	sadd.s32 $0x0, s12;
	[bflag:$0x0] =	sbarrier.arrive $0xFFFF  }
0x1f: {  	[tilespmem:s3], [sflag:$0x3] =	stream.linear.gather [hbm4b:s11+s3], $0x380, $0x38;
	[tilespmem:$0x1FF00] =	vst v63  }
0x20: {  	_ =	swait.ge [sflag:s14], $0x380  }
0x21: {  	s13 =	rddreg [dreg:$0x3];
	[sflag:s14] =	ssyncset.done $0x0  }
0x22: {  	s19 =	simm.s32 $0x380;
	[sflag:s14] =	ssyncadd.s32 $0xFFFFFC80;
	s5 =	sadd.s32 $0x0, s13  }
0x23: {  	[tilespmem:s19], [sflag:$0x3] =	stream.linear.gather [hbm4b:s5+s3], $0x380, $0x38;
	[tilespmem:$0x1FF00] =	vst v63  }
0x24: {  	_ =	swait.ge [sflag:s14], $0x380  }
0x25: {  	[sflag:s14] =	ssyncset.done $0x0  }
0x26: {  	s21 =	simm.s32 $0x700;
	[sflag:s14] =	ssyncadd.s32 $0xFFFFFC80  }
0x27: {  	[tilespmem:s21], [sflag:$0x1] =	stream.indirect.gather [hbm4b:s6+s16], $0x20, s3, s16, $0xb8;
	[tilespmem:$0x1FF00] =	vst v63  }
0x28: {  	_ = 	snop  }
0x29: {  	[tilespmem:s18], [sflag:$0x1] =	stream.indirect.gather [hbm4b:s6+s16], $0x20, s16, s16, $0xb8;
	[tilespmem:$0x1FF00] =	vst v63  }
0x2a: {  	_ = 	snop  }
0x2b: {  	[tilespmem:s20], [sflag:$0x1] =	stream.indirect.gather [hbm4b:s6+s16], $0x20, s25, s16, $0xb8;
	[tilespmem:$0x1FF00] =	vst v63  }
0x2c: {  	_ = 	snop  }
0x2d: {  	[tilespmem:s22], [sflag:$0x1] =	stream.indirect.gather [hbm4b:s6+s16], $0x20, s28, s16, $0xb8;
	[tilespmem:$0x1FF00] =	vst v63  }
0x2e: {  	_ = 	snop  }
0x2f: {  	[tilespmem:s24], [sflag:$0x1] =	stream.indirect.gather [hbm4b:s6+s16], $0x20, s31, s16, $0xb8;
	[tilespmem:$0x1FF00] =	vst v63  }
0x30: {  	_ = 	snop  }
0x31: {  	[tilespmem:s26], [sflag:$0x1] =	stream.indirect.gather [hbm4b:s6+s16], $0x20, s0, s16, $0xb8;
	[tilespmem:$0x1FF00] =	vst v63  }
0x32: {  	_ = 	snop  }
0x33: {  	[tilespmem:s29], [sflag:$0x1] =	stream.indirect.gather [hbm4b:s6+s16], $0x20, s1, s16, $0xb8;
	[tilespmem:$0x1FF00] =	vst v63  }
0x34: {  	_ =	swait.ge [sflag:s30], $0x1000  }
0x35: {  	[sflag:s30] =	ssyncset.done $0x0  }
0x36: {  	[sflag:s30] =	ssyncadd.s32 $0xFFFFF000  }
0x37: {  	[spmem:s2] =	stream.indirect.scatter.add.f32 [tilespmem:s21], [sflag:$0x2], $0x20, s19, s16, $0xb8;
	[tilespmem:$0x1FF00] =	vst v63  }
0x38: {  	_ =	swait.ge [sflag:s30], $0x1000  }
0x39: {  	[sflag:s30] =	ssyncset.done $0x0  }
0x3a: {  	[sflag:s30] =	ssyncadd.s32 $0xFFFFF000  }
0x3b: {  	[spmem:s2] =	stream.indirect.scatter.add.f32 [tilespmem:s18], [sflag:$0x2], $0x20, s7, s16, $0xb8;
	[tilespmem:$0x1FF00] =	vst v63  }
0x3c: {  	_ =	swait.ge [sflag:s30], $0x1000  }
0x3d: {  	[sflag:s30] =	ssyncset.done $0x0  }
0x3e: {  	[sflag:s30] =	ssyncadd.s32 $0xFFFFF000  }
0x3f: {  	[spmem:s2] =	stream.indirect.scatter.add.f32 [tilespmem:s20], [sflag:$0x2], $0x20, s9, s16, $0xb8;
	[tilespmem:$0x1FF00] =	vst v63  }
0x40: {  	_ =	swait.ge [sflag:s30], $0x1000  }
0x41: {  	[sflag:s30] =	ssyncset.done $0x0  }
0x42: {  	[sflag:s30] =	ssyncadd.s32 $0xFFFFF000  }
0x43: {  	[spmem:s2] =	stream.indirect.scatter.add.f32 [tilespmem:s22], [sflag:$0x2], $0x20, s10, s16, $0xb8;
	[tilespmem:$0x1FF00] =	vst v63  }
0x44: {  	_ =	swait.ge [sflag:s30], $0x1000  }
0x45: {  	[sflag:s30] =	ssyncset.done $0x0  }
0x46: {  	[sflag:s30] =	ssyncadd.s32 $0xFFFFF000  }
0x47: {  	[spmem:s2] =	stream.indirect.scatter.add.f32 [tilespmem:s24], [sflag:$0x2], $0x20, s23, s16, $0xb8;
	[tilespmem:$0x1FF00] =	vst v63  }
0x48: {  	_ =	swait.ge [sflag:s30], $0x1000  }
0x49: {  	[sflag:s30] =	ssyncset.done $0x0  }
0x4a: {  	[sflag:s30] =	ssyncadd.s32 $0xFFFFF000  }
0x4b: {  	[spmem:s2] =	stream.indirect.scatter.add.f32 [tilespmem:s26], [sflag:$0x2], $0x20, s15, s16, $0xb8;
	[tilespmem:$0x1FF00] =	vst v63  }
0x4c: {  	_ =	swait.ge [sflag:s30], $0x1000  }
0x4d: {  	[sflag:s30] =	ssyncset.done $0x0  }
0x4e: {  	[sflag:s30] =	ssyncadd.s32 $0xFFFFF000  }
0x4f: {  	[spmem:s2] =	stream.indirect.scatter.add.f32 [tilespmem:s29], [sflag:$0x2], $0x20, s17, s16, $0xb8;
	[tilespmem:$0x1FF00] =	vst v63  }
0x50: {  	_ =	swait.ge [sflag:s4], $0x1000  }
0x51: {  	[sflag:s4] =	ssyncset.done $0x0  }
0x52: {  	[sflag:s4] =	ssyncadd.s32 $0xFFFFF000  }
0x53: {  	_ =	swait.ge [sflag:s4], $0x1000  }
0x54: {  	[sflag:s4] =	ssyncset.done $0x0  }
0x55: {  	[sflag:s4] =	ssyncadd.s32 $0xFFFFF000  }
0x56: {  	_ =	swait.ge [sflag:s4], $0x1000  }
0x57: {  	[sflag:s4] =	ssyncset.done $0x0  }
0x58: {  	[sflag:s4] =	ssyncadd.s32 $0xFFFFF000  }
0x59: {  	_ =	swait.ge [sflag:s4], $0x1000  }
0x5a: {  	[sflag:s4] =	ssyncset.done $0x0  }
0x5b: {  	[sflag:s4] =	ssyncadd.s32 $0xFFFFF000  }
0x5c: {  	_ =	swait.ge [sflag:s4], $0x1000  }
0x5d: {  	[sflag:s4] =	ssyncset.done $0x0  }
0x5e: {  	[sflag:s4] =	ssyncadd.s32 $0xFFFFF000  }
0x5f: {  	_ =	swait.ge [sflag:s4], $0x1000  }
0x60: {  	[sflag:s4] =	ssyncset.done $0x0  }
0x61: {  	[sflag:s4] =	ssyncadd.s32 $0xFFFFF000  }
0x62: {  	_ =	swait.ge [sflag:s4], $0x1000  }
0x63: {  	s13 =	simm.s32 $0x70;
	s5 =	simm.s32 $0xE0;
	[sflag:s4] =	ssyncset.done $0x0  }
.LBB2_2:
0x64: {  	s21 =	smov.u32 s12;
	s12 =	sadd.s32 s13, s12;
	[sflag:s4] =	ssyncadd.s32 $0xFFFFF000  }
0x65: {  	[tilespmem:s3], [sflag:$0x3] =	stream.linear.gather [hbm4b:s12+s3], $0x380, $0x38;
	[tilespmem:$0x1FF00] =	vst v63  }
0x66: {  	_ =	swait.ge [sflag:s14], $0x380  }
0x67: {  	s19 =	smov.u32 s5;
	s11 =	sadd.s32 $0x70, s5;
	[sflag:s14] =	ssyncset.done $0x0  }
0x68: {  	p0 =	sne.s32 s5, $0x1810;
	s5 =	rddreg [dreg:$0x3];
	[sflag:s14] =	ssyncadd.s32 $0xFFFFFC80  }
0x69: {  	s5 =	sadd.s32 s13, s5;
	s13 =	smov.u32 s19;
	s19 =	simm.s32 $0x380  }
0x6a: {  	[tilespmem:s19], [sflag:$0x3] =	stream.linear.gather [hbm4b:s5+s3], $0x380, $0x38;
	[tilespmem:$0x1FF00] =	vst v63  }
0x6b: {  	_ =	swait.ge [sflag:s14], $0x380  }
0x6c: {  	[sflag:s14] =	ssyncset.done $0x0  }
0x6d: {  	s5 =	simm.s32 $0x700;
	[sflag:s14] =	ssyncadd.s32 $0xFFFFFC80  }
0x6e: {  	[tilespmem:s5], [sflag:$0x1] =	stream.indirect.gather [hbm4b:s6+s16], $0x20, s3, s16, $0xb8;
	[tilespmem:$0x1FF00] =	vst v63  }
0x6f: {  	_ = 	snop  }
0x70: {  	[tilespmem:s18], [sflag:$0x1] =	stream.indirect.gather [hbm4b:s6+s16], $0x20, s16, s16, $0xb8;
	[tilespmem:$0x1FF00] =	vst v63  }
0x71: {  	_ = 	snop  }
0x72: {  	[tilespmem:s20], [sflag:$0x1] =	stream.indirect.gather [hbm4b:s6+s16], $0x20, s25, s16, $0xb8;
	[tilespmem:$0x1FF00] =	vst v63  }
0x73: {  	_ = 	snop  }
0x74: {  	[tilespmem:s22], [sflag:$0x1] =	stream.indirect.gather [hbm4b:s6+s16], $0x20, s28, s16, $0xb8;
	[tilespmem:$0x1FF00] =	vst v63  }
0x75: {  	_ = 	snop  }
0x76: {  	[tilespmem:s24], [sflag:$0x1] =	stream.indirect.gather [hbm4b:s6+s16], $0x20, s31, s16, $0xb8;
	[tilespmem:$0x1FF00] =	vst v63  }
0x77: {  	_ = 	snop  }
0x78: {  	[tilespmem:s26], [sflag:$0x1] =	stream.indirect.gather [hbm4b:s6+s16], $0x20, s0, s16, $0xb8;
	[tilespmem:$0x1FF00] =	vst v63  }
0x79: {  	_ = 	snop  }
0x7a: {  	[tilespmem:s29], [sflag:$0x1] =	stream.indirect.gather [hbm4b:s6+s16], $0x20, s1, s16, $0xb8;
	[tilespmem:$0x1FF00] =	vst v63  }
0x7b: {  	_ =	swait.ge [sflag:s30], $0x1000  }
0x7c: {  	[sflag:s30] =	ssyncset.done $0x0  }
0x7d: {  	[sflag:s30] =	ssyncadd.s32 $0xFFFFF000  }
0x7e: {  	[spmem:s2] =	stream.indirect.scatter.add.f32 [tilespmem:s5], [sflag:$0x2], $0x20, s19, s16, $0xb8;
	[tilespmem:$0x1FF00] =	vst v63  }
0x7f: {  	_ =	swait.ge [sflag:s30], $0x1000  }
0x80: {  	[sflag:s30] =	ssyncset.done $0x0  }
0x81: {  	[sflag:s30] =	ssyncadd.s32 $0xFFFFF000  }
0x82: {  	[spmem:s2] =	stream.indirect.scatter.add.f32 [tilespmem:s18], [sflag:$0x2], $0x20, s7, s16, $0xb8;
	[tilespmem:$0x1FF00] =	vst v63  }
0x83: {  	_ =	swait.ge [sflag:s30], $0x1000  }
0x84: {  	[sflag:s30] =	ssyncset.done $0x0  }
0x85: {  	[sflag:s30] =	ssyncadd.s32 $0xFFFFF000  }
0x86: {  	[spmem:s2] =	stream.indirect.scatter.add.f32 [tilespmem:s20], [sflag:$0x2], $0x20, s9, s16, $0xb8;
	[tilespmem:$0x1FF00] =	vst v63  }
0x87: {  	_ =	swait.ge [sflag:s30], $0x1000  }
0x88: {  	[sflag:s30] =	ssyncset.done $0x0  }
0x89: {  	[sflag:s30] =	ssyncadd.s32 $0xFFFFF000  }
0x8a: {  	[spmem:s2] =	stream.indirect.scatter.add.f32 [tilespmem:s22], [sflag:$0x2], $0x20, s10, s16, $0xb8;
	[tilespmem:$0x1FF00] =	vst v63  }
0x8b: {  	_ =	swait.ge [sflag:s30], $0x1000  }
0x8c: {  	[sflag:s30] =	ssyncset.done $0x0  }
0x8d: {  	[sflag:s30] =	ssyncadd.s32 $0xFFFFF000  }
0x8e: {  	[spmem:s2] =	stream.indirect.scatter.add.f32 [tilespmem:s24], [sflag:$0x2], $0x20, s23, s16, $0xb8;
	[tilespmem:$0x1FF00] =	vst v63  }
0x8f: {  	_ =	swait.ge [sflag:s30], $0x1000  }
0x90: {  	[sflag:s30] =	ssyncset.done $0x0  }
0x91: {  	[sflag:s30] =	ssyncadd.s32 $0xFFFFF000  }
0x92: {  	[spmem:s2] =	stream.indirect.scatter.add.f32 [tilespmem:s26], [sflag:$0x2], $0x20, s15, s16, $0xb8;
	[tilespmem:$0x1FF00] =	vst v63  }
0x93: {  	_ =	swait.ge [sflag:s30], $0x1000  }
0x94: {  	[sflag:s30] =	ssyncset.done $0x0  }
0x95: {  	[sflag:s30] =	ssyncadd.s32 $0xFFFFF000  }
0x96: {  	[spmem:s2] =	stream.indirect.scatter.add.f32 [tilespmem:s29], [sflag:$0x2], $0x20, s17, s16, $0xb8;
	[tilespmem:$0x1FF00] =	vst v63  }
0x97: {  	_ =	swait.ge [sflag:s4], $0x1000  }
0x98: {  	[sflag:s4] =	ssyncset.done $0x0  }
0x99: {  	[sflag:s4] =	ssyncadd.s32 $0xFFFFF000  }
0x9a: {  	_ =	swait.ge [sflag:s4], $0x1000  }
0x9b: {  	[sflag:s4] =	ssyncset.done $0x0  }
0x9c: {  	[sflag:s4] =	ssyncadd.s32 $0xFFFFF000  }
0x9d: {  	_ =	swait.ge [sflag:s4], $0x1000  }
0x9e: {  	[sflag:s4] =	ssyncset.done $0x0  }
0x9f: {  	[sflag:s4] =	ssyncadd.s32 $0xFFFFF000  }
0xa0: {  	_ =	swait.ge [sflag:s4], $0x1000  }
0xa1: {  	[sflag:s4] =	ssyncset.done $0x0  }
0xa2: {  	[sflag:s4] =	ssyncadd.s32 $0xFFFFF000  }
0xa3: {  	_ =	swait.ge [sflag:s4], $0x1000  }
0xa4: {  	[sflag:s4] =	ssyncset.done $0x0  }
0xa5: {  	[sflag:s4] =	ssyncadd.s32 $0xFFFFF000  }
.Ltmp0:
0xa6: {  	_ =	swait.ge [sflag:s4], $0x1000;
	(pc) =	sbr.rel @p0 .LBB2_2-.Ltmp0, $4  }
0xa7: {  	[sflag:s4] =	ssyncset.done $0x0  }
0xa8: {  	[sflag:s4] =	ssyncadd.s32 $0xFFFFF000  }
0xa9: {  	_ =	swait.ge [sflag:s4], $0x1000  }
0xaa: {  	s12 =	smov.u32 s21;
	s5 =	smov.u32 s11;
	[sflag:s4] =	ssyncset.done $0x0  }
0xab: {  	s5 =	sadd.s32 s13, s12;
	[sflag:s4] =	ssyncadd.s32 $0xFFFFF000  }
0xac: {  	[tilespmem:s3], [sflag:$0x3] =	stream.linear.gather [hbm4b:s5+s3], $0x380, $0x38;
	[tilespmem:$0x1FF00] =	vst v63  }
0xad: {  	_ =	swait.ge [sflag:s14], $0x380  }
0xae: {  	s11 =	rddreg [dreg:$0x3];
	[sflag:s14] =	ssyncset.done $0x0  }
0xaf: {  	s7 =	simm.s32 $0x380;
	[sflag:s14] =	ssyncadd.s32 $0xFFFFFC80;
	s5 =	sadd.s32 s13, s11  }
0xb0: {  	[tilespmem:s7], [sflag:$0x3] =	stream.linear.gather [hbm4b:s5+s3], $0x380, $0x38;
	[tilespmem:$0x1FF00] =	vst v63  }
0xb1: {  	_ =	swait.ge [sflag:s14], $0x380  }
0xb2: {  	[sflag:s14] =	ssyncset.done $0x0  }
0xb3: {  	s9 =	simm.s32 $0x700;
	[sflag:s14] =	ssyncadd.s32 $0xFFFFFC80  }
0xb4: {  	[tilespmem:s9], [sflag:$0x1] =	stream.indirect.gather [hbm4b:s6+s16], $0x20, s3, s16, $0xb8;
	[tilespmem:$0x1FF00] =	vst v63  }
0xb5: {  	_ = 	snop  }
0xb6: {  	[tilespmem:s18], [sflag:$0x1] =	stream.indirect.gather [hbm4b:s6+s16], $0x20, s16, s16, $0xb8;
	[tilespmem:$0x1FF00] =	vst v63  }
0xb7: {  	s13 =	simm.s32 $0x100  }
0xb8: {  	[tilespmem:s20], [sflag:$0x1] =	stream.indirect.gather [hbm4b:s6+s16], $0x20, s13, s16, $0xb8;
	[tilespmem:$0x1FF00] =	vst v63  }
0xb9: {  	s0 =	simm.s32 $0x180  }
0xba: {  	[tilespmem:s22], [sflag:$0x1] =	stream.indirect.gather [hbm4b:s6+s16], $0x20, s0, s16, $0xb8;
	[tilespmem:$0x1FF00] =	vst v63  }
0xbb: {  	s1 =	simm.s32 $0x200  }
0xbc: {  	[tilespmem:s24], [sflag:$0x1] =	stream.indirect.gather [hbm4b:s6+s16], $0x20, s1, s16, $0xb8;
	[tilespmem:$0x1FF00] =	vst v63  }
0xbd: {  	s10 =	simm.s32 $0x280  }
0xbe: {  	[tilespmem:s26], [sflag:$0x1] =	stream.indirect.gather [hbm4b:s6+s16], $0x20, s10, s16, $0xb8;
	[tilespmem:$0x1FF00] =	vst v63  }
0xbf: {  	s15 =	simm.s32 $0x300  }
0xc0: {  	[tilespmem:s29], [sflag:$0x1] =	stream.indirect.gather [hbm4b:s6+s16], $0x20, s15, s16, $0xb8;
	[tilespmem:$0x1FF00] =	vst v63  }
0xc1: {  	_ =	swait.ge [sflag:s30], $0x1000  }
0xc2: {  	[sflag:s30] =	ssyncset.done $0x0  }
0xc3: {  	[sflag:s30] =	ssyncadd.s32 $0xFFFFF000  }
0xc4: {  	[spmem:s2] =	stream.indirect.scatter.add.f32 [tilespmem:s9], [sflag:$0x2], $0x20, s7, s16, $0xb8;
	[tilespmem:$0x1FF00] =	vst v63  }
0xc5: {  	_ =	swait.ge [sflag:s30], $0x1000  }
0xc6: {  	[sflag:s30] =	ssyncset.done $0x0  }
0xc7: {  	s17 =	simm.s32 $0x400;
	[sflag:s30] =	ssyncadd.s32 $0xFFFFF000  }
0xc8: {  	[spmem:s2] =	stream.indirect.scatter.add.f32 [tilespmem:s18], [sflag:$0x2], $0x20, s17, s16, $0xb8;
	[tilespmem:$0x1FF00] =	vst v63  }
0xc9: {  	_ =	swait.ge [sflag:s30], $0x1000  }
0xca: {  	[sflag:s30] =	ssyncset.done $0x0  }
0xcb: {  	s23 =	simm.s32 $0x480;
	[sflag:s30] =	ssyncadd.s32 $0xFFFFF000  }
0xcc: {  	[spmem:s2] =	stream.indirect.scatter.add.f32 [tilespmem:s20], [sflag:$0x2], $0x20, s23, s16, $0xb8;
	[tilespmem:$0x1FF00] =	vst v63  }
0xcd: {  	_ =	swait.ge [sflag:s30], $0x1000  }
0xce: {  	[sflag:s30] =	ssyncset.done $0x0  }
0xcf: {  	s12 =	simm.s32 $0x500;
	[sflag:s30] =	ssyncadd.s32 $0xFFFFF000  }
0xd0: {  	[spmem:s2] =	stream.indirect.scatter.add.f32 [tilespmem:s22], [sflag:$0x2], $0x20, s12, s16, $0xb8;
	[tilespmem:$0x1FF00] =	vst v63  }
0xd1: {  	_ =	swait.ge [sflag:s30], $0x1000  }
0xd2: {  	[sflag:s30] =	ssyncset.done $0x0  }
0xd3: {  	s19 =	simm.s32 $0x580;
	[sflag:s30] =	ssyncadd.s32 $0xFFFFF000  }
0xd4: {  	[spmem:s2] =	stream.indirect.scatter.add.f32 [tilespmem:s24], [sflag:$0x2], $0x20, s19, s16, $0xb8;
	[tilespmem:$0x1FF00] =	vst v63  }
0xd5: {  	_ =	swait.ge [sflag:s30], $0x1000  }
0xd6: {  	[sflag:s30] =	ssyncset.done $0x0  }
0xd7: {  	s25 =	simm.s32 $0x600;
	[sflag:s30] =	ssyncadd.s32 $0xFFFFF000  }
0xd8: {  	[spmem:s2] =	stream.indirect.scatter.add.f32 [tilespmem:s26], [sflag:$0x2], $0x20, s25, s16, $0xb8;
	[tilespmem:$0x1FF00] =	vst v63  }
0xd9: {  	_ =	swait.ge [sflag:s30], $0x1000  }
0xda: {  	[sflag:s30] =	ssyncset.done $0x0  }
0xdb: {  	s11 =	simm.s32 $0x680;
	[sflag:s30] =	ssyncadd.s32 $0xFFFFF000  }
0xdc: {  	[spmem:s2] =	stream.indirect.scatter.add.f32 [tilespmem:s29], [sflag:$0x2], $0x20, s11, s16, $0xb8;
	[tilespmem:$0x1FF00] =	vst v63  }
0xdd: {  	_ =	swait.ge [sflag:s4], $0x1000  }
0xde: {  	[sflag:s4] =	ssyncset.done $0x0  }
0xdf: {  	[sflag:s4] =	ssyncadd.s32 $0xFFFFF000  }
0xe0: {  	_ =	swait.ge [sflag:s4], $0x1000  }
0xe1: {  	[sflag:s4] =	ssyncset.done $0x0  }
0xe2: {  	[sflag:s4] =	ssyncadd.s32 $0xFFFFF000  }
0xe3: {  	_ =	swait.ge [sflag:s4], $0x1000  }
0xe4: {  	[sflag:s4] =	ssyncset.done $0x0  }
0xe5: {  	[sflag:s4] =	ssyncadd.s32 $0xFFFFF000  }
0xe6: {  	_ =	swait.ge [sflag:s4], $0x1000  }
0xe7: {  	[sflag:s4] =	ssyncset.done $0x0  }
0xe8: {  	[sflag:s4] =	ssyncadd.s32 $0xFFFFF000  }
0xe9: {  	_ =	swait.ge [sflag:s4], $0x1000  }
0xea: {  	[sflag:s4] =	ssyncset.done $0x0  }
0xeb: {  	[sflag:s4] =	ssyncadd.s32 $0xFFFFF000  }
0xec: {  	_ =	swait.ge [sflag:s4], $0x1000  }
0xed: {  	[sflag:s4] =	ssyncset.done $0x0  }
0xee: {  	[sflag:s4] =	ssyncadd.s32 $0xFFFFF000  }
0xef: {  	_ =	swait.ge [sflag:s4], $0x1000  }
0xf0: {  	[sflag:s4] =	ssyncset.done $0x0  }
0xf1: {  	[sflag:s4] =	ssyncadd.s32 $0xFFFFF000  }
0xf2: {  	[bflag:$0x0] =	sbarrier.arrive $0xFFFF  }
0xf3: {  	s11 =	rddreg [dreg:$0x7]  }
0xf4: {  	s12 =	rddreg [dreg:$0x8]  }
0xf5: {  	s19 =	rddreg [dreg:$0xb]  }
0xf6: {  	[hbm:s12], [sflag:s11] =	dma.local [spmem:s19], $0x3100  }
0xf7: {  	_ =	swait.ge [sflag:s14], $0x3100  }
0xf8: {  	[sflag:s14] =	ssyncset.done $0x0  }
0xf9: {  	s25 =	rddreg [dreg:$0x6];
	[sflag:s14] =	ssyncadd.s32 $0xFFFFCF00  }
0xfa: {  	[spmem:s19], [sflag:s11] =	dma.local [hbm:s25], $0x3100  }
0xfb: {  	_ =	swait.ge [sflag:s14], $0x3100  }
0xfc: {  	[sflag:s14] =	ssyncset.done $0x0  }
0xfd: {  	[sflag:s14] =	ssyncadd.s32 $0xFFFFCF00  }
0xfe: {  	[bflag:$0x0] =	sbarrier.arrive $0xFFFF  }
0xff: {  	s19 =	rddreg [dreg:$0x5]  }
0x100: {  	s11 =	sadd.s32 $0x0, s19  }
0x101: {  	[tilespmem:s3], [sflag:$0x3] =	stream.linear.gather [hbm4b:s11+s3], $0x380, $0x38;
	[tilespmem:$0x1FF00] =	vst v63  }
0x102: {  	_ =	swait.ge [sflag:s14], $0x380  }
0x103: {  	s12 =	rddreg [dreg:$0x4];
	[sflag:s14] =	ssyncset.done $0x0  }
0x104: {  	[sflag:s14] =	ssyncadd.s32 $0xFFFFFC80;
	s5 =	sadd.s32 $0x0, s12  }
0x105: {  	[tilespmem:s7], [sflag:$0x3] =	stream.linear.gather [hbm4b:s5+s3], $0x380, $0x38;
	[tilespmem:$0x1FF00] =	vst v63  }
0x106: {  	_ =	swait.ge [sflag:s14], $0x380  }
0x107: {  	[sflag:s14] =	ssyncset.done $0x0  }
0x108: {  	[sflag:s14] =	ssyncadd.s32 $0xFFFFFC80  }
0x109: {  	[tilespmem:s9], [sflag:$0x1] =	stream.indirect.gather [hbm4b:s8+s16], $0x20, s3, s16, $0xb8;
	[tilespmem:$0x1FF00] =	vst v63  }
0x10a: {  	_ = 	snop  }
0x10b: {  	[tilespmem:s18], [sflag:$0x1] =	stream.indirect.gather [hbm4b:s8+s16], $0x20, s16, s16, $0xb8;
	[tilespmem:$0x1FF00] =	vst v63  }
0x10c: {  	_ = 	snop  }
0x10d: {  	[tilespmem:s20], [sflag:$0x1] =	stream.indirect.gather [hbm4b:s8+s16], $0x20, s13, s16, $0xb8;
	[tilespmem:$0x1FF00] =	vst v63  }
0x10e: {  	_ = 	snop  }
0x10f: {  	[tilespmem:s22], [sflag:$0x1] =	stream.indirect.gather [hbm4b:s8+s16], $0x20, s0, s16, $0xb8;
	[tilespmem:$0x1FF00] =	vst v63  }
0x110: {  	_ = 	snop  }
0x111: {  	[tilespmem:s24], [sflag:$0x1] =	stream.indirect.gather [hbm4b:s8+s16], $0x20, s1, s16, $0xb8;
	[tilespmem:$0x1FF00] =	vst v63  }
0x112: {  	_ = 	snop  }
0x113: {  	[tilespmem:s26], [sflag:$0x1] =	stream.indirect.gather [hbm4b:s8+s16], $0x20, s10, s16, $0xb8;
	[tilespmem:$0x1FF00] =	vst v63  }
0x114: {  	_ = 	snop  }
0x115: {  	[tilespmem:s29], [sflag:$0x1] =	stream.indirect.gather [hbm4b:s8+s16], $0x20, s15, s16, $0xb8;
	[tilespmem:$0x1FF00] =	vst v63  }
0x116: {  	_ =	swait.ge [sflag:s30], $0x1000  }
0x117: {  	[sflag:s30] =	ssyncset.done $0x0  }
0x118: {  	[sflag:s30] =	ssyncadd.s32 $0xFFFFF000  }
0x119: {  	[spmem:s2] =	stream.indirect.scatter.add.f32 [tilespmem:s9], [sflag:$0x2], $0x20, s7, s16, $0xb8;
	[tilespmem:$0x1FF00] =	vst v63  }
0x11a: {  	_ =	swait.ge [sflag:s30], $0x1000  }
0x11b: {  	[sflag:s30] =	ssyncset.done $0x0  }
0x11c: {  	[sflag:s30] =	ssyncadd.s32 $0xFFFFF000  }
0x11d: {  	[spmem:s2] =	stream.indirect.scatter.add.f32 [tilespmem:s18], [sflag:$0x2], $0x20, s17, s16, $0xb8;
	[tilespmem:$0x1FF00] =	vst v63  }
0x11e: {  	_ =	swait.ge [sflag:s30], $0x1000  }
0x11f: {  	[sflag:s30] =	ssyncset.done $0x0  }
0x120: {  	[sflag:s30] =	ssyncadd.s32 $0xFFFFF000  }
0x121: {  	[spmem:s2] =	stream.indirect.scatter.add.f32 [tilespmem:s20], [sflag:$0x2], $0x20, s23, s16, $0xb8;
	[tilespmem:$0x1FF00] =	vst v63  }
0x122: {  	_ =	swait.ge [sflag:s30], $0x1000  }
0x123: {  	[sflag:s30] =	ssyncset.done $0x0  }
0x124: {  	s23 =	simm.s32 $0x500;
	[sflag:s30] =	ssyncadd.s32 $0xFFFFF000  }
0x125: {  	[spmem:s2] =	stream.indirect.scatter.add.f32 [tilespmem:s22], [sflag:$0x2], $0x20, s23, s16, $0xb8;
	[tilespmem:$0x1FF00] =	vst v63  }
0x126: {  	_ =	swait.ge [sflag:s30], $0x1000  }
0x127: {  	[sflag:s30] =	ssyncset.done $0x0  }
0x128: {  	s11 =	simm.s32 $0x580;
	[sflag:s30] =	ssyncadd.s32 $0xFFFFF000  }
0x129: {  	[spmem:s2] =	stream.indirect.scatter.add.f32 [tilespmem:s24], [sflag:$0x2], $0x20, s11, s16, $0xb8;
	[tilespmem:$0x1FF00] =	vst v63  }
0x12a: {  	_ =	swait.ge [sflag:s30], $0x1000  }
0x12b: {  	[sflag:s30] =	ssyncset.done $0x0  }
0x12c: {  	s12 =	simm.s32 $0x600;
	[sflag:s30] =	ssyncadd.s32 $0xFFFFF000  }
0x12d: {  	[spmem:s2] =	stream.indirect.scatter.add.f32 [tilespmem:s26], [sflag:$0x2], $0x20, s12, s16, $0xb8;
	[tilespmem:$0x1FF00] =	vst v63  }
0x12e: {  	_ =	swait.ge [sflag:s30], $0x1000  }
0x12f: {  	[sflag:s30] =	ssyncset.done $0x0  }
0x130: {  	s13 =	simm.s32 $0x680;
	[sflag:s30] =	ssyncadd.s32 $0xFFFFF000  }
0x131: {  	[spmem:s2] =	stream.indirect.scatter.add.f32 [tilespmem:s29], [sflag:$0x2], $0x20, s13, s16, $0xb8;
	[tilespmem:$0x1FF00] =	vst v63  }
0x132: {  	_ =	swait.ge [sflag:s4], $0x1000  }
0x133: {  	[sflag:s4] =	ssyncset.done $0x0  }
0x134: {  	[sflag:s4] =	ssyncadd.s32 $0xFFFFF000  }
0x135: {  	_ =	swait.ge [sflag:s4], $0x1000  }
0x136: {  	[sflag:s4] =	ssyncset.done $0x0  }
0x137: {  	[sflag:s4] =	ssyncadd.s32 $0xFFFFF000  }
0x138: {  	_ =	swait.ge [sflag:s4], $0x1000  }
0x139: {  	[sflag:s4] =	ssyncset.done $0x0  }
0x13a: {  	[sflag:s4] =	ssyncadd.s32 $0xFFFFF000  }
0x13b: {  	_ =	swait.ge [sflag:s4], $0x1000  }
0x13c: {  	[sflag:s4] =	ssyncset.done $0x0  }
0x13d: {  	[sflag:s4] =	ssyncadd.s32 $0xFFFFF000  }
0x13e: {  	_ =	swait.ge [sflag:s4], $0x1000  }
0x13f: {  	s28 =	simm.s32 $0x180;
	[sflag:s4] =	ssyncset.done $0x0  }
0x140: {  	s31 =	simm.s32 $0x200;
	s25 =	simm.s32 $0x100;
	[sflag:s4] =	ssyncadd.s32 $0xFFFFF000  }
0x141: {  	s0 =	simm.s32 $0x280;
	s1 =	simm.s32 $0x300;
	_ =	swait.ge [sflag:s4], $0x1000  }
0x142: {  	s10 =	simm.s32 $0x500;
	s15 =	simm.s32 $0x600;
	[sflag:s4] =	ssyncset.done $0x0  }
0x143: {  	s7 =	simm.s32 $0x400;
	s9 =	simm.s32 $0x480;
	[sflag:s4] =	ssyncadd.s32 $0xFFFFF000  }
0x144: {  	s17 =	simm.s32 $0x680;
	s23 =	simm.s32 $0x580;
	_ =	swait.ge [sflag:s4], $0x1000  }
0x145: {  	s11 =	simm.s32 $0xE0;
	s13 =	simm.s32 $0x70;
	[sflag:s4] =	ssyncset.done $0x0  }
.LBB2_4:
0x146: {  	s12 =	sadd.s32 s13, s19;
	[sflag:s4] =	ssyncadd.s32 $0xFFFFF000  }
0x147: {  	[tilespmem:s3], [sflag:$0x3] =	stream.linear.gather [hbm4b:s12+s3], $0x380, $0x38;
	[tilespmem:$0x1FF00] =	vst v63  }
0x148: {  	s19 =	smov.u32 s11;
	s5 =	sadd.s32 $0x70, s11;
	_ =	swait.ge [sflag:s14], $0x380  }
0x149: {  	p0 =	sne.s32 s11, $0x1810;
	s12 =	rddreg [dreg:$0x4];
	[sflag:s14] =	ssyncset.done $0x0  }
0x14a: {  	[sflag:s14] =	ssyncadd.s32 $0xFFFFFC80;
	s11 =	sadd.s32 s13, s12;
	s12 =	simm.s32 $0x380  }
0x14b: {  	[tilespmem:s12], [sflag:$0x3] =	stream.linear.gather [hbm4b:s11+s3], $0x380, $0x38;
	[tilespmem:$0x1FF00] =	vst v63  }
0x14c: {  	s13 =	smov.u32 s19;
	s19 =	rddreg [dreg:$0x5];
	_ =	swait.ge [sflag:s14], $0x380  }
0x14d: {  	[sflag:s14] =	ssyncset.done $0x0  }
0x14e: {  	s11 =	simm.s32 $0x700;
	[sflag:s14] =	ssyncadd.s32 $0xFFFFFC80  }
0x14f: {  	[tilespmem:s11], [sflag:$0x1] =	stream.indirect.gather [hbm4b:s8+s16], $0x20, s3, s16, $0xb8;
	[tilespmem:$0x1FF00] =	vst v63  }
0x150: {  	_ = 	snop  }
0x151: {  	[tilespmem:s18], [sflag:$0x1] =	stream.indirect.gather [hbm4b:s8+s16], $0x20, s16, s16, $0xb8;
	[tilespmem:$0x1FF00] =	vst v63  }
0x152: {  	_ = 	snop  }
0x153: {  	[tilespmem:s20], [sflag:$0x1] =	stream.indirect.gather [hbm4b:s8+s16], $0x20, s25, s16, $0xb8;
	[tilespmem:$0x1FF00] =	vst v63  }
0x154: {  	_ = 	snop  }
0x155: {  	[tilespmem:s22], [sflag:$0x1] =	stream.indirect.gather [hbm4b:s8+s16], $0x20, s28, s16, $0xb8;
	[tilespmem:$0x1FF00] =	vst v63  }
0x156: {  	_ = 	snop  }
0x157: {  	[tilespmem:s24], [sflag:$0x1] =	stream.indirect.gather [hbm4b:s8+s16], $0x20, s31, s16, $0xb8;
	[tilespmem:$0x1FF00] =	vst v63  }
0x158: {  	_ = 	snop  }
0x159: {  	[tilespmem:s26], [sflag:$0x1] =	stream.indirect.gather [hbm4b:s8+s16], $0x20, s0, s16, $0xb8;
	[tilespmem:$0x1FF00] =	vst v63  }
0x15a: {  	_ = 	snop  }
0x15b: {  	[tilespmem:s29], [sflag:$0x1] =	stream.indirect.gather [hbm4b:s8+s16], $0x20, s1, s16, $0xb8;
	[tilespmem:$0x1FF00] =	vst v63  }
0x15c: {  	_ =	swait.ge [sflag:s30], $0x1000  }
0x15d: {  	[sflag:s30] =	ssyncset.done $0x0  }
0x15e: {  	[sflag:s30] =	ssyncadd.s32 $0xFFFFF000  }
0x15f: {  	[spmem:s2] =	stream.indirect.scatter.add.f32 [tilespmem:s11], [sflag:$0x2], $0x20, s12, s16, $0xb8;
	[tilespmem:$0x1FF00] =	vst v63  }
0x160: {  	_ =	swait.ge [sflag:s30], $0x1000  }
0x161: {  	[sflag:s30] =	ssyncset.done $0x0  }
0x162: {  	[sflag:s30] =	ssyncadd.s32 $0xFFFFF000  }
0x163: {  	[spmem:s2] =	stream.indirect.scatter.add.f32 [tilespmem:s18], [sflag:$0x2], $0x20, s7, s16, $0xb8;
	[tilespmem:$0x1FF00] =	vst v63  }
0x164: {  	_ =	swait.ge [sflag:s30], $0x1000  }
0x165: {  	[sflag:s30] =	ssyncset.done $0x0  }
0x166: {  	[sflag:s30] =	ssyncadd.s32 $0xFFFFF000  }
0x167: {  	[spmem:s2] =	stream.indirect.scatter.add.f32 [tilespmem:s20], [sflag:$0x2], $0x20, s9, s16, $0xb8;
	[tilespmem:$0x1FF00] =	vst v63  }
0x168: {  	_ =	swait.ge [sflag:s30], $0x1000  }
0x169: {  	[sflag:s30] =	ssyncset.done $0x0  }
0x16a: {  	[sflag:s30] =	ssyncadd.s32 $0xFFFFF000  }
0x16b: {  	[spmem:s2] =	stream.indirect.scatter.add.f32 [tilespmem:s22], [sflag:$0x2], $0x20, s10, s16, $0xb8;
	[tilespmem:$0x1FF00] =	vst v63  }
0x16c: {  	_ =	swait.ge [sflag:s30], $0x1000  }
0x16d: {  	[sflag:s30] =	ssyncset.done $0x0  }
0x16e: {  	[sflag:s30] =	ssyncadd.s32 $0xFFFFF000  }
0x16f: {  	[spmem:s2] =	stream.indirect.scatter.add.f32 [tilespmem:s24], [sflag:$0x2], $0x20, s23, s16, $0xb8;
	[tilespmem:$0x1FF00] =	vst v63  }
0x170: {  	_ =	swait.ge [sflag:s30], $0x1000  }
0x171: {  	[sflag:s30] =	ssyncset.done $0x0  }
0x172: {  	[sflag:s30] =	ssyncadd.s32 $0xFFFFF000  }
0x173: {  	[spmem:s2] =	stream.indirect.scatter.add.f32 [tilespmem:s26], [sflag:$0x2], $0x20, s15, s16, $0xb8;
	[tilespmem:$0x1FF00] =	vst v63  }
0x174: {  	_ =	swait.ge [sflag:s30], $0x1000  }
0x175: {  	[sflag:s30] =	ssyncset.done $0x0  }
0x176: {  	[sflag:s30] =	ssyncadd.s32 $0xFFFFF000  }
0x177: {  	[spmem:s2] =	stream.indirect.scatter.add.f32 [tilespmem:s29], [sflag:$0x2], $0x20, s17, s16, $0xb8;
	[tilespmem:$0x1FF00] =	vst v63  }
0x178: {  	_ =	swait.ge [sflag:s4], $0x1000  }
0x179: {  	[sflag:s4] =	ssyncset.done $0x0  }
0x17a: {  	[sflag:s4] =	ssyncadd.s32 $0xFFFFF000  }
0x17b: {  	_ =	swait.ge [sflag:s4], $0x1000  }
0x17c: {  	[sflag:s4] =	ssyncset.done $0x0  }
0x17d: {  	[sflag:s4] =	ssyncadd.s32 $0xFFFFF000  }
0x17e: {  	_ =	swait.ge [sflag:s4], $0x1000  }
0x17f: {  	[sflag:s4] =	ssyncset.done $0x0  }
0x180: {  	[sflag:s4] =	ssyncadd.s32 $0xFFFFF000  }
0x181: {  	_ =	swait.ge [sflag:s4], $0x1000  }
0x182: {  	[sflag:s4] =	ssyncset.done $0x0  }
0x183: {  	[sflag:s4] =	ssyncadd.s32 $0xFFFFF000  }
0x184: {  	_ =	swait.ge [sflag:s4], $0x1000  }
0x185: {  	[sflag:s4] =	ssyncset.done $0x0  }
0x186: {  	[sflag:s4] =	ssyncadd.s32 $0xFFFFF000  }
.Ltmp1:
0x187: {  	_ =	swait.ge [sflag:s4], $0x1000;
	(pc) =	sbr.rel @p0 .LBB2_4-.Ltmp1, $4  }
0x188: {  	[sflag:s4] =	ssyncset.done $0x0  }
0x189: {  	[sflag:s4] =	ssyncadd.s32 $0xFFFFF000  }
0x18a: {  	_ =	swait.ge [sflag:s4], $0x1000  }
0x18b: {  	s11 =	smov.u32 s5;
	[sflag:s4] =	ssyncset.done $0x0  }
0x18c: {  	s5 =	sadd.s32 s13, s19;
	[sflag:s4] =	ssyncadd.s32 $0xFFFFF000  }
0x18d: {  	[tilespmem:s3], [sflag:$0x3] =	stream.linear.gather [hbm4b:s5+s3], $0x380, $0x38;
	[tilespmem:$0x1FF00] =	vst v63  }
0x18e: {  	_ =	swait.ge [sflag:s14], $0x380  }
0x18f: {  	s12 =	rddreg [dreg:$0x4];
	[sflag:s14] =	ssyncset.done $0x0  }
0x190: {  	s11 =	simm.s32 $0x380;
	s5 =	sadd.s32 s13, s12;
	[sflag:s14] =	ssyncadd.s32 $0xFFFFFC80  }
0x191: {  	[tilespmem:s11], [sflag:$0x3] =	stream.linear.gather [hbm4b:s5+s3], $0x380, $0x38;
	[tilespmem:$0x1FF00] =	vst v63  }
0x192: {  	_ =	swait.ge [sflag:s14], $0x380  }
0x193: {  	[sflag:s14] =	ssyncset.done $0x0  }
0x194: {  	s19 =	simm.s32 $0x700;
	[sflag:s14] =	ssyncadd.s32 $0xFFFFFC80  }
0x195: {  	[tilespmem:s19], [sflag:$0x1] =	stream.indirect.gather [hbm4b:s8+s16], $0x20, s3, s16, $0xb8;
	[tilespmem:$0x1FF00] =	vst v63  }
0x196: {  	_ = 	snop  }
0x197: {  	[tilespmem:s18], [sflag:$0x1] =	stream.indirect.gather [hbm4b:s8+s16], $0x20, s16, s16, $0xb8;
	[tilespmem:$0x1FF00] =	vst v63  }
0x198: {  	_ = 	snop  }
0x199: {  	[tilespmem:s20], [sflag:$0x1] =	stream.indirect.gather [hbm4b:s8+s16], $0x20, s25, s16, $0xb8;
	[tilespmem:$0x1FF00] =	vst v63  }
0x19a: {  	_ = 	snop  }
0x19b: {  	[tilespmem:s22], [sflag:$0x1] =	stream.indirect.gather [hbm4b:s8+s16], $0x20, s28, s16, $0xb8;
	[tilespmem:$0x1FF00] =	vst v63  }
0x19c: {  	_ = 	snop  }
0x19d: {  	[tilespmem:s24], [sflag:$0x1] =	stream.indirect.gather [hbm4b:s8+s16], $0x20, s31, s16, $0xb8;
	[tilespmem:$0x1FF00] =	vst v63  }
0x19e: {  	_ = 	snop  }
0x19f: {  	[tilespmem:s26], [sflag:$0x1] =	stream.indirect.gather [hbm4b:s8+s16], $0x20, s0, s16, $0xb8;
	[tilespmem:$0x1FF00] =	vst v63  }
0x1a0: {  	_ = 	snop  }
0x1a1: {  	[tilespmem:s29], [sflag:$0x1] =	stream.indirect.gather [hbm4b:s8+s16], $0x20, s1, s16, $0xb8;
	[tilespmem:$0x1FF00] =	vst v63  }
0x1a2: {  	_ =	swait.ge [sflag:s30], $0x1000  }
0x1a3: {  	[sflag:s30] =	ssyncset.done $0x0  }
0x1a4: {  	[sflag:s30] =	ssyncadd.s32 $0xFFFFF000  }
0x1a5: {  	[spmem:s2] =	stream.indirect.scatter.add.f32 [tilespmem:s19], [sflag:$0x2], $0x20, s11, s16, $0xb8;
	[tilespmem:$0x1FF00] =	vst v63  }
0x1a6: {  	_ =	swait.ge [sflag:s30], $0x1000  }
0x1a7: {  	[sflag:s30] =	ssyncset.done $0x0  }
0x1a8: {  	[sflag:s30] =	ssyncadd.s32 $0xFFFFF000  }
0x1a9: {  	[spmem:s2] =	stream.indirect.scatter.add.f32 [tilespmem:s18], [sflag:$0x2], $0x20, s7, s16, $0xb8;
	[tilespmem:$0x1FF00] =	vst v63  }
0x1aa: {  	_ =	swait.ge [sflag:s30], $0x1000  }
0x1ab: {  	[sflag:s30] =	ssyncset.done $0x0  }
0x1ac: {  	[sflag:s30] =	ssyncadd.s32 $0xFFFFF000  }
0x1ad: {  	[spmem:s2] =	stream.indirect.scatter.add.f32 [tilespmem:s20], [sflag:$0x2], $0x20, s9, s16, $0xb8;
	[tilespmem:$0x1FF00] =	vst v63  }
0x1ae: {  	_ =	swait.ge [sflag:s30], $0x1000  }
0x1af: {  	[sflag:s30] =	ssyncset.done $0x0  }
0x1b0: {  	[sflag:s30] =	ssyncadd.s32 $0xFFFFF000  }
0x1b1: {  	[spmem:s2] =	stream.indirect.scatter.add.f32 [tilespmem:s22], [sflag:$0x2], $0x20, s10, s16, $0xb8;
	[tilespmem:$0x1FF00] =	vst v63  }
0x1b2: {  	_ =	swait.ge [sflag:s30], $0x1000  }
0x1b3: {  	[sflag:s30] =	ssyncset.done $0x0  }
0x1b4: {  	[sflag:s30] =	ssyncadd.s32 $0xFFFFF000  }
0x1b5: {  	[spmem:s2] =	stream.indirect.scatter.add.f32 [tilespmem:s24], [sflag:$0x2], $0x20, s23, s16, $0xb8;
	[tilespmem:$0x1FF00] =	vst v63  }
0x1b6: {  	_ =	swait.ge [sflag:s30], $0x1000  }
0x1b7: {  	[sflag:s30] =	ssyncset.done $0x0  }
0x1b8: {  	[sflag:s30] =	ssyncadd.s32 $0xFFFFF000  }
0x1b9: {  	[spmem:s2] =	stream.indirect.scatter.add.f32 [tilespmem:s26], [sflag:$0x2], $0x20, s15, s16, $0xb8;
	[tilespmem:$0x1FF00] =	vst v63  }
0x1ba: {  	_ =	swait.ge [sflag:s30], $0x1000  }
0x1bb: {  	[sflag:s30] =	ssyncset.done $0x0  }
0x1bc: {  	[sflag:s30] =	ssyncadd.s32 $0xFFFFF000  }
0x1bd: {  	[spmem:s2] =	stream.indirect.scatter.add.f32 [tilespmem:s29], [sflag:$0x2], $0x20, s17, s16, $0xb8;
	[tilespmem:$0x1FF00] =	vst v63  }
0x1be: {  	_ =	swait.ge [sflag:s4], $0x1000  }
0x1bf: {  	[sflag:s4] =	ssyncset.done $0x0  }
0x1c0: {  	[sflag:s4] =	ssyncadd.s32 $0xFFFFF000  }
0x1c1: {  	_ =	swait.ge [sflag:s4], $0x1000  }
0x1c2: {  	[sflag:s4] =	ssyncset.done $0x0  }
0x1c3: {  	[sflag:s4] =	ssyncadd.s32 $0xFFFFF000  }
0x1c4: {  	_ =	swait.ge [sflag:s4], $0x1000  }
0x1c5: {  	[sflag:s4] =	ssyncset.done $0x0  }
0x1c6: {  	[sflag:s4] =	ssyncadd.s32 $0xFFFFF000  }
0x1c7: {  	_ =	swait.ge [sflag:s4], $0x1000  }
0x1c8: {  	[sflag:s4] =	ssyncset.done $0x0  }
0x1c9: {  	[sflag:s4] =	ssyncadd.s32 $0xFFFFF000  }
0x1ca: {  	_ =	swait.ge [sflag:s4], $0x1000  }
0x1cb: {  	[sflag:s4] =	ssyncset.done $0x0  }
0x1cc: {  	[sflag:s4] =	ssyncadd.s32 $0xFFFFF000  }
0x1cd: {  	_ =	swait.ge [sflag:s4], $0x1000  }
0x1ce: {  	[sflag:s4] =	ssyncset.done $0x0  }
0x1cf: {  	[sflag:s4] =	ssyncadd.s32 $0xFFFFF000  }
0x1d0: {  	_ =	swait.ge [sflag:s4], $0x1000  }
0x1d1: {  	[sflag:s4] =	ssyncset.done $0x0  }
0x1d2: {  	[sflag:s4] =	ssyncadd.s32 $0xFFFFF000  }
0x1d3: {  	[bflag:$0x0] =	sbarrier.arrive $0xFFFF  }
0x1d4: {  	s11 =	rddreg [dreg:$0x7]  }
0x1d5: {  	s12 =	rddreg [dreg:$0x9]  }
0x1d6: {  	s13 =	rddreg [dreg:$0xb]  }
0x1d7: {  	[hbm:s12], [sflag:s11] =	dma.local [spmem:s13], $0x3100  }
0x1d8: {  	_ =	swait.ge [sflag:s14], $0x3100  }
0x1d9: {  	s12 =	rddreg [dreg:$0xc]  }
0x1da: {  	s19 =	rddreg [dreg:$0xa];
	s12 =	sadd.s32 $0x1, s12  }
0x1db: {  	p0 =	sne.s32 s12, s19  }
.Ltmp2:
0x1dc: {  	_ = 	snop;
	(pc) =	sbr.rel @p0 .LBB2_1-.Ltmp2, $3  }
0x1dd: {  	_ =	sdelay $0x1  }
0x1de: {  	[sflag:s14] =	ssyncset.done $0x0  }
0x1df: {  	[sflag:s14] =	ssyncadd.s32 $0xFFFFCF00;
	[dreg:$0xc] =	wrdreg s12;
	s12 =	smov.u32 s21  }
0x1e0: {  	_ =	sfence.sel $0x180000  }
0x1e1: {  	[bflag:$0x0] =	sbarrier.arrive $0xFFFF  }
0x1e2: {  	_ =	strace $0x9000004D  }
0x1e3: {  	s0 =	stileid.u32;
	[bflag:$0x2] =	sbarrier.arrive $0xFFFF  }
0x1e4: {  	p0 =	sne.s32 s0, $0x0;
	s0 =	rddreg [dreg:$0x2]  }
0x1e5: {  	s0 =	sadd.s32 @!p0 $0x100000, s0  }
0x1e6: {  	[sflag:s0] =	ssyncadd.tile.s32 @!p0 $0x1;
	_ =	shalt  }
.Lfunc_end2:
_tile_overlayer_lowered:
.L_overlay_start_2:
0x1e7: {  	(tag) =	ssettag $0x2  }
0x1e8: {  	s0 =	rddreg [dreg:$0x0];
	s2 =	stileid.u32  }
0x1e9: {  	s1 =	rddreg [dreg:$0x1];
	p0 =	sne.s32 s2, $0x0  }
0x1ea: {  	s3 =	rddreg [dreg:$0x2];
	[bflag:$0x3] =	sbarrier.arrive $0xFFFF;
	s2 =	simm.s32 @!p0 $0x1C03  }
0x1eb: {  	[timem:s3], [sflag:s2] =	dma.local @!p0 [hbm:s0], s1  }
0x1ec: {  	s0 =	simm.s32 @!p0 $0x3  }
0x1ed: {  	_ =	swait.ge @!p0 [sflag:s0], s1  }
0x1ee: {  	s1 =	ssub.s32 @!p0 $0x0, s1;
	[sflag:s0] =	ssyncset.done @!p0 $0x0  }
0x1ef: {  	[sflag:s0] =	ssyncadd.s32 @!p0 s1  }
0x1f0: {  	[bflag:$0x3] =	sbarrier.arrive $0xFFFF  }
0x1f1: {  	_ =	shalt  }

// kernel: kernel.9.cloned.1.call-start
scs
__scs_entry_jumppad:
0x0: {  	(pc) =	sbr.rel $0x88, $3  }
0x1: {  	(tag) =	ssettag $0x0;
	lr =	simm.s32 $0x1  }
0x2: {  	[smem:$0x3F89] =	sst lr;
	_ =	strace $0xD0000000  }
0x3: {  	_ = 	snop  }
0x4: {  	_ = 	snop  }
0x5: {  	_ = 	snop  }
0x6: {  	_ = 	snop  }
0x7: {  	_ = 	snop  }
__scs_overlays_trampoline_lowered:
0x8: {  	[smem:$0x3F98] =	sst s0  }
0x9: {  	[smem:$0x3F99] =	sst s1  }
0xa: {  	[smem:$0x3F9A] =	sst s2  }
0xb: {  	[smem:$0x3F9B] =	sst s3  }
0xc: {  	[smem:$0x3F9C] =	sst s4  }
0xd: {  	[smem:$0x3F9D] =	sst s5  }
0xe: {  	[smem:$0x3F9E] =	sst s6  }
0xf: {  	[smem:$0x3F9F] =	sst s7  }
0x10: {  	[smem:$0x3FA0] =	sst s8  }
0x11: {  	[smem:$0x3FA1] =	sst s9;
	s0 =	simm.s32 @!p0 $0x0  }
0x12: {  	s1 =	sld [smem:$0x3F87];
	s0 =	simm.s32 @p0 $0x1  }
0x13: {  	[smem:$0x3FA2] =	sst s0;
	s0 =	simm.s32 @!p1 $0x0  }
0x14: {  	s2 =	sld [smem:$0x3F86];
	s0 =	simm.s32 @p1 $0x1  }
0x15: {  	[smem:$0x3FA3] =	sst s0;
	s0 =	simm.s32 @!p2 $0x0  }
0x16: {  	s3 =	sld [smem:$0x3FDB];
	s0 =	simm.s32 @p2 $0x1  }
0x17: {  	s4 =	simm.s32 $0x1BF5;
	[smem:$0x3FA5] =	sst s0  }
0x18: {  	s0 =	sld [smem:$0x3F88];
	_ =	swait.ge [sflag:s4], $0x0  }
0x19: {  	s7 =	sld [smem:$0x3F89]  }
0x1a: {  	s8 =	sadd.s32 $0xFFFFE003, lr  }
0x1b: {  	s9 =	sadd.s32 $0xFFFFFEF7, lr;
	s5 =	simm.s32 $0xFFFFFFFF;
	p2 =	slt.u32 s8, $0xFFFFF086  }
0x1c: {  	p1 =	slt.u32 s9, $0xF7A;
	s5 =	simm.s32 @!p2 $0x0  }
0x1d: {  	s5 =	simm.s32 @p1 $0x1;
	p0 =	seq.s32 s7, s2  }
0x1e: {  	s7 =	smul.u32 @!p0 $0xF7A, s2;
	p2 =	seq.s32 @!p0 s5, $0x0  }
0x1f: {  	s9 =	smul.u32 $0xF7A, s1;
	s8 =	simm.s32 @!p0 $0x1BF5;
	p2 =	por !p2, p0  }
0x20: {  	[sflag:s8] =	ssyncset.s32 @!p0 $0xFFFFF086;
	s6 =	sadd.s32 @!p0 s3, s7;
	s7 =	simm.s32 @!p0 $0x108  }
0x21: {  	s3 =	sadd.s32 s3, s9;
	s6 =	sadd.s32 @!p0 $0x88, s6;
	s7 =	simm.s32 @p2 $0x1082  }
0x22: {  	[simem:s7], [sflag:s8] =	dma.local @!p0 [hbm:s6], $0xF7A  }
0x23: {  	s9 =	sor.u32 $0xD0000000, s2;
	s6 =	simm.s32 $0x108;
	_ =	swait.ge @!p0 [sflag:s8], $0x0  }
0x24: {  	s3 =	sadd.s32 $0x88, s3;
	s6 =	simm.s32 @!p1 $0x1082;
	[sflag:s4] =	ssyncset.s32 $0xFFFFF086  }
0x25: {  	[simem:s6], [sflag:s4] =	dma.local [hbm:s3], $0xF7A  }
0x26: {  	[smem:$0x3F89] =	sst s1;
	(tag) =	ssettag s2;
	_ =	strace s9  }
0x27: {  	s1 =	sld [smem:$0x3F99]  }
0x28: {  	s2 =	sld [smem:$0x3F9A]  }
0x29: {  	s4 =	sld [smem:$0x3F9C]  }
0x2a: {  	p0 =	seq.s32 s5, $0x0;
	s5 =	sld [smem:$0x3F9D]  }
0x2b: {  	s6 =	sld [smem:$0x3F9E]  }
0x2c: {  	s7 =	sld [smem:$0x3F9F]  }
0x2d: {  	s3 =	simm.s32 $0x108;
	s8 =	sld [smem:$0x3FA0]  }
0x2e: {  	s3 =	simm.s32 @!p0 $0x1082;
	s9 =	sld [smem:$0x3FA1]  }
0x2f: {  	lr =	sadd.s32 s0, s3;
	s0 =	sld [smem:$0x3F98]  }
0x30: {  	s3 =	sld [smem:$0x3F9B]  }
0x31: {  	[smem:$0x3FA4] =	sst s10  }
0x32: {  	s10 =	sld [smem:$0x3FA2];
	_ =	sdelay $0x3  }
0x33: {  	p0 =	seq.s32 s10, $0x1;
	s10 =	sld [smem:$0x3FA4];
	_ =	sdelay $0x3  }
0x34: {  	[smem:$0x3FA4] =	sst s10  }
0x35: {  	s10 =	sld [smem:$0x3FA3];
	_ =	sdelay $0x3  }
0x36: {  	p1 =	seq.s32 s10, $0x1;
	s10 =	sld [smem:$0x3FA4];
	_ =	sdelay $0x3  }
0x37: {  	[smem:$0x3FA4] =	sst s10  }
0x38: {  	s10 =	sld [smem:$0x3FA5]  }
0x39: {  	_ = 	snop;
	(pc) =	sbr.ind lr, $3  }
0x3a: {  	_ = 	snop  }
0x3b: {  	_ = 	snop  }
0x3c: {  	p2 =	seq.s32 s10, $0x1;
	s10 =	sld [smem:$0x3FA4]  }
0x3d: {  	_ =	shalt  }
0x3e: {  	_ =	shalt  }
0x3f: {  	_ =	shalt  }
0x40: {  	_ =	shalt  }
0x41: {  	_ =	shalt  }
0x42: {  	_ =	shalt  }
0x43: {  	_ =	shalt  }
0x44: {  	_ =	shalt  }
0x45: {  	_ =	shalt  }
0x46: {  	_ =	shalt  }
0x47: {  	_ =	shalt  }
0x48: {  	_ =	shalt  }
0x49: {  	_ =	shalt  }
0x4a: {  	_ =	shalt  }
0x4b: {  	_ =	shalt  }
0x4c: {  	_ =	shalt  }
0x4d: {  	_ =	shalt  }
0x4e: {  	_ =	shalt  }
0x4f: {  	_ =	shalt  }
0x50: {  	_ =	shalt  }
0x51: {  	_ =	shalt  }
0x52: {  	_ =	shalt  }
0x53: {  	_ =	shalt  }
0x54: {  	_ =	shalt  }
0x55: {  	_ =	shalt  }
0x56: {  	_ =	shalt  }
0x57: {  	_ =	shalt  }
0x58: {  	_ =	shalt  }
0x59: {  	_ =	shalt  }
0x5a: {  	_ =	shalt  }
0x5b: {  	_ =	shalt  }
0x5c: {  	_ =	shalt  }
0x5d: {  	_ =	shalt  }
0x5e: {  	_ =	shalt  }
0x5f: {  	_ =	shalt  }
0x60: {  	_ =	shalt  }
0x61: {  	_ =	shalt  }
0x62: {  	_ =	shalt  }
0x63: {  	_ =	shalt  }
0x64: {  	_ =	shalt  }
0x65: {  	_ =	shalt  }
0x66: {  	_ =	shalt  }
0x67: {  	_ =	shalt  }
0x68: {  	_ =	shalt  }
0x69: {  	_ =	shalt  }
0x6a: {  	_ =	shalt  }
0x6b: {  	_ =	shalt  }
0x6c: {  	_ =	shalt  }
0x6d: {  	_ =	shalt  }
0x6e: {  	_ =	shalt  }
0x6f: {  	_ =	shalt  }
0x70: {  	_ =	shalt  }
0x71: {  	_ =	shalt  }
0x72: {  	_ =	shalt  }
0x73: {  	_ =	shalt  }
0x74: {  	_ =	shalt  }
0x75: {  	_ =	shalt  }
0x76: {  	_ =	shalt  }
0x77: {  	_ =	shalt  }
0x78: {  	_ =	shalt  }
0x79: {  	_ =	shalt  }
0x7a: {  	_ =	shalt  }
0x7b: {  	_ =	shalt  }
0x7c: {  	_ =	shalt  }
0x7d: {  	_ =	shalt  }
0x7e: {  	_ =	shalt  }
0x7f: {  	_ =	shalt  }
0x80: {  	_ =	shalt  }
0x81: {  	_ =	shalt  }
0x82: {  	_ =	shalt  }
0x83: {  	_ =	shalt  }
0x84: {  	_ =	shalt  }
0x85: {  	_ =	shalt  }
0x86: {  	_ =	shalt  }
0x87: {  	_ =	shalt  }
.Lfunc_end0:
.L_simem_size_0:
called_computation_lowered:
.L_overlay_start_0:
0x88: {  	s2 =	sld [smem:$0x3FD9]  }
0x89: {  	s3 =	sld [smem:$0x3FFE];
	_ =	sdelay $0x1  }
0x8a: {  	s1 =	srdreg.scid  }
0x8b: {  	s0 =	sand.u32 $0x1, s1  }
0x8c: {  	s17 =	sshll.u32 s0, $0xA;
	s2 =	sadd.s32 s3, s2  }
0x8d: {  	s2 =	sadd.s32 s2, s17  }
0x8e: {  	[smem:$0x3FB0] =	sst s2  }
0x8f: {  	_ = 	snop  }
0x90: {  	s18 =	sld [smem:$0x3FD0];
	(tm) =	ssettm $0x1  }
0x91: {  	s19 =	sld [smem:$0x3FFB];
	_ =	sdelay $0x3  }
0x92: {  	_ =	strace s19  }
0x93: {  	s2 =	sld [smem:$0x3FFC];
	_ =	sdelay $0x3  }
0x94: {  	_ =	strace s2  }
0x95: {  	s2 =	sld [smem:$0x3FFD];
	_ =	sdelay $0x3  }
0x96: {  	_ =	strace s2  }
0x97: {  	_ =	strace $0x8FFFFFFF  }
0x98: {  	s20 =	sld [smem:$0x3FDB];
	_ =	sdelay $0x1  }
0x99: {  	s4 =	simm.s32 $_scs_section_size  }
0x9a: {  	s5 =	simm.s32 $_size__tile_overlayer_lowered;
	s6 =	simm.s32 $_tile_overlayer_lowered  }
0x9b: {  	s7 =	simm.s32 $0x1BFF;
	s21 =	sshll.u32 s6, $0x1;
	s4 =	sadd.s32 s4, s20  }
0x9c: {  	s22 =	simm.s32 $0x0;
	s5 =	sshll.u32 s5, $0x1;
	s6 =	sadd.s32 s21, s4  }
0x9d: {  	[timem:s22], [sflag:s7] =	dma.local [hbm:s6], s5  }
0x9e: {  	_ =	swait.ge [sflag:s7], s5  }
0x9f: {  	s5 =	ssub.s32 $0x0, s5;
	[sflag:s7] =	ssyncset.done $0x0  }
0xa0: {  	[sflag:s7] =	ssyncadd.s32 s5;
	_ =	sdelay $0x1  }
0xa1: {  	s23 =	simm.s32 $0x1B8B  }
0xa2: {  	_ =	swait.ge [sflag:s23], $0x1  }
0xa3: {  	[sflag:s23] =	ssyncset.done $0x0  }
0xa4: {  	[sflag:s23] =	ssyncadd.s32 $0xFFFFFFFF  }
0xa5: {  	s5 =	sld [smem:$0x0]  }
0xa6: {  	s6 =	sand.u32 $0xFFFFFFFE, s1  }
0xa7: {  	p0 =	sne.s32 s1, s6  }
0xa8: {  	s6 =	sshll.u32 @p0 s6, $0xE  }
0xa9: {  	s6 =	sadd.s32 @p0 $0x11B8D, s6;
	s7 =	sshll.u32 @p0 s5, $0x11  }
0xaa: {  	s6 =	sor.u32 @p0 s7, s6  }
0xab: {  	[sflag:s6] =	ssyncadd.remote.s32 @p0 $0x1;
	_ =	sdelay $0x1  }
0xac: {  	s6 =	simm.s32 @p0 $0x1B8D  }
0xad: {  	_ =	swait.eq @p0 [sflag:s6], $0x1  }
0xae: {  	[sflag:s6] =	ssyncadd.s32 @p0 $0xFFFFFFFF  }
0xaf: {  	s7 =	sshll.u32 @!p0 s1, $0xE  }
0xb0: {  	s7 =	sor.u32 @!p0 $0x4000, s7;
	s6 =	simm.s32 @!p0 $0x1B8D  }
0xb1: {  	s5 =	sshll.u32 @!p0 s5, $0x11;
	s7 =	sadd.s32 @!p0 $0x11B8D, s7;
	_ =	swait.eq @!p0 [sflag:s6], $0x1  }
0xb2: {  	s5 =	sor.u32 @!p0 s5, s7;
	[sflag:s6] =	ssyncadd.s32 @!p0 $0xFFFFFFFF  }
0xb3: {  	s25 =	simm.s32 $0x1B8E;
	s24 =	sld [smem:$0x3FFE];
	[sflag:s5] =	ssyncadd.remote.s32 @!p0 $0x1  }
0xb4: {  	s26 =	simm.s32 $execute0_lowered;
	[smem:$0x3FD2] =	sst s25  }
0xb5: {  	s6 =	sshll.u32 s26, $0x1;
	_ =	strace $0x80000049;
	[dreg:$0x1] =	wrdreg $0xFFFFFFFF  }
0xb6: {  	s28 =	simm.s32 $_size_execute0_lowered;
	s4 =	sadd.s32 s4, s6;
	[dreg:$0x0] =	wrdreg $0x0  }
0xb7: {  	s6 =	sshll.u32 s28, $0x1;
	[dreg:$0x2] =	wrdreg s4  }
0xb8: {  	[dreg:$0x3] =	wrdreg s6  }
0xb9: {  	[dreg:$0x4] =	wrdreg $0xC0  }
0xba: {  	_ =	task [dreg:s22], $0x5FFFF  }
0xbb: {  	[dreg:$0x1] =	wrdreg $0xFFFFFFFF  }
0xbc: {  	[dreg:$0x0] =	wrdreg $0x60  }
0xbd: {  	[dreg:$0x2] =	wrdreg s24  }
0xbe: {  	[dreg:$0x3] =	wrdreg s18  }
0xbf: {  	[dreg:$0x4] =	wrdreg $0x7800  }
0xc0: {  	[dreg:$0x5] =	wrdreg $0x9  }
0xc1: {  	_ =	task.clear_ibuf [dreg:s22], $0x6FFFF;
	_ =	strace $0x90000049  }
0xc2: {  	s29 =	simm.s32 $0x9;
	_ =	strace $0x8000004B  }
0xc3: {  	_ =	swait.ge [sflag:s29], $0x1  }
0xc4: {  	[sflag:s29] =	ssyncadd.s32 $0xFFFFFFFF  }
0xc5: {  	_ =	strace $0x9000004B  }
0xc6: {  	_ =	sfence  }
0xc7: {  	s30 =	sld [smem:$0x0];
	_ =	sdelay $0x2  }
0xc8: {  	s31 =	sshll.u32 s1, $0xD;
	s1 =	sshrl.u32 s1, $0x2  }
0xc9: {  	s4 =	sand.u32 $0x4000, s31;
	s1 =	sadd.s32 s1, s30  }
0xca: {  	s0 =	sor.u32 s4, s0;
	s1 =	sshll.u32 s1, $0x11  }
0xcb: {  	s0 =	sor.u32 s1, s0  }
0xcc: {  	s0 =	sadd.s32 $0x8F2B, s0  }
0xcd: {  	[sflag:s0] =	ssyncadd.remote.s32 $0x1  }
0xce: {  	_ =	sfence.sel $0xFFFF  }
0xcf: {  	[dreg:$0x0] =	wrdreg $0xFFFFFFFF;
	(pc) =	sbr.abs _section_cstart, $3  }
0xd0: {  	[dreg:$0x1] =	wrdreg $0xFFFFFFFF  }
0xd1: {  	_ =	task.clear_ibuf [dreg:s22], $0x2FFFF;
	_ =	strace $0x9FFFFFFF  }
0xd2: {  	(tm) =	ssettm $0x7FFFFFFF  }
0xd3: {  	_ =	shalt  }
tec
execute0_lowered:
.L_overlay_start_1:
0x0: {  	(tag) =	ssettag $0x1  }
0x1: {  	s7 =	rddreg [dreg:$0x0]  }
0x2: {  	s2 =	rddreg [dreg:$0x1]  }
0x3: {  	s3 =	rddreg [dreg:$0x2]  }
0x4: {  	s0 =	rddreg [dreg:$0x3]  }
0x5: {  	s1 =	stileid.u32;
	s4 =	simm.s32 $0x0;
	s6 =	srdreg.scid  }
0x6: {  	s13 =	simm.s32 $0x3400;
	s14 =	simm.s32 $0x100;
	s15 =	simm.s32 $0x180  }
0x7: {  	s16 =	simm.s32 $0x200;
	s17 =	simm.s32 $0x280;
	s18 =	simm.s32 $0x300  }
0x8: {  	s19 =	simm.s32 $0x1;
	s20 =	simm.s32 $0x0;
	s5 =	smul.u32 $0x6200, s1  }
0x9: {  	[smem:$0x7FF] =	sst s4;
	s6 =	sand.u32 $0x1, s6;
	s9 =	smul.u32 $0xC40, s1  }
0xa: {  	s29 =	smul.u32 $0x1880, s1;
	s31 =	sshll.u32 s1, $0x6;
	s10 =	ssub.s32 $0x2, s6  }
0xb: {  	_ =	strace $0x8000004A;
	s26 =	smul.u32 $0xC400, s6;
	p0 =	seq.s32 s6, $0x1  }
0xc: {  	s8 =	sshrl.u32 s5, $0x3;
	s11 =	sshrl.u32 s10, $0x1;
	s9 =	sadd.s32 s9, s7  }
0xd: {  	s12 =	sadd.s32 s5, s3;
	s13 =	simm.s32 @!p0 $0x1BE00;
	s8 =	sadd.s32 s8, s7  }
0xe: {  	s10 =	ssub.s32 s10, s11;
	s28 =	sadd.s32 s26, s9;
	s30 =	sadd.s32 s13, s7  }
0xf: {  	s9 =	simm.s32 $0x380;
	s11 =	sor.u32 $0x1C02, s31;
	s12 =	sshrl.u32 s12, $0x3  }
0x10: {  	s13 =	simm.s32 $0x80;
	s5 =	sadd.s32 $0x1BCC00, s8;
	s6 =	sadd.s32 $0x1C9000, s28  }
0x11: {  	s7 =	smax.u32 s10, $0x1;
	s8 =	sadd.s32 s29, s30;
	s10 =	simm.s32 $0x2  }
.LBB2_1:
0x12: {  	[tilespmem:s9], [sflag:$0x2] =	stream.linear.gather [hbm4b:s2+s4], $0x400, $0x38;
	[tilespmem:$0x6980] =	vst v63  }
0x13: {  	_ =	swait.ge [sflag:s10], $0x400  }
0x14: {  	[sflag:s10] =	ssyncset.done $0x0  }
0x15: {  	[sflag:s10] =	ssyncadd.s32 $0xFFFFFC00  }
0x16: {  	[spmem:s12], [sflag:s11] =	dma.local [hbm:s5], $0xC40  }
0x17: {  	_ =	swait.ge [sflag:s10], $0xC40  }
0x18: {  	[sflag:s10] =	ssyncset.done $0x0  }
0x19: {  	[sflag:s10] =	ssyncadd.s32 $0xFFFFF3C0  }
0x1a: {  	s21 =	sadd.s32 $0x0, s8;
	[bflag:$0x0] =	sbarrier.arrive $0xFFFF  }
0x1b: {  	[tilespmem:s4], [sflag:$0x2] =	stream.linear.gather [hbm4b:s21+s4], $0x380, $0x38;
	[tilespmem:$0x6980] =	vst v63  }
0x1c: {  	_ =	swait.ge [sflag:s10], $0x380  }
0x1d: {  	[sflag:s10] =	ssyncset.done $0x0  }
0x1e: {  	[sflag:s10] =	ssyncadd.s32 $0xFFFFFC80  }
0x1f: {  	[spmem:s3] =	stream.indirect.scatter.add.f32 [tilespmem:s9], [sflag:$0x1], $0x8, s4, s13, $0xb8;
	[tilespmem:$0x6980] =	vst v63  }
0x20: {  	_ = 	snop  }
0x21: {  	[spmem:s3] =	stream.indirect.scatter.add.f32 [tilespmem:s9], [sflag:$0x1], $0x8, s13, s13, $0xb8;
	[tilespmem:$0x6980] =	vst v63  }
0x22: {  	_ = 	snop  }
0x23: {  	[spmem:s3] =	stream.indirect.scatter.add.f32 [tilespmem:s9], [sflag:$0x1], $0x8, s14, s13, $0xb8;
	[tilespmem:$0x6980] =	vst v63  }
0x24: {  	_ = 	snop  }
0x25: {  	[spmem:s3] =	stream.indirect.scatter.add.f32 [tilespmem:s9], [sflag:$0x1], $0x8, s15, s13, $0xb8;
	[tilespmem:$0x6980] =	vst v63  }
0x26: {  	_ = 	snop  }
0x27: {  	[spmem:s3] =	stream.indirect.scatter.add.f32 [tilespmem:s9], [sflag:$0x1], $0x8, s16, s13, $0xb8;
	[tilespmem:$0x6980] =	vst v63  }
0x28: {  	_ = 	snop  }
0x29: {  	[spmem:s3] =	stream.indirect.scatter.add.f32 [tilespmem:s9], [sflag:$0x1], $0x8, s17, s13, $0xb8;
	[tilespmem:$0x6980] =	vst v63  }
0x2a: {  	_ = 	snop  }
0x2b: {  	[spmem:s3] =	stream.indirect.scatter.add.f32 [tilespmem:s9], [sflag:$0x1], $0x8, s18, s13, $0xb8;
	[tilespmem:$0x6980] =	vst v63  }
0x2c: {  	_ =	swait.ge [sflag:s19], $0x400  }
0x2d: {  	[sflag:s19] =	ssyncset.done $0x0  }
0x2e: {  	[sflag:s19] =	ssyncadd.s32 $0xFFFFFC00  }
0x2f: {  	_ =	swait.ge [sflag:s19], $0x400  }
0x30: {  	[sflag:s19] =	ssyncset.done $0x0  }
0x31: {  	[sflag:s19] =	ssyncadd.s32 $0xFFFFFC00  }
0x32: {  	_ =	swait.ge [sflag:s19], $0x400  }
0x33: {  	[sflag:s19] =	ssyncset.done $0x0  }
0x34: {  	[sflag:s19] =	ssyncadd.s32 $0xFFFFFC00  }
0x35: {  	_ =	swait.ge [sflag:s19], $0x400  }
0x36: {  	[sflag:s19] =	ssyncset.done $0x0  }
0x37: {  	[sflag:s19] =	ssyncadd.s32 $0xFFFFFC00  }
0x38: {  	_ =	swait.ge [sflag:s19], $0x400  }
0x39: {  	[sflag:s19] =	ssyncset.done $0x0  }
0x3a: {  	[sflag:s19] =	ssyncadd.s32 $0xFFFFFC00  }
0x3b: {  	_ =	swait.ge [sflag:s19], $0x400  }
0x3c: {  	[sflag:s19] =	ssyncset.done $0x0  }
0x3d: {  	[sflag:s19] =	ssyncadd.s32 $0xFFFFFC00  }
0x3e: {  	_ =	swait.ge [sflag:s19], $0x400  }
0x3f: {  	s23 =	simm.s32 $0xE0;
	s21 =	simm.s32 $0x70;
	[sflag:s19] =	ssyncset.done $0x0  }
.LBB2_2:
0x40: {  	s24 =	sadd.s32 s21, s8  }
0x41: {  	[sflag:s19] =	ssyncadd.s32 $0xFFFFFC00;
	s21 =	smov.u32 s23;
	s22 =	sadd.s32 $0x70, s23  }
0x42: {  	[tilespmem:s4], [sflag:$0x2] =	stream.linear.gather [hbm4b:s24+s4], $0x380, $0x38;
	[tilespmem:$0x6980] =	vst v63  }
0x43: {  	p0 =	sne.s32 s23, $0x1810;
	_ =	swait.ge [sflag:s10], $0x380  }
0x44: {  	[sflag:s10] =	ssyncset.done $0x0  }
0x45: {  	[sflag:s10] =	ssyncadd.s32 $0xFFFFFC80  }
0x46: {  	[spmem:s3] =	stream.indirect.scatter.add.f32 [tilespmem:s9], [sflag:$0x1], $0x8, s4, s13, $0xb8;
	[tilespmem:$0x6980] =	vst v63  }
0x47: {  	_ = 	snop  }
0x48: {  	[spmem:s3] =	stream.indirect.scatter.add.f32 [tilespmem:s9], [sflag:$0x1], $0x8, s13, s13, $0xb8;
	[tilespmem:$0x6980] =	vst v63  }
0x49: {  	_ = 	snop  }
0x4a: {  	[spmem:s3] =	stream.indirect.scatter.add.f32 [tilespmem:s9], [sflag:$0x1], $0x8, s14, s13, $0xb8;
	[tilespmem:$0x6980] =	vst v63  }
0x4b: {  	_ = 	snop  }
0x4c: {  	[spmem:s3] =	stream.indirect.scatter.add.f32 [tilespmem:s9], [sflag:$0x1], $0x8, s15, s13, $0xb8;
	[tilespmem:$0x6980] =	vst v63  }
0x4d: {  	_ = 	snop  }
0x4e: {  	[spmem:s3] =	stream.indirect.scatter.add.f32 [tilespmem:s9], [sflag:$0x1], $0x8, s16, s13, $0xb8;
	[tilespmem:$0x6980] =	vst v63  }
0x4f: {  	_ = 	snop  }
0x50: {  	[spmem:s3] =	stream.indirect.scatter.add.f32 [tilespmem:s9], [sflag:$0x1], $0x8, s17, s13, $0xb8;
	[tilespmem:$0x6980] =	vst v63  }
0x51: {  	_ = 	snop  }
0x52: {  	[spmem:s3] =	stream.indirect.scatter.add.f32 [tilespmem:s9], [sflag:$0x1], $0x8, s18, s13, $0xb8;
	[tilespmem:$0x6980] =	vst v63  }
0x53: {  	_ =	swait.ge [sflag:s19], $0x400  }
0x54: {  	[sflag:s19] =	ssyncset.done $0x0  }
0x55: {  	[sflag:s19] =	ssyncadd.s32 $0xFFFFFC00  }
0x56: {  	_ =	swait.ge [sflag:s19], $0x400  }
0x57: {  	[sflag:s19] =	ssyncset.done $0x0  }
0x58: {  	[sflag:s19] =	ssyncadd.s32 $0xFFFFFC00  }
0x59: {  	_ =	swait.ge [sflag:s19], $0x400  }
0x5a: {  	[sflag:s19] =	ssyncset.done $0x0  }
0x5b: {  	[sflag:s19] =	ssyncadd.s32 $0xFFFFFC00  }
0x5c: {  	_ =	swait.ge [sflag:s19], $0x400  }
0x5d: {  	[sflag:s19] =	ssyncset.done $0x0  }
0x5e: {  	[sflag:s19] =	ssyncadd.s32 $0xFFFFFC00  }
0x5f: {  	_ =	swait.ge [sflag:s19], $0x400  }
0x60: {  	[sflag:s19] =	ssyncset.done $0x0  }
0x61: {  	[sflag:s19] =	ssyncadd.s32 $0xFFFFFC00  }
.Ltmp0:
0x62: {  	_ =	swait.ge [sflag:s19], $0x400;
	(pc) =	sbr.rel @p0 .LBB2_2-.Ltmp0, $4  }
0x63: {  	[sflag:s19] =	ssyncset.done $0x0  }
0x64: {  	[sflag:s19] =	ssyncadd.s32 $0xFFFFFC00  }
0x65: {  	_ =	swait.ge [sflag:s19], $0x400  }
0x66: {  	s23 =	smov.u32 s22;
	[sflag:s19] =	ssyncset.done $0x0  }
0x67: {  	s21 =	sadd.s32 s21, s8;
	[sflag:s19] =	ssyncadd.s32 $0xFFFFFC00  }
0x68: {  	[tilespmem:s4], [sflag:$0x2] =	stream.linear.gather [hbm4b:s21+s4], $0x380, $0x38;
	[tilespmem:$0x6980] =	vst v63  }
0x69: {  	_ =	swait.ge [sflag:s10], $0x380  }
0x6a: {  	[sflag:s10] =	ssyncset.done $0x0  }
0x6b: {  	[sflag:s10] =	ssyncadd.s32 $0xFFFFFC80  }
0x6c: {  	[spmem:s3] =	stream.indirect.scatter.add.f32 [tilespmem:s9], [sflag:$0x1], $0x8, s4, s13, $0xb8;
	[tilespmem:$0x6980] =	vst v63  }
0x6d: {  	_ = 	snop  }
0x6e: {  	[spmem:s3] =	stream.indirect.scatter.add.f32 [tilespmem:s9], [sflag:$0x1], $0x8, s13, s13, $0xb8;
	[tilespmem:$0x6980] =	vst v63  }
0x6f: {  	_ = 	snop  }
0x70: {  	[spmem:s3] =	stream.indirect.scatter.add.f32 [tilespmem:s9], [sflag:$0x1], $0x8, s14, s13, $0xb8;
	[tilespmem:$0x6980] =	vst v63  }
0x71: {  	_ = 	snop  }
0x72: {  	[spmem:s3] =	stream.indirect.scatter.add.f32 [tilespmem:s9], [sflag:$0x1], $0x8, s15, s13, $0xb8;
	[tilespmem:$0x6980] =	vst v63  }
0x73: {  	_ = 	snop  }
0x74: {  	[spmem:s3] =	stream.indirect.scatter.add.f32 [tilespmem:s9], [sflag:$0x1], $0x8, s16, s13, $0xb8;
	[tilespmem:$0x6980] =	vst v63  }
0x75: {  	_ = 	snop  }
0x76: {  	[spmem:s3] =	stream.indirect.scatter.add.f32 [tilespmem:s9], [sflag:$0x1], $0x8, s17, s13, $0xb8;
	[tilespmem:$0x6980] =	vst v63  }
0x77: {  	_ = 	snop  }
0x78: {  	[spmem:s3] =	stream.indirect.scatter.add.f32 [tilespmem:s9], [sflag:$0x1], $0x8, s18, s13, $0xb8;
	[tilespmem:$0x6980] =	vst v63  }
0x79: {  	_ =	swait.ge [sflag:s19], $0x400  }
0x7a: {  	[sflag:s19] =	ssyncset.done $0x0  }
0x7b: {  	[sflag:s19] =	ssyncadd.s32 $0xFFFFFC00  }
0x7c: {  	_ =	swait.ge [sflag:s19], $0x400  }
0x7d: {  	[sflag:s19] =	ssyncset.done $0x0  }
0x7e: {  	[sflag:s19] =	ssyncadd.s32 $0xFFFFFC00  }
0x7f: {  	_ =	swait.ge [sflag:s19], $0x400  }
0x80: {  	[sflag:s19] =	ssyncset.done $0x0  }
0x81: {  	[sflag:s19] =	ssyncadd.s32 $0xFFFFFC00  }
0x82: {  	_ =	swait.ge [sflag:s19], $0x400  }
0x83: {  	[sflag:s19] =	ssyncset.done $0x0  }
0x84: {  	[sflag:s19] =	ssyncadd.s32 $0xFFFFFC00  }
0x85: {  	_ =	swait.ge [sflag:s19], $0x400  }
0x86: {  	[sflag:s19] =	ssyncset.done $0x0  }
0x87: {  	[sflag:s19] =	ssyncadd.s32 $0xFFFFFC00  }
0x88: {  	_ =	swait.ge [sflag:s19], $0x400  }
0x89: {  	[sflag:s19] =	ssyncset.done $0x0  }
0x8a: {  	[sflag:s19] =	ssyncadd.s32 $0xFFFFFC00  }
0x8b: {  	_ =	swait.ge [sflag:s19], $0x400  }
0x8c: {  	s20 =	sadd.s32 $0x1, s20;
	[sflag:s19] =	ssyncset.done $0x0  }
0x8d: {  	p0 =	sne.s32 s20, s7;
	[sflag:s19] =	ssyncadd.s32 $0xFFFFFC00  }
.Ltmp1:
0x8e: {  	[bflag:$0x0] =	sbarrier.arrive $0xFFFF;
	(pc) =	sbr.rel @p0 .LBB2_1-.Ltmp1, $4  }
0x8f: {  	[hbm:s6], [sflag:s11] =	dma.local [spmem:s12], $0xC40  }
0x90: {  	_ =	swait.ge [sflag:s10], $0xC40  }
0x91: {  	[sflag:s10] =	ssyncset.done $0x0  }
0x92: {  	[sflag:s10] =	ssyncadd.s32 $0xFFFFF3C0  }
0x93: {  	_ =	sfence.sel $0x180000  }
0x94: {  	[bflag:$0x0] =	sbarrier.arrive $0xFFFF  }
0x95: {  	p0 =	sne.s32 s1, $0x0;
	_ =	strace $0x9000004A  }
0x96: {  	s0 =	sadd.s32 @!p0 $0x100000, s0;
	[bflag:$0x2] =	sbarrier.arrive $0xFFFF  }
0x97: {  	[sflag:s0] =	ssyncadd.tile.s32 @!p0 $0x1;
	_ =	shalt  }
.Lfunc_end2:
_tile_overlayer_lowered:
.L_overlay_start_2:
0x98: {  	(tag) =	ssettag $0x2  }
0x99: {  	s0 =	rddreg [dreg:$0x0];
	s2 =	stileid.u32  }
0x9a: {  	s1 =	rddreg [dreg:$0x1];
	p0 =	sne.s32 s2, $0x0  }
0x9b: {  	s3 =	rddreg [dreg:$0x2];
	[bflag:$0x3] =	sbarrier.arrive $0xFFFF;
	s2 =	simm.s32 @!p0 $0x1C02  }
0x9c: {  	[timem:s3], [sflag:s2] =	dma.local @!p0 [hbm:s0], s1  }
0x9d: {  	s0 =	simm.s32 @!p0 $0x2  }
0x9e: {  	_ =	swait.ge @!p0 [sflag:s0], s1  }
0x9f: {  	s1 =	ssub.s32 @!p0 $0x0, s1;
	[sflag:s0] =	ssyncset.done @!p0 $0x0  }
0xa0: {  	[sflag:s0] =	ssyncadd.s32 @!p0 s1  }
0xa1: {  	[bflag:$0x3] =	sbarrier.arrive $0xFFFF  }
0xa2: {  	_ =	shalt  }

</sc_bundles>
